<compile_context>
chip_gen: v7x
topology: tpu7x:2x2x1
jax: 0.10.2.dev20260603
libtpu: 0.0.44.dev20260713+nightly
codegen_flags: <defaults>
</compile_context>

<pallas_src>
import functools

import jax
import jax.numpy as jnp
from jax import lax
from jax.experimental import pallas as pl
from jax.experimental.pallas import tpu as pltpu
from jax.experimental.pallas import tpu_sc as plsc

NC = 2
NS = 16
NW = NC * NS
K = 128


@functools.lru_cache(maxsize=None)
def _make_agg(N, H, CH):
  assert CH % 2 == 0
  RPT = (N // NS) // 8 * 8
  REM = N - RPT * NS
  ZK = RPT // 13
  ZCH = RPT // ZK
  assert ZK % 8 == 0 and ZK * ZCH == RPT and REM % 8 == 0 and REM <= ZK
  HCH = CH // 2
  assert HCH % 2 == 0

  mesh = plsc.VectorSubcoreMesh(core_axis_name="c", subcore_axis_name="s")

  @functools.partial(
      pl.kernel,
      mesh=mesh,
      out_type=jax.ShapeDtypeStruct((NC, N, H), jnp.float32),
      scratch_types=[
          pltpu.VMEM((HCH, K), jnp.int32),
          pltpu.VMEM((HCH, K), jnp.int32),
          pltpu.VMEM((K, H), jnp.float32),
          pltpu.VMEM((K, H), jnp.float32),
          pltpu.VMEM((ZK, H), jnp.float32),
          pltpu.VMEM_SHARED((N + 16, H), jnp.float32),
          pltpu.SemaphoreType.DMA,
          pltpu.SemaphoreType.DMA,
          pltpu.SemaphoreType.DMA,
      ],
  )
  def agg(h_hbm, src_hbm, dst_hbm, out_hbm, src_all, dst_all, b0, b1, zbuf,
          acc, sem0, sem1, semi):
    c = lax.axis_index("c")
    s = lax.axis_index("s")
    wid = s * NC + c

    di0 = pltpu.async_copy(src_hbm.at[wid, pl.ds(0, HCH)], src_all, semi)
    di1 = pltpu.async_copy(dst_hbm.at[wid, pl.ds(0, HCH)], dst_all, semi)

    def zrow(i, carry):
      for j in range(H // 16):
        zbuf[i, pl.ds(j * 16, 16)] = jnp.zeros((16,), jnp.float32)
      return carry
    lax.fori_loop(0, ZK, zrow, 0)
    for r in range(ZCH):
      pltpu.sync_copy(zbuf, acc.at[pl.ds(s * RPT + r * ZK, ZK)])

    @pl.when(s == NS - 1)
    def _():
      pltpu.sync_copy(zbuf.at[pl.ds(0, REM)], acc.at[pl.ds(NS * RPT, REM)])
    di0.wait()
    di1.wait()
    plsc.subcore_barrier()

    def run_half():
      pltpu.async_copy(h_hbm.at[src_all.at[0]], b0, sem0)
      pltpu.async_copy(h_hbm.at[src_all.at[1]], b1, sem1)

      def pair(g, carry):
        cc = 2 * g
        pltpu.make_async_copy(h_hbm.at[src_all.at[cc]], b0, sem0).wait()
        pltpu.sync_copy(b0, acc.at[dst_all.at[cc]], add=True)

        @pl.when(g < HCH // 2 - 1)
        def _():
          pltpu.async_copy(h_hbm.at[src_all.at[cc + 2]], b0, sem0)
        pltpu.make_async_copy(h_hbm.at[src_all.at[cc + 1]], b1, sem1).wait()
        pltpu.sync_copy(b1, acc.at[dst_all.at[cc + 1]], add=True)

        @pl.when(g < HCH // 2 - 1)
        def _():
          pltpu.async_copy(h_hbm.at[src_all.at[cc + 3]], b1, sem1)
        return carry
      lax.fori_loop(0, HCH // 2, pair, 0)

    run_half()
    pltpu.sync_copy(src_hbm.at[wid, pl.ds(HCH, HCH)], src_all)
    pltpu.sync_copy(dst_hbm.at[wid, pl.ds(HCH, HCH)], dst_all)
    run_half()
    plsc.subcore_barrier()

    for r in range(3):
      base = s * RPT + r * ZK
      pltpu.sync_copy(acc.at[pl.ds(base, ZK)], zbuf)
      pltpu.sync_copy(zbuf, out_hbm.at[c, pl.ds(base, ZK)])

    @pl.when(s == NS - 1)
    def _():
      pltpu.sync_copy(acc.at[pl.ds(NS * RPT, REM)], zbuf.at[pl.ds(0, REM)])
      pltpu.sync_copy(zbuf.at[pl.ds(0, REM)], out_hbm.at[c, pl.ds(NS * RPT, REM)])

  return agg


def _mlp_body(h_ref, p0_ref, p1_ref, w1_ref, b1_ref, w2_ref, b2_ref, o_ref):
  z = h_ref[...] + p0_ref[...] + p1_ref[...]
  y = jnp.dot(z, w1_ref[...], preferred_element_type=jnp.float32) + b1_ref[...]
  y = jnp.maximum(y, 0.0)
  o = jnp.dot(y, w2_ref[...], preferred_element_type=jnp.float32) + b2_ref[...]
  o_ref[...] = jnp.maximum(o, 0.0)


def _mlp_head_body(h_ref, p0_ref, p1_ref, w1_ref, b1_ref, w2_ref, b2_ref,
                   wo_ref, bo_ref, o_ref):
  z = h_ref[...] + p0_ref[...] + p1_ref[...]
  y = jnp.dot(z, w1_ref[...], preferred_element_type=jnp.float32) + b1_ref[...]
  y = jnp.maximum(y, 0.0)
  o = jnp.dot(y, w2_ref[...], preferred_element_type=jnp.float32) + b2_ref[...]
  o = jnp.maximum(o, 0.0)
  o_ref[...] = (jnp.dot(o, wo_ref[...], preferred_element_type=jnp.float32)
                + bo_ref[...])


def _mlp(h, p0, p1, W1, b1, W2, b2):
  N, H = h.shape
  BN = 1000
  grid = (N // BN,)
  row_spec = pl.BlockSpec((BN, H), lambda i: (i, 0))
  w_spec = pl.BlockSpec((H, H), lambda i: (0, 0))
  b_spec = pl.BlockSpec((1, H), lambda i: (0, 0))
  return pl.pallas_call(
      _mlp_body,
      grid=grid,
      in_specs=[row_spec, row_spec, row_spec, w_spec, b_spec, w_spec, b_spec],
      out_specs=row_spec,
      out_shape=jax.ShapeDtypeStruct((N, H), jnp.float32),
  )(h, p0, p1, W1, b1.reshape(1, H), W2, b2.reshape(1, H))


def _mlp_head(h, p0, p1, W1, b1, W2, b2, Wo_pad, bo_pad):
  N, H = h.shape
  BN = 1000
  grid = (N // BN,)
  row_spec = pl.BlockSpec((BN, H), lambda i: (i, 0))
  w_spec = pl.BlockSpec((H, H), lambda i: (0, 0))
  b_spec = pl.BlockSpec((1, H), lambda i: (0, 0))
  return pl.pallas_call(
      _mlp_head_body,
      grid=grid,
      in_specs=[row_spec, row_spec, row_spec, w_spec, b_spec, w_spec, b_spec,
                w_spec, b_spec],
      out_specs=row_spec,
      out_shape=jax.ShapeDtypeStruct((N, H), jnp.float32),
  )(h, p0, p1, W1, b1.reshape(1, H), W2, b2.reshape(1, H), Wo_pad, bo_pad)


def kernel(x, edge_index,
           W1_0, b1_0, W2_0, b2_0,
           W1_1, b1_1, W2_1, b2_1,
           W1_2, b1_2, W2_2, b2_2,
           W_out, b_out):
  N, H = x.shape
  E = edge_index.shape[1]

  CH = -(-E // (NW * K))
  CH += CH % 2
  E_pad = NW * CH * K
  src = jnp.concatenate(
      [edge_index[0], jnp.zeros((E_pad - E,), jnp.int32)]).reshape(NW, CH, K)
  dst = jnp.concatenate(
      [edge_index[1], jnp.full((E_pad - E,), N, jnp.int32)]).reshape(NW, CH, K)

  agg = _make_agg(N, H, CH)

  Wo_pad = jnp.pad(W_out, ((0, 0), (0, H - W_out.shape[1])))
  bo_pad = jnp.pad(b_out, (0, H - b_out.shape[0])).reshape(1, H)

  h = x
  p = agg(h, src, dst)
  h = _mlp(h, p[0], p[1], W1_0, b1_0, W2_0, b2_0)
  p = agg(h, src, dst)
  h = _mlp(h, p[0], p[1], W1_1, b1_1, W2_1, b2_1)
  p = agg(h, src, dst)
  out_pad = _mlp_head(h, p[0], p[1], W1_2, b1_2, W2_2, b2_2, Wo_pad, bo_pad)
  return out_pad[:, 0]

# --- scband reference (transcript-rebuilt; emitter-appended) ---
"""Pipeline reference for scband-projected-ginregressor-81552839016471 (READ-ONLY COPY).

The authoritative reference and input builder live on the scoring server;
editing this copy changes nothing except your own understanding.
"""

import jax, jax.numpy as jnp
import numpy as np

N = 10000
E = 320000
F_IN = 128
H = 128


def setup_inputs(seed: int = 0) -> dict:
    key = jax.random.key(seed)
    ks = jax.random.split(key, 20)
    inp = {}
    inp["x"] = jax.random.normal(ks[0], (N, F_IN), dtype=jnp.float32)
    inp["edge_index"] = jax.random.randint(ks[1], (2, E), 0, N, dtype=jnp.int32)
    # GIN layer 0: MLP(F_IN -> H -> H)
    inp["W1_0"] = jax.random.normal(ks[2], (F_IN, H), dtype=jnp.float32) * 0.05
    inp["b1_0"] = jnp.zeros((H,), dtype=jnp.float32)
    inp["W2_0"] = jax.random.normal(ks[3], (H, H), dtype=jnp.float32) * 0.05
    inp["b2_0"] = jnp.zeros((H,), dtype=jnp.float32)
    # GIN layer 1
    inp["W1_1"] = jax.random.normal(ks[4], (H, H), dtype=jnp.float32) * 0.05
    inp["b1_1"] = jnp.zeros((H,), dtype=jnp.float32)
    inp["W2_1"] = jax.random.normal(ks[5], (H, H), dtype=jnp.float32) * 0.05
    inp["b2_1"] = jnp.zeros((H,), dtype=jnp.float32)
    # GIN layer 2
    inp["W1_2"] = jax.random.normal(ks[6], (H, H), dtype=jnp.float32) * 0.05
    inp["b1_2"] = jnp.zeros((H,), dtype=jnp.float32)
    inp["W2_2"] = jax.random.normal(ks[7], (H, H), dtype=jnp.float32) * 0.05
    inp["b2_2"] = jnp.zeros((H,), dtype=jnp.float32)
    # output head
    inp["W_out"] = jax.random.normal(ks[8], (H, 1), dtype=jnp.float32) * 0.05
    inp["b_out"] = jnp.zeros((1,), dtype=jnp.float32)
    return inp


def reference(x, edge_index,
              W1_0, b1_0, W2_0, b2_0,
              W1_1, b1_1, W2_1, b2_1,
              W1_2, b1_2, W2_2, b2_2,
              W_out, b_out):
    src = edge_index[0]
    dst = edge_index[1]
    eps = 0.0  # GINConv default eps
    h = x
    layers = [(W1_0, b1_0, W2_0, b2_0),
              (W1_1, b1_1, W2_1, b2_1),
              (W1_2, b1_2, W2_2, b2_2)]
    for (W1, b1, W2, b2) in layers:
        # sum aggregation of source-node features into destination nodes
        msgs = jnp.take(h, src, axis=0)
        agg = jax.ops.segment_sum(msgs, dst, num_segments=N)
        z = (1.0 + eps) * h + agg
        z = jax.nn.relu(z @ W1 + b1)
        z = z @ W2 + b2
        h = jax.nn.relu(z)  # F.relu after each conv
    out = (h @ W_out + b_out)[:, 0]
    return out

if __name__ == "__main__":
    import jax
    _d = setup_inputs()
    print(jax.jit(kernel)(*tuple(_d.values())))

</pallas_src>

<mosaic_0001>
#map = affine_map<(d0, d1) -> (0, 0)>
#map1 = affine_map<(d0, d1) -> (0, 0, 0)>
module attributes {stable_mosaic.version = 14 : i64} {
  func.func @agg(%arg0: i32, %arg1: i32, %arg2: memref<10000x128xf32, #tpu.memory_space<hbm>>, %arg3: memref<32x80x128xi32, #tpu.memory_space<hbm>>, %arg4: memref<32x80x128xi32, #tpu.memory_space<hbm>>, %arg5: memref<2x10000x128xf32, #tpu.memory_space<hbm>>, %arg6: memref<40x128xi32, #tpu.memory_space<vmem>>, %arg7: memref<40x128xi32, #tpu.memory_space<vmem>>, %arg8: memref<128x128xf32, #tpu.memory_space<vmem>>, %arg9: memref<128x128xf32, #tpu.memory_space<vmem>>, %arg10: memref<48x128xf32, #tpu.memory_space<vmem>>, %arg11: memref<10016x128xf32, #tpu.memory_space<vmem_shared>>, %arg12: memref<!tpu.dma_semaphore, #tpu.memory_space<semaphore_mem>>, %arg13: memref<!tpu.dma_semaphore, #tpu.memory_space<semaphore_mem>>, %arg14: memref<!tpu.dma_semaphore, #tpu.memory_space<semaphore_mem>>) attributes {dimension_semantics = [#tpu.dimension_semantics<core_parallel>, #tpu.dimension_semantics<subcore_parallel>], iteration_bounds = array<i64: 2, 16>, scalar_prefetch = 0 : i64, scratch_operands = 9 : i64, tpu.core_type = #tpu.core_type<sc_vector_subcore>, window_params = [{transform_indices = #map}, {transform_indices = #map1}, {transform_indices = #map1}, {transform_indices = #map1}]} {
    %mul3A = arith.constant 2 : i32
    %mul3A_0 = arith.muli %arg1, %mul3A : i32
    %add3A = arith.addi %mul3A_0, %arg0 : i32
    %dma_start3A = arith.constant 0 : i32
    %dma_start3A_1 = arith.constant 0 : i32
    %dma_start3A_2 = tpu.memref_slice %arg3[%add3A, %dma_start3A, %dma_start3A_1] : memref<32x80x128xi32, #tpu.memory_space<hbm>> -> memref<1x40x128xi32, #tpu.memory_space<hbm>>
    %dma_start3A_3 = tpu.memref_squeeze %dma_start3A_2 : memref<1x40x128xi32, #tpu.memory_space<hbm>> -> memref<40x128xi32, #tpu.memory_space<hbm>>
    %dma_start3A_4 = arith.constant 0 : i32
    %dma_start3A_5 = arith.constant 0 : i32
    %dma_start3A_6 = tpu.memref_slice %arg3[%add3A, %dma_start3A_4, %dma_start3A_5] : memref<32x80x128xi32, #tpu.memory_space<hbm>> -> memref<1x40x128xi32, #tpu.memory_space<hbm>>
    %dma_start3A_7 = tpu.memref_squeeze %dma_start3A_6 : memref<1x40x128xi32, #tpu.memory_space<hbm>> -> memref<40x128xi32, #tpu.memory_space<hbm>>
    tpu.enqueue_dma source(%dma_start3A_7 : memref<40x128xi32, #tpu.memory_space<hbm>>) target(%arg6 : memref<40x128xi32, #tpu.memory_space<vmem>>) target_semaphore(%arg14 : memref<!tpu.dma_semaphore, #tpu.memory_space<semaphore_mem>>)
    %dma_start3A_8 = arith.constant 0 : i32
    %dma_start3A_9 = arith.constant 0 : i32
    %dma_start3A_10 = tpu.memref_slice %arg4[%add3A, %dma_start3A_8, %dma_start3A_9] : memref<32x80x128xi32, #tpu.memory_space<hbm>> -> memref<1x40x128xi32, #tpu.memory_space<hbm>>
    %dma_start3A_11 = tpu.memref_squeeze %dma_start3A_10 : memref<1x40x128xi32, #tpu.memory_space<hbm>> -> memref<40x128xi32, #tpu.memory_space<hbm>>
    %dma_start3A_12 = arith.constant 0 : i32
    %dma_start3A_13 = arith.constant 0 : i32
    %dma_start3A_14 = tpu.memref_slice %arg4[%add3A, %dma_start3A_12, %dma_start3A_13] : memref<32x80x128xi32, #tpu.memory_space<hbm>> -> memref<1x40x128xi32, #tpu.memory_space<hbm>>
    %dma_start3A_15 = tpu.memref_squeeze %dma_start3A_14 : memref<1x40x128xi32, #tpu.memory_space<hbm>> -> memref<40x128xi32, #tpu.memory_space<hbm>>
    tpu.enqueue_dma source(%dma_start3A_15 : memref<40x128xi32, #tpu.memory_space<hbm>>) target(%arg7 : memref<40x128xi32, #tpu.memory_space<vmem>>) target_semaphore(%arg14 : memref<!tpu.dma_semaphore, #tpu.memory_space<semaphore_mem>>)
    %scan3A = arith.constant 0 : i32
    %scan3A_16 = arith.constant 0 : i32
    %scan3A_17 = arith.constant 48 : i32
    %scan3A_18 = arith.addi %scan3A_16, %scan3A_17 : i32
    %scan3A_19 = arith.constant 1 : i32
    scf.for %scan3A_148 = %scan3A_16 to %scan3A_18 step %scan3A_19  : i32 {
      %broadcast_in_dim3A = arith.constant 0.000000e+00 : f32
      %broadcast_in_dim3A_149 = vector.broadcast %broadcast_in_dim3A : f32 to vector<16xf32>
      %swap3A = arith.index_cast %scan3A_148 : i32 to index
      %swap3A_150 = arith.constant 0 : index
      %swap3A_151 = tpu.vector_load %arg10[%swap3A, %swap3A_150] {strides = array<i32>} : memref<48x128xf32, #tpu.memory_space<vmem>>, vector<1x16xf32>,
      %swap3A_152 = vector.shape_cast %swap3A_151 : vector<1x16xf32> to vector<16xf32>
      %swap3A_153 = vector.shape_cast %broadcast_in_dim3A_149 : vector<16xf32> to vector<1x16xf32>
      tpu.vector_store %arg10[%swap3A, %swap3A_150], %swap3A_153 {strides = array<i32>} : memref<48x128xf32, #tpu.memory_space<vmem>>, vector<1x16xf32>,
      %broadcast_in_dim3A_154 = arith.constant 0.000000e+00 : f32
      %broadcast_in_dim3A_155 = vector.broadcast %broadcast_in_dim3A_154 : f32 to vector<16xf32>
      %swap3A_156 = arith.index_cast %scan3A_148 : i32 to index
      %swap3A_157 = arith.constant 16 : index
      %swap3A_158 = tpu.vector_load %arg10[%swap3A_156, %swap3A_157] {strides = array<i32>} : memref<48x128xf32, #tpu.memory_space<vmem>>, vector<1x16xf32>,
      %swap3A_159 = vector.shape_cast %swap3A_158 : vector<1x16xf32> to vector<16xf32>
      %swap3A_160 = vector.shape_cast %broadcast_in_dim3A_155 : vector<16xf32> to vector<1x16xf32>
      tpu.vector_store %arg10[%swap3A_156, %swap3A_157], %swap3A_160 {strides = array<i32>} : memref<48x128xf32, #tpu.memory_space<vmem>>, vector<1x16xf32>,
      %broadcast_in_dim3A_161 = arith.constant 0.000000e+00 : f32
      %broadcast_in_dim3A_162 = vector.broadcast %broadcast_in_dim3A_161 : f32 to vector<16xf32>
      %swap3A_163 = arith.index_cast %scan3A_148 : i32 to index
      %swap3A_164 = arith.constant 32 : index
      %swap3A_165 = tpu.vector_load %arg10[%swap3A_163, %swap3A_164] {strides = array<i32>} : memref<48x128xf32, #tpu.memory_space<vmem>>, vector<1x16xf32>,
      %swap3A_166 = vector.shape_cast %swap3A_165 : vector<1x16xf32> to vector<16xf32>
      %swap3A_167 = vector.shape_cast %broadcast_in_dim3A_162 : vector<16xf32> to vector<1x16xf32>
      tpu.vector_store %arg10[%swap3A_163, %swap3A_164], %swap3A_167 {strides = array<i32>} : memref<48x128xf32, #tpu.memory_space<vmem>>, vector<1x16xf32>,
      %broadcast_in_dim3A_168 = arith.constant 0.000000e+00 : f32
      %broadcast_in_dim3A_169 = vector.broadcast %broadcast_in_dim3A_168 : f32 to vector<16xf32>
      %swap3A_170 = arith.index_cast %scan3A_148 : i32 to index
      %swap3A_171 = arith.constant 48 : index
      %swap3A_172 = tpu.vector_load %arg10[%swap3A_170, %swap3A_171] {strides = array<i32>} : memref<48x128xf32, #tpu.memory_space<vmem>>, vector<1x16xf32>,
      %swap3A_173 = vector.shape_cast %swap3A_172 : vector<1x16xf32> to vector<16xf32>
      %swap3A_174 = vector.shape_cast %broadcast_in_dim3A_169 : vector<16xf32> to vector<1x16xf32>
      tpu.vector_store %arg10[%swap3A_170, %swap3A_171], %swap3A_174 {strides = array<i32>} : memref<48x128xf32, #tpu.memory_space<vmem>>, vector<1x16xf32>,
      %broadcast_in_dim3A_175 = arith.constant 0.000000e+00 : f32
      %broadcast_in_dim3A_176 = vector.broadcast %broadcast_in_dim3A_175 : f32 to vector<16xf32>
      %swap3A_177 = arith.index_cast %scan3A_148 : i32 to index
      %swap3A_178 = arith.constant 64 : index
      %swap3A_179 = tpu.vector_load %arg10[%swap3A_177, %swap3A_178] {strides = array<i32>} : memref<48x128xf32, #tpu.memory_space<vmem>>, vector<1x16xf32>,
      %swap3A_180 = vector.shape_cast %swap3A_179 : vector<1x16xf32> to vector<16xf32>
      %swap3A_181 = vector.shape_cast %broadcast_in_dim3A_176 : vector<16xf32> to vector<1x16xf32>
      tpu.vector_store %arg10[%swap3A_177, %swap3A_178], %swap3A_181 {strides = array<i32>} : memref<48x128xf32, #tpu.memory_space<vmem>>, vector<1x16xf32>,
      %broadcast_in_dim3A_182 = arith.constant 0.000000e+00 : f32
      %broadcast_in_dim3A_183 = vector.broadcast %broadcast_in_dim3A_182 : f32 to vector<16xf32>
      %swap3A_184 = arith.index_cast %scan3A_148 : i32 to index
      %swap3A_185 = arith.constant 80 : index
      %swap3A_186 = tpu.vector_load %arg10[%swap3A_184, %swap3A_185] {strides = array<i32>} : memref<48x128xf32, #tpu.memory_space<vmem>>, vector<1x16xf32>,
      %swap3A_187 = vector.shape_cast %swap3A_186 : vector<1x16xf32> to vector<16xf32>
      %swap3A_188 = vector.shape_cast %broadcast_in_dim3A_183 : vector<16xf32> to vector<1x16xf32>
      tpu.vector_store %arg10[%swap3A_184, %swap3A_185], %swap3A_188 {strides = array<i32>} : memref<48x128xf32, #tpu.memory_space<vmem>>, vector<1x16xf32>,
      %broadcast_in_dim3A_189 = arith.constant 0.000000e+00 : f32
      %broadcast_in_dim3A_190 = vector.broadcast %broadcast_in_dim3A_189 : f32 to vector<16xf32>
      %swap3A_191 = arith.index_cast %scan3A_148 : i32 to index
      %swap3A_192 = arith.constant 96 : index
      %swap3A_193 = tpu.vector_load %arg10[%swap3A_191, %swap3A_192] {strides = array<i32>} : memref<48x128xf32, #tpu.memory_space<vmem>>, vector<1x16xf32>,
      %swap3A_194 = vector.shape_cast %swap3A_193 : vector<1x16xf32> to vector<16xf32>
      %swap3A_195 = vector.shape_cast %broadcast_in_dim3A_190 : vector<16xf32> to vector<1x16xf32>
      tpu.vector_store %arg10[%swap3A_191, %swap3A_192], %swap3A_195 {strides = array<i32>} : memref<48x128xf32, #tpu.memory_space<vmem>>, vector<1x16xf32>,
      %broadcast_in_dim3A_196 = arith.constant 0.000000e+00 : f32
      %broadcast_in_dim3A_197 = vector.broadcast %broadcast_in_dim3A_196 : f32 to vector<16xf32>
      %swap3A_198 = arith.index_cast %scan3A_148 : i32 to index
      %swap3A_199 = arith.constant 112 : index
      %swap3A_200 = tpu.vector_load %arg10[%swap3A_198, %swap3A_199] {strides = array<i32>} : memref<48x128xf32, #tpu.memory_space<vmem>>, vector<1x16xf32>,
      %swap3A_201 = vector.shape_cast %swap3A_200 : vector<1x16xf32> to vector<16xf32>
      %swap3A_202 = vector.shape_cast %broadcast_in_dim3A_197 : vector<16xf32> to vector<1x16xf32>
      tpu.vector_store %arg10[%swap3A_198, %swap3A_199], %swap3A_202 {strides = array<i32>} : memref<48x128xf32, #tpu.memory_space<vmem>>, vector<1x16xf32>,
    }
    %scan3A_20 = arith.constant 48 : i32
    %mul3A_21 = arith.constant 624 : i32
    %mul3A_22 = arith.muli %arg1, %mul3A_21 : i32
    %add3A_23 = arith.constant 0 : i32
    %add3A_24 = arith.addi %mul3A_22, %add3A_23 : i32
    "tpu.region"() ({
      %run_scoped3A = tpu.sem_alloc : memref<!tpu.dma_semaphore, #tpu.memory_space<semaphore_mem>>
      %dma_start3A_148 = arith.constant 0 : i32
      %dma_start3A_149 = tpu.memref_slice %arg11[%add3A_24, %dma_start3A_148] : memref<10016x128xf32, #tpu.memory_space<vmem_shared>> -> memref<48x128xf32, #tpu.memory_space<vmem_shared>>
      %dma_start3A_150 = arith.constant 0 : i32
      %dma_start3A_151 = tpu.memref_slice %arg11[%add3A_24, %dma_start3A_150] : memref<10016x128xf32, #tpu.memory_space<vmem_shared>> -> memref<48x128xf32, #tpu.memory_space<vmem_shared>>
      tpu.enqueue_dma source(%arg10 : memref<48x128xf32, #tpu.memory_space<vmem>>) target(%dma_start3A_151 : memref<48x128xf32, #tpu.memory_space<vmem_shared>>) target_semaphore(%run_scoped3A : memref<!tpu.dma_semaphore, #tpu.memory_space<semaphore_mem>>)
      %dma_wait3A_152 = arith.constant 0 : i32
      %dma_wait3A_153 = tpu.memref_slice %arg11[%add3A_24, %dma_wait3A_152] : memref<10016x128xf32, #tpu.memory_space<vmem_shared>> -> memref<48x128xf32, #tpu.memory_space<vmem_shared>>
      %dma_wait3A_154 = arith.constant 0 : i32
      %dma_wait3A_155 = tpu.memref_slice %arg11[%add3A_24, %dma_wait3A_154] : memref<10016x128xf32, #tpu.memory_space<vmem_shared>> -> memref<48x128xf32, #tpu.memory_space<vmem_shared>>
      tpu.wait_dma2 semaphore(%run_scoped3A : memref<!tpu.dma_semaphore, #tpu.memory_space<semaphore_mem>>) src(%arg10 : memref<48x128xf32, #tpu.memory_space<vmem>>) dst(%dma_wait3A_155 : memref<48x128xf32, #tpu.memory_space<vmem_shared>>)
      tpu.yield
    }) : () -> ()
    %mul3A_25 = arith.constant 624 : i32
    %mul3A_26 = arith.muli %arg1, %mul3A_25 : i32
    %add3A_27 = arith.constant 48 : i32
    %add3A_28 = arith.addi %mul3A_26, %add3A_27 : i32
    "tpu.region"() ({
      %run_scoped3A = tpu.sem_alloc : memref<!tpu.dma_semaphore, #tpu.memory_space<semaphore_mem>>
      %dma_start3A_148 = arith.constant 0 : i32
      %dma_start3A_149 = tpu.memref_slice %arg11[%add3A_28, %dma_start3A_148] : memref<10016x128xf32, #tpu.memory_space<vmem_shared>> -> memref<48x128xf32, #tpu.memory_space<vmem_shared>>
      %dma_start3A_150 = arith.constant 0 : i32
      %dma_start3A_151 = tpu.memref_slice %arg11[%add3A_28, %dma_start3A_150] : memref<10016x128xf32, #tpu.memory_space<vmem_shared>> -> memref<48x128xf32, #tpu.memory_space<vmem_shared>>
      tpu.enqueue_dma source(%arg10 : memref<48x128xf32, #tpu.memory_space<vmem>>) target(%dma_start3A_151 : memref<48x128xf32, #tpu.memory_space<vmem_shared>>) target_semaphore(%run_scoped3A : memref<!tpu.dma_semaphore, #tpu.memory_space<semaphore_mem>>)
      %dma_wait3A_152 = arith.constant 0 : i32
      %dma_wait3A_153 = tpu.memref_slice %arg11[%add3A_28, %dma_wait3A_152] : memref<10016x128xf32, #tpu.memory_space<vmem_shared>> -> memref<48x128xf32, #tpu.memory_space<vmem_shared>>
      %dma_wait3A_154 = arith.constant 0 : i32
      %dma_wait3A_155 = tpu.memref_slice %arg11[%add3A_28, %dma_wait3A_154] : memref<10016x128xf32, #tpu.memory_space<vmem_shared>> -> memref<48x128xf32, #tpu.memory_space<vmem_shared>>
      tpu.wait_dma2 semaphore(%run_scoped3A : memref<!tpu.dma_semaphore, #tpu.memory_space<semaphore_mem>>) src(%arg10 : memref<48x128xf32, #tpu.memory_space<vmem>>) dst(%dma_wait3A_155 : memref<48x128xf32, #tpu.memory_space<vmem_shared>>)
      tpu.yield
    }) : () -> ()
    %mul3A_29 = arith.constant 624 : i32
    %mul3A_30 = arith.muli %arg1, %mul3A_29 : i32
    %add3A_31 = arith.constant 96 : i32
    %add3A_32 = arith.addi %mul3A_30, %add3A_31 : i32
    "tpu.region"() ({
      %run_scoped3A = tpu.sem_alloc : memref<!tpu.dma_semaphore, #tpu.memory_space<semaphore_mem>>
      %dma_start3A_148 = arith.constant 0 : i32
      %dma_start3A_149 = tpu.memref_slice %arg11[%add3A_32, %dma_start3A_148] : memref<10016x128xf32, #tpu.memory_space<vmem_shared>> -> memref<48x128xf32, #tpu.memory_space<vmem_shared>>
      %dma_start3A_150 = arith.constant 0 : i32
      %dma_start3A_151 = tpu.memref_slice %arg11[%add3A_32, %dma_start3A_150] : memref<10016x128xf32, #tpu.memory_space<vmem_shared>> -> memref<48x128xf32, #tpu.memory_space<vmem_shared>>
      tpu.enqueue_dma source(%arg10 : memref<48x128xf32, #tpu.memory_space<vmem>>) target(%dma_start3A_151 : memref<48x128xf32, #tpu.memory_space<vmem_shared>>) target_semaphore(%run_scoped3A : memref<!tpu.dma_semaphore, #tpu.memory_space<semaphore_mem>>)
      %dma_wait3A_152 = arith.constant 0 : i32
      %dma_wait3A_153 = tpu.memref_slice %arg11[%add3A_32, %dma_wait3A_152] : memref<10016x128xf32, #tpu.memory_space<vmem_shared>> -> memref<48x128xf32, #tpu.memory_space<vmem_shared>>
      %dma_wait3A_154 = arith.constant 0 : i32
      %dma_wait3A_155 = tpu.memref_slice %arg11[%add3A_32, %dma_wait3A_154] : memref<10016x128xf32, #tpu.memory_space<vmem_shared>> -> memref<48x128xf32, #tpu.memory_space<vmem_shared>>
      tpu.wait_dma2 semaphore(%run_scoped3A : memref<!tpu.dma_semaphore, #tpu.memory_space<semaphore_mem>>) src(%arg10 : memref<48x128xf32, #tpu.memory_space<vmem>>) dst(%dma_wait3A_155 : memref<48x128xf32, #tpu.memory_space<vmem_shared>>)
      tpu.yield
    }) : () -> ()
    %mul3A_33 = arith.constant 624 : i32
    %mul3A_34 = arith.muli %arg1, %mul3A_33 : i32
    %add3A_35 = arith.constant 144 : i32
    %add3A_36 = arith.addi %mul3A_34, %add3A_35 : i32
    "tpu.region"() ({
      %run_scoped3A = tpu.sem_alloc : memref<!tpu.dma_semaphore, #tpu.memory_space<semaphore_mem>>
      %dma_start3A_148 = arith.constant 0 : i32
      %dma_start3A_149 = tpu.memref_slice %arg11[%add3A_36, %dma_start3A_148] : memref<10016x128xf32, #tpu.memory_space<vmem_shared>> -> memref<48x128xf32, #tpu.memory_space<vmem_shared>>
      %dma_start3A_150 = arith.constant 0 : i32
      %dma_start3A_151 = tpu.memref_slice %arg11[%add3A_36, %dma_start3A_150] : memref<10016x128xf32, #tpu.memory_space<vmem_shared>> -> memref<48x128xf32, #tpu.memory_space<vmem_shared>>
      tpu.enqueue_dma source(%arg10 : memref<48x128xf32, #tpu.memory_space<vmem>>) target(%dma_start3A_151 : memref<48x128xf32, #tpu.memory_space<vmem_shared>>) target_semaphore(%run_scoped3A : memref<!tpu.dma_semaphore, #tpu.memory_space<semaphore_mem>>)
      %dma_wait3A_152 = arith.constant 0 : i32
      %dma_wait3A_153 = tpu.memref_slice %arg11[%add3A_36, %dma_wait3A_152] : memref<10016x128xf32, #tpu.memory_space<vmem_shared>> -> memref<48x128xf32, #tpu.memory_space<vmem_shared>>
      %dma_wait3A_154 = arith.constant 0 : i32
      %dma_wait3A_155 = tpu.memref_slice %arg11[%add3A_36, %dma_wait3A_154] : memref<10016x128xf32, #tpu.memory_space<vmem_shared>> -> memref<48x128xf32, #tpu.memory_space<vmem_shared>>
      tpu.wait_dma2 semaphore(%run_scoped3A : memref<!tpu.dma_semaphore, #tpu.memory_space<semaphore_mem>>) src(%arg10 : memref<48x128xf32, #tpu.memory_space<vmem>>) dst(%dma_wait3A_155 : memref<48x128xf32, #tpu.memory_space<vmem_shared>>)
      tpu.yield
    }) : () -> ()
    %mul3A_37 = arith.constant 624 : i32
    %mul3A_38 = arith.muli %arg1, %mul3A_37 : i32
    %add3A_39 = arith.constant 192 : i32
    %add3A_40 = arith.addi %mul3A_38, %add3A_39 : i32
    "tpu.region"() ({
      %run_scoped3A = tpu.sem_alloc : memref<!tpu.dma_semaphore, #tpu.memory_space<semaphore_mem>>
      %dma_start3A_148 = arith.constant 0 : i32
      %dma_start3A_149 = tpu.memref_slice %arg11[%add3A_40, %dma_start3A_148] : memref<10016x128xf32, #tpu.memory_space<vmem_shared>> -> memref<48x128xf32, #tpu.memory_space<vmem_shared>>
      %dma_start3A_150 = arith.constant 0 : i32
      %dma_start3A_151 = tpu.memref_slice %arg11[%add3A_40, %dma_start3A_150] : memref<10016x128xf32, #tpu.memory_space<vmem_shared>> -> memref<48x128xf32, #tpu.memory_space<vmem_shared>>
      tpu.enqueue_dma source(%arg10 : memref<48x128xf32, #tpu.memory_space<vmem>>) target(%dma_start3A_151 : memref<48x128xf32, #tpu.memory_space<vmem_shared>>) target_semaphore(%run_scoped3A : memref<!tpu.dma_semaphore, #tpu.memory_space<semaphore_mem>>)
      %dma_wait3A_152 = arith.constant 0 : i32
      %dma_wait3A_153 = tpu.memref_slice %arg11[%add3A_40, %dma_wait3A_152] : memref<10016x128xf32, #tpu.memory_space<vmem_shared>> -> memref<48x128xf32, #tpu.memory_space<vmem_shared>>
      %dma_wait3A_154 = arith.constant 0 : i32
      %dma_wait3A_155 = tpu.memref_slice %arg11[%add3A_40, %dma_wait3A_154] : memref<10016x128xf32, #tpu.memory_space<vmem_shared>> -> memref<48x128xf32, #tpu.memory_space<vmem_shared>>
      tpu.wait_dma2 semaphore(%run_scoped3A : memref<!tpu.dma_semaphore, #tpu.memory_space<semaphore_mem>>) src(%arg10 : memref<48x128xf32, #tpu.memory_space<vmem>>) dst(%dma_wait3A_155 : memref<48x128xf32, #tpu.memory_space<vmem_shared>>)
      tpu.yield
    }) : () -> ()
    %mul3A_41 = arith.constant 624 : i32
    %mul3A_42 = arith.muli %arg1, %mul3A_41 : i32
    %add3A_43 = arith.constant 240 : i32
    %add3A_44 = arith.addi %mul3A_42, %add3A_43 : i32
    "tpu.region"() ({
      %run_scoped3A = tpu.sem_alloc : memref<!tpu.dma_semaphore, #tpu.memory_space<semaphore_mem>>
      %dma_start3A_148 = arith.constant 0 : i32
      %dma_start3A_149 = tpu.memref_slice %arg11[%add3A_44, %dma_start3A_148] : memref<10016x128xf32, #tpu.memory_space<vmem_shared>> -> memref<48x128xf32, #tpu.memory_space<vmem_shared>>
      %dma_start3A_150 = arith.constant 0 : i32
      %dma_start3A_151 = tpu.memref_slice %arg11[%add3A_44, %dma_start3A_150] : memref<10016x128xf32, #tpu.memory_space<vmem_shared>> -> memref<48x128xf32, #tpu.memory_space<vmem_shared>>
      tpu.enqueue_dma source(%arg10 : memref<48x128xf32, #tpu.memory_space<vmem>>) target(%dma_start3A_151 : memref<48x128xf32, #tpu.memory_space<vmem_shared>>) target_semaphore(%run_scoped3A : memref<!tpu.dma_semaphore, #tpu.memory_space<semaphore_mem>>)
      %dma_wait3A_152 = arith.constant 0 : i32
      %dma_wait3A_153 = tpu.memref_slice %arg11[%add3A_44, %dma_wait3A_152] : memref<10016x128xf32, #tpu.memory_space<vmem_shared>> -> memref<48x128xf32, #tpu.memory_space<vmem_shared>>
      %dma_wait3A_154 = arith.constant 0 : i32
      %dma_wait3A_155 = tpu.memref_slice %arg11[%add3A_44, %dma_wait3A_154] : memref<10016x128xf32, #tpu.memory_space<vmem_shared>> -> memref<48x128xf32, #tpu.memory_space<vmem_shared>>
      tpu.wait_dma2 semaphore(%run_scoped3A : memref<!tpu.dma_semaphore, #tpu.memory_space<semaphore_mem>>) src(%arg10 : memref<48x128xf32, #tpu.memory_space<vmem>>) dst(%dma_wait3A_155 : memref<48x128xf32, #tpu.memory_space<vmem_shared>>)
      tpu.yield
    }) : () -> ()
    %mul3A_45 = arith.constant 624 : i32
    %mul3A_46 = arith.muli %arg1, %mul3A_45 : i32
    %add3A_47 = arith.constant 288 : i32
    %add3A_48 = arith.addi %mul3A_46, %add3A_47 : i32
    "tpu.region"() ({
      %run_scoped3A = tpu.sem_alloc : memref<!tpu.dma_semaphore, #tpu.memory_space<semaphore_mem>>
      %dma_start3A_148 = arith.constant 0 : i32
      %dma_start3A_149 = tpu.memref_slice %arg11[%add3A_48, %dma_start3A_148] : memref<10016x128xf32, #tpu.memory_space<vmem_shared>> -> memref<48x128xf32, #tpu.memory_space<vmem_shared>>
      %dma_start3A_150 = arith.constant 0 : i32
      %dma_start3A_151 = tpu.memref_slice %arg11[%add3A_48, %dma_start3A_150] : memref<10016x128xf32, #tpu.memory_space<vmem_shared>> -> memref<48x128xf32, #tpu.memory_space<vmem_shared>>
      tpu.enqueue_dma source(%arg10 : memref<48x128xf32, #tpu.memory_space<vmem>>) target(%dma_start3A_151 : memref<48x128xf32, #tpu.memory_space<vmem_shared>>) target_semaphore(%run_scoped3A : memref<!tpu.dma_semaphore, #tpu.memory_space<semaphore_mem>>)
      %dma_wait3A_152 = arith.constant 0 : i32
      %dma_wait3A_153 = tpu.memref_slice %arg11[%add3A_48, %dma_wait3A_152] : memref<10016x128xf32, #tpu.memory_space<vmem_shared>> -> memref<48x128xf32, #tpu.memory_space<vmem_shared>>
      %dma_wait3A_154 = arith.constant 0 : i32
      %dma_wait3A_155 = tpu.memref_slice %arg11[%add3A_48, %dma_wait3A_154] : memref<10016x128xf32, #tpu.memory_space<vmem_shared>> -> memref<48x128xf32, #tpu.memory_space<vmem_shared>>
      tpu.wait_dma2 semaphore(%run_scoped3A : memref<!tpu.dma_semaphore, #tpu.memory_space<semaphore_mem>>) src(%arg10 : memref<48x128xf32, #tpu.memory_space<vmem>>) dst(%dma_wait3A_155 : memref<48x128xf32, #tpu.memory_space<vmem_shared>>)
      tpu.yield
    }) : () -> ()
    %mul3A_49 = arith.constant 624 : i32
    %mul3A_50 = arith.muli %arg1, %mul3A_49 : i32
    %add3A_51 = arith.constant 336 : i32
    %add3A_52 = arith.addi %mul3A_50, %add3A_51 : i32
    "tpu.region"() ({
      %run_scoped3A = tpu.sem_alloc : memref<!tpu.dma_semaphore, #tpu.memory_space<semaphore_mem>>
      %dma_start3A_148 = arith.constant 0 : i32
      %dma_start3A_149 = tpu.memref_slice %arg11[%add3A_52, %dma_start3A_148] : memref<10016x128xf32, #tpu.memory_space<vmem_shared>> -> memref<48x128xf32, #tpu.memory_space<vmem_shared>>
      %dma_start3A_150 = arith.constant 0 : i32
      %dma_start3A_151 = tpu.memref_slice %arg11[%add3A_52, %dma_start3A_150] : memref<10016x128xf32, #tpu.memory_space<vmem_shared>> -> memref<48x128xf32, #tpu.memory_space<vmem_shared>>
      tpu.enqueue_dma source(%arg10 : memref<48x128xf32, #tpu.memory_space<vmem>>) target(%dma_start3A_151 : memref<48x128xf32, #tpu.memory_space<vmem_shared>>) target_semaphore(%run_scoped3A : memref<!tpu.dma_semaphore, #tpu.memory_space<semaphore_mem>>)
      %dma_wait3A_152 = arith.constant 0 : i32
      %dma_wait3A_153 = tpu.memref_slice %arg11[%add3A_52, %dma_wait3A_152] : memref<10016x128xf32, #tpu.memory_space<vmem_shared>> -> memref<48x128xf32, #tpu.memory_space<vmem_shared>>
      %dma_wait3A_154 = arith.constant 0 : i32
      %dma_wait3A_155 = tpu.memref_slice %arg11[%add3A_52, %dma_wait3A_154] : memref<10016x128xf32, #tpu.memory_space<vmem_shared>> -> memref<48x128xf32, #tpu.memory_space<vmem_shared>>
      tpu.wait_dma2 semaphore(%run_scoped3A : memref<!tpu.dma_semaphore, #tpu.memory_space<semaphore_mem>>) src(%arg10 : memref<48x128xf32, #tpu.memory_space<vmem>>) dst(%dma_wait3A_155 : memref<48x128xf32, #tpu.memory_space<vmem_shared>>)
      tpu.yield
    }) : () -> ()
    %mul3A_53 = arith.constant 624 : i32
    %mul3A_54 = arith.muli %arg1, %mul3A_53 : i32
    %add3A_55 = arith.constant 384 : i32
    %add3A_56 = arith.addi %mul3A_54, %add3A_55 : i32
    "tpu.region"() ({
      %run_scoped3A = tpu.sem_alloc : memref<!tpu.dma_semaphore, #tpu.memory_space<semaphore_mem>>
      %dma_start3A_148 = arith.constant 0 : i32
      %dma_start3A_149 = tpu.memref_slice %arg11[%add3A_56, %dma_start3A_148] : memref<10016x128xf32, #tpu.memory_space<vmem_shared>> -> memref<48x128xf32, #tpu.memory_space<vmem_shared>>
      %dma_start3A_150 = arith.constant 0 : i32
      %dma_start3A_151 = tpu.memref_slice %arg11[%add3A_56, %dma_start3A_150] : memref<10016x128xf32, #tpu.memory_space<vmem_shared>> -> memref<48x128xf32, #tpu.memory_space<vmem_shared>>
      tpu.enqueue_dma source(%arg10 : memref<48x128xf32, #tpu.memory_space<vmem>>) target(%dma_start3A_151 : memref<48x128xf32, #tpu.memory_space<vmem_shared>>) target_semaphore(%run_scoped3A : memref<!tpu.dma_semaphore, #tpu.memory_space<semaphore_mem>>)
      %dma_wait3A_152 = arith.constant 0 : i32
      %dma_wait3A_153 = tpu.memref_slice %arg11[%add3A_56, %dma_wait3A_152] : memref<10016x128xf32, #tpu.memory_space<vmem_shared>> -> memref<48x128xf32, #tpu.memory_space<vmem_shared>>
      %dma_wait3A_154 = arith.constant 0 : i32
      %dma_wait3A_155 = tpu.memref_slice %arg11[%add3A_56, %dma_wait3A_154] : memref<10016x128xf32, #tpu.memory_space<vmem_shared>> -> memref<48x128xf32, #tpu.memory_space<vmem_shared>>
      tpu.wait_dma2 semaphore(%run_scoped3A : memref<!tpu.dma_semaphore, #tpu.memory_space<semaphore_mem>>) src(%arg10 : memref<48x128xf32, #tpu.memory_space<vmem>>) dst(%dma_wait3A_155 : memref<48x128xf32, #tpu.memory_space<vmem_shared>>)
      tpu.yield
    }) : () -> ()
    %mul3A_57 = arith.constant 624 : i32
    %mul3A_58 = arith.muli %arg1, %mul3A_57 : i32
    %add3A_59 = arith.constant 432 : i32
    %add3A_60 = arith.addi %mul3A_58, %add3A_59 : i32
    "tpu.region"() ({
      %run_scoped3A = tpu.sem_alloc : memref<!tpu.dma_semaphore, #tpu.memory_space<semaphore_mem>>
      %dma_start3A_148 = arith.constant 0 : i32
      %dma_start3A_149 = tpu.memref_slice %arg11[%add3A_60, %dma_start3A_148] : memref<10016x128xf32, #tpu.memory_space<vmem_shared>> -> memref<48x128xf32, #tpu.memory_space<vmem_shared>>
      %dma_start3A_150 = arith.constant 0 : i32
      %dma_start3A_151 = tpu.memref_slice %arg11[%add3A_60, %dma_start3A_150] : memref<10016x128xf32, #tpu.memory_space<vmem_shared>> -> memref<48x128xf32, #tpu.memory_space<vmem_shared>>
      tpu.enqueue_dma source(%arg10 : memref<48x128xf32, #tpu.memory_space<vmem>>) target(%dma_start3A_151 : memref<48x128xf32, #tpu.memory_space<vmem_shared>>) target_semaphore(%run_scoped3A : memref<!tpu.dma_semaphore, #tpu.memory_space<semaphore_mem>>)
      %dma_wait3A_152 = arith.constant 0 : i32
      %dma_wait3A_153 = tpu.memref_slice %arg11[%add3A_60, %dma_wait3A_152] : memref<10016x128xf32, #tpu.memory_space<vmem_shared>> -> memref<48x128xf32, #tpu.memory_space<vmem_shared>>
      %dma_wait3A_154 = arith.constant 0 : i32
      %dma_wait3A_155 = tpu.memref_slice %arg11[%add3A_60, %dma_wait3A_154] : memref<10016x128xf32, #tpu.memory_space<vmem_shared>> -> memref<48x128xf32, #tpu.memory_space<vmem_shared>>
      tpu.wait_dma2 semaphore(%run_scoped3A : memref<!tpu.dma_semaphore, #tpu.memory_space<semaphore_mem>>) src(%arg10 : memref<48x128xf32, #tpu.memory_space<vmem>>) dst(%dma_wait3A_155 : memref<48x128xf32, #tpu.memory_space<vmem_shared>>)
      tpu.yield
    }) : () -> ()
    %mul3A_61 = arith.constant 624 : i32
    %mul3A_62 = arith.muli %arg1, %mul3A_61 : i32
    %add3A_63 = arith.constant 480 : i32
    %add3A_64 = arith.addi %mul3A_62, %add3A_63 : i32
    "tpu.region"() ({
      %run_scoped3A = tpu.sem_alloc : memref<!tpu.dma_semaphore, #tpu.memory_space<semaphore_mem>>
      %dma_start3A_148 = arith.constant 0 : i32
      %dma_start3A_149 = tpu.memref_slice %arg11[%add3A_64, %dma_start3A_148] : memref<10016x128xf32, #tpu.memory_space<vmem_shared>> -> memref<48x128xf32, #tpu.memory_space<vmem_shared>>
      %dma_start3A_150 = arith.constant 0 : i32
      %dma_start3A_151 = tpu.memref_slice %arg11[%add3A_64, %dma_start3A_150] : memref<10016x128xf32, #tpu.memory_space<vmem_shared>> -> memref<48x128xf32, #tpu.memory_space<vmem_shared>>
      tpu.enqueue_dma source(%arg10 : memref<48x128xf32, #tpu.memory_space<vmem>>) target(%dma_start3A_151 : memref<48x128xf32, #tpu.memory_space<vmem_shared>>) target_semaphore(%run_scoped3A : memref<!tpu.dma_semaphore, #tpu.memory_space<semaphore_mem>>)
      %dma_wait3A_152 = arith.constant 0 : i32
      %dma_wait3A_153 = tpu.memref_slice %arg11[%add3A_64, %dma_wait3A_152] : memref<10016x128xf32, #tpu.memory_space<vmem_shared>> -> memref<48x128xf32, #tpu.memory_space<vmem_shared>>
      %dma_wait3A_154 = arith.constant 0 : i32
      %dma_wait3A_155 = tpu.memref_slice %arg11[%add3A_64, %dma_wait3A_154] : memref<10016x128xf32, #tpu.memory_space<vmem_shared>> -> memref<48x128xf32, #tpu.memory_space<vmem_shared>>
      tpu.wait_dma2 semaphore(%run_scoped3A : memref<!tpu.dma_semaphore, #tpu.memory_space<semaphore_mem>>) src(%arg10 : memref<48x128xf32, #tpu.memory_space<vmem>>) dst(%dma_wait3A_155 : memref<48x128xf32, #tpu.memory_space<vmem_shared>>)
      tpu.yield
    }) : () -> ()
    %mul3A_65 = arith.constant 624 : i32
    %mul3A_66 = arith.muli %arg1, %mul3A_65 : i32
    %add3A_67 = arith.constant 528 : i32
    %add3A_68 = arith.addi %mul3A_66, %add3A_67 : i32
    "tpu.region"() ({
      %run_scoped3A = tpu.sem_alloc : memref<!tpu.dma_semaphore, #tpu.memory_space<semaphore_mem>>
      %dma_start3A_148 = arith.constant 0 : i32
      %dma_start3A_149 = tpu.memref_slice %arg11[%add3A_68, %dma_start3A_148] : memref<10016x128xf32, #tpu.memory_space<vmem_shared>> -> memref<48x128xf32, #tpu.memory_space<vmem_shared>>
      %dma_start3A_150 = arith.constant 0 : i32
      %dma_start3A_151 = tpu.memref_slice %arg11[%add3A_68, %dma_start3A_150] : memref<10016x128xf32, #tpu.memory_space<vmem_shared>> -> memref<48x128xf32, #tpu.memory_space<vmem_shared>>
      tpu.enqueue_dma source(%arg10 : memref<48x128xf32, #tpu.memory_space<vmem>>) target(%dma_start3A_151 : memref<48x128xf32, #tpu.memory_space<vmem_shared>>) target_semaphore(%run_scoped3A : memref<!tpu.dma_semaphore, #tpu.memory_space<semaphore_mem>>)
      %dma_wait3A_152 = arith.constant 0 : i32
      %dma_wait3A_153 = tpu.memref_slice %arg11[%add3A_68, %dma_wait3A_152] : memref<10016x128xf32, #tpu.memory_space<vmem_shared>> -> memref<48x128xf32, #tpu.memory_space<vmem_shared>>
      %dma_wait3A_154 = arith.constant 0 : i32
      %dma_wait3A_155 = tpu.memref_slice %arg11[%add3A_68, %dma_wait3A_154] : memref<10016x128xf32, #tpu.memory_space<vmem_shared>> -> memref<48x128xf32, #tpu.memory_space<vmem_shared>>
      tpu.wait_dma2 semaphore(%run_scoped3A : memref<!tpu.dma_semaphore, #tpu.memory_space<semaphore_mem>>) src(%arg10 : memref<48x128xf32, #tpu.memory_space<vmem>>) dst(%dma_wait3A_155 : memref<48x128xf32, #tpu.memory_space<vmem_shared>>)
      tpu.yield
    }) : () -> ()
    %mul3A_69 = arith.constant 624 : i32
    %mul3A_70 = arith.muli %arg1, %mul3A_69 : i32
    %add3A_71 = arith.constant 576 : i32
    %add3A_72 = arith.addi %mul3A_70, %add3A_71 : i32
    "tpu.region"() ({
      %run_scoped3A = tpu.sem_alloc : memref<!tpu.dma_semaphore, #tpu.memory_space<semaphore_mem>>
      %dma_start3A_148 = arith.constant 0 : i32
      %dma_start3A_149 = tpu.memref_slice %arg11[%add3A_72, %dma_start3A_148] : memref<10016x128xf32, #tpu.memory_space<vmem_shared>> -> memref<48x128xf32, #tpu.memory_space<vmem_shared>>
      %dma_start3A_150 = arith.constant 0 : i32
      %dma_start3A_151 = tpu.memref_slice %arg11[%add3A_72, %dma_start3A_150] : memref<10016x128xf32, #tpu.memory_space<vmem_shared>> -> memref<48x128xf32, #tpu.memory_space<vmem_shared>>
      tpu.enqueue_dma source(%arg10 : memref<48x128xf32, #tpu.memory_space<vmem>>) target(%dma_start3A_151 : memref<48x128xf32, #tpu.memory_space<vmem_shared>>) target_semaphore(%run_scoped3A : memref<!tpu.dma_semaphore, #tpu.memory_space<semaphore_mem>>)
      %dma_wait3A_152 = arith.constant 0 : i32
      %dma_wait3A_153 = tpu.memref_slice %arg11[%add3A_72, %dma_wait3A_152] : memref<10016x128xf32, #tpu.memory_space<vmem_shared>> -> memref<48x128xf32, #tpu.memory_space<vmem_shared>>
      %dma_wait3A_154 = arith.constant 0 : i32
      %dma_wait3A_155 = tpu.memref_slice %arg11[%add3A_72, %dma_wait3A_154] : memref<10016x128xf32, #tpu.memory_space<vmem_shared>> -> memref<48x128xf32, #tpu.memory_space<vmem_shared>>
      tpu.wait_dma2 semaphore(%run_scoped3A : memref<!tpu.dma_semaphore, #tpu.memory_space<semaphore_mem>>) src(%arg10 : memref<48x128xf32, #tpu.memory_space<vmem>>) dst(%dma_wait3A_155 : memref<48x128xf32, #tpu.memory_space<vmem_shared>>)
      tpu.yield
    }) : () -> ()
    %eq3A = arith.constant 15 : i32
    %eq3A_73 = arith.cmpi eq, %arg1, %eq3A : i32
    %convert_element_type3A = arith.extui %eq3A_73 : i1 to i32
    %cond3A = arith.constant 0 : i32
    %cond3A_74 = arith.cmpi ne, %convert_element_type3A, %cond3A : i32
    scf.if %cond3A_74 {
      "tpu.region"() ({
        %run_scoped3A = tpu.sem_alloc : memref<!tpu.dma_semaphore, #tpu.memory_space<semaphore_mem>>
        %dma_start3A_148 = arith.constant 0 : i32
        %dma_start3A_149 = arith.constant 0 : i32
        %dma_start3A_150 = tpu.memref_slice %arg10[%dma_start3A_148, %dma_start3A_149] : memref<48x128xf32, #tpu.memory_space<vmem>> -> memref<16x128xf32, #tpu.memory_space<vmem>>
        %dma_start3A_151 = arith.constant 9984 : i32
        %dma_start3A_152 = arith.constant 0 : i32
        %dma_start3A_153 = tpu.memref_slice %arg11[%dma_start3A_151, %dma_start3A_152] : memref<10016x128xf32, #tpu.memory_space<vmem_shared>> -> memref<16x128xf32, #tpu.memory_space<vmem_shared>>
        %dma_start3A_154 = arith.constant 9984 : i32
        %dma_start3A_155 = arith.constant 0 : i32
        %dma_start3A_156 = tpu.memref_slice %arg11[%dma_start3A_154, %dma_start3A_155] : memref<10016x128xf32, #tpu.memory_space<vmem_shared>> -> memref<16x128xf32, #tpu.memory_space<vmem_shared>>
        %dma_start3A_157 = arith.constant 0 : i32
        %dma_start3A_158 = arith.constant 0 : i32
        %dma_start3A_159 = tpu.memref_slice %arg10[%dma_start3A_157, %dma_start3A_158] : memref<48x128xf32, #tpu.memory_space<vmem>> -> memref<16x128xf32, #tpu.memory_space<vmem>>
        tpu.enqueue_dma source(%dma_start3A_159 : memref<16x128xf32, #tpu.memory_space<vmem>>) target(%dma_start3A_156 : memref<16x128xf32, #tpu.memory_space<vmem_shared>>) target_semaphore(%run_scoped3A : memref<!tpu.dma_semaphore, #tpu.memory_space<semaphore_mem>>)
        %dma_wait3A_160 = arith.constant 0 : i32
        %dma_wait3A_161 = arith.constant 0 : i32
        %dma_wait3A_162 = tpu.memref_slice %arg10[%dma_wait3A_160, %dma_wait3A_161] : memref<48x128xf32, #tpu.memory_space<vmem>> -> memref<16x128xf32, #tpu.memory_space<vmem>>
        %dma_wait3A_163 = arith.constant 9984 : i32
        %dma_wait3A_164 = arith.constant 0 : i32
        %dma_wait3A_165 = tpu.memref_slice %arg11[%dma_wait3A_163, %dma_wait3A_164] : memref<10016x128xf32, #tpu.memory_space<vmem_shared>> -> memref<16x128xf32, #tpu.memory_space<vmem_shared>>
        %dma_wait3A_166 = arith.constant 9984 : i32
        %dma_wait3A_167 = arith.constant 0 : i32
        %dma_wait3A_168 = tpu.memref_slice %arg11[%dma_wait3A_166, %dma_wait3A_167] : memref<10016x128xf32, #tpu.memory_space<vmem_shared>> -> memref<16x128xf32, #tpu.memory_space<vmem_shared>>
        %dma_wait3A_169 = arith.constant 0 : i32
        %dma_wait3A_170 = arith.constant 0 : i32
        %dma_wait3A_171 = tpu.memref_slice %arg10[%dma_wait3A_169, %dma_wait3A_170] : memref<48x128xf32, #tpu.memory_space<vmem>> -> memref<16x128xf32, #tpu.memory_space<vmem>>
        tpu.wait_dma2 semaphore(%run_scoped3A : memref<!tpu.dma_semaphore, #tpu.memory_space<semaphore_mem>>) src(%dma_wait3A_171 : memref<16x128xf32, #tpu.memory_space<vmem>>) dst(%dma_wait3A_168 : memref<16x128xf32, #tpu.memory_space<vmem_shared>>)
        tpu.yield
      }) : () -> ()
    } else {
    }
    %dma_wait3A = arith.constant 0 : i32
    %dma_wait3A_75 = arith.constant 0 : i32
    %dma_wait3A_76 = tpu.memref_slice %arg3[%add3A, %dma_wait3A, %dma_wait3A_75] : memref<32x80x128xi32, #tpu.memory_space<hbm>> -> memref<1x40x128xi32, #tpu.memory_space<hbm>>
    %dma_wait3A_77 = tpu.memref_squeeze %dma_wait3A_76 : memref<1x40x128xi32, #tpu.memory_space<hbm>> -> memref<40x128xi32, #tpu.memory_space<hbm>>
    %dma_wait3A_78 = arith.constant 0 : i32
    %dma_wait3A_79 = arith.constant 0 : i32
    %dma_wait3A_80 = tpu.memref_slice %arg3[%add3A, %dma_wait3A_78, %dma_wait3A_79] : memref<32x80x128xi32, #tpu.memory_space<hbm>> -> memref<1x40x128xi32, #tpu.memory_space<hbm>>
    %dma_wait3A_81 = tpu.memref_squeeze %dma_wait3A_80 : memref<1x40x128xi32, #tpu.memory_space<hbm>> -> memref<40x128xi32, #tpu.memory_space<hbm>>
    tpu.wait_dma2 semaphore(%arg14 : memref<!tpu.dma_semaphore, #tpu.memory_space<semaphore_mem>>) src(%dma_wait3A_81 : memref<40x128xi32, #tpu.memory_space<hbm>>) dst(%arg6 : memref<40x128xi32, #tpu.memory_space<vmem>>)
    %dma_wait3A_82 = arith.constant 0 : i32
    %dma_wait3A_83 = arith.constant 0 : i32
    %dma_wait3A_84 = tpu.memref_slice %arg4[%add3A, %dma_wait3A_82, %dma_wait3A_83] : memref<32x80x128xi32, #tpu.memory_space<hbm>> -> memref<1x40x128xi32, #tpu.memory_space<hbm>>
    %dma_wait3A_85 = tpu.memref_squeeze %dma_wait3A_84 : memref<1x40x128xi32, #tpu.memory_space<hbm>> -> memref<40x128xi32, #tpu.memory_space<hbm>>
    %dma_wait3A_86 = arith.constant 0 : i32
    %dma_wait3A_87 = arith.constant 0 : i32
    %dma_wait3A_88 = tpu.memref_slice %arg4[%add3A, %dma_wait3A_86, %dma_wait3A_87] : memref<32x80x128xi32, #tpu.memory_space<hbm>> -> memref<1x40x128xi32, #tpu.memory_space<hbm>>
    %dma_wait3A_89 = tpu.memref_squeeze %dma_wait3A_88 : memref<1x40x128xi32, #tpu.memory_space<hbm>> -> memref<40x128xi32, #tpu.memory_space<hbm>>
    tpu.wait_dma2 semaphore(%arg14 : memref<!tpu.dma_semaphore, #tpu.memory_space<semaphore_mem>>) src(%dma_wait3A_89 : memref<40x128xi32, #tpu.memory_space<hbm>>) dst(%arg7 : memref<40x128xi32, #tpu.memory_space<vmem>>)
    %barrier3A = arith.constant 0 : index
    tpu.barrier barrier_id(%barrier3A)
    %dma_start3A_90 = arith.constant 0 : i32
    %dma_start3A_91 = arith.constant 0 : i32
    %dma_start3A_92 = tpu.memref_slice %arg6[%dma_start3A_90, %dma_start3A_91] : memref<40x128xi32, #tpu.memory_space<vmem>> -> memref<1x128xi32, #tpu.memory_space<vmem>>
    %dma_start3A_93 = tpu.memref_squeeze %dma_start3A_92 : memref<1x128xi32, #tpu.memory_space<vmem>> -> memref<128xi32, #tpu.memory_space<vmem>>
    %dma_start3A_94 = arith.constant 0 : i32
    %dma_start3A_95 = arith.constant 0 : i32
    %dma_start3A_96 = tpu.memref_slice %arg2[%dma_start3A_94, %dma_start3A_95] : memref<10000x128xf32, #tpu.memory_space<hbm>> -> memref<10000x128xf32, #tpu.memory_space<hbm>>
    tpu.enqueue_indirect_dma source(%dma_start3A_96 : memref<10000x128xf32, #tpu.memory_space<hbm>>) target(%arg8 : memref<128x128xf32, #tpu.memory_space<vmem>>) offsets(%dma_start3A_93 : memref<128xi32, #tpu.memory_space<vmem>>) semaphore(%arg12 : memref<!tpu.dma_semaphore, #tpu.memory_space<semaphore_mem>>)
    %dma_start3A_97 = arith.constant 1 : i32
    %dma_start3A_98 = arith.constant 0 : i32
    %dma_start3A_99 = tpu.memref_slice %arg6[%dma_start3A_97, %dma_start3A_98] : memref<40x128xi32, #tpu.memory_space<vmem>> -> memref<1x128xi32, #tpu.memory_space<vmem>>
    %dma_start3A_100 = tpu.memref_squeeze %dma_start3A_99 : memref<1x128xi32, #tpu.memory_space<vmem>> -> memref<128xi32, #tpu.memory_space<vmem>>
    %dma_start3A_101 = arith.constant 0 : i32
    %dma_start3A_102 = arith.constant 0 : i32
    %dma_start3A_103 = tpu.memref_slice %arg2[%dma_start3A_101, %dma_start3A_102] : memref<10000x128xf32, #tpu.memory_space<hbm>> -> memref<10000x128xf32, #tpu.memory_space<hbm>>
    tpu.enqueue_indirect_dma source(%dma_start3A_103 : memref<10000x128xf32, #tpu.memory_space<hbm>>) target(%arg9 : memref<128x128xf32, #tpu.memory_space<vmem>>) offsets(%dma_start3A_100 : memref<128xi32, #tpu.memory_space<vmem>>) semaphore(%arg13 : memref<!tpu.dma_semaphore, #tpu.memory_space<semaphore_mem>>)
    %scan3A_104 = arith.constant 0 : i32
    %scan3A_105 = arith.constant 0 : i32
    %scan3A_106 = arith.constant 20 : i32
    %scan3A_107 = arith.addi %scan3A_105, %scan3A_106 : i32
    %scan3A_108 = arith.constant 1 : i32
    scf.for %scan3A_148 = %scan3A_105 to %scan3A_107 step %scan3A_108  : i32 {
      %mul3A_149 = arith.constant 2 : i32
      %mul3A_150 = arith.muli %mul3A_149, %scan3A_148 : i32
      %dma_wait3A_151 = arith.constant 0 : i32
      %dma_wait3A_152 = tpu.memref_slice %arg6[%mul3A_150, %dma_wait3A_151] : memref<40x128xi32, #tpu.memory_space<vmem>> -> memref<1x128xi32, #tpu.memory_space<vmem>>
      %dma_wait3A_153 = tpu.memref_squeeze %dma_wait3A_152 : memref<1x128xi32, #tpu.memory_space<vmem>> -> memref<128xi32, #tpu.memory_space<vmem>>
      %dma_wait3A_154 = arith.constant 0 : i32
      %dma_wait3A_155 = arith.constant 0 : i32
      %dma_wait3A_156 = tpu.memref_slice %arg2[%dma_wait3A_154, %dma_wait3A_155] : memref<10000x128xf32, #tpu.memory_space<hbm>> -> memref<10000x128xf32, #tpu.memory_space<hbm>>
      tpu.wait_indirect_dma semaphore(%arg12 : memref<!tpu.dma_semaphore, #tpu.memory_space<semaphore_mem>>) src(%dma_wait3A_156 : memref<10000x128xf32, #tpu.memory_space<hbm>>) dst(%arg8 : memref<128x128xf32, #tpu.memory_space<vmem>>)
      "tpu.region"() ({
        %run_scoped3A = tpu.sem_alloc : memref<!tpu.dma_semaphore, #tpu.memory_space<semaphore_mem>>
        %dma_start3A_176 = arith.constant 0 : i32
        %dma_start3A_177 = tpu.memref_slice %arg7[%mul3A_150, %dma_start3A_176] : memref<40x128xi32, #tpu.memory_space<vmem>> -> memref<1x128xi32, #tpu.memory_space<vmem>>
        %dma_start3A_178 = tpu.memref_squeeze %dma_start3A_177 : memref<1x128xi32, #tpu.memory_space<vmem>> -> memref<128xi32, #tpu.memory_space<vmem>>
        %dma_start3A_179 = arith.constant 0 : i32
        %dma_start3A_180 = arith.constant 0 : i32
        %dma_start3A_181 = tpu.memref_slice %arg11[%dma_start3A_179, %dma_start3A_180] : memref<10016x128xf32, #tpu.memory_space<vmem_shared>> -> memref<10016x128xf32, #tpu.memory_space<vmem_shared>>
        tpu.enqueue_indirect_dma source(%arg8 : memref<128x128xf32, #tpu.memory_space<vmem>>) target(%dma_start3A_181 : memref<10016x128xf32, #tpu.memory_space<vmem_shared>>) offsets(%dma_start3A_178 : memref<128xi32, #tpu.memory_space<vmem>>) semaphore(%run_scoped3A : memref<!tpu.dma_semaphore, #tpu.memory_space<semaphore_mem>>) {add = true}
        %dma_wait3A_182 = arith.constant 0 : i32
        %dma_wait3A_183 = tpu.memref_slice %arg7[%mul3A_150, %dma_wait3A_182] : memref<40x128xi32, #tpu.memory_space<vmem>> -> memref<1x128xi32, #tpu.memory_space<vmem>>
        %dma_wait3A_184 = tpu.memref_squeeze %dma_wait3A_183 : memref<1x128xi32, #tpu.memory_space<vmem>> -> memref<128xi32, #tpu.memory_space<vmem>>
        %dma_wait3A_185 = arith.constant 0 : i32
        %dma_wait3A_186 = arith.constant 0 : i32
        %dma_wait3A_187 = tpu.memref_slice %arg11[%dma_wait3A_185, %dma_wait3A_186] : memref<10016x128xf32, #tpu.memory_space<vmem_shared>> -> memref<10016x128xf32, #tpu.memory_space<vmem_shared>>
        tpu.wait_indirect_dma semaphore(%run_scoped3A : memref<!tpu.dma_semaphore, #tpu.memory_space<semaphore_mem>>) src(%arg8 : memref<128x128xf32, #tpu.memory_space<vmem>>) dst(%dma_wait3A_187 : memref<10016x128xf32, #tpu.memory_space<vmem_shared>>)
        tpu.yield
      }) : () -> ()
      %lt3A = arith.constant 19 : i32
      %lt3A_157 = arith.cmpi slt, %scan3A_148, %lt3A : i32
      %convert_element_type3A_158 = arith.extui %lt3A_157 : i1 to i32
      %cond3A_159 = arith.constant 0 : i32
      %cond3A_160 = arith.cmpi ne, %convert_element_type3A_158, %cond3A_159 : i32
      scf.if %cond3A_160 {
        %add3A_176 = arith.constant 2 : i32
        %add3A_177 = arith.addi %mul3A_150, %add3A_176 : i32
        %dma_start3A_178 = arith.constant 0 : i32
        %dma_start3A_179 = tpu.memref_slice %arg6[%add3A_177, %dma_start3A_178] : memref<40x128xi32, #tpu.memory_space<vmem>> -> memref<1x128xi32, #tpu.memory_space<vmem>>
        %dma_start3A_180 = tpu.memref_squeeze %dma_start3A_179 : memref<1x128xi32, #tpu.memory_space<vmem>> -> memref<128xi32, #tpu.memory_space<vmem>>
        %dma_start3A_181 = arith.constant 0 : i32
        %dma_start3A_182 = arith.constant 0 : i32
        %dma_start3A_183 = tpu.memref_slice %arg2[%dma_start3A_181, %dma_start3A_182] : memref<10000x128xf32, #tpu.memory_space<hbm>> -> memref<10000x128xf32, #tpu.memory_space<hbm>>
        tpu.enqueue_indirect_dma source(%dma_start3A_183 : memref<10000x128xf32, #tpu.memory_space<hbm>>) target(%arg8 : memref<128x128xf32, #tpu.memory_space<vmem>>) offsets(%dma_start3A_180 : memref<128xi32, #tpu.memory_space<vmem>>) semaphore(%arg12 : memref<!tpu.dma_semaphore, #tpu.memory_space<semaphore_mem>>)
      } else {
      }
      %add3A_161 = arith.constant 1 : i32
      %add3A_162 = arith.addi %mul3A_150, %add3A_161 : i32
      %dma_wait3A_163 = arith.constant 0 : i32
      %dma_wait3A_164 = tpu.memref_slice %arg6[%add3A_162, %dma_wait3A_163] : memref<40x128xi32, #tpu.memory_space<vmem>> -> memref<1x128xi32, #tpu.memory_space<vmem>>
      %dma_wait3A_165 = tpu.memref_squeeze %dma_wait3A_164 : memref<1x128xi32, #tpu.memory_space<vmem>> -> memref<128xi32, #tpu.memory_space<vmem>>
      %dma_wait3A_166 = arith.constant 0 : i32
      %dma_wait3A_167 = arith.constant 0 : i32
      %dma_wait3A_168 = tpu.memref_slice %arg2[%dma_wait3A_166, %dma_wait3A_167] : memref<10000x128xf32, #tpu.memory_space<hbm>> -> memref<10000x128xf32, #tpu.memory_space<hbm>>
      tpu.wait_indirect_dma semaphore(%arg13 : memref<!tpu.dma_semaphore, #tpu.memory_space<semaphore_mem>>) src(%dma_wait3A_168 : memref<10000x128xf32, #tpu.memory_space<hbm>>) dst(%arg9 : memref<128x128xf32, #tpu.memory_space<vmem>>)
      %add3A_169 = arith.constant 1 : i32
      %add3A_170 = arith.addi %mul3A_150, %add3A_169 : i32
      "tpu.region"() ({
        %run_scoped3A = tpu.sem_alloc : memref<!tpu.dma_semaphore, #tpu.memory_space<semaphore_mem>>
        %dma_start3A_176 = arith.constant 0 : i32
        %dma_start3A_177 = tpu.memref_slice %arg7[%add3A_170, %dma_start3A_176] : memref<40x128xi32, #tpu.memory_space<vmem>> -> memref<1x128xi32, #tpu.memory_space<vmem>>
        %dma_start3A_178 = tpu.memref_squeeze %dma_start3A_177 : memref<1x128xi32, #tpu.memory_space<vmem>> -> memref<128xi32, #tpu.memory_space<vmem>>
        %dma_start3A_179 = arith.constant 0 : i32
        %dma_start3A_180 = arith.constant 0 : i32
        %dma_start3A_181 = tpu.memref_slice %arg11[%dma_start3A_179, %dma_start3A_180] : memref<10016x128xf32, #tpu.memory_space<vmem_shared>> -> memref<10016x128xf32, #tpu.memory_space<vmem_shared>>
        tpu.enqueue_indirect_dma source(%arg9 : memref<128x128xf32, #tpu.memory_space<vmem>>) target(%dma_start3A_181 : memref<10016x128xf32, #tpu.memory_space<vmem_shared>>) offsets(%dma_start3A_178 : memref<128xi32, #tpu.memory_space<vmem>>) semaphore(%run_scoped3A : memref<!tpu.dma_semaphore, #tpu.memory_space<semaphore_mem>>) {add = true}
        %dma_wait3A_182 = arith.constant 0 : i32
        %dma_wait3A_183 = tpu.memref_slice %arg7[%add3A_170, %dma_wait3A_182] : memref<40x128xi32, #tpu.memory_space<vmem>> -> memref<1x128xi32, #tpu.memory_space<vmem>>
        %dma_wait3A_184 = tpu.memref_squeeze %dma_wait3A_183 : memref<1x128xi32, #tpu.memory_space<vmem>> -> memref<128xi32, #tpu.memory_space<vmem>>
        %dma_wait3A_185 = arith.constant 0 : i32
        %dma_wait3A_186 = arith.constant 0 : i32
        %dma_wait3A_187 = tpu.memref_slice %arg11[%dma_wait3A_185, %dma_wait3A_186] : memref<10016x128xf32, #tpu.memory_space<vmem_shared>> -> memref<10016x128xf32, #tpu.memory_space<vmem_shared>>
        tpu.wait_indirect_dma semaphore(%run_scoped3A : memref<!tpu.dma_semaphore, #tpu.memory_space<semaphore_mem>>) src(%arg9 : memref<128x128xf32, #tpu.memory_space<vmem>>) dst(%dma_wait3A_187 : memref<10016x128xf32, #tpu.memory_space<vmem_shared>>)
        tpu.yield
      }) : () -> ()
      %lt3A_171 = arith.constant 19 : i32
      %lt3A_172 = arith.cmpi slt, %scan3A_148, %lt3A_171 : i32
      %convert_element_type3A_173 = arith.extui %lt3A_172 : i1 to i32
      %cond3A_174 = arith.constant 0 : i32
      %cond3A_175 = arith.cmpi ne, %convert_element_type3A_173, %cond3A_174 : i32
      scf.if %cond3A_175 {
        %add3A_176 = arith.constant 3 : i32
        %add3A_177 = arith.addi %mul3A_150, %add3A_176 : i32
        %dma_start3A_178 = arith.constant 0 : i32
        %dma_start3A_179 = tpu.memref_slice %arg6[%add3A_177, %dma_start3A_178] : memref<40x128xi32, #tpu.memory_space<vmem>> -> memref<1x128xi32, #tpu.memory_space<vmem>>
        %dma_start3A_180 = tpu.memref_squeeze %dma_start3A_179 : memref<1x128xi32, #tpu.memory_space<vmem>> -> memref<128xi32, #tpu.memory_space<vmem>>
        %dma_start3A_181 = arith.constant 0 : i32
        %dma_start3A_182 = arith.constant 0 : i32
        %dma_start3A_183 = tpu.memref_slice %arg2[%dma_start3A_181, %dma_start3A_182] : memref<10000x128xf32, #tpu.memory_space<hbm>> -> memref<10000x128xf32, #tpu.memory_space<hbm>>
        tpu.enqueue_indirect_dma source(%dma_start3A_183 : memref<10000x128xf32, #tpu.memory_space<hbm>>) target(%arg9 : memref<128x128xf32, #tpu.memory_space<vmem>>) offsets(%dma_start3A_180 : memref<128xi32, #tpu.memory_space<vmem>>) semaphore(%arg13 : memref<!tpu.dma_semaphore, #tpu.memory_space<semaphore_mem>>)
      } else {
      }
    }
    %scan3A_109 = arith.constant 20 : i32
    "tpu.region"() ({
      %run_scoped3A = tpu.sem_alloc : memref<!tpu.dma_semaphore, #tpu.memory_space<semaphore_mem>>
      %dma_start3A_148 = arith.constant 40 : i32
      %dma_start3A_149 = arith.constant 0 : i32
      %dma_start3A_150 = tpu.memref_slice %arg3[%add3A, %dma_start3A_148, %dma_start3A_149] : memref<32x80x128xi32, #tpu.memory_space<hbm>> -> memref<1x40x128xi32, #tpu.memory_space<hbm>>
      %dma_start3A_151 = tpu.memref_squeeze %dma_start3A_150 : memref<1x40x128xi32, #tpu.memory_space<hbm>> -> memref<40x128xi32, #tpu.memory_space<hbm>>
      %dma_start3A_152 = arith.constant 40 : i32
      %dma_start3A_153 = arith.constant 0 : i32
      %dma_start3A_154 = tpu.memref_slice %arg3[%add3A, %dma_start3A_152, %dma_start3A_153] : memref<32x80x128xi32, #tpu.memory_space<hbm>> -> memref<1x40x128xi32, #tpu.memory_space<hbm>>
      %dma_start3A_155 = tpu.memref_squeeze %dma_start3A_154 : memref<1x40x128xi32, #tpu.memory_space<hbm>> -> memref<40x128xi32, #tpu.memory_space<hbm>>
      tpu.enqueue_dma source(%dma_start3A_155 : memref<40x128xi32, #tpu.memory_space<hbm>>) target(%arg6 : memref<40x128xi32, #tpu.memory_space<vmem>>) target_semaphore(%run_scoped3A : memref<!tpu.dma_semaphore, #tpu.memory_space<semaphore_mem>>)
      %dma_wait3A_156 = arith.constant 40 : i32
      %dma_wait3A_157 = arith.constant 0 : i32
      %dma_wait3A_158 = tpu.memref_slice %arg3[%add3A, %dma_wait3A_156, %dma_wait3A_157] : memref<32x80x128xi32, #tpu.memory_space<hbm>> -> memref<1x40x128xi32, #tpu.memory_space<hbm>>
      %dma_wait3A_159 = tpu.memref_squeeze %dma_wait3A_158 : memref<1x40x128xi32, #tpu.memory_space<hbm>> -> memref<40x128xi32, #tpu.memory_space<hbm>>
      %dma_wait3A_160 = arith.constant 40 : i32
      %dma_wait3A_161 = arith.constant 0 : i32
      %dma_wait3A_162 = tpu.memref_slice %arg3[%add3A, %dma_wait3A_160, %dma_wait3A_161] : memref<32x80x128xi32, #tpu.memory_space<hbm>> -> memref<1x40x128xi32, #tpu.memory_space<hbm>>
      %dma_wait3A_163 = tpu.memref_squeeze %dma_wait3A_162 : memref<1x40x128xi32, #tpu.memory_space<hbm>> -> memref<40x128xi32, #tpu.memory_space<hbm>>
      tpu.wait_dma2 semaphore(%run_scoped3A : memref<!tpu.dma_semaphore, #tpu.memory_space<semaphore_mem>>) src(%dma_wait3A_163 : memref<40x128xi32, #tpu.memory_space<hbm>>) dst(%arg6 : memref<40x128xi32, #tpu.memory_space<vmem>>)
      tpu.yield
    }) : () -> ()
    "tpu.region"() ({
      %run_scoped3A = tpu.sem_alloc : memref<!tpu.dma_semaphore, #tpu.memory_space<semaphore_mem>>
      %dma_start3A_148 = arith.constant 40 : i32
      %dma_start3A_149 = arith.constant 0 : i32
      %dma_start3A_150 = tpu.memref_slice %arg4[%add3A, %dma_start3A_148, %dma_start3A_149] : memref<32x80x128xi32, #tpu.memory_space<hbm>> -> memref<1x40x128xi32, #tpu.memory_space<hbm>>
      %dma_start3A_151 = tpu.memref_squeeze %dma_start3A_150 : memref<1x40x128xi32, #tpu.memory_space<hbm>> -> memref<40x128xi32, #tpu.memory_space<hbm>>
      %dma_start3A_152 = arith.constant 40 : i32
      %dma_start3A_153 = arith.constant 0 : i32
      %dma_start3A_154 = tpu.memref_slice %arg4[%add3A, %dma_start3A_152, %dma_start3A_153] : memref<32x80x128xi32, #tpu.memory_space<hbm>> -> memref<1x40x128xi32, #tpu.memory_space<hbm>>
      %dma_start3A_155 = tpu.memref_squeeze %dma_start3A_154 : memref<1x40x128xi32, #tpu.memory_space<hbm>> -> memref<40x128xi32, #tpu.memory_space<hbm>>
      tpu.enqueue_dma source(%dma_start3A_155 : memref<40x128xi32, #tpu.memory_space<hbm>>) target(%arg7 : memref<40x128xi32, #tpu.memory_space<vmem>>) target_semaphore(%run_scoped3A : memref<!tpu.dma_semaphore, #tpu.memory_space<semaphore_mem>>)
      %dma_wait3A_156 = arith.constant 40 : i32
      %dma_wait3A_157 = arith.constant 0 : i32
      %dma_wait3A_158 = tpu.memref_slice %arg4[%add3A, %dma_wait3A_156, %dma_wait3A_157] : memref<32x80x128xi32, #tpu.memory_space<hbm>> -> memref<1x40x128xi32, #tpu.memory_space<hbm>>
      %dma_wait3A_159 = tpu.memref_squeeze %dma_wait3A_158 : memref<1x40x128xi32, #tpu.memory_space<hbm>> -> memref<40x128xi32, #tpu.memory_space<hbm>>
      %dma_wait3A_160 = arith.constant 40 : i32
      %dma_wait3A_161 = arith.constant 0 : i32
      %dma_wait3A_162 = tpu.memref_slice %arg4[%add3A, %dma_wait3A_160, %dma_wait3A_161] : memref<32x80x128xi32, #tpu.memory_space<hbm>> -> memref<1x40x128xi32, #tpu.memory_space<hbm>>
      %dma_wait3A_163 = tpu.memref_squeeze %dma_wait3A_162 : memref<1x40x128xi32, #tpu.memory_space<hbm>> -> memref<40x128xi32, #tpu.memory_space<hbm>>
      tpu.wait_dma2 semaphore(%run_scoped3A : memref<!tpu.dma_semaphore, #tpu.memory_space<semaphore_mem>>) src(%dma_wait3A_163 : memref<40x128xi32, #tpu.memory_space<hbm>>) dst(%arg7 : memref<40x128xi32, #tpu.memory_space<vmem>>)
      tpu.yield
    }) : () -> ()
    %dma_start3A_110 = arith.constant 0 : i32
    %dma_start3A_111 = arith.constant 0 : i32
    %dma_start3A_112 = tpu.memref_slice %arg6[%dma_start3A_110, %dma_start3A_111] : memref<40x128xi32, #tpu.memory_space<vmem>> -> memref<1x128xi32, #tpu.memory_space<vmem>>
    %dma_start3A_113 = tpu.memref_squeeze %dma_start3A_112 : memref<1x128xi32, #tpu.memory_space<vmem>> -> memref<128xi32, #tpu.memory_space<vmem>>
    %dma_start3A_114 = arith.constant 0 : i32
    %dma_start3A_115 = arith.constant 0 : i32
    %dma_start3A_116 = tpu.memref_slice %arg2[%dma_start3A_114, %dma_start3A_115] : memref<10000x128xf32, #tpu.memory_space<hbm>> -> memref<10000x128xf32, #tpu.memory_space<hbm>>
    tpu.enqueue_indirect_dma source(%dma_start3A_116 : memref<10000x128xf32, #tpu.memory_space<hbm>>) target(%arg8 : memref<128x128xf32, #tpu.memory_space<vmem>>) offsets(%dma_start3A_113 : memref<128xi32, #tpu.memory_space<vmem>>) semaphore(%arg12 : memref<!tpu.dma_semaphore, #tpu.memory_space<semaphore_mem>>)
    %dma_start3A_117 = arith.constant 1 : i32
    %dma_start3A_118 = arith.constant 0 : i32
    %dma_start3A_119 = tpu.memref_slice %arg6[%dma_start3A_117, %dma_start3A_118] : memref<40x128xi32, #tpu.memory_space<vmem>> -> memref<1x128xi32, #tpu.memory_space<vmem>>
    %dma_start3A_120 = tpu.memref_squeeze %dma_start3A_119 : memref<1x128xi32, #tpu.memory_space<vmem>> -> memref<128xi32, #tpu.memory_space<vmem>>
    %dma_start3A_121 = arith.constant 0 : i32
    %dma_start3A_122 = arith.constant 0 : i32
    %dma_start3A_123 = tpu.memref_slice %arg2[%dma_start3A_121, %dma_start3A_122] : memref<10000x128xf32, #tpu.memory_space<hbm>> -> memref<10000x128xf32, #tpu.memory_space<hbm>>
    tpu.enqueue_indirect_dma source(%dma_start3A_123 : memref<10000x128xf32, #tpu.memory_space<hbm>>) target(%arg9 : memref<128x128xf32, #tpu.memory_space<vmem>>) offsets(%dma_start3A_120 : memref<128xi32, #tpu.memory_space<vmem>>) semaphore(%arg13 : memref<!tpu.dma_semaphore, #tpu.memory_space<semaphore_mem>>)
    %scan3A_124 = arith.constant 0 : i32
    %scan3A_125 = arith.constant 0 : i32
    %scan3A_126 = arith.constant 20 : i32
    %scan3A_127 = arith.addi %scan3A_125, %scan3A_126 : i32
    %scan3A_128 = arith.constant 1 : i32
    scf.for %scan3A_148 = %scan3A_125 to %scan3A_127 step %scan3A_128  : i32 {
      %mul3A_149 = arith.constant 2 : i32
      %mul3A_150 = arith.muli %mul3A_149, %scan3A_148 : i32
      %dma_wait3A_151 = arith.constant 0 : i32
      %dma_wait3A_152 = tpu.memref_slice %arg6[%mul3A_150, %dma_wait3A_151] : memref<40x128xi32, #tpu.memory_space<vmem>> -> memref<1x128xi32, #tpu.memory_space<vmem>>
      %dma_wait3A_153 = tpu.memref_squeeze %dma_wait3A_152 : memref<1x128xi32, #tpu.memory_space<vmem>> -> memref<128xi32, #tpu.memory_space<vmem>>
      %dma_wait3A_154 = arith.constant 0 : i32
      %dma_wait3A_155 = arith.constant 0 : i32
      %dma_wait3A_156 = tpu.memref_slice %arg2[%dma_wait3A_154, %dma_wait3A_155] : memref<10000x128xf32, #tpu.memory_space<hbm>> -> memref<10000x128xf32, #tpu.memory_space<hbm>>
      tpu.wait_indirect_dma semaphore(%arg12 : memref<!tpu.dma_semaphore, #tpu.memory_space<semaphore_mem>>) src(%dma_wait3A_156 : memref<10000x128xf32, #tpu.memory_space<hbm>>) dst(%arg8 : memref<128x128xf32, #tpu.memory_space<vmem>>)
      "tpu.region"() ({
        %run_scoped3A = tpu.sem_alloc : memref<!tpu.dma_semaphore, #tpu.memory_space<semaphore_mem>>
        %dma_start3A_176 = arith.constant 0 : i32
        %dma_start3A_177 = tpu.memref_slice %arg7[%mul3A_150, %dma_start3A_176] : memref<40x128xi32, #tpu.memory_space<vmem>> -> memref<1x128xi32, #tpu.memory_space<vmem>>
        %dma_start3A_178 = tpu.memref_squeeze %dma_start3A_177 : memref<1x128xi32, #tpu.memory_space<vmem>> -> memref<128xi32, #tpu.memory_space<vmem>>
        %dma_start3A_179 = arith.constant 0 : i32
        %dma_start3A_180 = arith.constant 0 : i32
        %dma_start3A_181 = tpu.memref_slice %arg11[%dma_start3A_179, %dma_start3A_180] : memref<10016x128xf32, #tpu.memory_space<vmem_shared>> -> memref<10016x128xf32, #tpu.memory_space<vmem_shared>>
        tpu.enqueue_indirect_dma source(%arg8 : memref<128x128xf32, #tpu.memory_space<vmem>>) target(%dma_start3A_181 : memref<10016x128xf32, #tpu.memory_space<vmem_shared>>) offsets(%dma_start3A_178 : memref<128xi32, #tpu.memory_space<vmem>>) semaphore(%run_scoped3A : memref<!tpu.dma_semaphore, #tpu.memory_space<semaphore_mem>>) {add = true}
        %dma_wait3A_182 = arith.constant 0 : i32
        %dma_wait3A_183 = tpu.memref_slice %arg7[%mul3A_150, %dma_wait3A_182] : memref<40x128xi32, #tpu.memory_space<vmem>> -> memref<1x128xi32, #tpu.memory_space<vmem>>
        %dma_wait3A_184 = tpu.memref_squeeze %dma_wait3A_183 : memref<1x128xi32, #tpu.memory_space<vmem>> -> memref<128xi32, #tpu.memory_space<vmem>>
        %dma_wait3A_185 = arith.constant 0 : i32
        %dma_wait3A_186 = arith.constant 0 : i32
        %dma_wait3A_187 = tpu.memref_slice %arg11[%dma_wait3A_185, %dma_wait3A_186] : memref<10016x128xf32, #tpu.memory_space<vmem_shared>> -> memref<10016x128xf32, #tpu.memory_space<vmem_shared>>
        tpu.wait_indirect_dma semaphore(%run_scoped3A : memref<!tpu.dma_semaphore, #tpu.memory_space<semaphore_mem>>) src(%arg8 : memref<128x128xf32, #tpu.memory_space<vmem>>) dst(%dma_wait3A_187 : memref<10016x128xf32, #tpu.memory_space<vmem_shared>>)
        tpu.yield
      }) : () -> ()
      %lt3A = arith.constant 19 : i32
      %lt3A_157 = arith.cmpi slt, %scan3A_148, %lt3A : i32
      %convert_element_type3A_158 = arith.extui %lt3A_157 : i1 to i32
      %cond3A_159 = arith.constant 0 : i32
      %cond3A_160 = arith.cmpi ne, %convert_element_type3A_158, %cond3A_159 : i32
      scf.if %cond3A_160 {
        %add3A_176 = arith.constant 2 : i32
        %add3A_177 = arith.addi %mul3A_150, %add3A_176 : i32
        %dma_start3A_178 = arith.constant 0 : i32
        %dma_start3A_179 = tpu.memref_slice %arg6[%add3A_177, %dma_start3A_178] : memref<40x128xi32, #tpu.memory_space<vmem>> -> memref<1x128xi32, #tpu.memory_space<vmem>>
        %dma_start3A_180 = tpu.memref_squeeze %dma_start3A_179 : memref<1x128xi32, #tpu.memory_space<vmem>> -> memref<128xi32, #tpu.memory_space<vmem>>
        %dma_start3A_181 = arith.constant 0 : i32
        %dma_start3A_182 = arith.constant 0 : i32
        %dma_start3A_183 = tpu.memref_slice %arg2[%dma_start3A_181, %dma_start3A_182] : memref<10000x128xf32, #tpu.memory_space<hbm>> -> memref<10000x128xf32, #tpu.memory_space<hbm>>
        tpu.enqueue_indirect_dma source(%dma_start3A_183 : memref<10000x128xf32, #tpu.memory_space<hbm>>) target(%arg8 : memref<128x128xf32, #tpu.memory_space<vmem>>) offsets(%dma_start3A_180 : memref<128xi32, #tpu.memory_space<vmem>>) semaphore(%arg12 : memref<!tpu.dma_semaphore, #tpu.memory_space<semaphore_mem>>)
      } else {
      }
      %add3A_161 = arith.constant 1 : i32
      %add3A_162 = arith.addi %mul3A_150, %add3A_161 : i32
      %dma_wait3A_163 = arith.constant 0 : i32
      %dma_wait3A_164 = tpu.memref_slice %arg6[%add3A_162, %dma_wait3A_163] : memref<40x128xi32, #tpu.memory_space<vmem>> -> memref<1x128xi32, #tpu.memory_space<vmem>>
      %dma_wait3A_165 = tpu.memref_squeeze %dma_wait3A_164 : memref<1x128xi32, #tpu.memory_space<vmem>> -> memref<128xi32, #tpu.memory_space<vmem>>
      %dma_wait3A_166 = arith.constant 0 : i32
      %dma_wait3A_167 = arith.constant 0 : i32
      %dma_wait3A_168 = tpu.memref_slice %arg2[%dma_wait3A_166, %dma_wait3A_167] : memref<10000x128xf32, #tpu.memory_space<hbm>> -> memref<10000x128xf32, #tpu.memory_space<hbm>>
      tpu.wait_indirect_dma semaphore(%arg13 : memref<!tpu.dma_semaphore, #tpu.memory_space<semaphore_mem>>) src(%dma_wait3A_168 : memref<10000x128xf32, #tpu.memory_space<hbm>>) dst(%arg9 : memref<128x128xf32, #tpu.memory_space<vmem>>)
      %add3A_169 = arith.constant 1 : i32
      %add3A_170 = arith.addi %mul3A_150, %add3A_169 : i32
      "tpu.region"() ({
        %run_scoped3A = tpu.sem_alloc : memref<!tpu.dma_semaphore, #tpu.memory_space<semaphore_mem>>
        %dma_start3A_176 = arith.constant 0 : i32
        %dma_start3A_177 = tpu.memref_slice %arg7[%add3A_170, %dma_start3A_176] : memref<40x128xi32, #tpu.memory_space<vmem>> -> memref<1x128xi32, #tpu.memory_space<vmem>>
        %dma_start3A_178 = tpu.memref_squeeze %dma_start3A_177 : memref<1x128xi32, #tpu.memory_space<vmem>> -> memref<128xi32, #tpu.memory_space<vmem>>
        %dma_start3A_179 = arith.constant 0 : i32
        %dma_start3A_180 = arith.constant 0 : i32
        %dma_start3A_181 = tpu.memref_slice %arg11[%dma_start3A_179, %dma_start3A_180] : memref<10016x128xf32, #tpu.memory_space<vmem_shared>> -> memref<10016x128xf32, #tpu.memory_space<vmem_shared>>
        tpu.enqueue_indirect_dma source(%arg9 : memref<128x128xf32, #tpu.memory_space<vmem>>) target(%dma_start3A_181 : memref<10016x128xf32, #tpu.memory_space<vmem_shared>>) offsets(%dma_start3A_178 : memref<128xi32, #tpu.memory_space<vmem>>) semaphore(%run_scoped3A : memref<!tpu.dma_semaphore, #tpu.memory_space<semaphore_mem>>) {add = true}
        %dma_wait3A_182 = arith.constant 0 : i32
        %dma_wait3A_183 = tpu.memref_slice %arg7[%add3A_170, %dma_wait3A_182] : memref<40x128xi32, #tpu.memory_space<vmem>> -> memref<1x128xi32, #tpu.memory_space<vmem>>
        %dma_wait3A_184 = tpu.memref_squeeze %dma_wait3A_183 : memref<1x128xi32, #tpu.memory_space<vmem>> -> memref<128xi32, #tpu.memory_space<vmem>>
        %dma_wait3A_185 = arith.constant 0 : i32
        %dma_wait3A_186 = arith.constant 0 : i32
        %dma_wait3A_187 = tpu.memref_slice %arg11[%dma_wait3A_185, %dma_wait3A_186] : memref<10016x128xf32, #tpu.memory_space<vmem_shared>> -> memref<10016x128xf32, #tpu.memory_space<vmem_shared>>
        tpu.wait_indirect_dma semaphore(%run_scoped3A : memref<!tpu.dma_semaphore, #tpu.memory_space<semaphore_mem>>) src(%arg9 : memref<128x128xf32, #tpu.memory_space<vmem>>) dst(%dma_wait3A_187 : memref<10016x128xf32, #tpu.memory_space<vmem_shared>>)
        tpu.yield
      }) : () -> ()
      %lt3A_171 = arith.constant 19 : i32
      %lt3A_172 = arith.cmpi slt, %scan3A_148, %lt3A_171 : i32
      %convert_element_type3A_173 = arith.extui %lt3A_172 : i1 to i32
      %cond3A_174 = arith.constant 0 : i32
      %cond3A_175 = arith.cmpi ne, %convert_element_type3A_173, %cond3A_174 : i32
      scf.if %cond3A_175 {
        %add3A_176 = arith.constant 3 : i32
        %add3A_177 = arith.addi %mul3A_150, %add3A_176 : i32
        %dma_start3A_178 = arith.constant 0 : i32
        %dma_start3A_179 = tpu.memref_slice %arg6[%add3A_177, %dma_start3A_178] : memref<40x128xi32, #tpu.memory_space<vmem>> -> memref<1x128xi32, #tpu.memory_space<vmem>>
        %dma_start3A_180 = tpu.memref_squeeze %dma_start3A_179 : memref<1x128xi32, #tpu.memory_space<vmem>> -> memref<128xi32, #tpu.memory_space<vmem>>
        %dma_start3A_181 = arith.constant 0 : i32
        %dma_start3A_182 = arith.constant 0 : i32
        %dma_start3A_183 = tpu.memref_slice %arg2[%dma_start3A_181, %dma_start3A_182] : memref<10000x128xf32, #tpu.memory_space<hbm>> -> memref<10000x128xf32, #tpu.memory_space<hbm>>
        tpu.enqueue_indirect_dma source(%dma_start3A_183 : memref<10000x128xf32, #tpu.memory_space<hbm>>) target(%arg9 : memref<128x128xf32, #tpu.memory_space<vmem>>) offsets(%dma_start3A_180 : memref<128xi32, #tpu.memory_space<vmem>>) semaphore(%arg13 : memref<!tpu.dma_semaphore, #tpu.memory_space<semaphore_mem>>)
      } else {
      }
    }
    %scan3A_129 = arith.constant 20 : i32
    %barrier3A_130 = arith.constant 0 : index
    tpu.barrier barrier_id(%barrier3A_130)
    %mul3A_131 = arith.constant 624 : i32
    %mul3A_132 = arith.muli %arg1, %mul3A_131 : i32
    %add3A_133 = arith.constant 0 : i32
    %add3A_134 = arith.addi %mul3A_132, %add3A_133 : i32
    "tpu.region"() ({
      %run_scoped3A = tpu.sem_alloc : memref<!tpu.dma_semaphore, #tpu.memory_space<semaphore_mem>>
      %dma_start3A_148 = arith.constant 0 : i32
      %dma_start3A_149 = tpu.memref_slice %arg11[%add3A_134, %dma_start3A_148] : memref<10016x128xf32, #tpu.memory_space<vmem_shared>> -> memref<48x128xf32, #tpu.memory_space<vmem_shared>>
      %dma_start3A_150 = arith.constant 0 : i32
      %dma_start3A_151 = tpu.memref_slice %arg11[%add3A_134, %dma_start3A_150] : memref<10016x128xf32, #tpu.memory_space<vmem_shared>> -> memref<48x128xf32, #tpu.memory_space<vmem_shared>>
      tpu.enqueue_dma source(%dma_start3A_151 : memref<48x128xf32, #tpu.memory_space<vmem_shared>>) target(%arg10 : memref<48x128xf32, #tpu.memory_space<vmem>>) target_semaphore(%run_scoped3A : memref<!tpu.dma_semaphore, #tpu.memory_space<semaphore_mem>>)
      %dma_wait3A_152 = arith.constant 0 : i32
      %dma_wait3A_153 = tpu.memref_slice %arg11[%add3A_134, %dma_wait3A_152] : memref<10016x128xf32, #tpu.memory_space<vmem_shared>> -> memref<48x128xf32, #tpu.memory_space<vmem_shared>>
      %dma_wait3A_154 = arith.constant 0 : i32
      %dma_wait3A_155 = tpu.memref_slice %arg11[%add3A_134, %dma_wait3A_154] : memref<10016x128xf32, #tpu.memory_space<vmem_shared>> -> memref<48x128xf32, #tpu.memory_space<vmem_shared>>
      tpu.wait_dma2 semaphore(%run_scoped3A : memref<!tpu.dma_semaphore, #tpu.memory_space<semaphore_mem>>) src(%dma_wait3A_155 : memref<48x128xf32, #tpu.memory_space<vmem_shared>>) dst(%arg10 : memref<48x128xf32, #tpu.memory_space<vmem>>)
      tpu.yield
    }) : () -> ()
    "tpu.region"() ({
      %run_scoped3A = tpu.sem_alloc : memref<!tpu.dma_semaphore, #tpu.memory_space<semaphore_mem>>
      %dma_start3A_148 = arith.constant 0 : i32
      %dma_start3A_149 = tpu.memref_slice %arg5[%arg0, %add3A_134, %dma_start3A_148] : memref<2x10000x128xf32, #tpu.memory_space<hbm>> -> memref<1x48x128xf32, #tpu.memory_space<hbm>>
      %dma_start3A_150 = tpu.memref_squeeze %dma_start3A_149 : memref<1x48x128xf32, #tpu.memory_space<hbm>> -> memref<48x128xf32, #tpu.memory_space<hbm>>
      %dma_start3A_151 = arith.constant 0 : i32
      %dma_start3A_152 = tpu.memref_slice %arg5[%arg0, %add3A_134, %dma_start3A_151] : memref<2x10000x128xf32, #tpu.memory_space<hbm>> -> memref<1x48x128xf32, #tpu.memory_space<hbm>>
      %dma_start3A_153 = tpu.memref_squeeze %dma_start3A_152 : memref<1x48x128xf32, #tpu.memory_space<hbm>> -> memref<48x128xf32, #tpu.memory_space<hbm>>
      tpu.enqueue_dma source(%arg10 : memref<48x128xf32, #tpu.memory_space<vmem>>) target(%dma_start3A_153 : memref<48x128xf32, #tpu.memory_space<hbm>>) target_semaphore(%run_scoped3A : memref<!tpu.dma_semaphore, #tpu.memory_space<semaphore_mem>>)
      %dma_wait3A_154 = arith.constant 0 : i32
      %dma_wait3A_155 = tpu.memref_slice %arg5[%arg0, %add3A_134, %dma_wait3A_154] : memref<2x10000x128xf32, #tpu.memory_space<hbm>> -> memref<1x48x128xf32, #tpu.memory_space<hbm>>
      %dma_wait3A_156 = tpu.memref_squeeze %dma_wait3A_155 : memref<1x48x128xf32, #tpu.memory_space<hbm>> -> memref<48x128xf32, #tpu.memory_space<hbm>>
      %dma_wait3A_157 = arith.constant 0 : i32
      %dma_wait3A_158 = tpu.memref_slice %arg5[%arg0, %add3A_134, %dma_wait3A_157] : memref<2x10000x128xf32, #tpu.memory_space<hbm>> -> memref<1x48x128xf32, #tpu.memory_space<hbm>>
      %dma_wait3A_159 = tpu.memref_squeeze %dma_wait3A_158 : memref<1x48x128xf32, #tpu.memory_space<hbm>> -> memref<48x128xf32, #tpu.memory_space<hbm>>
      tpu.wait_dma2 semaphore(%run_scoped3A : memref<!tpu.dma_semaphore, #tpu.memory_space<semaphore_mem>>) src(%arg10 : memref<48x128xf32, #tpu.memory_space<vmem>>) dst(%dma_wait3A_159 : memref<48x128xf32, #tpu.memory_space<hbm>>)
      tpu.yield
    }) : () -> ()
    %mul3A_135 = arith.constant 624 : i32
    %mul3A_136 = arith.muli %arg1, %mul3A_135 : i32
    %add3A_137 = arith.constant 48 : i32
    %add3A_138 = arith.addi %mul3A_136, %add3A_137 : i32
    "tpu.region"() ({
      %run_scoped3A = tpu.sem_alloc : memref<!tpu.dma_semaphore, #tpu.memory_space<semaphore_mem>>
      %dma_start3A_148 = arith.constant 0 : i32
      %dma_start3A_149 = tpu.memref_slice %arg11[%add3A_138, %dma_start3A_148] : memref<10016x128xf32, #tpu.memory_space<vmem_shared>> -> memref<48x128xf32, #tpu.memory_space<vmem_shared>>
      %dma_start3A_150 = arith.constant 0 : i32
      %dma_start3A_151 = tpu.memref_slice %arg11[%add3A_138, %dma_start3A_150] : memref<10016x128xf32, #tpu.memory_space<vmem_shared>> -> memref<48x128xf32, #tpu.memory_space<vmem_shared>>
      tpu.enqueue_dma source(%dma_start3A_151 : memref<48x128xf32, #tpu.memory_space<vmem_shared>>) target(%arg10 : memref<48x128xf32, #tpu.memory_space<vmem>>) target_semaphore(%run_scoped3A : memref<!tpu.dma_semaphore, #tpu.memory_space<semaphore_mem>>)
      %dma_wait3A_152 = arith.constant 0 : i32
      %dma_wait3A_153 = tpu.memref_slice %arg11[%add3A_138, %dma_wait3A_152] : memref<10016x128xf32, #tpu.memory_space<vmem_shared>> -> memref<48x128xf32, #tpu.memory_space<vmem_shared>>
      %dma_wait3A_154 = arith.constant 0 : i32
      %dma_wait3A_155 = tpu.memref_slice %arg11[%add3A_138, %dma_wait3A_154] : memref<10016x128xf32, #tpu.memory_space<vmem_shared>> -> memref<48x128xf32, #tpu.memory_space<vmem_shared>>
      tpu.wait_dma2 semaphore(%run_scoped3A : memref<!tpu.dma_semaphore, #tpu.memory_space<semaphore_mem>>) src(%dma_wait3A_155 : memref<48x128xf32, #tpu.memory_space<vmem_shared>>) dst(%arg10 : memref<48x128xf32, #tpu.memory_space<vmem>>)
      tpu.yield
    }) : () -> ()
    "tpu.region"() ({
      %run_scoped3A = tpu.sem_alloc : memref<!tpu.dma_semaphore, #tpu.memory_space<semaphore_mem>>
      %dma_start3A_148 = arith.constant 0 : i32
      %dma_start3A_149 = tpu.memref_slice %arg5[%arg0, %add3A_138, %dma_start3A_148] : memref<2x10000x128xf32, #tpu.memory_space<hbm>> -> memref<1x48x128xf32, #tpu.memory_space<hbm>>
      %dma_start3A_150 = tpu.memref_squeeze %dma_start3A_149 : memref<1x48x128xf32, #tpu.memory_space<hbm>> -> memref<48x128xf32, #tpu.memory_space<hbm>>
      %dma_start3A_151 = arith.constant 0 : i32
      %dma_start3A_152 = tpu.memref_slice %arg5[%arg0, %add3A_138, %dma_start3A_151] : memref<2x10000x128xf32, #tpu.memory_space<hbm>> -> memref<1x48x128xf32, #tpu.memory_space<hbm>>
      %dma_start3A_153 = tpu.memref_squeeze %dma_start3A_152 : memref<1x48x128xf32, #tpu.memory_space<hbm>> -> memref<48x128xf32, #tpu.memory_space<hbm>>
      tpu.enqueue_dma source(%arg10 : memref<48x128xf32, #tpu.memory_space<vmem>>) target(%dma_start3A_153 : memref<48x128xf32, #tpu.memory_space<hbm>>) target_semaphore(%run_scoped3A : memref<!tpu.dma_semaphore, #tpu.memory_space<semaphore_mem>>)
      %dma_wait3A_154 = arith.constant 0 : i32
      %dma_wait3A_155 = tpu.memref_slice %arg5[%arg0, %add3A_138, %dma_wait3A_154] : memref<2x10000x128xf32, #tpu.memory_space<hbm>> -> memref<1x48x128xf32, #tpu.memory_space<hbm>>
      %dma_wait3A_156 = tpu.memref_squeeze %dma_wait3A_155 : memref<1x48x128xf32, #tpu.memory_space<hbm>> -> memref<48x128xf32, #tpu.memory_space<hbm>>
      %dma_wait3A_157 = arith.constant 0 : i32
      %dma_wait3A_158 = tpu.memref_slice %arg5[%arg0, %add3A_138, %dma_wait3A_157] : memref<2x10000x128xf32, #tpu.memory_space<hbm>> -> memref<1x48x128xf32, #tpu.memory_space<hbm>>
      %dma_wait3A_159 = tpu.memref_squeeze %dma_wait3A_158 : memref<1x48x128xf32, #tpu.memory_space<hbm>> -> memref<48x128xf32, #tpu.memory_space<hbm>>
      tpu.wait_dma2 semaphore(%run_scoped3A : memref<!tpu.dma_semaphore, #tpu.memory_space<semaphore_mem>>) src(%arg10 : memref<48x128xf32, #tpu.memory_space<vmem>>) dst(%dma_wait3A_159 : memref<48x128xf32, #tpu.memory_space<hbm>>)
      tpu.yield
    }) : () -> ()
    %mul3A_139 = arith.constant 624 : i32
    %mul3A_140 = arith.muli %arg1, %mul3A_139 : i32
    %add3A_141 = arith.constant 96 : i32
    %add3A_142 = arith.addi %mul3A_140, %add3A_141 : i32
    "tpu.region"() ({
      %run_scoped3A = tpu.sem_alloc : memref<!tpu.dma_semaphore, #tpu.memory_space<semaphore_mem>>
      %dma_start3A_148 = arith.constant 0 : i32
      %dma_start3A_149 = tpu.memref_slice %arg11[%add3A_142, %dma_start3A_148] : memref<10016x128xf32, #tpu.memory_space<vmem_shared>> -> memref<48x128xf32, #tpu.memory_space<vmem_shared>>
      %dma_start3A_150 = arith.constant 0 : i32
      %dma_start3A_151 = tpu.memref_slice %arg11[%add3A_142, %dma_start3A_150] : memref<10016x128xf32, #tpu.memory_space<vmem_shared>> -> memref<48x128xf32, #tpu.memory_space<vmem_shared>>
      tpu.enqueue_dma source(%dma_start3A_151 : memref<48x128xf32, #tpu.memory_space<vmem_shared>>) target(%arg10 : memref<48x128xf32, #tpu.memory_space<vmem>>) target_semaphore(%run_scoped3A : memref<!tpu.dma_semaphore, #tpu.memory_space<semaphore_mem>>)
      %dma_wait3A_152 = arith.constant 0 : i32
      %dma_wait3A_153 = tpu.memref_slice %arg11[%add3A_142, %dma_wait3A_152] : memref<10016x128xf32, #tpu.memory_space<vmem_shared>> -> memref<48x128xf32, #tpu.memory_space<vmem_shared>>
      %dma_wait3A_154 = arith.constant 0 : i32
      %dma_wait3A_155 = tpu.memref_slice %arg11[%add3A_142, %dma_wait3A_154] : memref<10016x128xf32, #tpu.memory_space<vmem_shared>> -> memref<48x128xf32, #tpu.memory_space<vmem_shared>>
      tpu.wait_dma2 semaphore(%run_scoped3A : memref<!tpu.dma_semaphore, #tpu.memory_space<semaphore_mem>>) src(%dma_wait3A_155 : memref<48x128xf32, #tpu.memory_space<vmem_shared>>) dst(%arg10 : memref<48x128xf32, #tpu.memory_space<vmem>>)
      tpu.yield
    }) : () -> ()
    "tpu.region"() ({
      %run_scoped3A = tpu.sem_alloc : memref<!tpu.dma_semaphore, #tpu.memory_space<semaphore_mem>>
      %dma_start3A_148 = arith.constant 0 : i32
      %dma_start3A_149 = tpu.memref_slice %arg5[%arg0, %add3A_142, %dma_start3A_148] : memref<2x10000x128xf32, #tpu.memory_space<hbm>> -> memref<1x48x128xf32, #tpu.memory_space<hbm>>
      %dma_start3A_150 = tpu.memref_squeeze %dma_start3A_149 : memref<1x48x128xf32, #tpu.memory_space<hbm>> -> memref<48x128xf32, #tpu.memory_space<hbm>>
      %dma_start3A_151 = arith.constant 0 : i32
      %dma_start3A_152 = tpu.memref_slice %arg5[%arg0, %add3A_142, %dma_start3A_151] : memref<2x10000x128xf32, #tpu.memory_space<hbm>> -> memref<1x48x128xf32, #tpu.memory_space<hbm>>
      %dma_start3A_153 = tpu.memref_squeeze %dma_start3A_152 : memref<1x48x128xf32, #tpu.memory_space<hbm>> -> memref<48x128xf32, #tpu.memory_space<hbm>>
      tpu.enqueue_dma source(%arg10 : memref<48x128xf32, #tpu.memory_space<vmem>>) target(%dma_start3A_153 : memref<48x128xf32, #tpu.memory_space<hbm>>) target_semaphore(%run_scoped3A : memref<!tpu.dma_semaphore, #tpu.memory_space<semaphore_mem>>)
      %dma_wait3A_154 = arith.constant 0 : i32
      %dma_wait3A_155 = tpu.memref_slice %arg5[%arg0, %add3A_142, %dma_wait3A_154] : memref<2x10000x128xf32, #tpu.memory_space<hbm>> -> memref<1x48x128xf32, #tpu.memory_space<hbm>>
      %dma_wait3A_156 = tpu.memref_squeeze %dma_wait3A_155 : memref<1x48x128xf32, #tpu.memory_space<hbm>> -> memref<48x128xf32, #tpu.memory_space<hbm>>
      %dma_wait3A_157 = arith.constant 0 : i32
      %dma_wait3A_158 = tpu.memref_slice %arg5[%arg0, %add3A_142, %dma_wait3A_157] : memref<2x10000x128xf32, #tpu.memory_space<hbm>> -> memref<1x48x128xf32, #tpu.memory_space<hbm>>
      %dma_wait3A_159 = tpu.memref_squeeze %dma_wait3A_158 : memref<1x48x128xf32, #tpu.memory_space<hbm>> -> memref<48x128xf32, #tpu.memory_space<hbm>>
      tpu.wait_dma2 semaphore(%run_scoped3A : memref<!tpu.dma_semaphore, #tpu.memory_space<semaphore_mem>>) src(%arg10 : memref<48x128xf32, #tpu.memory_space<vmem>>) dst(%dma_wait3A_159 : memref<48x128xf32, #tpu.memory_space<hbm>>)
      tpu.yield
    }) : () -> ()
    %eq3A_143 = arith.constant 15 : i32
    %eq3A_144 = arith.cmpi eq, %arg1, %eq3A_143 : i32
    %convert_element_type3A_145 = arith.extui %eq3A_144 : i1 to i32
    %cond3A_146 = arith.constant 0 : i32
    %cond3A_147 = arith.cmpi ne, %convert_element_type3A_145, %cond3A_146 : i32
    scf.if %cond3A_147 {
      "tpu.region"() ({
        %run_scoped3A = tpu.sem_alloc : memref<!tpu.dma_semaphore, #tpu.memory_space<semaphore_mem>>
        %dma_start3A_148 = arith.constant 0 : i32
        %dma_start3A_149 = arith.constant 0 : i32
        %dma_start3A_150 = tpu.memref_slice %arg10[%dma_start3A_148, %dma_start3A_149] : memref<48x128xf32, #tpu.memory_space<vmem>> -> memref<16x128xf32, #tpu.memory_space<vmem>>
        %dma_start3A_151 = arith.constant 9984 : i32
        %dma_start3A_152 = arith.constant 0 : i32
        %dma_start3A_153 = tpu.memref_slice %arg11[%dma_start3A_151, %dma_start3A_152] : memref<10016x128xf32, #tpu.memory_space<vmem_shared>> -> memref<16x128xf32, #tpu.memory_space<vmem_shared>>
        %dma_start3A_154 = arith.constant 0 : i32
        %dma_start3A_155 = arith.constant 0 : i32
        %dma_start3A_156 = tpu.memref_slice %arg10[%dma_start3A_154, %dma_start3A_155] : memref<48x128xf32, #tpu.memory_space<vmem>> -> memref<16x128xf32, #tpu.memory_space<vmem>>
        %dma_start3A_157 = arith.constant 9984 : i32
        %dma_start3A_158 = arith.constant 0 : i32
        %dma_start3A_159 = tpu.memref_slice %arg11[%dma_start3A_157, %dma_start3A_158] : memref<10016x128xf32, #tpu.memory_space<vmem_shared>> -> memref<16x128xf32, #tpu.memory_space<vmem_shared>>
        tpu.enqueue_dma source(%dma_start3A_159 : memref<16x128xf32, #tpu.memory_space<vmem_shared>>) target(%dma_start3A_156 : memref<16x128xf32, #tpu.memory_space<vmem>>) target_semaphore(%run_scoped3A : memref<!tpu.dma_semaphore, #tpu.memory_space<semaphore_mem>>)
        %dma_wait3A_160 = arith.constant 0 : i32
        %dma_wait3A_161 = arith.constant 0 : i32
        %dma_wait3A_162 = tpu.memref_slice %arg10[%dma_wait3A_160, %dma_wait3A_161] : memref<48x128xf32, #tpu.memory_space<vmem>> -> memref<16x128xf32, #tpu.memory_space<vmem>>
        %dma_wait3A_163 = arith.constant 9984 : i32
        %dma_wait3A_164 = arith.constant 0 : i32
        %dma_wait3A_165 = tpu.memref_slice %arg11[%dma_wait3A_163, %dma_wait3A_164] : memref<10016x128xf32, #tpu.memory_space<vmem_shared>> -> memref<16x128xf32, #tpu.memory_space<vmem_shared>>
        %dma_wait3A_166 = arith.constant 0 : i32
        %dma_wait3A_167 = arith.constant 0 : i32
        %dma_wait3A_168 = tpu.memref_slice %arg10[%dma_wait3A_166, %dma_wait3A_167] : memref<48x128xf32, #tpu.memory_space<vmem>> -> memref<16x128xf32, #tpu.memory_space<vmem>>
        %dma_wait3A_169 = arith.constant 9984 : i32
        %dma_wait3A_170 = arith.constant 0 : i32
        %dma_wait3A_171 = tpu.memref_slice %arg11[%dma_wait3A_169, %dma_wait3A_170] : memref<10016x128xf32, #tpu.memory_space<vmem_shared>> -> memref<16x128xf32, #tpu.memory_space<vmem_shared>>
        tpu.wait_dma2 semaphore(%run_scoped3A : memref<!tpu.dma_semaphore, #tpu.memory_space<semaphore_mem>>) src(%dma_wait3A_171 : memref<16x128xf32, #tpu.memory_space<vmem_shared>>) dst(%dma_wait3A_168 : memref<16x128xf32, #tpu.memory_space<vmem>>)
        tpu.yield
      }) : () -> ()
      "tpu.region"() ({
        %run_scoped3A = tpu.sem_alloc : memref<!tpu.dma_semaphore, #tpu.memory_space<semaphore_mem>>
        %dma_start3A_148 = arith.constant 0 : i32
        %dma_start3A_149 = arith.constant 0 : i32
        %dma_start3A_150 = tpu.memref_slice %arg10[%dma_start3A_148, %dma_start3A_149] : memref<48x128xf32, #tpu.memory_space<vmem>> -> memref<16x128xf32, #tpu.memory_space<vmem>>
        %dma_start3A_151 = arith.constant 9984 : i32
        %dma_start3A_152 = arith.constant 0 : i32
        %dma_start3A_153 = tpu.memref_slice %arg5[%arg0, %dma_start3A_151, %dma_start3A_152] : memref<2x10000x128xf32, #tpu.memory_space<hbm>> -> memref<1x16x128xf32, #tpu.memory_space<hbm>>
        %dma_start3A_154 = tpu.memref_squeeze %dma_start3A_153 : memref<1x16x128xf32, #tpu.memory_space<hbm>> -> memref<16x128xf32, #tpu.memory_space<hbm>>
        %dma_start3A_155 = arith.constant 9984 : i32
        %dma_start3A_156 = arith.constant 0 : i32
        %dma_start3A_157 = tpu.memref_slice %arg5[%arg0, %dma_start3A_155, %dma_start3A_156] : memref<2x10000x128xf32, #tpu.memory_space<hbm>> -> memref<1x16x128xf32, #tpu.memory_space<hbm>>
        %dma_start3A_158 = tpu.memref_squeeze %dma_start3A_157 : memref<1x16x128xf32, #tpu.memory_space<hbm>> -> memref<16x128xf32, #tpu.memory_space<hbm>>
        %dma_start3A_159 = arith.constant 0 : i32
        %dma_start3A_160 = arith.constant 0 : i32
        %dma_start3A_161 = tpu.memref_slice %arg10[%dma_start3A_159, %dma_start3A_160] : memref<48x128xf32, #tpu.memory_space<vmem>> -> memref<16x128xf32, #tpu.memory_space<vmem>>
        tpu.enqueue_dma source(%dma_start3A_161 : memref<16x128xf32, #tpu.memory_space<vmem>>) target(%dma_start3A_158 : memref<16x128xf32, #tpu.memory_space<hbm>>) target_semaphore(%run_scoped3A : memref<!tpu.dma_semaphore, #tpu.memory_space<semaphore_mem>>)
        %dma_wait3A_162 = arith.constant 0 : i32
        %dma_wait3A_163 = arith.constant 0 : i32
        %dma_wait3A_164 = tpu.memref_slice %arg10[%dma_wait3A_162, %dma_wait3A_163] : memref<48x128xf32, #tpu.memory_space<vmem>> -> memref<16x128xf32, #tpu.memory_space<vmem>>
        %dma_wait3A_165 = arith.constant 9984 : i32
        %dma_wait3A_166 = arith.constant 0 : i32
        %dma_wait3A_167 = tpu.memref_slice %arg5[%arg0, %dma_wait3A_165, %dma_wait3A_166] : memref<2x10000x128xf32, #tpu.memory_space<hbm>> -> memref<1x16x128xf32, #tpu.memory_space<hbm>>
        %dma_wait3A_168 = tpu.memref_squeeze %dma_wait3A_167 : memref<1x16x128xf32, #tpu.memory_space<hbm>> -> memref<16x128xf32, #tpu.memory_space<hbm>>
        %dma_wait3A_169 = arith.constant 9984 : i32
        %dma_wait3A_170 = arith.constant 0 : i32
        %dma_wait3A_171 = tpu.memref_slice %arg5[%arg0, %dma_wait3A_169, %dma_wait3A_170] : memref<2x10000x128xf32, #tpu.memory_space<hbm>> -> memref<1x16x128xf32, #tpu.memory_space<hbm>>
        %dma_wait3A_172 = tpu.memref_squeeze %dma_wait3A_171 : memref<1x16x128xf32, #tpu.memory_space<hbm>> -> memref<16x128xf32, #tpu.memory_space<hbm>>
        %dma_wait3A_173 = arith.constant 0 : i32
        %dma_wait3A_174 = arith.constant 0 : i32
        %dma_wait3A_175 = tpu.memref_slice %arg10[%dma_wait3A_173, %dma_wait3A_174] : memref<48x128xf32, #tpu.memory_space<vmem>> -> memref<16x128xf32, #tpu.memory_space<vmem>>
        tpu.wait_dma2 semaphore(%run_scoped3A : memref<!tpu.dma_semaphore, #tpu.memory_space<semaphore_mem>>) src(%dma_wait3A_175 : memref<16x128xf32, #tpu.memory_space<vmem>>) dst(%dma_wait3A_172 : memref<16x128xf32, #tpu.memory_space<hbm>>)
        tpu.yield
      }) : () -> ()
    } else {
    }
    return
  }
}

#map = affine_map<(d0, d1) -> (0, 0)>
#map1 = affine_map<(d0, d1) -> (0, 0, 0)>
module attributes {stable_mosaic.version = 14 : i64} {
  func.func @agg(%arg0: i32, %arg1: i32, %arg2: memref<10000x128xf32, #tpu.memory_space<hbm>>, %arg3: memref<32x80x128xi32, #tpu.memory_space<hbm>>, %arg4: memref<32x80x128xi32, #tpu.memory_space<hbm>>, %arg5: memref<2x10000x128xf32, #tpu.memory_space<hbm>>, %arg6: memref<40x128xi32, #tpu.memory_space<vmem>>, %arg7: memref<40x128xi32, #tpu.memory_space<vmem>>, %arg8: memref<128x128xf32, #tpu.memory_space<vmem>>, %arg9: memref<128x128xf32, #tpu.memory_space<vmem>>, %arg10: memref<48x128xf32, #tpu.memory_space<vmem>>, %arg11: memref<10016x128xf32, #tpu.memory_space<vmem_shared>>, %arg12: memref<!tpu.dma_semaphore, #tpu.memory_space<semaphore_mem>>, %arg13: memref<!tpu.dma_semaphore, #tpu.memory_space<semaphore_mem>>, %arg14: memref<!tpu.dma_semaphore, #tpu.memory_space<semaphore_mem>>) attributes {dimension_semantics = [#tpu.dimension_semantics<core_parallel>, #tpu.dimension_semantics<subcore_parallel>], iteration_bounds = array<i64: 2, 16>, scalar_prefetch = 0 : i64, scratch_operands = 9 : i64, tpu.core_type = #tpu.core_type<sc_vector_subcore>, window_params = [{transform_indices = #map}, {transform_indices = #map1}, {transform_indices = #map1}, {transform_indices = #map1}]} {
    %mul3A = arith.constant 2 : i32
    %mul3A_0 = arith.muli %arg1, %mul3A : i32
    %add3A = arith.addi %mul3A_0, %arg0 : i32
    %dma_start3A = arith.constant 0 : i32
    %dma_start3A_1 = arith.constant 0 : i32
    %dma_start3A_2 = tpu.memref_slice %arg3[%add3A, %dma_start3A, %dma_start3A_1] : memref<32x80x128xi32, #tpu.memory_space<hbm>> -> memref<1x40x128xi32, #tpu.memory_space<hbm>>
    %dma_start3A_3 = tpu.memref_squeeze %dma_start3A_2 : memref<1x40x128xi32, #tpu.memory_space<hbm>> -> memref<40x128xi32, #tpu.memory_space<hbm>>
    %dma_start3A_4 = arith.constant 0 : i32
    %dma_start3A_5 = arith.constant 0 : i32
    %dma_start3A_6 = tpu.memref_slice %arg3[%add3A, %dma_start3A_4, %dma_start3A_5] : memref<32x80x128xi32, #tpu.memory_space<hbm>> -> memref<1x40x128xi32, #tpu.memory_space<hbm>>
    %dma_start3A_7 = tpu.memref_squeeze %dma_start3A_6 : memref<1x40x128xi32, #tpu.memory_space<hbm>> -> memref<40x128xi32, #tpu.memory_space<hbm>>
    tpu.enqueue_dma source(%dma_start3A_7 : memref<40x128xi32, #tpu.memory_space<hbm>>) target(%arg6 : memref<40x128xi32, #tpu.memory_space<vmem>>) target_semaphore(%arg14 : memref<!tpu.dma_semaphore, #tpu.memory_space<semaphore_mem>>)
    %dma_start3A_8 = arith.constant 0 : i32
    %dma_start3A_9 = arith.constant 0 : i32
    %dma_start3A_10 = tpu.memref_slice %arg4[%add3A, %dma_start3A_8, %dma_start3A_9] : memref<32x80x128xi32, #tpu.memory_space<hbm>> -> memref<1x40x128xi32, #tpu.memory_space<hbm>>
    %dma_start3A_11 = tpu.memref_squeeze %dma_start3A_10 : memref<1x40x128xi32, #tpu.memory_space<hbm>> -> memref<40x128xi32, #tpu.memory_space<hbm>>
    %dma_start3A_12 = arith.constant 0 : i32
    %dma_start3A_13 = arith.constant 0 : i32
    %dma_start3A_14 = tpu.memref_slice %arg4[%add3A, %dma_start3A_12, %dma_start3A_13] : memref<32x80x128xi32, #tpu.memory_space<hbm>> -> memref<1x40x128xi32, #tpu.memory_space<hbm>>
    %dma_start3A_15 = tpu.memref_squeeze %dma_start3A_14 : memref<1x40x128xi32, #tpu.memory_space<hbm>> -> memref<40x128xi32, #tpu.memory_space<hbm>>
    tpu.enqueue_dma source(%dma_start3A_15 : memref<40x128xi32, #tpu.memory_space<hbm>>) target(%arg7 : memref<40x128xi32, #tpu.memory_space<vmem>>) target_semaphore(%arg14 : memref<!tpu.dma_semaphore, #tpu.memory_space<semaphore_mem>>)
    %scan3A = arith.constant 0 : i32
    %scan3A_16 = arith.constant 0 : i32
    %scan3A_17 = arith.constant 48 : i32
    %scan3A_18 = arith.addi %scan3A_16, %scan3A_17 : i32
    %scan3A_19 = arith.constant 1 : i32
    scf.for %scan3A_148 = %scan3A_16 to %scan3A_18 step %scan3A_19  : i32 {
      %broadcast_in_dim3A = arith.constant 0.000000e+00 : f32
      %broadcast_in_dim3A_149 = vector.broadcast %broadcast_in_dim3A : f32 to vector<16xf32>
      %swap3A = arith.index_cast %scan3A_148 : i32 to index
      %swap3A_150 = arith.constant 0 : index
      %swap3A_151 = tpu.vector_load %arg10[%swap3A, %swap3A_150] {strides = array<i32>} : memref<48x128xf32, #tpu.memory_space<vmem>>, vector<1x16xf32>,
      %swap3A_152 = vector.shape_cast %swap3A_151 : vector<1x16xf32> to vector<16xf32>
      %swap3A_153 = vector.shape_cast %broadcast_in_dim3A_149 : vector<16xf32> to vector<1x16xf32>
      tpu.vector_store %arg10[%swap3A, %swap3A_150], %swap3A_153 {strides = array<i32>} : memref<48x128xf32, #tpu.memory_space<vmem>>, vector<1x16xf32>,
      %broadcast_in_dim3A_154 = arith.constant 0.000000e+00 : f32
      %broadcast_in_dim3A_155 = vector.broadcast %broadcast_in_dim3A_154 : f32 to vector<16xf32>
      %swap3A_156 = arith.index_cast %scan3A_148 : i32 to index
      %swap3A_157 = arith.constant 16 : index
      %swap3A_158 = tpu.vector_load %arg10[%swap3A_156, %swap3A_157] {strides = array<i32>} : memref<48x128xf32, #tpu.memory_space<vmem>>, vector<1x16xf32>,
      %swap3A_159 = vector.shape_cast %swap3A_158 : vector<1x16xf32> to vector<16xf32>
      %swap3A_160 = vector.shape_cast %broadcast_in_dim3A_155 : vector<16xf32> to vector<1x16xf32>
      tpu.vector_store %arg10[%swap3A_156, %swap3A_157], %swap3A_160 {strides = array<i32>} : memref<48x128xf32, #tpu.memory_space<vmem>>, vector<1x16xf32>,
      %broadcast_in_dim3A_161 = arith.constant 0.000000e+00 : f32
      %broadcast_in_dim3A_162 = vector.broadcast %broadcast_in_dim3A_161 : f32 to vector<16xf32>
      %swap3A_163 = arith.index_cast %scan3A_148 : i32 to index
      %swap3A_164 = arith.constant 32 : index
      %swap3A_165 = tpu.vector_load %arg10[%swap3A_163, %swap3A_164] {strides = array<i32>} : memref<48x128xf32, #tpu.memory_space<vmem>>, vector<1x16xf32>,
      %swap3A_166 = vector.shape_cast %swap3A_165 : vector<1x16xf32> to vector<16xf32>
      %swap3A_167 = vector.shape_cast %broadcast_in_dim3A_162 : vector<16xf32> to vector<1x16xf32>
      tpu.vector_store %arg10[%swap3A_163, %swap3A_164], %swap3A_167 {strides = array<i32>} : memref<48x128xf32, #tpu.memory_space<vmem>>, vector<1x16xf32>,
      %broadcast_in_dim3A_168 = arith.constant 0.000000e+00 : f32
      %broadcast_in_dim3A_169 = vector.broadcast %broadcast_in_dim3A_168 : f32 to vector<16xf32>
      %swap3A_170 = arith.index_cast %scan3A_148 : i32 to index
      %swap3A_171 = arith.constant 48 : index
      %swap3A_172 = tpu.vector_load %arg10[%swap3A_170, %swap3A_171] {strides = array<i32>} : memref<48x128xf32, #tpu.memory_space<vmem>>, vector<1x16xf32>,
      %swap3A_173 = vector.shape_cast %swap3A_172 : vector<1x16xf32> to vector<16xf32>
      %swap3A_174 = vector.shape_cast %broadcast_in_dim3A_169 : vector<16xf32> to vector<1x16xf32>
      tpu.vector_store %arg10[%swap3A_170, %swap3A_171], %swap3A_174 {strides = array<i32>} : memref<48x128xf32, #tpu.memory_space<vmem>>, vector<1x16xf32>,
      %broadcast_in_dim3A_175 = arith.constant 0.000000e+00 : f32
      %broadcast_in_dim3A_176 = vector.broadcast %broadcast_in_dim3A_175 : f32 to vector<16xf32>
      %swap3A_177 = arith.index_cast %scan3A_148 : i32 to index
      %swap3A_178 = arith.constant 64 : index
      %swap3A_179 = tpu.vector_load %arg10[%swap3A_177, %swap3A_178] {strides = array<i32>} : memref<48x128xf32, #tpu.memory_space<vmem>>, vector<1x16xf32>,
      %swap3A_180 = vector.shape_cast %swap3A_179 : vector<1x16xf32> to vector<16xf32>
      %swap3A_181 = vector.shape_cast %broadcast_in_dim3A_176 : vector<16xf32> to vector<1x16xf32>
      tpu.vector_store %arg10[%swap3A_177, %swap3A_178], %swap3A_181 {strides = array<i32>} : memref<48x128xf32, #tpu.memory_space<vmem>>, vector<1x16xf32>,
      %broadcast_in_dim3A_182 = arith.constant 0.000000e+00 : f32
      %broadcast_in_dim3A_183 = vector.broadcast %broadcast_in_dim3A_182 : f32 to vector<16xf32>
      %swap3A_184 = arith.index_cast %scan3A_148 : i32 to index
      %swap3A_185 = arith.constant 80 : index
      %swap3A_186 = tpu.vector_load %arg10[%swap3A_184, %swap3A_185] {strides = array<i32>} : memref<48x128xf32, #tpu.memory_space<vmem>>, vector<1x16xf32>,
      %swap3A_187 = vector.shape_cast %swap3A_186 : vector<1x16xf32> to vector<16xf32>
      %swap3A_188 = vector.shape_cast %broadcast_in_dim3A_183 : vector<16xf32> to vector<1x16xf32>
      tpu.vector_store %arg10[%swap3A_184, %swap3A_185], %swap3A_188 {strides = array<i32>} : memref<48x128xf32, #tpu.memory_space<vmem>>, vector<1x16xf32>,
      %broadcast_in_dim3A_189 = arith.constant 0.000000e+00 : f32
      %broadcast_in_dim3A_190 = vector.broadcast %broadcast_in_dim3A_189 : f32 to vector<16xf32>
      %swap3A_191 = arith.index_cast %scan3A_148 : i32 to index
      %swap3A_192 = arith.constant 96 : index
      %swap3A_193 = tpu.vector_load %arg10[%swap3A_191, %swap3A_192] {strides = array<i32>} : memref<48x128xf32, #tpu.memory_space<vmem>>, vector<1x16xf32>,
      %swap3A_194 = vector.shape_cast %swap3A_193 : vector<1x16xf32> to vector<16xf32>
      %swap3A_195 = vector.shape_cast %broadcast_in_dim3A_190 : vector<16xf32> to vector<1x16xf32>
      tpu.vector_store %arg10[%swap3A_191, %swap3A_192], %swap3A_195 {strides = array<i32>} : memref<48x128xf32, #tpu.memory_space<vmem>>, vector<1x16xf32>,
      %broadcast_in_dim3A_196 = arith.constant 0.000000e+00 : f32
      %broadcast_in_dim3A_197 = vector.broadcast %broadcast_in_dim3A_196 : f32 to vector<16xf32>
      %swap3A_198 = arith.index_cast %scan3A_148 : i32 to index
      %swap3A_199 = arith.constant 112 : index
      %swap3A_200 = tpu.vector_load %arg10[%swap3A_198, %swap3A_199] {strides = array<i32>} : memref<48x128xf32, #tpu.memory_space<vmem>>, vector<1x16xf32>,
      %swap3A_201 = vector.shape_cast %swap3A_200 : vector<1x16xf32> to vector<16xf32>
      %swap3A_202 = vector.shape_cast %broadcast_in_dim3A_197 : vector<16xf32> to vector<1x16xf32>
      tpu.vector_store %arg10[%swap3A_198, %swap3A_199], %swap3A_202 {strides = array<i32>} : memref<48x128xf32, #tpu.memory_space<vmem>>, vector<1x16xf32>,
    }
    %scan3A_20 = arith.constant 48 : i32
    %mul3A_21 = arith.constant 624 : i32
    %mul3A_22 = arith.muli %arg1, %mul3A_21 : i32
    %add3A_23 = arith.constant 0 : i32
    %add3A_24 = arith.addi %mul3A_22, %add3A_23 : i32
    "tpu.region"() ({
      %run_scoped3A = tpu.sem_alloc : memref<!tpu.dma_semaphore, #tpu.memory_space<semaphore_mem>>
      %dma_start3A_148 = arith.constant 0 : i32
      %dma_start3A_149 = tpu.memref_slice %arg11[%add3A_24, %dma_start3A_148] : memref<10016x128xf32, #tpu.memory_space<vmem_shared>> -> memref<48x128xf32, #tpu.memory_space<vmem_shared>>
      %dma_start3A_150 = arith.constant 0 : i32
      %dma_start3A_151 = tpu.memref_slice %arg11[%add3A_24, %dma_start3A_150] : memref<10016x128xf32, #tpu.memory_space<vmem_shared>> -> memref<48x128xf32, #tpu.memory_space<vmem_shared>>
      tpu.enqueue_dma source(%arg10 : memref<48x128xf32, #tpu.memory_space<vmem>>) target(%dma_start3A_151 : memref<48x128xf32, #tpu.memory_space<vmem_shared>>) target_semaphore(%run_scoped3A : memref<!tpu.dma_semaphore, #tpu.memory_space<semaphore_mem>>)
      %dma_wait3A_152 = arith.constant 0 : i32
      %dma_wait3A_153 = tpu.memref_slice %arg11[%add3A_24, %dma_wait3A_152] : memref<10016x128xf32, #tpu.memory_space<vmem_shared>> -> memref<48x128xf32, #tpu.memory_space<vmem_shared>>
      %dma_wait3A_154 = arith.constant 0 : i32
      %dma_wait3A_155 = tpu.memref_slice %arg11[%add3A_24, %dma_wait3A_154] : memref<10016x128xf32, #tpu.memory_space<vmem_shared>> -> memref<48x128xf32, #tpu.memory_space<vmem_shared>>
      tpu.wait_dma2 semaphore(%run_scoped3A : memref<!tpu.dma_semaphore, #tpu.memory_space<semaphore_mem>>) src(%arg10 : memref<48x128xf32, #tpu.memory_space<vmem>>) dst(%dma_wait3A_155 : memref<48x128xf32, #tpu.memory_space<vmem_shared>>)
      tpu.yield
    }) : () -> ()
    %mul3A_25 = arith.constant 624 : i32
    %mul3A_26 = arith.muli %arg1, %mul3A_25 : i32
    %add3A_27 = arith.constant 48 : i32
    %add3A_28 = arith.addi %mul3A_26, %add3A_27 : i32
    "tpu.region"() ({
      %run_scoped3A = tpu.sem_alloc : memref<!tpu.dma_semaphore, #tpu.memory_space<semaphore_mem>>
      %dma_start3A_148 = arith.constant 0 : i32
      %dma_start3A_149 = tpu.memref_slice %arg11[%add3A_28, %dma_start3A_148] : memref<10016x128xf32, #tpu.memory_space<vmem_shared>> -> memref<48x128xf32, #tpu.memory_space<vmem_shared>>
      %dma_start3A_150 = arith.constant 0 : i32
      %dma_start3A_151 = tpu.memref_slice %arg11[%add3A_28, %dma_start3A_150] : memref<10016x128xf32, #tpu.memory_space<vmem_shared>> -> memref<48x128xf32, #tpu.memory_space<vmem_shared>>
      tpu.enqueue_dma source(%arg10 : memref<48x128xf32, #tpu.memory_space<vmem>>) target(%dma_start3A_151 : memref<48x128xf32, #tpu.memory_space<vmem_shared>>) target_semaphore(%run_scoped3A : memref<!tpu.dma_semaphore, #tpu.memory_space<semaphore_mem>>)
      %dma_wait3A_152 = arith.constant 0 : i32
      %dma_wait3A_153 = tpu.memref_slice %arg11[%add3A_28, %dma_wait3A_152] : memref<10016x128xf32, #tpu.memory_space<vmem_shared>> -> memref<48x128xf32, #tpu.memory_space<vmem_shared>>
      %dma_wait3A_154 = arith.constant 0 : i32
      %dma_wait3A_155 = tpu.memref_slice %arg11[%add3A_28, %dma_wait3A_154] : memref<10016x128xf32, #tpu.memory_space<vmem_shared>> -> memref<48x128xf32, #tpu.memory_space<vmem_shared>>
      tpu.wait_dma2 semaphore(%run_scoped3A : memref<!tpu.dma_semaphore, #tpu.memory_space<semaphore_mem>>) src(%arg10 : memref<48x128xf32, #tpu.memory_space<vmem>>) dst(%dma_wait3A_155 : memref<48x128xf32, #tpu.memory_space<vmem_shared>>)
      tpu.yield
    }) : () -> ()
    %mul3A_29 = arith.constant 624 : i32
    %mul3A_30 = arith.muli %arg1, %mul3A_29 : i32
    %add3A_31 = arith.constant 96 : i32
    %add3A_32 = arith.addi %mul3A_30, %add3A_31 : i32
    "tpu.region"() ({
      %run_scoped3A = tpu.sem_alloc : memref<!tpu.dma_semaphore, #tpu.memory_space<semaphore_mem>>
      %dma_start3A_148 = arith.constant 0 : i32
      %dma_start3A_149 = tpu.memref_slice %arg11[%add3A_32, %dma_start3A_148] : memref<10016x128xf32, #tpu.memory_space<vmem_shared>> -> memref<48x128xf32, #tpu.memory_space<vmem_shared>>
      %dma_start3A_150 = arith.constant 0 : i32
      %dma_start3A_151 = tpu.memref_slice %arg11[%add3A_32, %dma_start3A_150] : memref<10016x128xf32, #tpu.memory_space<vmem_shared>> -> memref<48x128xf32, #tpu.memory_space<vmem_shared>>
      tpu.enqueue_dma source(%arg10 : memref<48x128xf32, #tpu.memory_space<vmem>>) target(%dma_start3A_151 : memref<48x128xf32, #tpu.memory_space<vmem_shared>>) target_semaphore(%run_scoped3A : memref<!tpu.dma_semaphore, #tpu.memory_space<semaphore_mem>>)
      %dma_wait3A_152 = arith.constant 0 : i32
      %dma_wait3A_153 = tpu.memref_slice %arg11[%add3A_32, %dma_wait3A_152] : memref<10016x128xf32, #tpu.memory_space<vmem_shared>> -> memref<48x128xf32, #tpu.memory_space<vmem_shared>>
      %dma_wait3A_154 = arith.constant 0 : i32
      %dma_wait3A_155 = tpu.memref_slice %arg11[%add3A_32, %dma_wait3A_154] : memref<10016x128xf32, #tpu.memory_space<vmem_shared>> -> memref<48x128xf32, #tpu.memory_space<vmem_shared>>
      tpu.wait_dma2 semaphore(%run_scoped3A : memref<!tpu.dma_semaphore, #tpu.memory_space<semaphore_mem>>) src(%arg10 : memref<48x128xf32, #tpu.memory_space<vmem>>) dst(%dma_wait3A_155 : memref<48x128xf32, #tpu.memory_space<vmem_shared>>)
      tpu.yield
    }) : () -> ()
    %mul3A_33 = arith.constant 624 : i32
    %mul3A_34 = arith.muli %arg1, %mul3A_33 : i32
    %add3A_35 = arith.constant 144 : i32
    %add3A_36 = arith.addi %mul3A_34, %add3A_35 : i32
    "tpu.region"() ({
      %run_scoped3A = tpu.sem_alloc : memref<!tpu.dma_semaphore, #tpu.memory_space<semaphore_mem>>
      %dma_start3A_148 = arith.constant 0 : i32
      %dma_start3A_149 = tpu.memref_slice %arg11[%add3A_36, %dma_start3A_148] : memref<10016x128xf32, #tpu.memory_space<vmem_shared>> -> memref<48x128xf32, #tpu.memory_space<vmem_shared>>
      %dma_start3A_150 = arith.constant 0 : i32
      %dma_start3A_151 = tpu.memref_slice %arg11[%add3A_36, %dma_start3A_150] : memref<10016x128xf32, #tpu.memory_space<vmem_shared>> -> memref<48x128xf32, #tpu.memory_space<vmem_shared>>
      tpu.enqueue_dma source(%arg10 : memref<48x128xf32, #tpu.memory_space<vmem>>) target(%dma_start3A_151 : memref<48x128xf32, #tpu.memory_space<vmem_shared>>) target_semaphore(%run_scoped3A : memref<!tpu.dma_semaphore, #tpu.memory_space<semaphore_mem>>)
      %dma_wait3A_152 = arith.constant 0 : i32
      %dma_wait3A_153 = tpu.memref_slice %arg11[%add3A_36, %dma_wait3A_152] : memref<10016x128xf32, #tpu.memory_space<vmem_shared>> -> memref<48x128xf32, #tpu.memory_space<vmem_shared>>
      %dma_wait3A_154 = arith.constant 0 : i32
      %dma_wait3A_155 = tpu.memref_slice %arg11[%add3A_36, %dma_wait3A_154] : memref<10016x128xf32, #tpu.memory_space<vmem_shared>> -> memref<48x128xf32, #tpu.memory_space<vmem_shared>>
      tpu.wait_dma2 semaphore(%run_scoped3A : memref<!tpu.dma_semaphore, #tpu.memory_space<semaphore_mem>>) src(%arg10 : memref<48x128xf32, #tpu.memory_space<vmem>>) dst(%dma_wait3A_155 : memref<48x128xf32, #tpu.memory_space<vmem_shared>>)
      tpu.yield
    }) : () -> ()
    %mul3A_37 = arith.constant 624 : i32
    %mul3A_38 = arith.muli %arg1, %mul3A_37 : i32
    %add3A_39 = arith.constant 192 : i32
    %add3A_40 = arith.addi %mul3A_38, %add3A_39 : i32
    "tpu.region"() ({
      %run_scoped3A = tpu.sem_alloc : memref<!tpu.dma_semaphore, #tpu.memory_space<semaphore_mem>>
      %dma_start3A_148 = arith.constant 0 : i32
      %dma_start3A_149 = tpu.memref_slice %arg11[%add3A_40, %dma_start3A_148] : memref<10016x128xf32, #tpu.memory_space<vmem_shared>> -> memref<48x128xf32, #tpu.memory_space<vmem_shared>>
      %dma_start3A_150 = arith.constant 0 : i32
      %dma_start3A_151 = tpu.memref_slice %arg11[%add3A_40, %dma_start3A_150] : memref<10016x128xf32, #tpu.memory_space<vmem_shared>> -> memref<48x128xf32, #tpu.memory_space<vmem_shared>>
      tpu.enqueue_dma source(%arg10 : memref<48x128xf32, #tpu.memory_space<vmem>>) target(%dma_start3A_151 : memref<48x128xf32, #tpu.memory_space<vmem_shared>>) target_semaphore(%run_scoped3A : memref<!tpu.dma_semaphore, #tpu.memory_space<semaphore_mem>>)
      %dma_wait3A_152 = arith.constant 0 : i32
      %dma_wait3A_153 = tpu.memref_slice %arg11[%add3A_40, %dma_wait3A_152] : memref<10016x128xf32, #tpu.memory_space<vmem_shared>> -> memref<48x128xf32, #tpu.memory_space<vmem_shared>>
      %dma_wait3A_154 = arith.constant 0 : i32
      %dma_wait3A_155 = tpu.memref_slice %arg11[%add3A_40, %dma_wait3A_154] : memref<10016x128xf32, #tpu.memory_space<vmem_shared>> -> memref<48x128xf32, #tpu.memory_space<vmem_shared>>
      tpu.wait_dma2 semaphore(%run_scoped3A : memref<!tpu.dma_semaphore, #tpu.memory_space<semaphore_mem>>) src(%arg10 : memref<48x128xf32, #tpu.memory_space<vmem>>) dst(%dma_wait3A_155 : memref<48x128xf32, #tpu.memory_space<vmem_shared>>)
      tpu.yield
    }) : () -> ()
    %mul3A_41 = arith.constant 624 : i32
    %mul3A_42 = arith.muli %arg1, %mul3A_41 : i32
    %add3A_43 = arith.constant 240 : i32
    %add3A_44 = arith.addi %mul3A_42, %add3A_43 : i32
    "tpu.region"() ({
      %run_scoped3A = tpu.sem_alloc : memref<!tpu.dma_semaphore, #tpu.memory_space<semaphore_mem>>
      %dma_start3A_148 = arith.constant 0 : i32
      %dma_start3A_149 = tpu.memref_slice %arg11[%add3A_44, %dma_start3A_148] : memref<10016x128xf32, #tpu.memory_space<vmem_shared>> -> memref<48x128xf32, #tpu.memory_space<vmem_shared>>
      %dma_start3A_150 = arith.constant 0 : i32
      %dma_start3A_151 = tpu.memref_slice %arg11[%add3A_44, %dma_start3A_150] : memref<10016x128xf32, #tpu.memory_space<vmem_shared>> -> memref<48x128xf32, #tpu.memory_space<vmem_shared>>
      tpu.enqueue_dma source(%arg10 : memref<48x128xf32, #tpu.memory_space<vmem>>) target(%dma_start3A_151 : memref<48x128xf32, #tpu.memory_space<vmem_shared>>) target_semaphore(%run_scoped3A : memref<!tpu.dma_semaphore, #tpu.memory_space<semaphore_mem>>)
      %dma_wait3A_152 = arith.constant 0 : i32
      %dma_wait3A_153 = tpu.memref_slice %arg11[%add3A_44, %dma_wait3A_152] : memref<10016x128xf32, #tpu.memory_space<vmem_shared>> -> memref<48x128xf32, #tpu.memory_space<vmem_shared>>
      %dma_wait3A_154 = arith.constant 0 : i32
      %dma_wait3A_155 = tpu.memref_slice %arg11[%add3A_44, %dma_wait3A_154] : memref<10016x128xf32, #tpu.memory_space<vmem_shared>> -> memref<48x128xf32, #tpu.memory_space<vmem_shared>>
      tpu.wait_dma2 semaphore(%run_scoped3A : memref<!tpu.dma_semaphore, #tpu.memory_space<semaphore_mem>>) src(%arg10 : memref<48x128xf32, #tpu.memory_space<vmem>>) dst(%dma_wait3A_155 : memref<48x128xf32, #tpu.memory_space<vmem_shared>>)
      tpu.yield
    }) : () -> ()
    %mul3A_45 = arith.constant 624 : i32
    %mul3A_46 = arith.muli %arg1, %mul3A_45 : i32
    %add3A_47 = arith.constant 288 : i32
    %add3A_48 = arith.addi %mul3A_46, %add3A_47 : i32
    "tpu.region"() ({
      %run_scoped3A = tpu.sem_alloc : memref<!tpu.dma_semaphore, #tpu.memory_space<semaphore_mem>>
      %dma_start3A_148 = arith.constant 0 : i32
      %dma_start3A_149 = tpu.memref_slice %arg11[%add3A_48, %dma_start3A_148] : memref<10016x128xf32, #tpu.memory_space<vmem_shared>> -> memref<48x128xf32, #tpu.memory_space<vmem_shared>>
      %dma_start3A_150 = arith.constant 0 : i32
      %dma_start3A_151 = tpu.memref_slice %arg11[%add3A_48, %dma_start3A_150] : memref<10016x128xf32, #tpu.memory_space<vmem_shared>> -> memref<48x128xf32, #tpu.memory_space<vmem_shared>>
      tpu.enqueue_dma source(%arg10 : memref<48x128xf32, #tpu.memory_space<vmem>>) target(%dma_start3A_151 : memref<48x128xf32, #tpu.memory_space<vmem_shared>>) target_semaphore(%run_scoped3A : memref<!tpu.dma_semaphore, #tpu.memory_space<semaphore_mem>>)
      %dma_wait3A_152 = arith.constant 0 : i32
      %dma_wait3A_153 = tpu.memref_slice %arg11[%add3A_48, %dma_wait3A_152] : memref<10016x128xf32, #tpu.memory_space<vmem_shared>> -> memref<48x128xf32, #tpu.memory_space<vmem_shared>>
      %dma_wait3A_154 = arith.constant 0 : i32
      %dma_wait3A_155 = tpu.memref_slice %arg11[%add3A_48, %dma_wait3A_154] : memref<10016x128xf32, #tpu.memory_space<vmem_shared>> -> memref<48x128xf32, #tpu.memory_space<vmem_shared>>
      tpu.wait_dma2 semaphore(%run_scoped3A : memref<!tpu.dma_semaphore, #tpu.memory_space<semaphore_mem>>) src(%arg10 : memref<48x128xf32, #tpu.memory_space<vmem>>) dst(%dma_wait3A_155 : memref<48x128xf32, #tpu.memory_space<vmem_shared>>)
      tpu.yield
    }) : () -> ()
    %mul3A_49 = arith.constant 624 : i32
    %mul3A_50 = arith.muli %arg1, %mul3A_49 : i32
    %add3A_51 = arith.constant 336 : i32
    %add3A_52 = arith.addi %mul3A_50, %add3A_51 : i32
    "tpu.region"() ({
      %run_scoped3A = tpu.sem_alloc : memref<!tpu.dma_semaphore, #tpu.memory_space<semaphore_mem>>
      %dma_start3A_148 = arith.constant 0 : i32
      %dma_start3A_149 = tpu.memref_slice %arg11[%add3A_52, %dma_start3A_148] : memref<10016x128xf32, #tpu.memory_space<vmem_shared>> -> memref<48x128xf32, #tpu.memory_space<vmem_shared>>
      %dma_start3A_150 = arith.constant 0 : i32
      %dma_start3A_151 = tpu.memref_slice %arg11[%add3A_52, %dma_start3A_150] : memref<10016x128xf32, #tpu.memory_space<vmem_shared>> -> memref<48x128xf32, #tpu.memory_space<vmem_shared>>
      tpu.enqueue_dma source(%arg10 : memref<48x128xf32, #tpu.memory_space<vmem>>) target(%dma_start3A_151 : memref<48x128xf32, #tpu.memory_space<vmem_shared>>) target_semaphore(%run_scoped3A : memref<!tpu.dma_semaphore, #tpu.memory_space<semaphore_mem>>)
      %dma_wait3A_152 = arith.constant 0 : i32
      %dma_wait3A_153 = tpu.memref_slice %arg11[%add3A_52, %dma_wait3A_152] : memref<10016x128xf32, #tpu.memory_space<vmem_shared>> -> memref<48x128xf32, #tpu.memory_space<vmem_shared>>
      %dma_wait3A_154 = arith.constant 0 : i32
      %dma_wait3A_155 = tpu.memref_slice %arg11[%add3A_52, %dma_wait3A_154] : memref<10016x128xf32, #tpu.memory_space<vmem_shared>> -> memref<48x128xf32, #tpu.memory_space<vmem_shared>>
      tpu.wait_dma2 semaphore(%run_scoped3A : memref<!tpu.dma_semaphore, #tpu.memory_space<semaphore_mem>>) src(%arg10 : memref<48x128xf32, #tpu.memory_space<vmem>>) dst(%dma_wait3A_155 : memref<48x128xf32, #tpu.memory_space<vmem_shared>>)
      tpu.yield
    }) : () -> ()
    %mul3A_53 = arith.constant 624 : i32
    %mul3A_54 = arith.muli %arg1, %mul3A_53 : i32
    %add3A_55 = arith.constant 384 : i32
    %add3A_56 = arith.addi %mul3A_54, %add3A_55 : i32
    "tpu.region"() ({
      %run_scoped3A = tpu.sem_alloc : memref<!tpu.dma_semaphore, #tpu.memory_space<semaphore_mem>>
      %dma_start3A_148 = arith.constant 0 : i32
      %dma_start3A_149 = tpu.memref_slice %arg11[%add3A_56, %dma_start3A_148] : memref<10016x128xf32, #tpu.memory_space<vmem_shared>> -> memref<48x128xf32, #tpu.memory_space<vmem_shared>>
      %dma_start3A_150 = arith.constant 0 : i32
      %dma_start3A_151 = tpu.memref_slice %arg11[%add3A_56, %dma_start3A_150] : memref<10016x128xf32, #tpu.memory_space<vmem_shared>> -> memref<48x128xf32, #tpu.memory_space<vmem_shared>>
      tpu.enqueue_dma source(%arg10 : memref<48x128xf32, #tpu.memory_space<vmem>>) target(%dma_start3A_151 : memref<48x128xf32, #tpu.memory_space<vmem_shared>>) target_semaphore(%run_scoped3A : memref<!tpu.dma_semaphore, #tpu.memory_space<semaphore_mem>>)
      %dma_wait3A_152 = arith.constant 0 : i32
      %dma_wait3A_153 = tpu.memref_slice %arg11[%add3A_56, %dma_wait3A_152] : memref<10016x128xf32, #tpu.memory_space<vmem_shared>> -> memref<48x128xf32, #tpu.memory_space<vmem_shared>>
      %dma_wait3A_154 = arith.constant 0 : i32
      %dma_wait3A_155 = tpu.memref_slice %arg11[%add3A_56, %dma_wait3A_154] : memref<10016x128xf32, #tpu.memory_space<vmem_shared>> -> memref<48x128xf32, #tpu.memory_space<vmem_shared>>
      tpu.wait_dma2 semaphore(%run_scoped3A : memref<!tpu.dma_semaphore, #tpu.memory_space<semaphore_mem>>) src(%arg10 : memref<48x128xf32, #tpu.memory_space<vmem>>) dst(%dma_wait3A_155 : memref<48x128xf32, #tpu.memory_space<vmem_shared>>)
      tpu.yield
    }) : () -> ()
    %mul3A_57 = arith.constant 624 : i32
    %mul3A_58 = arith.muli %arg1, %mul3A_57 : i32
    %add3A_59 = arith.constant 432 : i32
    %add3A_60 = arith.addi %mul3A_58, %add3A_59 : i32
    "tpu.region"() ({
      %run_scoped3A = tpu.sem_alloc : memref<!tpu.dma_semaphore, #tpu.memory_space<semaphore_mem>>
      %dma_start3A_148 = arith.constant 0 : i32
      %dma_start3A_149 = tpu.memref_slice %arg11[%add3A_60, %dma_start3A_148] : memref<10016x128xf32, #tpu.memory_space<vmem_shared>> -> memref<48x128xf32, #tpu.memory_space<vmem_shared>>
      %dma_start3A_150 = arith.constant 0 : i32
      %dma_start3A_151 = tpu.memref_slice %arg11[%add3A_60, %dma_start3A_150] : memref<10016x128xf32, #tpu.memory_space<vmem_shared>> -> memref<48x128xf32, #tpu.memory_space<vmem_shared>>
      tpu.enqueue_dma source(%arg10 : memref<48x128xf32, #tpu.memory_space<vmem>>) target(%dma_start3A_151 : memref<48x128xf32, #tpu.memory_space<vmem_shared>>) target_semaphore(%run_scoped3A : memref<!tpu.dma_semaphore, #tpu.memory_space<semaphore_mem>>)
      %dma_wait3A_152 = arith.constant 0 : i32
      %dma_wait3A_153 = tpu.memref_slice %arg11[%add3A_60, %dma_wait3A_152] : memref<10016x128xf32, #tpu.memory_space<vmem_shared>> -> memref<48x128xf32, #tpu.memory_space<vmem_shared>>
      %dma_wait3A_154 = arith.constant 0 : i32
      %dma_wait3A_155 = tpu.memref_slice %arg11[%add3A_60, %dma_wait3A_154] : memref<10016x128xf32, #tpu.memory_space<vmem_shared>> -> memref<48x128xf32, #tpu.memory_space<vmem_shared>>
      tpu.wait_dma2 semaphore(%run_scoped3A : memref<!tpu.dma_semaphore, #tpu.memory_space<semaphore_mem>>) src(%arg10 : memref<48x128xf32, #tpu.memory_space<vmem>>) dst(%dma_wait3A_155 : memref<48x128xf32, #tpu.memory_space<vmem_shared>>)
      tpu.yield
    }) : () -> ()
    %mul3A_61 = arith.constant 624 : i32
    %mul3A_62 = arith.muli %arg1, %mul3A_61 : i32
    %add3A_63 = arith.constant 480 : i32
    %add3A_64 = arith.addi %mul3A_62, %add3A_63 : i32
    "tpu.region"() ({
      %run_scoped3A = tpu.sem_alloc : memref<!tpu.dma_semaphore, #tpu.memory_space<semaphore_mem>>
      %dma_start3A_148 = arith.constant 0 : i32
      %dma_start3A_149 = tpu.memref_slice %arg11[%add3A_64, %dma_start3A_148] : memref<10016x128xf32, #tpu.memory_space<vmem_shared>> -> memref<48x128xf32, #tpu.memory_space<vmem_shared>>
      %dma_start3A_150 = arith.constant 0 : i32
      %dma_start3A_151 = tpu.memref_slice %arg11[%add3A_64, %dma_start3A_150] : memref<10016x128xf32, #tpu.memory_space<vmem_shared>> -> memref<48x128xf32, #tpu.memory_space<vmem_shared>>
      tpu.enqueue_dma source(%arg10 : memref<48x128xf32, #tpu.memory_space<vmem>>) target(%dma_start3A_151 : memref<48x128xf32, #tpu.memory_space<vmem_shared>>) target_semaphore(%run_scoped3A : memref<!tpu.dma_semaphore, #tpu.memory_space<semaphore_mem>>)
      %dma_wait3A_152 = arith.constant 0 : i32
      %dma_wait3A_153 = tpu.memref_slice %arg11[%add3A_64, %dma_wait3A_152] : memref<10016x128xf32, #tpu.memory_space<vmem_shared>> -> memref<48x128xf32, #tpu.memory_space<vmem_shared>>
      %dma_wait3A_154 = arith.constant 0 : i32
      %dma_wait3A_155 = tpu.memref_slice %arg11[%add3A_64, %dma_wait3A_154] : memref<10016x128xf32, #tpu.memory_space<vmem_shared>> -> memref<48x128xf32, #tpu.memory_space<vmem_shared>>
      tpu.wait_dma2 semaphore(%run_scoped3A : memref<!tpu.dma_semaphore, #tpu.memory_space<semaphore_mem>>) src(%arg10 : memref<48x128xf32, #tpu.memory_space<vmem>>) dst(%dma_wait3A_155 : memref<48x128xf32, #tpu.memory_space<vmem_shared>>)
      tpu.yield
    }) : () -> ()
    %mul3A_65 = arith.constant 624 : i32
    %mul3A_66 = arith.muli %arg1, %mul3A_65 : i32
    %add3A_67 = arith.constant 528 : i32
    %add3A_68 = arith.addi %mul3A_66, %add3A_67 : i32
    "tpu.region"() ({
      %run_scoped3A = tpu.sem_alloc : memref<!tpu.dma_semaphore, #tpu.memory_space<semaphore_mem>>
      %dma_start3A_148 = arith.constant 0 : i32
      %dma_start3A_149 = tpu.memref_slice %arg11[%add3A_68, %dma_start3A_148] : memref<10016x128xf32, #tpu.memory_space<vmem_shared>> -> memref<48x128xf32, #tpu.memory_space<vmem_shared>>
      %dma_start3A_150 = arith.constant 0 : i32
      %dma_start3A_151 = tpu.memref_slice %arg11[%add3A_68, %dma_start3A_150] : memref<10016x128xf32, #tpu.memory_space<vmem_shared>> -> memref<48x128xf32, #tpu.memory_space<vmem_shared>>
      tpu.enqueue_dma source(%arg10 : memref<48x128xf32, #tpu.memory_space<vmem>>) target(%dma_start3A_151 : memref<48x128xf32, #tpu.memory_space<vmem_shared>>) target_semaphore(%run_scoped3A : memref<!tpu.dma_semaphore, #tpu.memory_space<semaphore_mem>>)
      %dma_wait3A_152 = arith.constant 0 : i32
      %dma_wait3A_153 = tpu.memref_slice %arg11[%add3A_68, %dma_wait3A_152] : memref<10016x128xf32, #tpu.memory_space<vmem_shared>> -> memref<48x128xf32, #tpu.memory_space<vmem_shared>>
      %dma_wait3A_154 = arith.constant 0 : i32
      %dma_wait3A_155 = tpu.memref_slice %arg11[%add3A_68, %dma_wait3A_154] : memref<10016x128xf32, #tpu.memory_space<vmem_shared>> -> memref<48x128xf32, #tpu.memory_space<vmem_shared>>
      tpu.wait_dma2 semaphore(%run_scoped3A : memref<!tpu.dma_semaphore, #tpu.memory_space<semaphore_mem>>) src(%arg10 : memref<48x128xf32, #tpu.memory_space<vmem>>) dst(%dma_wait3A_155 : memref<48x128xf32, #tpu.memory_space<vmem_shared>>)
      tpu.yield
    }) : () -> ()
    %mul3A_69 = arith.constant 624 : i32
    %mul3A_70 = arith.muli %arg1, %mul3A_69 : i32
    %add3A_71 = arith.constant 576 : i32
    %add3A_72 = arith.addi %mul3A_70, %add3A_71 : i32
    "tpu.region"() ({
      %run_scoped3A = tpu.sem_alloc : memref<!tpu.dma_semaphore, #tpu.memory_space<semaphore_mem>>
      %dma_start3A_148 = arith.constant 0 : i32
      %dma_start3A_149 = tpu.memref_slice %arg11[%add3A_72, %dma_start3A_148] : memref<10016x128xf32, #tpu.memory_space<vmem_shared>> -> memref<48x128xf32, #tpu.memory_space<vmem_shared>>
      %dma_start3A_150 = arith.constant 0 : i32
      %dma_start3A_151 = tpu.memref_slice %arg11[%add3A_72, %dma_start3A_150] : memref<10016x128xf32, #tpu.memory_space<vmem_shared>> -> memref<48x128xf32, #tpu.memory_space<vmem_shared>>
      tpu.enqueue_dma source(%arg10 : memref<48x128xf32, #tpu.memory_space<vmem>>) target(%dma_start3A_151 : memref<48x128xf32, #tpu.memory_space<vmem_shared>>) target_semaphore(%run_scoped3A : memref<!tpu.dma_semaphore, #tpu.memory_space<semaphore_mem>>)
      %dma_wait3A_152 = arith.constant 0 : i32
      %dma_wait3A_153 = tpu.memref_slice %arg11[%add3A_72, %dma_wait3A_152] : memref<10016x128xf32, #tpu.memory_space<vmem_shared>> -> memref<48x128xf32, #tpu.memory_space<vmem_shared>>
      %dma_wait3A_154 = arith.constant 0 : i32
      %dma_wait3A_155 = tpu.memref_slice %arg11[%add3A_72, %dma_wait3A_154] : memref<10016x128xf32, #tpu.memory_space<vmem_shared>> -> memref<48x128xf32, #tpu.memory_space<vmem_shared>>
      tpu.wait_dma2 semaphore(%run_scoped3A : memref<!tpu.dma_semaphore, #tpu.memory_space<semaphore_mem>>) src(%arg10 : memref<48x128xf32, #tpu.memory_space<vmem>>) dst(%dma_wait3A_155 : memref<48x128xf32, #tpu.memory_space<vmem_shared>>)
      tpu.yield
    }) : () -> ()
    %eq3A = arith.constant 15 : i32
    %eq3A_73 = arith.cmpi eq, %arg1, %eq3A : i32
    %convert_element_type3A = arith.extui %eq3A_73 : i1 to i32
    %cond3A = arith.constant 0 : i32
    %cond3A_74 = arith.cmpi ne, %convert_element_type3A, %cond3A : i32
    scf.if %cond3A_74 {
      "tpu.region"() ({
        %run_scoped3A = tpu.sem_alloc : memref<!tpu.dma_semaphore, #tpu.memory_space<semaphore_mem>>
        %dma_start3A_148 = arith.constant 0 : i32
        %dma_start3A_149 = arith.constant 0 : i32
        %dma_start3A_150 = tpu.memref_slice %arg10[%dma_start3A_148, %dma_start3A_149] : memref<48x128xf32, #tpu.memory_space<vmem>> -> memref<16x128xf32, #tpu.memory_space<vmem>>
        %dma_start3A_151 = arith.constant 9984 : i32
        %dma_start3A_152 = arith.constant 0 : i32
        %dma_start3A_153 = tpu.memref_slice %arg11[%dma_start3A_151, %dma_start3A_152] : memref<10016x128xf32, #tpu.memory_space<vmem_shared>> -> memref<16x128xf32, #tpu.memory_space<vmem_shared>>
        %dma_start3A_154 = arith.constant 9984 : i32
        %dma_start3A_155 = arith.constant 0 : i32
        %dma_start3A_156 = tpu.memref_slice %arg11[%dma_start3A_154, %dma_start3A_155] : memref<10016x128xf32, #tpu.memory_space<vmem_shared>> -> memref<16x128xf32, #tpu.memory_space<vmem_shared>>
        %dma_start3A_157 = arith.constant 0 : i32
        %dma_start3A_158 = arith.constant 0 : i32
        %dma_start3A_159 = tpu.memref_slice %arg10[%dma_start3A_157, %dma_start3A_158] : memref<48x128xf32, #tpu.memory_space<vmem>> -> memref<16x128xf32, #tpu.memory_space<vmem>>
        tpu.enqueue_dma source(%dma_start3A_159 : memref<16x128xf32, #tpu.memory_space<vmem>>) target(%dma_start3A_156 : memref<16x128xf32, #tpu.memory_space<vmem_shared>>) target_semaphore(%run_scoped3A : memref<!tpu.dma_semaphore, #tpu.memory_space<semaphore_mem>>)
        %dma_wait3A_160 = arith.constant 0 : i32
        %dma_wait3A_161 = arith.constant 0 : i32
        %dma_wait3A_162 = tpu.memref_slice %arg10[%dma_wait3A_160, %dma_wait3A_161] : memref<48x128xf32, #tpu.memory_space<vmem>> -> memref<16x128xf32, #tpu.memory_space<vmem>>
        %dma_wait3A_163 = arith.constant 9984 : i32
        %dma_wait3A_164 = arith.constant 0 : i32
        %dma_wait3A_165 = tpu.memref_slice %arg11[%dma_wait3A_163, %dma_wait3A_164] : memref<10016x128xf32, #tpu.memory_space<vmem_shared>> -> memref<16x128xf32, #tpu.memory_space<vmem_shared>>
        %dma_wait3A_166 = arith.constant 9984 : i32
        %dma_wait3A_167 = arith.constant 0 : i32
        %dma_wait3A_168 = tpu.memref_slice %arg11[%dma_wait3A_166, %dma_wait3A_167] : memref<10016x128xf32, #tpu.memory_space<vmem_shared>> -> memref<16x128xf32, #tpu.memory_space<vmem_shared>>
        %dma_wait3A_169 = arith.constant 0 : i32
        %dma_wait3A_170 = arith.constant 0 : i32
        %dma_wait3A_171 = tpu.memref_slice %arg10[%dma_wait3A_169, %dma_wait3A_170] : memref<48x128xf32, #tpu.memory_space<vmem>> -> memref<16x128xf32, #tpu.memory_space<vmem>>
        tpu.wait_dma2 semaphore(%run_scoped3A : memref<!tpu.dma_semaphore, #tpu.memory_space<semaphore_mem>>) src(%dma_wait3A_171 : memref<16x128xf32, #tpu.memory_space<vmem>>) dst(%dma_wait3A_168 : memref<16x128xf32, #tpu.memory_space<vmem_shared>>)
        tpu.yield
      }) : () -> ()
    } else {
    }
    %dma_wait3A = arith.constant 0 : i32
    %dma_wait3A_75 = arith.constant 0 : i32
    %dma_wait3A_76 = tpu.memref_slice %arg3[%add3A, %dma_wait3A, %dma_wait3A_75] : memref<32x80x128xi32, #tpu.memory_space<hbm>> -> memref<1x40x128xi32, #tpu.memory_space<hbm>>
    %dma_wait3A_77 = tpu.memref_squeeze %dma_wait3A_76 : memref<1x40x128xi32, #tpu.memory_space<hbm>> -> memref<40x128xi32, #tpu.memory_space<hbm>>
    %dma_wait3A_78 = arith.constant 0 : i32
    %dma_wait3A_79 = arith.constant 0 : i32
    %dma_wait3A_80 = tpu.memref_slice %arg3[%add3A, %dma_wait3A_78, %dma_wait3A_79] : memref<32x80x128xi32, #tpu.memory_space<hbm>> -> memref<1x40x128xi32, #tpu.memory_space<hbm>>
    %dma_wait3A_81 = tpu.memref_squeeze %dma_wait3A_80 : memref<1x40x128xi32, #tpu.memory_space<hbm>> -> memref<40x128xi32, #tpu.memory_space<hbm>>
    tpu.wait_dma2 semaphore(%arg14 : memref<!tpu.dma_semaphore, #tpu.memory_space<semaphore_mem>>) src(%dma_wait3A_81 : memref<40x128xi32, #tpu.memory_space<hbm>>) dst(%arg6 : memref<40x128xi32, #tpu.memory_space<vmem>>)
    %dma_wait3A_82 = arith.constant 0 : i32
    %dma_wait3A_83 = arith.constant 0 : i32
    %dma_wait3A_84 = tpu.memref_slice %arg4[%add3A, %dma_wait3A_82, %dma_wait3A_83] : memref<32x80x128xi32, #tpu.memory_space<hbm>> -> memref<1x40x128xi32, #tpu.memory_space<hbm>>
    %dma_wait3A_85 = tpu.memref_squeeze %dma_wait3A_84 : memref<1x40x128xi32, #tpu.memory_space<hbm>> -> memref<40x128xi32, #tpu.memory_space<hbm>>
    %dma_wait3A_86 = arith.constant 0 : i32
    %dma_wait3A_87 = arith.constant 0 : i32
    %dma_wait3A_88 = tpu.memref_slice %arg4[%add3A, %dma_wait3A_86, %dma_wait3A_87] : memref<32x80x128xi32, #tpu.memory_space<hbm>> -> memref<1x40x128xi32, #tpu.memory_space<hbm>>
    %dma_wait3A_89 = tpu.memref_squeeze %dma_wait3A_88 : memref<1x40x128xi32, #tpu.memory_space<hbm>> -> memref<40x128xi32, #tpu.memory_space<hbm>>
    tpu.wait_dma2 semaphore(%arg14 : memref<!tpu.dma_semaphore, #tpu.memory_space<semaphore_mem>>) src(%dma_wait3A_89 : memref<40x128xi32, #tpu.memory_space<hbm>>) dst(%arg7 : memref<40x128xi32, #tpu.memory_space<vmem>>)
    %barrier3A = arith.constant 0 : index
    tpu.barrier barrier_id(%barrier3A)
    %dma_start3A_90 = arith.constant 0 : i32
    %dma_start3A_91 = arith.constant 0 : i32
    %dma_start3A_92 = tpu.memref_slice %arg6[%dma_start3A_90, %dma_start3A_91] : memref<40x128xi32, #tpu.memory_space<vmem>> -> memref<1x128xi32, #tpu.memory_space<vmem>>
    %dma_start3A_93 = tpu.memref_squeeze %dma_start3A_92 : memref<1x128xi32, #tpu.memory_space<vmem>> -> memref<128xi32, #tpu.memory_space<vmem>>
    %dma_start3A_94 = arith.constant 0 : i32
    %dma_start3A_95 = arith.constant 0 : i32
    %dma_start3A_96 = tpu.memref_slice %arg2[%dma_start3A_94, %dma_start3A_95] : memref<10000x128xf32, #tpu.memory_space<hbm>> -> memref<10000x128xf32, #tpu.memory_space<hbm>>
    tpu.enqueue_indirect_dma source(%dma_start3A_96 : memref<10000x128xf32, #tpu.memory_space<hbm>>) target(%arg8 : memref<128x128xf32, #tpu.memory_space<vmem>>) offsets(%dma_start3A_93 : memref<128xi32, #tpu.memory_space<vmem>>) semaphore(%arg12 : memref<!tpu.dma_semaphore, #tpu.memory_space<semaphore_mem>>)
    %dma_start3A_97 = arith.constant 1 : i32
    %dma_start3A_98 = arith.constant 0 : i32
    %dma_start3A_99 = tpu.memref_slice %arg6[%dma_start3A_97, %dma_start3A_98] : memref<40x128xi32, #tpu.memory_space<vmem>> -> memref<1x128xi32, #tpu.memory_space<vmem>>
    %dma_start3A_100 = tpu.memref_squeeze %dma_start3A_99 : memref<1x128xi32, #tpu.memory_space<vmem>> -> memref<128xi32, #tpu.memory_space<vmem>>
    %dma_start3A_101 = arith.constant 0 : i32
    %dma_start3A_102 = arith.constant 0 : i32
    %dma_start3A_103 = tpu.memref_slice %arg2[%dma_start3A_101, %dma_start3A_102] : memref<10000x128xf32, #tpu.memory_space<hbm>> -> memref<10000x128xf32, #tpu.memory_space<hbm>>
    tpu.enqueue_indirect_dma source(%dma_start3A_103 : memref<10000x128xf32, #tpu.memory_space<hbm>>) target(%arg9 : memref<128x128xf32, #tpu.memory_space<vmem>>) offsets(%dma_start3A_100 : memref<128xi32, #tpu.memory_space<vmem>>) semaphore(%arg13 : memref<!tpu.dma_semaphore, #tpu.memory_space<semaphore_mem>>)
    %scan3A_104 = arith.constant 0 : i32
    %scan3A_105 = arith.constant 0 : i32
    %scan3A_106 = arith.constant 20 : i32
    %scan3A_107 = arith.addi %scan3A_105, %scan3A_106 : i32
    %scan3A_108 = arith.constant 1 : i32
    scf.for %scan3A_148 = %scan3A_105 to %scan3A_107 step %scan3A_108  : i32 {
      %mul3A_149 = arith.constant 2 : i32
      %mul3A_150 = arith.muli %mul3A_149, %scan3A_148 : i32
      %dma_wait3A_151 = arith.constant 0 : i32
      %dma_wait3A_152 = tpu.memref_slice %arg6[%mul3A_150, %dma_wait3A_151] : memref<40x128xi32, #tpu.memory_space<vmem>> -> memref<1x128xi32, #tpu.memory_space<vmem>>
      %dma_wait3A_153 = tpu.memref_squeeze %dma_wait3A_152 : memref<1x128xi32, #tpu.memory_space<vmem>> -> memref<128xi32, #tpu.memory_space<vmem>>
      %dma_wait3A_154 = arith.constant 0 : i32
      %dma_wait3A_155 = arith.constant 0 : i32
      %dma_wait3A_156 = tpu.memref_slice %arg2[%dma_wait3A_154, %dma_wait3A_155] : memref<10000x128xf32, #tpu.memory_space<hbm>> -> memref<10000x128xf32, #tpu.memory_space<hbm>>
      tpu.wait_indirect_dma semaphore(%arg12 : memref<!tpu.dma_semaphore, #tpu.memory_space<semaphore_mem>>) src(%dma_wait3A_156 : memref<10000x128xf32, #tpu.memory_space<hbm>>) dst(%arg8 : memref<128x128xf32, #tpu.memory_space<vmem>>)
      "tpu.region"() ({
        %run_scoped3A = tpu.sem_alloc : memref<!tpu.dma_semaphore, #tpu.memory_space<semaphore_mem>>
        %dma_start3A_176 = arith.constant 0 : i32
        %dma_start3A_177 = tpu.memref_slice %arg7[%mul3A_150, %dma_start3A_176] : memref<40x128xi32, #tpu.memory_space<vmem>> -> memref<1x128xi32, #tpu.memory_space<vmem>>
        %dma_start3A_178 = tpu.memref_squeeze %dma_start3A_177 : memref<1x128xi32, #tpu.memory_space<vmem>> -> memref<128xi32, #tpu.memory_space<vmem>>
        %dma_start3A_179 = arith.constant 0 : i32
        %dma_start3A_180 = arith.constant 0 : i32
        %dma_start3A_181 = tpu.memref_slice %arg11[%dma_start3A_179, %dma_start3A_180] : memref<10016x128xf32, #tpu.memory_space<vmem_shared>> -> memref<10016x128xf32, #tpu.memory_space<vmem_shared>>
        tpu.enqueue_indirect_dma source(%arg8 : memref<128x128xf32, #tpu.memory_space<vmem>>) target(%dma_start3A_181 : memref<10016x128xf32, #tpu.memory_space<vmem_shared>>) offsets(%dma_start3A_178 : memref<128xi32, #tpu.memory_space<vmem>>) semaphore(%run_scoped3A : memref<!tpu.dma_semaphore, #tpu.memory_space<semaphore_mem>>) {add = true}
        %dma_wait3A_182 = arith.constant 0 : i32
        %dma_wait3A_183 = tpu.memref_slice %arg7[%mul3A_150, %dma_wait3A_182] : memref<40x128xi32, #tpu.memory_space<vmem>> -> memref<1x128xi32, #tpu.memory_space<vmem>>
        %dma_wait3A_184 = tpu.memref_squeeze %dma_wait3A_183 : memref<1x128xi32, #tpu.memory_space<vmem>> -> memref<128xi32, #tpu.memory_space<vmem>>
        %dma_wait3A_185 = arith.constant 0 : i32
        %dma_wait3A_186 = arith.constant 0 : i32
        %dma_wait3A_187 = tpu.memref_slice %arg11[%dma_wait3A_185, %dma_wait3A_186] : memref<10016x128xf32, #tpu.memory_space<vmem_shared>> -> memref<10016x128xf32, #tpu.memory_space<vmem_shared>>
        tpu.wait_indirect_dma semaphore(%run_scoped3A : memref<!tpu.dma_semaphore, #tpu.memory_space<semaphore_mem>>) src(%arg8 : memref<128x128xf32, #tpu.memory_space<vmem>>) dst(%dma_wait3A_187 : memref<10016x128xf32, #tpu.memory_space<vmem_shared>>)
        tpu.yield
      }) : () -> ()
      %lt3A = arith.constant 19 : i32
      %lt3A_157 = arith.cmpi slt, %scan3A_148, %lt3A : i32
      %convert_element_type3A_158 = arith.extui %lt3A_157 : i1 to i32
      %cond3A_159 = arith.constant 0 : i32
      %cond3A_160 = arith.cmpi ne, %convert_element_type3A_158, %cond3A_159 : i32
      scf.if %cond3A_160 {
        %add3A_176 = arith.constant 2 : i32
        %add3A_177 = arith.addi %mul3A_150, %add3A_176 : i32
        %dma_start3A_178 = arith.constant 0 : i32
        %dma_start3A_179 = tpu.memref_slice %arg6[%add3A_177, %dma_start3A_178] : memref<40x128xi32, #tpu.memory_space<vmem>> -> memref<1x128xi32, #tpu.memory_space<vmem>>
        %dma_start3A_180 = tpu.memref_squeeze %dma_start3A_179 : memref<1x128xi32, #tpu.memory_space<vmem>> -> memref<128xi32, #tpu.memory_space<vmem>>
        %dma_start3A_181 = arith.constant 0 : i32
        %dma_start3A_182 = arith.constant 0 : i32
        %dma_start3A_183 = tpu.memref_slice %arg2[%dma_start3A_181, %dma_start3A_182] : memref<10000x128xf32, #tpu.memory_space<hbm>> -> memref<10000x128xf32, #tpu.memory_space<hbm>>
        tpu.enqueue_indirect_dma source(%dma_start3A_183 : memref<10000x128xf32, #tpu.memory_space<hbm>>) target(%arg8 : memref<128x128xf32, #tpu.memory_space<vmem>>) offsets(%dma_start3A_180 : memref<128xi32, #tpu.memory_space<vmem>>) semaphore(%arg12 : memref<!tpu.dma_semaphore, #tpu.memory_space<semaphore_mem>>)
      } else {
      }
      %add3A_161 = arith.constant 1 : i32
      %add3A_162 = arith.addi %mul3A_150, %add3A_161 : i32
      %dma_wait3A_163 = arith.constant 0 : i32
      %dma_wait3A_164 = tpu.memref_slice %arg6[%add3A_162, %dma_wait3A_163] : memref<40x128xi32, #tpu.memory_space<vmem>> -> memref<1x128xi32, #tpu.memory_space<vmem>>
      %dma_wait3A_165 = tpu.memref_squeeze %dma_wait3A_164 : memref<1x128xi32, #tpu.memory_space<vmem>> -> memref<128xi32, #tpu.memory_space<vmem>>
      %dma_wait3A_166 = arith.constant 0 : i32
      %dma_wait3A_167 = arith.constant 0 : i32
      %dma_wait3A_168 = tpu.memref_slice %arg2[%dma_wait3A_166, %dma_wait3A_167] : memref<10000x128xf32, #tpu.memory_space<hbm>> -> memref<10000x128xf32, #tpu.memory_space<hbm>>
      tpu.wait_indirect_dma semaphore(%arg13 : memref<!tpu.dma_semaphore, #tpu.memory_space<semaphore_mem>>) src(%dma_wait3A_168 : memref<10000x128xf32, #tpu.memory_space<hbm>>) dst(%arg9 : memref<128x128xf32, #tpu.memory_space<vmem>>)
      %add3A_169 = arith.constant 1 : i32
      %add3A_170 = arith.addi %mul3A_150, %add3A_169 : i32
      "tpu.region"() ({
        %run_scoped3A = tpu.sem_alloc : memref<!tpu.dma_semaphore, #tpu.memory_space<semaphore_mem>>
        %dma_start3A_176 = arith.constant 0 : i32
        %dma_start3A_177 = tpu.memref_slice %arg7[%add3A_170, %dma_start3A_176] : memref<40x128xi32, #tpu.memory_space<vmem>> -> memref<1x128xi32, #tpu.memory_space<vmem>>
        %dma_start3A_178 = tpu.memref_squeeze %dma_start3A_177 : memref<1x128xi32, #tpu.memory_space<vmem>> -> memref<128xi32, #tpu.memory_space<vmem>>
        %dma_start3A_179 = arith.constant 0 : i32
        %dma_start3A_180 = arith.constant 0 : i32
        %dma_start3A_181 = tpu.memref_slice %arg11[%dma_start3A_179, %dma_start3A_180] : memref<10016x128xf32, #tpu.memory_space<vmem_shared>> -> memref<10016x128xf32, #tpu.memory_space<vmem_shared>>
        tpu.enqueue_indirect_dma source(%arg9 : memref<128x128xf32, #tpu.memory_space<vmem>>) target(%dma_start3A_181 : memref<10016x128xf32, #tpu.memory_space<vmem_shared>>) offsets(%dma_start3A_178 : memref<128xi32, #tpu.memory_space<vmem>>) semaphore(%run_scoped3A : memref<!tpu.dma_semaphore, #tpu.memory_space<semaphore_mem>>) {add = true}
        %dma_wait3A_182 = arith.constant 0 : i32
        %dma_wait3A_183 = tpu.memref_slice %arg7[%add3A_170, %dma_wait3A_182] : memref<40x128xi32, #tpu.memory_space<vmem>> -> memref<1x128xi32, #tpu.memory_space<vmem>>
        %dma_wait3A_184 = tpu.memref_squeeze %dma_wait3A_183 : memref<1x128xi32, #tpu.memory_space<vmem>> -> memref<128xi32, #tpu.memory_space<vmem>>
        %dma_wait3A_185 = arith.constant 0 : i32
        %dma_wait3A_186 = arith.constant 0 : i32
        %dma_wait3A_187 = tpu.memref_slice %arg11[%dma_wait3A_185, %dma_wait3A_186] : memref<10016x128xf32, #tpu.memory_space<vmem_shared>> -> memref<10016x128xf32, #tpu.memory_space<vmem_shared>>
        tpu.wait_indirect_dma semaphore(%run_scoped3A : memref<!tpu.dma_semaphore, #tpu.memory_space<semaphore_mem>>) src(%arg9 : memref<128x128xf32, #tpu.memory_space<vmem>>) dst(%dma_wait3A_187 : memref<10016x128xf32, #tpu.memory_space<vmem_shared>>)
        tpu.yield
      }) : () -> ()
      %lt3A_171 = arith.constant 19 : i32
      %lt3A_172 = arith.cmpi slt, %scan3A_148, %lt3A_171 : i32
      %convert_element_type3A_173 = arith.extui %lt3A_172 : i1 to i32
      %cond3A_174 = arith.constant 0 : i32
      %cond3A_175 = arith.cmpi ne, %convert_element_type3A_173, %cond3A_174 : i32
      scf.if %cond3A_175 {
        %add3A_176 = arith.constant 3 : i32
        %add3A_177 = arith.addi %mul3A_150, %add3A_176 : i32
        %dma_start3A_178 = arith.constant 0 : i32
        %dma_start3A_179 = tpu.memref_slice %arg6[%add3A_177, %dma_start3A_178] : memref<40x128xi32, #tpu.memory_space<vmem>> -> memref<1x128xi32, #tpu.memory_space<vmem>>
        %dma_start3A_180 = tpu.memref_squeeze %dma_start3A_179 : memref<1x128xi32, #tpu.memory_space<vmem>> -> memref<128xi32, #tpu.memory_space<vmem>>
        %dma_start3A_181 = arith.constant 0 : i32
        %dma_start3A_182 = arith.constant 0 : i32
        %dma_start3A_183 = tpu.memref_slice %arg2[%dma_start3A_181, %dma_start3A_182] : memref<10000x128xf32, #tpu.memory_space<hbm>> -> memref<10000x128xf32, #tpu.memory_space<hbm>>
        tpu.enqueue_indirect_dma source(%dma_start3A_183 : memref<10000x128xf32, #tpu.memory_space<hbm>>) target(%arg9 : memref<128x128xf32, #tpu.memory_space<vmem>>) offsets(%dma_start3A_180 : memref<128xi32, #tpu.memory_space<vmem>>) semaphore(%arg13 : memref<!tpu.dma_semaphore, #tpu.memory_space<semaphore_mem>>)
      } else {
      }
    }
    %scan3A_109 = arith.constant 20 : i32
    "tpu.region"() ({
      %run_scoped3A = tpu.sem_alloc : memref<!tpu.dma_semaphore, #tpu.memory_space<semaphore_mem>>
      %dma_start3A_148 = arith.constant 40 : i32
      %dma_start3A_149 = arith.constant 0 : i32
      %dma_start3A_150 = tpu.memref_slice %arg3[%add3A, %dma_start3A_148, %dma_start3A_149] : memref<32x80x128xi32, #tpu.memory_space<hbm>> -> memref<1x40x128xi32, #tpu.memory_space<hbm>>
      %dma_start3A_151 = tpu.memref_squeeze %dma_start3A_150 : memref<1x40x128xi32, #tpu.memory_space<hbm>> -> memref<40x128xi32, #tpu.memory_space<hbm>>
      %dma_start3A_152 = arith.constant 40 : i32
      %dma_start3A_153 = arith.constant 0 : i32
      %dma_start3A_154 = tpu.memref_slice %arg3[%add3A, %dma_start3A_152, %dma_start3A_153] : memref<32x80x128xi32, #tpu.memory_space<hbm>> -> memref<1x40x128xi32, #tpu.memory_space<hbm>>
      %dma_start3A_155 = tpu.memref_squeeze %dma_start3A_154 : memref<1x40x128xi32, #tpu.memory_space<hbm>> -> memref<40x128xi32, #tpu.memory_space<hbm>>
      tpu.enqueue_dma source(%dma_start3A_155 : memref<40x128xi32, #tpu.memory_space<hbm>>) target(%arg6 : memref<40x128xi32, #tpu.memory_space<vmem>>) target_semaphore(%run_scoped3A : memref<!tpu.dma_semaphore, #tpu.memory_space<semaphore_mem>>)
      %dma_wait3A_156 = arith.constant 40 : i32
      %dma_wait3A_157 = arith.constant 0 : i32
      %dma_wait3A_158 = tpu.memref_slice %arg3[%add3A, %dma_wait3A_156, %dma_wait3A_157] : memref<32x80x128xi32, #tpu.memory_space<hbm>> -> memref<1x40x128xi32, #tpu.memory_space<hbm>>
      %dma_wait3A_159 = tpu.memref_squeeze %dma_wait3A_158 : memref<1x40x128xi32, #tpu.memory_space<hbm>> -> memref<40x128xi32, #tpu.memory_space<hbm>>
      %dma_wait3A_160 = arith.constant 40 : i32
      %dma_wait3A_161 = arith.constant 0 : i32
      %dma_wait3A_162 = tpu.memref_slice %arg3[%add3A, %dma_wait3A_160, %dma_wait3A_161] : memref<32x80x128xi32, #tpu.memory_space<hbm>> -> memref<1x40x128xi32, #tpu.memory_space<hbm>>
      %dma_wait3A_163 = tpu.memref_squeeze %dma_wait3A_162 : memref<1x40x128xi32, #tpu.memory_space<hbm>> -> memref<40x128xi32, #tpu.memory_space<hbm>>
      tpu.wait_dma2 semaphore(%run_scoped3A : memref<!tpu.dma_semaphore, #tpu.memory_space<semaphore_mem>>) src(%dma_wait3A_163 : memref<40x128xi32, #tpu.memory_space<hbm>>) dst(%arg6 : memref<40x128xi32, #tpu.memory_space<vmem>>)
      tpu.yield
    }) : () -> ()
    "tpu.region"() ({
      %run_scoped3A = tpu.sem_alloc : memref<!tpu.dma_semaphore, #tpu.memory_space<semaphore_mem>>
      %dma_start3A_148 = arith.constant 40 : i32
      %dma_start3A_149 = arith.constant 0 : i32
      %dma_start3A_150 = tpu.memref_slice %arg4[%add3A, %dma_start3A_148, %dma_start3A_149] : memref<32x80x128xi32, #tpu.memory_space<hbm>> -> memref<1x40x128xi32, #tpu.memory_space<hbm>>
      %dma_start3A_151 = tpu.memref_squeeze %dma_start3A_150 : memref<1x40x128xi32, #tpu.memory_space<hbm>> -> memref<40x128xi32, #tpu.memory_space<hbm>>
      %dma_start3A_152 = arith.constant 40 : i32
      %dma_start3A_153 = arith.constant 0 : i32
      %dma_start3A_154 = tpu.memref_slice %arg4[%add3A, %dma_start3A_152, %dma_start3A_153] : memref<32x80x128xi32, #tpu.memory_space<hbm>> -> memref<1x40x128xi32, #tpu.memory_space<hbm>>
      %dma_start3A_155 = tpu.memref_squeeze %dma_start3A_154 : memref<1x40x128xi32, #tpu.memory_space<hbm>> -> memref<40x128xi32, #tpu.memory_space<hbm>>
      tpu.enqueue_dma source(%dma_start3A_155 : memref<40x128xi32, #tpu.memory_space<hbm>>) target(%arg7 : memref<40x128xi32, #tpu.memory_space<vmem>>) target_semaphore(%run_scoped3A : memref<!tpu.dma_semaphore, #tpu.memory_space<semaphore_mem>>)
      %dma_wait3A_156 = arith.constant 40 : i32
      %dma_wait3A_157 = arith.constant 0 : i32
      %dma_wait3A_158 = tpu.memref_slice %arg4[%add3A, %dma_wait3A_156, %dma_wait3A_157] : memref<32x80x128xi32, #tpu.memory_space<hbm>> -> memref<1x40x128xi32, #tpu.memory_space<hbm>>
      %dma_wait3A_159 = tpu.memref_squeeze %dma_wait3A_158 : memref<1x40x128xi32, #tpu.memory_space<hbm>> -> memref<40x128xi32, #tpu.memory_space<hbm>>
      %dma_wait3A_160 = arith.constant 40 : i32
      %dma_wait3A_161 = arith.constant 0 : i32
      %dma_wait3A_162 = tpu.memref_slice %arg4[%add3A, %dma_wait3A_160, %dma_wait3A_161] : memref<32x80x128xi32, #tpu.memory_space<hbm>> -> memref<1x40x128xi32, #tpu.memory_space<hbm>>
      %dma_wait3A_163 = tpu.memref_squeeze %dma_wait3A_162 : memref<1x40x128xi32, #tpu.memory_space<hbm>> -> memref<40x128xi32, #tpu.memory_space<hbm>>
      tpu.wait_dma2 semaphore(%run_scoped3A : memref<!tpu.dma_semaphore, #tpu.memory_space<semaphore_mem>>) src(%dma_wait3A_163 : memref<40x128xi32, #tpu.memory_space<hbm>>) dst(%arg7 : memref<40x128xi32, #tpu.memory_space<vmem>>)
      tpu.yield
    }) : () -> ()
    %dma_start3A_110 = arith.constant 0 : i32
    %dma_start3A_111 = arith.constant 0 : i32
    %dma_start3A_112 = tpu.memref_slice %arg6[%dma_start3A_110, %dma_start3A_111] : memref<40x128xi32, #tpu.memory_space<vmem>> -> memref<1x128xi32, #tpu.memory_space<vmem>>
    %dma_start3A_113 = tpu.memref_squeeze %dma_start3A_112 : memref<1x128xi32, #tpu.memory_space<vmem>> -> memref<128xi32, #tpu.memory_space<vmem>>
    %dma_start3A_114 = arith.constant 0 : i32
    %dma_start3A_115 = arith.constant 0 : i32
    %dma_start3A_116 = tpu.memref_slice %arg2[%dma_start3A_114, %dma_start3A_115] : memref<10000x128xf32, #tpu.memory_space<hbm>> -> memref<10000x128xf32, #tpu.memory_space<hbm>>
    tpu.enqueue_indirect_dma source(%dma_start3A_116 : memref<10000x128xf32, #tpu.memory_space<hbm>>) target(%arg8 : memref<128x128xf32, #tpu.memory_space<vmem>>) offsets(%dma_start3A_113 : memref<128xi32, #tpu.memory_space<vmem>>) semaphore(%arg12 : memref<!tpu.dma_semaphore, #tpu.memory_space<semaphore_mem>>)
    %dma_start3A_117 = arith.constant 1 : i32
    %dma_start3A_118 = arith.constant 0 : i32
    %dma_start3A_119 = tpu.memref_slice %arg6[%dma_start3A_117, %dma_start3A_118] : memref<40x128xi32, #tpu.memory_space<vmem>> -> memref<1x128xi32, #tpu.memory_space<vmem>>
    %dma_start3A_120 = tpu.memref_squeeze %dma_start3A_119 : memref<1x128xi32, #tpu.memory_space<vmem>> -> memref<128xi32, #tpu.memory_space<vmem>>
    %dma_start3A_121 = arith.constant 0 : i32
    %dma_start3A_122 = arith.constant 0 : i32
    %dma_start3A_123 = tpu.memref_slice %arg2[%dma_start3A_121, %dma_start3A_122] : memref<10000x128xf32, #tpu.memory_space<hbm>> -> memref<10000x128xf32, #tpu.memory_space<hbm>>
    tpu.enqueue_indirect_dma source(%dma_start3A_123 : memref<10000x128xf32, #tpu.memory_space<hbm>>) target(%arg9 : memref<128x128xf32, #tpu.memory_space<vmem>>) offsets(%dma_start3A_120 : memref<128xi32, #tpu.memory_space<vmem>>) semaphore(%arg13 : memref<!tpu.dma_semaphore, #tpu.memory_space<semaphore_mem>>)
    %scan3A_124 = arith.constant 0 : i32
    %scan3A_125 = arith.constant 0 : i32
    %scan3A_126 = arith.constant 20 : i32
    %scan3A_127 = arith.addi %scan3A_125, %scan3A_126 : i32
    %scan3A_128 = arith.constant 1 : i32
    scf.for %scan3A_148 = %scan3A_125 to %scan3A_127 step %scan3A_128  : i32 {
      %mul3A_149 = arith.constant 2 : i32
      %mul3A_150 = arith.muli %mul3A_149, %scan3A_148 : i32
      %dma_wait3A_151 = arith.constant 0 : i32
      %dma_wait3A_152 = tpu.memref_slice %arg6[%mul3A_150, %dma_wait3A_151] : memref<40x128xi32, #tpu.memory_space<vmem>> -> memref<1x128xi32, #tpu.memory_space<vmem>>
      %dma_wait3A_153 = tpu.memref_squeeze %dma_wait3A_152 : memref<1x128xi32, #tpu.memory_space<vmem>> -> memref<128xi32, #tpu.memory_space<vmem>>
      %dma_wait3A_154 = arith.constant 0 : i32
      %dma_wait3A_155 = arith.constant 0 : i32
      %dma_wait3A_156 = tpu.memref_slice %arg2[%dma_wait3A_154, %dma_wait3A_155] : memref<10000x128xf32, #tpu.memory_space<hbm>> -> memref<10000x128xf32, #tpu.memory_space<hbm>>
      tpu.wait_indirect_dma semaphore(%arg12 : memref<!tpu.dma_semaphore, #tpu.memory_space<semaphore_mem>>) src(%dma_wait3A_156 : memref<10000x128xf32, #tpu.memory_space<hbm>>) dst(%arg8 : memref<128x128xf32, #tpu.memory_space<vmem>>)
      "tpu.region"() ({
        %run_scoped3A = tpu.sem_alloc : memref<!tpu.dma_semaphore, #tpu.memory_space<semaphore_mem>>
        %dma_start3A_176 = arith.constant 0 : i32
        %dma_start3A_177 = tpu.memref_slice %arg7[%mul3A_150, %dma_start3A_176] : memref<40x128xi32, #tpu.memory_space<vmem>> -> memref<1x128xi32, #tpu.memory_space<vmem>>
        %dma_start3A_178 = tpu.memref_squeeze %dma_start3A_177 : memref<1x128xi32, #tpu.memory_space<vmem>> -> memref<128xi32, #tpu.memory_space<vmem>>
        %dma_start3A_179 = arith.constant 0 : i32
        %dma_start3A_180 = arith.constant 0 : i32
        %dma_start3A_181 = tpu.memref_slice %arg11[%dma_start3A_179, %dma_start3A_180] : memref<10016x128xf32, #tpu.memory_space<vmem_shared>> -> memref<10016x128xf32, #tpu.memory_space<vmem_shared>>
        tpu.enqueue_indirect_dma source(%arg8 : memref<128x128xf32, #tpu.memory_space<vmem>>) target(%dma_start3A_181 : memref<10016x128xf32, #tpu.memory_space<vmem_shared>>) offsets(%dma_start3A_178 : memref<128xi32, #tpu.memory_space<vmem>>) semaphore(%run_scoped3A : memref<!tpu.dma_semaphore, #tpu.memory_space<semaphore_mem>>) {add = true}
        %dma_wait3A_182 = arith.constant 0 : i32
        %dma_wait3A_183 = tpu.memref_slice %arg7[%mul3A_150, %dma_wait3A_182] : memref<40x128xi32, #tpu.memory_space<vmem>> -> memref<1x128xi32, #tpu.memory_space<vmem>>
        %dma_wait3A_184 = tpu.memref_squeeze %dma_wait3A_183 : memref<1x128xi32, #tpu.memory_space<vmem>> -> memref<128xi32, #tpu.memory_space<vmem>>
        %dma_wait3A_185 = arith.constant 0 : i32
        %dma_wait3A_186 = arith.constant 0 : i32
        %dma_wait3A_187 = tpu.memref_slice %arg11[%dma_wait3A_185, %dma_wait3A_186] : memref<10016x128xf32, #tpu.memory_space<vmem_shared>> -> memref<10016x128xf32, #tpu.memory_space<vmem_shared>>
        tpu.wait_indirect_dma semaphore(%run_scoped3A : memref<!tpu.dma_semaphore, #tpu.memory_space<semaphore_mem>>) src(%arg8 : memref<128x128xf32, #tpu.memory_space<vmem>>) dst(%dma_wait3A_187 : memref<10016x128xf32, #tpu.memory_space<vmem_shared>>)
        tpu.yield
      }) : () -> ()
      %lt3A = arith.constant 19 : i32
      %lt3A_157 = arith.cmpi slt, %scan3A_148, %lt3A : i32
      %convert_element_type3A_158 = arith.extui %lt3A_157 : i1 to i32
      %cond3A_159 = arith.constant 0 : i32
      %cond3A_160 = arith.cmpi ne, %convert_element_type3A_158, %cond3A_159 : i32
      scf.if %cond3A_160 {
        %add3A_176 = arith.constant 2 : i32
        %add3A_177 = arith.addi %mul3A_150, %add3A_176 : i32
        %dma_start3A_178 = arith.constant 0 : i32
        %dma_start3A_179 = tpu.memref_slice %arg6[%add3A_177, %dma_start3A_178] : memref<40x128xi32, #tpu.memory_space<vmem>> -> memref<1x128xi32, #tpu.memory_space<vmem>>
        %dma_start3A_180 = tpu.memref_squeeze %dma_start3A_179 : memref<1x128xi32, #tpu.memory_space<vmem>> -> memref<128xi32, #tpu.memory_space<vmem>>
        %dma_start3A_181 = arith.constant 0 : i32
        %dma_start3A_182 = arith.constant 0 : i32
        %dma_start3A_183 = tpu.memref_slice %arg2[%dma_start3A_181, %dma_start3A_182] : memref<10000x128xf32, #tpu.memory_space<hbm>> -> memref<10000x128xf32, #tpu.memory_space<hbm>>
        tpu.enqueue_indirect_dma source(%dma_start3A_183 : memref<10000x128xf32, #tpu.memory_space<hbm>>) target(%arg8 : memref<128x128xf32, #tpu.memory_space<vmem>>) offsets(%dma_start3A_180 : memref<128xi32, #tpu.memory_space<vmem>>) semaphore(%arg12 : memref<!tpu.dma_semaphore, #tpu.memory_space<semaphore_mem>>)
      } else {
      }
      %add3A_161 = arith.constant 1 : i32
      %add3A_162 = arith.addi %mul3A_150, %add3A_161 : i32
      %dma_wait3A_163 = arith.constant 0 : i32
      %dma_wait3A_164 = tpu.memref_slice %arg6[%add3A_162, %dma_wait3A_163] : memref<40x128xi32, #tpu.memory_space<vmem>> -> memref<1x128xi32, #tpu.memory_space<vmem>>
      %dma_wait3A_165 = tpu.memref_squeeze %dma_wait3A_164 : memref<1x128xi32, #tpu.memory_space<vmem>> -> memref<128xi32, #tpu.memory_space<vmem>>
      %dma_wait3A_166 = arith.constant 0 : i32
      %dma_wait3A_167 = arith.constant 0 : i32
      %dma_wait3A_168 = tpu.memref_slice %arg2[%dma_wait3A_166, %dma_wait3A_167] : memref<10000x128xf32, #tpu.memory_space<hbm>> -> memref<10000x128xf32, #tpu.memory_space<hbm>>
      tpu.wait_indirect_dma semaphore(%arg13 : memref<!tpu.dma_semaphore, #tpu.memory_space<semaphore_mem>>) src(%dma_wait3A_168 : memref<10000x128xf32, #tpu.memory_space<hbm>>) dst(%arg9 : memref<128x128xf32, #tpu.memory_space<vmem>>)
      %add3A_169 = arith.constant 1 : i32
      %add3A_170 = arith.addi %mul3A_150, %add3A_169 : i32
      "tpu.region"() ({
        %run_scoped3A = tpu.sem_alloc : memref<!tpu.dma_semaphore, #tpu.memory_space<semaphore_mem>>
        %dma_start3A_176 = arith.constant 0 : i32
        %dma_start3A_177 = tpu.memref_slice %arg7[%add3A_170, %dma_start3A_176] : memref<40x128xi32, #tpu.memory_space<vmem>> -> memref<1x128xi32, #tpu.memory_space<vmem>>
        %dma_start3A_178 = tpu.memref_squeeze %dma_start3A_177 : memref<1x128xi32, #tpu.memory_space<vmem>> -> memref<128xi32, #tpu.memory_space<vmem>>
        %dma_start3A_179 = arith.constant 0 : i32
        %dma_start3A_180 = arith.constant 0 : i32
        %dma_start3A_181 = tpu.memref_slice %arg11[%dma_start3A_179, %dma_start3A_180] : memref<10016x128xf32, #tpu.memory_space<vmem_shared>> -> memref<10016x128xf32, #tpu.memory_space<vmem_shared>>
        tpu.enqueue_indirect_dma source(%arg9 : memref<128x128xf32, #tpu.memory_space<vmem>>) target(%dma_start3A_181 : memref<10016x128xf32, #tpu.memory_space<vmem_shared>>) offsets(%dma_start3A_178 : memref<128xi32, #tpu.memory_space<vmem>>) semaphore(%run_scoped3A : memref<!tpu.dma_semaphore, #tpu.memory_space<semaphore_mem>>) {add = true}
        %dma_wait3A_182 = arith.constant 0 : i32
        %dma_wait3A_183 = tpu.memref_slice %arg7[%add3A_170, %dma_wait3A_182] : memref<40x128xi32, #tpu.memory_space<vmem>> -> memref<1x128xi32, #tpu.memory_space<vmem>>
        %dma_wait3A_184 = tpu.memref_squeeze %dma_wait3A_183 : memref<1x128xi32, #tpu.memory_space<vmem>> -> memref<128xi32, #tpu.memory_space<vmem>>
        %dma_wait3A_185 = arith.constant 0 : i32
        %dma_wait3A_186 = arith.constant 0 : i32
        %dma_wait3A_187 = tpu.memref_slice %arg11[%dma_wait3A_185, %dma_wait3A_186] : memref<10016x128xf32, #tpu.memory_space<vmem_shared>> -> memref<10016x128xf32, #tpu.memory_space<vmem_shared>>
        tpu.wait_indirect_dma semaphore(%run_scoped3A : memref<!tpu.dma_semaphore, #tpu.memory_space<semaphore_mem>>) src(%arg9 : memref<128x128xf32, #tpu.memory_space<vmem>>) dst(%dma_wait3A_187 : memref<10016x128xf32, #tpu.memory_space<vmem_shared>>)
        tpu.yield
      }) : () -> ()
      %lt3A_171 = arith.constant 19 : i32
      %lt3A_172 = arith.cmpi slt, %scan3A_148, %lt3A_171 : i32
      %convert_element_type3A_173 = arith.extui %lt3A_172 : i1 to i32
      %cond3A_174 = arith.constant 0 : i32
      %cond3A_175 = arith.cmpi ne, %convert_element_type3A_173, %cond3A_174 : i32
      scf.if %cond3A_175 {
        %add3A_176 = arith.constant 3 : i32
        %add3A_177 = arith.addi %mul3A_150, %add3A_176 : i32
        %dma_start3A_178 = arith.constant 0 : i32
        %dma_start3A_179 = tpu.memref_slice %arg6[%add3A_177, %dma_start3A_178] : memref<40x128xi32, #tpu.memory_space<vmem>> -> memref<1x128xi32, #tpu.memory_space<vmem>>
        %dma_start3A_180 = tpu.memref_squeeze %dma_start3A_179 : memref<1x128xi32, #tpu.memory_space<vmem>> -> memref<128xi32, #tpu.memory_space<vmem>>
        %dma_start3A_181 = arith.constant 0 : i32
        %dma_start3A_182 = arith.constant 0 : i32
        %dma_start3A_183 = tpu.memref_slice %arg2[%dma_start3A_181, %dma_start3A_182] : memref<10000x128xf32, #tpu.memory_space<hbm>> -> memref<10000x128xf32, #tpu.memory_space<hbm>>
        tpu.enqueue_indirect_dma source(%dma_start3A_183 : memref<10000x128xf32, #tpu.memory_space<hbm>>) target(%arg9 : memref<128x128xf32, #tpu.memory_space<vmem>>) offsets(%dma_start3A_180 : memref<128xi32, #tpu.memory_space<vmem>>) semaphore(%arg13 : memref<!tpu.dma_semaphore, #tpu.memory_space<semaphore_mem>>)
      } else {
      }
    }
    %scan3A_129 = arith.constant 20 : i32
    %barrier3A_130 = arith.constant 0 : index
    tpu.barrier barrier_id(%barrier3A_130)
    %mul3A_131 = arith.constant 624 : i32
    %mul3A_132 = arith.muli %arg1, %mul3A_131 : i32
    %add3A_133 = arith.constant 0 : i32
    %add3A_134 = arith.addi %mul3A_132, %add3A_133 : i32
    "tpu.region"() ({
      %run_scoped3A = tpu.sem_alloc : memref<!tpu.dma_semaphore, #tpu.memory_space<semaphore_mem>>
      %dma_start3A_148 = arith.constant 0 : i32
      %dma_start3A_149 = tpu.memref_slice %arg11[%add3A_134, %dma_start3A_148] : memref<10016x128xf32, #tpu.memory_space<vmem_shared>> -> memref<48x128xf32, #tpu.memory_space<vmem_shared>>
      %dma_start3A_150 = arith.constant 0 : i32
      %dma_start3A_151 = tpu.memref_slice %arg11[%add3A_134, %dma_start3A_150] : memref<10016x128xf32, #tpu.memory_space<vmem_shared>> -> memref<48x128xf32, #tpu.memory_space<vmem_shared>>
      tpu.enqueue_dma source(%dma_start3A_151 : memref<48x128xf32, #tpu.memory_space<vmem_shared>>) target(%arg10 : memref<48x128xf32, #tpu.memory_space<vmem>>) target_semaphore(%run_scoped3A : memref<!tpu.dma_semaphore, #tpu.memory_space<semaphore_mem>>)
      %dma_wait3A_152 = arith.constant 0 : i32
      %dma_wait3A_153 = tpu.memref_slice %arg11[%add3A_134, %dma_wait3A_152] : memref<10016x128xf32, #tpu.memory_space<vmem_shared>> -> memref<48x128xf32, #tpu.memory_space<vmem_shared>>
      %dma_wait3A_154 = arith.constant 0 : i32
      %dma_wait3A_155 = tpu.memref_slice %arg11[%add3A_134, %dma_wait3A_154] : memref<10016x128xf32, #tpu.memory_space<vmem_shared>> -> memref<48x128xf32, #tpu.memory_space<vmem_shared>>
      tpu.wait_dma2 semaphore(%run_scoped3A : memref<!tpu.dma_semaphore, #tpu.memory_space<semaphore_mem>>) src(%dma_wait3A_155 : memref<48x128xf32, #tpu.memory_space<vmem_shared>>) dst(%arg10 : memref<48x128xf32, #tpu.memory_space<vmem>>)
      tpu.yield
    }) : () -> ()
    "tpu.region"() ({
      %run_scoped3A = tpu.sem_alloc : memref<!tpu.dma_semaphore, #tpu.memory_space<semaphore_mem>>
      %dma_start3A_148 = arith.constant 0 : i32
      %dma_start3A_149 = tpu.memref_slice %arg5[%arg0, %add3A_134, %dma_start3A_148] : memref<2x10000x128xf32, #tpu.memory_space<hbm>> -> memref<1x48x128xf32, #tpu.memory_space<hbm>>
      %dma_start3A_150 = tpu.memref_squeeze %dma_start3A_149 : memref<1x48x128xf32, #tpu.memory_space<hbm>> -> memref<48x128xf32, #tpu.memory_space<hbm>>
      %dma_start3A_151 = arith.constant 0 : i32
      %dma_start3A_152 = tpu.memref_slice %arg5[%arg0, %add3A_134, %dma_start3A_151] : memref<2x10000x128xf32, #tpu.memory_space<hbm>> -> memref<1x48x128xf32, #tpu.memory_space<hbm>>
      %dma_start3A_153 = tpu.memref_squeeze %dma_start3A_152 : memref<1x48x128xf32, #tpu.memory_space<hbm>> -> memref<48x128xf32, #tpu.memory_space<hbm>>
      tpu.enqueue_dma source(%arg10 : memref<48x128xf32, #tpu.memory_space<vmem>>) target(%dma_start3A_153 : memref<48x128xf32, #tpu.memory_space<hbm>>) target_semaphore(%run_scoped3A : memref<!tpu.dma_semaphore, #tpu.memory_space<semaphore_mem>>)
      %dma_wait3A_154 = arith.constant 0 : i32
      %dma_wait3A_155 = tpu.memref_slice %arg5[%arg0, %add3A_134, %dma_wait3A_154] : memref<2x10000x128xf32, #tpu.memory_space<hbm>> -> memref<1x48x128xf32, #tpu.memory_space<hbm>>
      %dma_wait3A_156 = tpu.memref_squeeze %dma_wait3A_155 : memref<1x48x128xf32, #tpu.memory_space<hbm>> -> memref<48x128xf32, #tpu.memory_space<hbm>>
      %dma_wait3A_157 = arith.constant 0 : i32
      %dma_wait3A_158 = tpu.memref_slice %arg5[%arg0, %add3A_134, %dma_wait3A_157] : memref<2x10000x128xf32, #tpu.memory_space<hbm>> -> memref<1x48x128xf32, #tpu.memory_space<hbm>>
      %dma_wait3A_159 = tpu.memref_squeeze %dma_wait3A_158 : memref<1x48x128xf32, #tpu.memory_space<hbm>> -> memref<48x128xf32, #tpu.memory_space<hbm>>
      tpu.wait_dma2 semaphore(%run_scoped3A : memref<!tpu.dma_semaphore, #tpu.memory_space<semaphore_mem>>) src(%arg10 : memref<48x128xf32, #tpu.memory_space<vmem>>) dst(%dma_wait3A_159 : memref<48x128xf32, #tpu.memory_space<hbm>>)
      tpu.yield
    }) : () -> ()
    %mul3A_135 = arith.constant 624 : i32
    %mul3A_136 = arith.muli %arg1, %mul3A_135 : i32
    %add3A_137 = arith.constant 48 : i32
    %add3A_138 = arith.addi %mul3A_136, %add3A_137 : i32
    "tpu.region"() ({
      %run_scoped3A = tpu.sem_alloc : memref<!tpu.dma_semaphore, #tpu.memory_space<semaphore_mem>>
      %dma_start3A_148 = arith.constant 0 : i32
      %dma_start3A_149 = tpu.memref_slice %arg11[%add3A_138, %dma_start3A_148] : memref<10016x128xf32, #tpu.memory_space<vmem_shared>> -> memref<48x128xf32, #tpu.memory_space<vmem_shared>>
      %dma_start3A_150 = arith.constant 0 : i32
      %dma_start3A_151 = tpu.memref_slice %arg11[%add3A_138, %dma_start3A_150] : memref<10016x128xf32, #tpu.memory_space<vmem_shared>> -> memref<48x128xf32, #tpu.memory_space<vmem_shared>>
      tpu.enqueue_dma source(%dma_start3A_151 : memref<48x128xf32, #tpu.memory_space<vmem_shared>>) target(%arg10 : memref<48x128xf32, #tpu.memory_space<vmem>>) target_semaphore(%run_scoped3A : memref<!tpu.dma_semaphore, #tpu.memory_space<semaphore_mem>>)
      %dma_wait3A_152 = arith.constant 0 : i32
      %dma_wait3A_153 = tpu.memref_slice %arg11[%add3A_138, %dma_wait3A_152] : memref<10016x128xf32, #tpu.memory_space<vmem_shared>> -> memref<48x128xf32, #tpu.memory_space<vmem_shared>>
      %dma_wait3A_154 = arith.constant 0 : i32
      %dma_wait3A_155 = tpu.memref_slice %arg11[%add3A_138, %dma_wait3A_154] : memref<10016x128xf32, #tpu.memory_space<vmem_shared>> -> memref<48x128xf32, #tpu.memory_space<vmem_shared>>
      tpu.wait_dma2 semaphore(%run_scoped3A : memref<!tpu.dma_semaphore, #tpu.memory_space<semaphore_mem>>) src(%dma_wait3A_155 : memref<48x128xf32, #tpu.memory_space<vmem_shared>>) dst(%arg10 : memref<48x128xf32, #tpu.memory_space<vmem>>)
      tpu.yield
    }) : () -> ()
    "tpu.region"() ({
      %run_scoped3A = tpu.sem_alloc : memref<!tpu.dma_semaphore, #tpu.memory_space<semaphore_mem>>
      %dma_start3A_148 = arith.constant 0 : i32
      %dma_start3A_149 = tpu.memref_slice %arg5[%arg0, %add3A_138, %dma_start3A_148] : memref<2x10000x128xf32, #tpu.memory_space<hbm>> -> memref<1x48x128xf32, #tpu.memory_space<hbm>>
      %dma_start3A_150 = tpu.memref_squeeze %dma_start3A_149 : memref<1x48x128xf32, #tpu.memory_space<hbm>> -> memref<48x128xf32, #tpu.memory_space<hbm>>
      %dma_start3A_151 = arith.constant 0 : i32
      %dma_start3A_152 = tpu.memref_slice %arg5[%arg0, %add3A_138, %dma_start3A_151] : memref<2x10000x128xf32, #tpu.memory_space<hbm>> -> memref<1x48x128xf32, #tpu.memory_space<hbm>>
      %dma_start3A_153 = tpu.memref_squeeze %dma_start3A_152 : memref<1x48x128xf32, #tpu.memory_space<hbm>> -> memref<48x128xf32, #tpu.memory_space<hbm>>
      tpu.enqueue_dma source(%arg10 : memref<48x128xf32, #tpu.memory_space<vmem>>) target(%dma_start3A_153 : memref<48x128xf32, #tpu.memory_space<hbm>>) target_semaphore(%run_scoped3A : memref<!tpu.dma_semaphore, #tpu.memory_space<semaphore_mem>>)
      %dma_wait3A_154 = arith.constant 0 : i32
      %dma_wait3A_155 = tpu.memref_slice %arg5[%arg0, %add3A_138, %dma_wait3A_154] : memref<2x10000x128xf32, #tpu.memory_space<hbm>> -> memref<1x48x128xf32, #tpu.memory_space<hbm>>
      %dma_wait3A_156 = tpu.memref_squeeze %dma_wait3A_155 : memref<1x48x128xf32, #tpu.memory_space<hbm>> -> memref<48x128xf32, #tpu.memory_space<hbm>>
      %dma_wait3A_157 = arith.constant 0 : i32
      %dma_wait3A_158 = tpu.memref_slice %arg5[%arg0, %add3A_138, %dma_wait3A_157] : memref<2x10000x128xf32, #tpu.memory_space<hbm>> -> memref<1x48x128xf32, #tpu.memory_space<hbm>>
      %dma_wait3A_159 = tpu.memref_squeeze %dma_wait3A_158 : memref<1x48x128xf32, #tpu.memory_space<hbm>> -> memref<48x128xf32, #tpu.memory_space<hbm>>
      tpu.wait_dma2 semaphore(%run_scoped3A : memref<!tpu.dma_semaphore, #tpu.memory_space<semaphore_mem>>) src(%arg10 : memref<48x128xf32, #tpu.memory_space<vmem>>) dst(%dma_wait3A_159 : memref<48x128xf32, #tpu.memory_space<hbm>>)
      tpu.yield
    }) : () -> ()
    %mul3A_139 = arith.constant 624 : i32
    %mul3A_140 = arith.muli %arg1, %mul3A_139 : i32
    %add3A_141 = arith.constant 96 : i32
    %add3A_142 = arith.addi %mul3A_140, %add3A_141 : i32
    "tpu.region"() ({
      %run_scoped3A = tpu.sem_alloc : memref<!tpu.dma_semaphore, #tpu.memory_space<semaphore_mem>>
      %dma_start3A_148 = arith.constant 0 : i32
      %dma_start3A_149 = tpu.memref_slice %arg11[%add3A_142, %dma_start3A_148] : memref<10016x128xf32, #tpu.memory_space<vmem_shared>> -> memref<48x128xf32, #tpu.memory_space<vmem_shared>>
      %dma_start3A_150 = arith.constant 0 : i32
      %dma_start3A_151 = tpu.memref_slice %arg11[%add3A_142, %dma_start3A_150] : memref<10016x128xf32, #tpu.memory_space<vmem_shared>> -> memref<48x128xf32, #tpu.memory_space<vmem_shared>>
      tpu.enqueue_dma source(%dma_start3A_151 : memref<48x128xf32, #tpu.memory_space<vmem_shared>>) target(%arg10 : memref<48x128xf32, #tpu.memory_space<vmem>>) target_semaphore(%run_scoped3A : memref<!tpu.dma_semaphore, #tpu.memory_space<semaphore_mem>>)
      %dma_wait3A_152 = arith.constant 0 : i32
      %dma_wait3A_153 = tpu.memref_slice %arg11[%add3A_142, %dma_wait3A_152] : memref<10016x128xf32, #tpu.memory_space<vmem_shared>> -> memref<48x128xf32, #tpu.memory_space<vmem_shared>>
      %dma_wait3A_154 = arith.constant 0 : i32
      %dma_wait3A_155 = tpu.memref_slice %arg11[%add3A_142, %dma_wait3A_154] : memref<10016x128xf32, #tpu.memory_space<vmem_shared>> -> memref<48x128xf32, #tpu.memory_space<vmem_shared>>
      tpu.wait_dma2 semaphore(%run_scoped3A : memref<!tpu.dma_semaphore, #tpu.memory_space<semaphore_mem>>) src(%dma_wait3A_155 : memref<48x128xf32, #tpu.memory_space<vmem_shared>>) dst(%arg10 : memref<48x128xf32, #tpu.memory_space<vmem>>)
      tpu.yield
    }) : () -> ()
    "tpu.region"() ({
      %run_scoped3A = tpu.sem_alloc : memref<!tpu.dma_semaphore, #tpu.memory_space<semaphore_mem>>
      %dma_start3A_148 = arith.constant 0 : i32
      %dma_start3A_149 = tpu.memref_slice %arg5[%arg0, %add3A_142, %dma_start3A_148] : memref<2x10000x128xf32, #tpu.memory_space<hbm>> -> memref<1x48x128xf32, #tpu.memory_space<hbm>>
      %dma_start3A_150 = tpu.memref_squeeze %dma_start3A_149 : memref<1x48x128xf32, #tpu.memory_space<hbm>> -> memref<48x128xf32, #tpu.memory_space<hbm>>
      %dma_start3A_151 = arith.constant 0 : i32
      %dma_start3A_152 = tpu.memref_slice %arg5[%arg0, %add3A_142, %dma_start3A_151] : memref<2x10000x128xf32, #tpu.memory_space<hbm>> -> memref<1x48x128xf32, #tpu.memory_space<hbm>>
      %dma_start3A_153 = tpu.memref_squeeze %dma_start3A_152 : memref<1x48x128xf32, #tpu.memory_space<hbm>> -> memref<48x128xf32, #tpu.memory_space<hbm>>
      tpu.enqueue_dma source(%arg10 : memref<48x128xf32, #tpu.memory_space<vmem>>) target(%dma_start3A_153 : memref<48x128xf32, #tpu.memory_space<hbm>>) target_semaphore(%run_scoped3A : memref<!tpu.dma_semaphore, #tpu.memory_space<semaphore_mem>>)
      %dma_wait3A_154 = arith.constant 0 : i32
      %dma_wait3A_155 = tpu.memref_slice %arg5[%arg0, %add3A_142, %dma_wait3A_154] : memref<2x10000x128xf32, #tpu.memory_space<hbm>> -> memref<1x48x128xf32, #tpu.memory_space<hbm>>
      %dma_wait3A_156 = tpu.memref_squeeze %dma_wait3A_155 : memref<1x48x128xf32, #tpu.memory_space<hbm>> -> memref<48x128xf32, #tpu.memory_space<hbm>>
      %dma_wait3A_157 = arith.constant 0 : i32
      %dma_wait3A_158 = tpu.memref_slice %arg5[%arg0, %add3A_142, %dma_wait3A_157] : memref<2x10000x128xf32, #tpu.memory_space<hbm>> -> memref<1x48x128xf32, #tpu.memory_space<hbm>>
      %dma_wait3A_159 = tpu.memref_squeeze %dma_wait3A_158 : memref<1x48x128xf32, #tpu.memory_space<hbm>> -> memref<48x128xf32, #tpu.memory_space<hbm>>
      tpu.wait_dma2 semaphore(%run_scoped3A : memref<!tpu.dma_semaphore, #tpu.memory_space<semaphore_mem>>) src(%arg10 : memref<48x128xf32, #tpu.memory_space<vmem>>) dst(%dma_wait3A_159 : memref<48x128xf32, #tpu.memory_space<hbm>>)
      tpu.yield
    }) : () -> ()
    %eq3A_143 = arith.constant 15 : i32
    %eq3A_144 = arith.cmpi eq, %arg1, %eq3A_143 : i32
    %convert_element_type3A_145 = arith.extui %eq3A_144 : i1 to i32
    %cond3A_146 = arith.constant 0 : i32
    %cond3A_147 = arith.cmpi ne, %convert_element_type3A_145, %cond3A_146 : i32
    scf.if %cond3A_147 {
      "tpu.region"() ({
        %run_scoped3A = tpu.sem_alloc : memref<!tpu.dma_semaphore, #tpu.memory_space<semaphore_mem>>
        %dma_start3A_148 = arith.constant 0 : i32
        %dma_start3A_149 = arith.constant 0 : i32
        %dma_start3A_150 = tpu.memref_slice %arg10[%dma_start3A_148, %dma_start3A_149] : memref<48x128xf32, #tpu.memory_space<vmem>> -> memref<16x128xf32, #tpu.memory_space<vmem>>
        %dma_start3A_151 = arith.constant 9984 : i32
        %dma_start3A_152 = arith.constant 0 : i32
        %dma_start3A_153 = tpu.memref_slice %arg11[%dma_start3A_151, %dma_start3A_152] : memref<10016x128xf32, #tpu.memory_space<vmem_shared>> -> memref<16x128xf32, #tpu.memory_space<vmem_shared>>
        %dma_start3A_154 = arith.constant 0 : i32
        %dma_start3A_155 = arith.constant 0 : i32
        %dma_start3A_156 = tpu.memref_slice %arg10[%dma_start3A_154, %dma_start3A_155] : memref<48x128xf32, #tpu.memory_space<vmem>> -> memref<16x128xf32, #tpu.memory_space<vmem>>
        %dma_start3A_157 = arith.constant 9984 : i32
        %dma_start3A_158 = arith.constant 0 : i32
        %dma_start3A_159 = tpu.memref_slice %arg11[%dma_start3A_157, %dma_start3A_158] : memref<10016x128xf32, #tpu.memory_space<vmem_shared>> -> memref<16x128xf32, #tpu.memory_space<vmem_shared>>
        tpu.enqueue_dma source(%dma_start3A_159 : memref<16x128xf32, #tpu.memory_space<vmem_shared>>) target(%dma_start3A_156 : memref<16x128xf32, #tpu.memory_space<vmem>>) target_semaphore(%run_scoped3A : memref<!tpu.dma_semaphore, #tpu.memory_space<semaphore_mem>>)
        %dma_wait3A_160 = arith.constant 0 : i32
        %dma_wait3A_161 = arith.constant 0 : i32
        %dma_wait3A_162 = tpu.memref_slice %arg10[%dma_wait3A_160, %dma_wait3A_161] : memref<48x128xf32, #tpu.memory_space<vmem>> -> memref<16x128xf32, #tpu.memory_space<vmem>>
        %dma_wait3A_163 = arith.constant 9984 : i32
        %dma_wait3A_164 = arith.constant 0 : i32
        %dma_wait3A_165 = tpu.memref_slice %arg11[%dma_wait3A_163, %dma_wait3A_164] : memref<10016x128xf32, #tpu.memory_space<vmem_shared>> -> memref<16x128xf32, #tpu.memory_space<vmem_shared>>
        %dma_wait3A_166 = arith.constant 0 : i32
        %dma_wait3A_167 = arith.constant 0 : i32
        %dma_wait3A_168 = tpu.memref_slice %arg10[%dma_wait3A_166, %dma_wait3A_167] : memref<48x128xf32, #tpu.memory_space<vmem>> -> memref<16x128xf32, #tpu.memory_space<vmem>>
        %dma_wait3A_169 = arith.constant 9984 : i32
        %dma_wait3A_170 = arith.constant 0 : i32
        %dma_wait3A_171 = tpu.memref_slice %arg11[%dma_wait3A_169, %dma_wait3A_170] : memref<10016x128xf32, #tpu.memory_space<vmem_shared>> -> memref<16x128xf32, #tpu.memory_space<vmem_shared>>
        tpu.wait_dma2 semaphore(%run_scoped3A : memref<!tpu.dma_semaphore, #tpu.memory_space<semaphore_mem>>) src(%dma_wait3A_171 : memref<16x128xf32, #tpu.memory_space<vmem_shared>>) dst(%dma_wait3A_168 : memref<16x128xf32, #tpu.memory_space<vmem>>)
        tpu.yield
      }) : () -> ()
      "tpu.region"() ({
        %run_scoped3A = tpu.sem_alloc : memref<!tpu.dma_semaphore, #tpu.memory_space<semaphore_mem>>
        %dma_start3A_148 = arith.constant 0 : i32
        %dma_start3A_149 = arith.constant 0 : i32
        %dma_start3A_150 = tpu.memref_slice %arg10[%dma_start3A_148, %dma_start3A_149] : memref<48x128xf32, #tpu.memory_space<vmem>> -> memref<16x128xf32, #tpu.memory_space<vmem>>
        %dma_start3A_151 = arith.constant 9984 : i32
        %dma_start3A_152 = arith.constant 0 : i32
        %dma_start3A_153 = tpu.memref_slice %arg5[%arg0, %dma_start3A_151, %dma_start3A_152] : memref<2x10000x128xf32, #tpu.memory_space<hbm>> -> memref<1x16x128xf32, #tpu.memory_space<hbm>>
        %dma_start3A_154 = tpu.memref_squeeze %dma_start3A_153 : memref<1x16x128xf32, #tpu.memory_space<hbm>> -> memref<16x128xf32, #tpu.memory_space<hbm>>
        %dma_start3A_155 = arith.constant 9984 : i32
        %dma_start3A_156 = arith.constant 0 : i32
        %dma_start3A_157 = tpu.memref_slice %arg5[%arg0, %dma_start3A_155, %dma_start3A_156] : memref<2x10000x128xf32, #tpu.memory_space<hbm>> -> memref<1x16x128xf32, #tpu.memory_space<hbm>>
        %dma_start3A_158 = tpu.memref_squeeze %dma_start3A_157 : memref<1x16x128xf32, #tpu.memory_space<hbm>> -> memref<16x128xf32, #tpu.memory_space<hbm>>
        %dma_start3A_159 = arith.constant 0 : i32
        %dma_start3A_160 = arith.constant 0 : i32
        %dma_start3A_161 = tpu.memref_slice %arg10[%dma_start3A_159, %dma_start3A_160] : memref<48x128xf32, #tpu.memory_space<vmem>> -> memref<16x128xf32, #tpu.memory_space<vmem>>
        tpu.enqueue_dma source(%dma_start3A_161 : memref<16x128xf32, #tpu.memory_space<vmem>>) target(%dma_start3A_158 : memref<16x128xf32, #tpu.memory_space<hbm>>) target_semaphore(%run_scoped3A : memref<!tpu.dma_semaphore, #tpu.memory_space<semaphore_mem>>)
        %dma_wait3A_162 = arith.constant 0 : i32
        %dma_wait3A_163 = arith.constant 0 : i32
        %dma_wait3A_164 = tpu.memref_slice %arg10[%dma_wait3A_162, %dma_wait3A_163] : memref<48x128xf32, #tpu.memory_space<vmem>> -> memref<16x128xf32, #tpu.memory_space<vmem>>
        %dma_wait3A_165 = arith.constant 9984 : i32
        %dma_wait3A_166 = arith.constant 0 : i32
        %dma_wait3A_167 = tpu.memref_slice %arg5[%arg0, %dma_wait3A_165, %dma_wait3A_166] : memref<2x10000x128xf32, #tpu.memory_space<hbm>> -> memref<1x16x128xf32, #tpu.memory_space<hbm>>
        %dma_wait3A_168 = tpu.memref_squeeze %dma_wait3A_167 : memref<1x16x128xf32, #tpu.memory_space<hbm>> -> memref<16x128xf32, #tpu.memory_space<hbm>>
        %dma_wait3A_169 = arith.constant 9984 : i32
        %dma_wait3A_170 = arith.constant 0 : i32
        %dma_wait3A_171 = tpu.memref_slice %arg5[%arg0, %dma_wait3A_169, %dma_wait3A_170] : memref<2x10000x128xf32, #tpu.memory_space<hbm>> -> memref<1x16x128xf32, #tpu.memory_space<hbm>>
        %dma_wait3A_172 = tpu.memref_squeeze %dma_wait3A_171 : memref<1x16x128xf32, #tpu.memory_space<hbm>> -> memref<16x128xf32, #tpu.memory_space<hbm>>
        %dma_wait3A_173 = arith.constant 0 : i32
        %dma_wait3A_174 = arith.constant 0 : i32
        %dma_wait3A_175 = tpu.memref_slice %arg10[%dma_wait3A_173, %dma_wait3A_174] : memref<48x128xf32, #tpu.memory_space<vmem>> -> memref<16x128xf32, #tpu.memory_space<vmem>>
        tpu.wait_dma2 semaphore(%run_scoped3A : memref<!tpu.dma_semaphore, #tpu.memory_space<semaphore_mem>>) src(%dma_wait3A_175 : memref<16x128xf32, #tpu.memory_space<vmem>>) dst(%dma_wait3A_172 : memref<16x128xf32, #tpu.memory_space<hbm>>)
        tpu.yield
      }) : () -> ()
    } else {
    }
    return
  }
}

#map = affine_map<(d0, d1) -> (0, 0)>
#map1 = affine_map<(d0, d1) -> (0, 0, 0)>
module attributes {stable_mosaic.version = 14 : i64} {
  func.func @agg(%arg0: i32, %arg1: i32, %arg2: memref<10000x128xf32, #tpu.memory_space<hbm>>, %arg3: memref<32x80x128xi32, #tpu.memory_space<hbm>>, %arg4: memref<32x80x128xi32, #tpu.memory_space<hbm>>, %arg5: memref<2x10000x128xf32, #tpu.memory_space<hbm>>, %arg6: memref<40x128xi32, #tpu.memory_space<vmem>>, %arg7: memref<40x128xi32, #tpu.memory_space<vmem>>, %arg8: memref<128x128xf32, #tpu.memory_space<vmem>>, %arg9: memref<128x128xf32, #tpu.memory_space<vmem>>, %arg10: memref<48x128xf32, #tpu.memory_space<vmem>>, %arg11: memref<10016x128xf32, #tpu.memory_space<vmem_shared>>, %arg12: memref<!tpu.dma_semaphore, #tpu.memory_space<semaphore_mem>>, %arg13: memref<!tpu.dma_semaphore, #tpu.memory_space<semaphore_mem>>, %arg14: memref<!tpu.dma_semaphore, #tpu.memory_space<semaphore_mem>>) attributes {dimension_semantics = [#tpu.dimension_semantics<core_parallel>, #tpu.dimension_semantics<subcore_parallel>], iteration_bounds = array<i64: 2, 16>, scalar_prefetch = 0 : i64, scratch_operands = 9 : i64, tpu.core_type = #tpu.core_type<sc_vector_subcore>, window_params = [{transform_indices = #map}, {transform_indices = #map1}, {transform_indices = #map1}, {transform_indices = #map1}]} {
    %mul3A = arith.constant 2 : i32
    %mul3A_0 = arith.muli %arg1, %mul3A : i32
    %add3A = arith.addi %mul3A_0, %arg0 : i32
    %dma_start3A = arith.constant 0 : i32
    %dma_start3A_1 = arith.constant 0 : i32
    %dma_start3A_2 = tpu.memref_slice %arg3[%add3A, %dma_start3A, %dma_start3A_1] : memref<32x80x128xi32, #tpu.memory_space<hbm>> -> memref<1x40x128xi32, #tpu.memory_space<hbm>>
    %dma_start3A_3 = tpu.memref_squeeze %dma_start3A_2 : memref<1x40x128xi32, #tpu.memory_space<hbm>> -> memref<40x128xi32, #tpu.memory_space<hbm>>
    %dma_start3A_4 = arith.constant 0 : i32
    %dma_start3A_5 = arith.constant 0 : i32
    %dma_start3A_6 = tpu.memref_slice %arg3[%add3A, %dma_start3A_4, %dma_start3A_5] : memref<32x80x128xi32, #tpu.memory_space<hbm>> -> memref<1x40x128xi32, #tpu.memory_space<hbm>>
    %dma_start3A_7 = tpu.memref_squeeze %dma_start3A_6 : memref<1x40x128xi32, #tpu.memory_space<hbm>> -> memref<40x128xi32, #tpu.memory_space<hbm>>
    tpu.enqueue_dma source(%dma_start3A_7 : memref<40x128xi32, #tpu.memory_space<hbm>>) target(%arg6 : memref<40x128xi32, #tpu.memory_space<vmem>>) target_semaphore(%arg14 : memref<!tpu.dma_semaphore, #tpu.memory_space<semaphore_mem>>)
    %dma_start3A_8 = arith.constant 0 : i32
    %dma_start3A_9 = arith.constant 0 : i32
    %dma_start3A_10 = tpu.memref_slice %arg4[%add3A, %dma_start3A_8, %dma_start3A_9] : memref<32x80x128xi32, #tpu.memory_space<hbm>> -> memref<1x40x128xi32, #tpu.memory_space<hbm>>
    %dma_start3A_11 = tpu.memref_squeeze %dma_start3A_10 : memref<1x40x128xi32, #tpu.memory_space<hbm>> -> memref<40x128xi32, #tpu.memory_space<hbm>>
    %dma_start3A_12 = arith.constant 0 : i32
    %dma_start3A_13 = arith.constant 0 : i32
    %dma_start3A_14 = tpu.memref_slice %arg4[%add3A, %dma_start3A_12, %dma_start3A_13] : memref<32x80x128xi32, #tpu.memory_space<hbm>> -> memref<1x40x128xi32, #tpu.memory_space<hbm>>
    %dma_start3A_15 = tpu.memref_squeeze %dma_start3A_14 : memref<1x40x128xi32, #tpu.memory_space<hbm>> -> memref<40x128xi32, #tpu.memory_space<hbm>>
    tpu.enqueue_dma source(%dma_start3A_15 : memref<40x128xi32, #tpu.memory_space<hbm>>) target(%arg7 : memref<40x128xi32, #tpu.memory_space<vmem>>) target_semaphore(%arg14 : memref<!tpu.dma_semaphore, #tpu.memory_space<semaphore_mem>>)
    %scan3A = arith.constant 0 : i32
    %scan3A_16 = arith.constant 0 : i32
    %scan3A_17 = arith.constant 48 : i32
    %scan3A_18 = arith.addi %scan3A_16, %scan3A_17 : i32
    %scan3A_19 = arith.constant 1 : i32
    scf.for %scan3A_148 = %scan3A_16 to %scan3A_18 step %scan3A_19  : i32 {
      %broadcast_in_dim3A = arith.constant 0.000000e+00 : f32
      %broadcast_in_dim3A_149 = vector.broadcast %broadcast_in_dim3A : f32 to vector<16xf32>
      %swap3A = arith.index_cast %scan3A_148 : i32 to index
      %swap3A_150 = arith.constant 0 : index
      %swap3A_151 = tpu.vector_load %arg10[%swap3A, %swap3A_150] {strides = array<i32>} : memref<48x128xf32, #tpu.memory_space<vmem>>, vector<1x16xf32>,
      %swap3A_152 = vector.shape_cast %swap3A_151 : vector<1x16xf32> to vector<16xf32>
      %swap3A_153 = vector.shape_cast %broadcast_in_dim3A_149 : vector<16xf32> to vector<1x16xf32>
      tpu.vector_store %arg10[%swap3A, %swap3A_150], %swap3A_153 {strides = array<i32>} : memref<48x128xf32, #tpu.memory_space<vmem>>, vector<1x16xf32>,
      %broadcast_in_dim3A_154 = arith.constant 0.000000e+00 : f32
      %broadcast_in_dim3A_155 = vector.broadcast %broadcast_in_dim3A_154 : f32 to vector<16xf32>
      %swap3A_156 = arith.index_cast %scan3A_148 : i32 to index
      %swap3A_157 = arith.constant 16 : index
      %swap3A_158 = tpu.vector_load %arg10[%swap3A_156, %swap3A_157] {strides = array<i32>} : memref<48x128xf32, #tpu.memory_space<vmem>>, vector<1x16xf32>,
      %swap3A_159 = vector.shape_cast %swap3A_158 : vector<1x16xf32> to vector<16xf32>
      %swap3A_160 = vector.shape_cast %broadcast_in_dim3A_155 : vector<16xf32> to vector<1x16xf32>
      tpu.vector_store %arg10[%swap3A_156, %swap3A_157], %swap3A_160 {strides = array<i32>} : memref<48x128xf32, #tpu.memory_space<vmem>>, vector<1x16xf32>,
      %broadcast_in_dim3A_161 = arith.constant 0.000000e+00 : f32
      %broadcast_in_dim3A_162 = vector.broadcast %broadcast_in_dim3A_161 : f32 to vector<16xf32>
      %swap3A_163 = arith.index_cast %scan3A_148 : i32 to index
      %swap3A_164 = arith.constant 32 : index
      %swap3A_165 = tpu.vector_load %arg10[%swap3A_163, %swap3A_164] {strides = array<i32>} : memref<48x128xf32, #tpu.memory_space<vmem>>, vector<1x16xf32>,
      %swap3A_166 = vector.shape_cast %swap3A_165 : vector<1x16xf32> to vector<16xf32>
      %swap3A_167 = vector.shape_cast %broadcast_in_dim3A_162 : vector<16xf32> to vector<1x16xf32>
      tpu.vector_store %arg10[%swap3A_163, %swap3A_164], %swap3A_167 {strides = array<i32>} : memref<48x128xf32, #tpu.memory_space<vmem>>, vector<1x16xf32>,
      %broadcast_in_dim3A_168 = arith.constant 0.000000e+00 : f32
      %broadcast_in_dim3A_169 = vector.broadcast %broadcast_in_dim3A_168 : f32 to vector<16xf32>
      %swap3A_170 = arith.index_cast %scan3A_148 : i32 to index
      %swap3A_171 = arith.constant 48 : index
      %swap3A_172 = tpu.vector_load %arg10[%swap3A_170, %swap3A_171] {strides = array<i32>} : memref<48x128xf32, #tpu.memory_space<vmem>>, vector<1x16xf32>,
      %swap3A_173 = vector.shape_cast %swap3A_172 : vector<1x16xf32> to vector<16xf32>
      %swap3A_174 = vector.shape_cast %broadcast_in_dim3A_169 : vector<16xf32> to vector<1x16xf32>
      tpu.vector_store %arg10[%swap3A_170, %swap3A_171], %swap3A_174 {strides = array<i32>} : memref<48x128xf32, #tpu.memory_space<vmem>>, vector<1x16xf32>,
      %broadcast_in_dim3A_175 = arith.constant 0.000000e+00 : f32
      %broadcast_in_dim3A_176 = vector.broadcast %broadcast_in_dim3A_175 : f32 to vector<16xf32>
      %swap3A_177 = arith.index_cast %scan3A_148 : i32 to index
      %swap3A_178 = arith.constant 64 : index
      %swap3A_179 = tpu.vector_load %arg10[%swap3A_177, %swap3A_178] {strides = array<i32>} : memref<48x128xf32, #tpu.memory_space<vmem>>, vector<1x16xf32>,
      %swap3A_180 = vector.shape_cast %swap3A_179 : vector<1x16xf32> to vector<16xf32>
      %swap3A_181 = vector.shape_cast %broadcast_in_dim3A_176 : vector<16xf32> to vector<1x16xf32>
      tpu.vector_store %arg10[%swap3A_177, %swap3A_178], %swap3A_181 {strides = array<i32>} : memref<48x128xf32, #tpu.memory_space<vmem>>, vector<1x16xf32>,
      %broadcast_in_dim3A_182 = arith.constant 0.000000e+00 : f32
      %broadcast_in_dim3A_183 = vector.broadcast %broadcast_in_dim3A_182 : f32 to vector<16xf32>
      %swap3A_184 = arith.index_cast %scan3A_148 : i32 to index
      %swap3A_185 = arith.constant 80 : index
      %swap3A_186 = tpu.vector_load %arg10[%swap3A_184, %swap3A_185] {strides = array<i32>} : memref<48x128xf32, #tpu.memory_space<vmem>>, vector<1x16xf32>,
      %swap3A_187 = vector.shape_cast %swap3A_186 : vector<1x16xf32> to vector<16xf32>
      %swap3A_188 = vector.shape_cast %broadcast_in_dim3A_183 : vector<16xf32> to vector<1x16xf32>
      tpu.vector_store %arg10[%swap3A_184, %swap3A_185], %swap3A_188 {strides = array<i32>} : memref<48x128xf32, #tpu.memory_space<vmem>>, vector<1x16xf32>,
      %broadcast_in_dim3A_189 = arith.constant 0.000000e+00 : f32
      %broadcast_in_dim3A_190 = vector.broadcast %broadcast_in_dim3A_189 : f32 to vector<16xf32>
      %swap3A_191 = arith.index_cast %scan3A_148 : i32 to index
      %swap3A_192 = arith.constant 96 : index
      %swap3A_193 = tpu.vector_load %arg10[%swap3A_191, %swap3A_192] {strides = array<i32>} : memref<48x128xf32, #tpu.memory_space<vmem>>, vector<1x16xf32>,
      %swap3A_194 = vector.shape_cast %swap3A_193 : vector<1x16xf32> to vector<16xf32>
      %swap3A_195 = vector.shape_cast %broadcast_in_dim3A_190 : vector<16xf32> to vector<1x16xf32>
      tpu.vector_store %arg10[%swap3A_191, %swap3A_192], %swap3A_195 {strides = array<i32>} : memref<48x128xf32, #tpu.memory_space<vmem>>, vector<1x16xf32>,
      %broadcast_in_dim3A_196 = arith.constant 0.000000e+00 : f32
      %broadcast_in_dim3A_197 = vector.broadcast %broadcast_in_dim3A_196 : f32 to vector<16xf32>
      %swap3A_198 = arith.index_cast %scan3A_148 : i32 to index
      %swap3A_199 = arith.constant 112 : index
      %swap3A_200 = tpu.vector_load %arg10[%swap3A_198, %swap3A_199] {strides = array<i32>} : memref<48x128xf32, #tpu.memory_space<vmem>>, vector<1x16xf32>,
      %swap3A_201 = vector.shape_cast %swap3A_200 : vector<1x16xf32> to vector<16xf32>
      %swap3A_202 = vector.shape_cast %broadcast_in_dim3A_197 : vector<16xf32> to vector<1x16xf32>
      tpu.vector_store %arg10[%swap3A_198, %swap3A_199], %swap3A_202 {strides = array<i32>} : memref<48x128xf32, #tpu.memory_space<vmem>>, vector<1x16xf32>,
    }
    %scan3A_20 = arith.constant 48 : i32
    %mul3A_21 = arith.constant 624 : i32
    %mul3A_22 = arith.muli %arg1, %mul3A_21 : i32
    %add3A_23 = arith.constant 0 : i32
    %add3A_24 = arith.addi %mul3A_22, %add3A_23 : i32
    "tpu.region"() ({
      %run_scoped3A = tpu.sem_alloc : memref<!tpu.dma_semaphore, #tpu.memory_space<semaphore_mem>>
      %dma_start3A_148 = arith.constant 0 : i32
      %dma_start3A_149 = tpu.memref_slice %arg11[%add3A_24, %dma_start3A_148] : memref<10016x128xf32, #tpu.memory_space<vmem_shared>> -> memref<48x128xf32, #tpu.memory_space<vmem_shared>>
      %dma_start3A_150 = arith.constant 0 : i32
      %dma_start3A_151 = tpu.memref_slice %arg11[%add3A_24, %dma_start3A_150] : memref<10016x128xf32, #tpu.memory_space<vmem_shared>> -> memref<48x128xf32, #tpu.memory_space<vmem_shared>>
      tpu.enqueue_dma source(%arg10 : memref<48x128xf32, #tpu.memory_space<vmem>>) target(%dma_start3A_151 : memref<48x128xf32, #tpu.memory_space<vmem_shared>>) target_semaphore(%run_scoped3A : memref<!tpu.dma_semaphore, #tpu.memory_space<semaphore_mem>>)
      %dma_wait3A_152 = arith.constant 0 : i32
      %dma_wait3A_153 = tpu.memref_slice %arg11[%add3A_24, %dma_wait3A_152] : memref<10016x128xf32, #tpu.memory_space<vmem_shared>> -> memref<48x128xf32, #tpu.memory_space<vmem_shared>>
      %dma_wait3A_154 = arith.constant 0 : i32
      %dma_wait3A_155 = tpu.memref_slice %arg11[%add3A_24, %dma_wait3A_154] : memref<10016x128xf32, #tpu.memory_space<vmem_shared>> -> memref<48x128xf32, #tpu.memory_space<vmem_shared>>
      tpu.wait_dma2 semaphore(%run_scoped3A : memref<!tpu.dma_semaphore, #tpu.memory_space<semaphore_mem>>) src(%arg10 : memref<48x128xf32, #tpu.memory_space<vmem>>) dst(%dma_wait3A_155 : memref<48x128xf32, #tpu.memory_space<vmem_shared>>)
      tpu.yield
    }) : () -> ()
    %mul3A_25 = arith.constant 624 : i32
    %mul3A_26 = arith.muli %arg1, %mul3A_25 : i32
    %add3A_27 = arith.constant 48 : i32
    %add3A_28 = arith.addi %mul3A_26, %add3A_27 : i32
    "tpu.region"() ({
      %run_scoped3A = tpu.sem_alloc : memref<!tpu.dma_semaphore, #tpu.memory_space<semaphore_mem>>
      %dma_start3A_148 = arith.constant 0 : i32
      %dma_start3A_149 = tpu.memref_slice %arg11[%add3A_28, %dma_start3A_148] : memref<10016x128xf32, #tpu.memory_space<vmem_shared>> -> memref<48x128xf32, #tpu.memory_space<vmem_shared>>
      %dma_start3A_150 = arith.constant 0 : i32
      %dma_start3A_151 = tpu.memref_slice %arg11[%add3A_28, %dma_start3A_150] : memref<10016x128xf32, #tpu.memory_space<vmem_shared>> -> memref<48x128xf32, #tpu.memory_space<vmem_shared>>
      tpu.enqueue_dma source(%arg10 : memref<48x128xf32, #tpu.memory_space<vmem>>) target(%dma_start3A_151 : memref<48x128xf32, #tpu.memory_space<vmem_shared>>) target_semaphore(%run_scoped3A : memref<!tpu.dma_semaphore, #tpu.memory_space<semaphore_mem>>)
      %dma_wait3A_152 = arith.constant 0 : i32
      %dma_wait3A_153 = tpu.memref_slice %arg11[%add3A_28, %dma_wait3A_152] : memref<10016x128xf32, #tpu.memory_space<vmem_shared>> -> memref<48x128xf32, #tpu.memory_space<vmem_shared>>
      %dma_wait3A_154 = arith.constant 0 : i32
      %dma_wait3A_155 = tpu.memref_slice %arg11[%add3A_28, %dma_wait3A_154] : memref<10016x128xf32, #tpu.memory_space<vmem_shared>> -> memref<48x128xf32, #tpu.memory_space<vmem_shared>>
      tpu.wait_dma2 semaphore(%run_scoped3A : memref<!tpu.dma_semaphore, #tpu.memory_space<semaphore_mem>>) src(%arg10 : memref<48x128xf32, #tpu.memory_space<vmem>>) dst(%dma_wait3A_155 : memref<48x128xf32, #tpu.memory_space<vmem_shared>>)
      tpu.yield
    }) : () -> ()
    %mul3A_29 = arith.constant 624 : i32
    %mul3A_30 = arith.muli %arg1, %mul3A_29 : i32
    %add3A_31 = arith.constant 96 : i32
    %add3A_32 = arith.addi %mul3A_30, %add3A_31 : i32
    "tpu.region"() ({
      %run_scoped3A = tpu.sem_alloc : memref<!tpu.dma_semaphore, #tpu.memory_space<semaphore_mem>>
      %dma_start3A_148 = arith.constant 0 : i32
      %dma_start3A_149 = tpu.memref_slice %arg11[%add3A_32, %dma_start3A_148] : memref<10016x128xf32, #tpu.memory_space<vmem_shared>> -> memref<48x128xf32, #tpu.memory_space<vmem_shared>>
      %dma_start3A_150 = arith.constant 0 : i32
      %dma_start3A_151 = tpu.memref_slice %arg11[%add3A_32, %dma_start3A_150] : memref<10016x128xf32, #tpu.memory_space<vmem_shared>> -> memref<48x128xf32, #tpu.memory_space<vmem_shared>>
      tpu.enqueue_dma source(%arg10 : memref<48x128xf32, #tpu.memory_space<vmem>>) target(%dma_start3A_151 : memref<48x128xf32, #tpu.memory_space<vmem_shared>>) target_semaphore(%run_scoped3A : memref<!tpu.dma_semaphore, #tpu.memory_space<semaphore_mem>>)
      %dma_wait3A_152 = arith.constant 0 : i32
      %dma_wait3A_153 = tpu.memref_slice %arg11[%add3A_32, %dma_wait3A_152] : memref<10016x128xf32, #tpu.memory_space<vmem_shared>> -> memref<48x128xf32, #tpu.memory_space<vmem_shared>>
      %dma_wait3A_154 = arith.constant 0 : i32
      %dma_wait3A_155 = tpu.memref_slice %arg11[%add3A_32, %dma_wait3A_154] : memref<10016x128xf32, #tpu.memory_space<vmem_shared>> -> memref<48x128xf32, #tpu.memory_space<vmem_shared>>
      tpu.wait_dma2 semaphore(%run_scoped3A : memref<!tpu.dma_semaphore, #tpu.memory_space<semaphore_mem>>) src(%arg10 : memref<48x128xf32, #tpu.memory_space<vmem>>) dst(%dma_wait3A_155 : memref<48x128xf32, #tpu.memory_space<vmem_shared>>)
      tpu.yield
    }) : () -> ()
    %mul3A_33 = arith.constant 624 : i32
    %mul3A_34 = arith.muli %arg1, %mul3A_33 : i32
    %add3A_35 = arith.constant 144 : i32
    %add3A_36 = arith.addi %mul3A_34, %add3A_35 : i32
    "tpu.region"() ({
      %run_scoped3A = tpu.sem_alloc : memref<!tpu.dma_semaphore, #tpu.memory_space<semaphore_mem>>
      %dma_start3A_148 = arith.constant 0 : i32
      %dma_start3A_149 = tpu.memref_slice %arg11[%add3A_36, %dma_start3A_148] : memref<10016x128xf32, #tpu.memory_space<vmem_shared>> -> memref<48x128xf32, #tpu.memory_space<vmem_shared>>
      %dma_start3A_150 = arith.constant 0 : i32
      %dma_start3A_151 = tpu.memref_slice %arg11[%add3A_36, %dma_start3A_150] : memref<10016x128xf32, #tpu.memory_space<vmem_shared>> -> memref<48x128xf32, #tpu.memory_space<vmem_shared>>
      tpu.enqueue_dma source(%arg10 : memref<48x128xf32, #tpu.memory_space<vmem>>) target(%dma_start3A_151 : memref<48x128xf32, #tpu.memory_space<vmem_shared>>) target_semaphore(%run_scoped3A : memref<!tpu.dma_semaphore, #tpu.memory_space<semaphore_mem>>)
      %dma_wait3A_152 = arith.constant 0 : i32
      %dma_wait3A_153 = tpu.memref_slice %arg11[%add3A_36, %dma_wait3A_152] : memref<10016x128xf32, #tpu.memory_space<vmem_shared>> -> memref<48x128xf32, #tpu.memory_space<vmem_shared>>
      %dma_wait3A_154 = arith.constant 0 : i32
      %dma_wait3A_155 = tpu.memref_slice %arg11[%add3A_36, %dma_wait3A_154] : memref<10016x128xf32, #tpu.memory_space<vmem_shared>> -> memref<48x128xf32, #tpu.memory_space<vmem_shared>>
      tpu.wait_dma2 semaphore(%run_scoped3A : memref<!tpu.dma_semaphore, #tpu.memory_space<semaphore_mem>>) src(%arg10 : memref<48x128xf32, #tpu.memory_space<vmem>>) dst(%dma_wait3A_155 : memref<48x128xf32, #tpu.memory_space<vmem_shared>>)
      tpu.yield
    }) : () -> ()
    %mul3A_37 = arith.constant 624 : i32
    %mul3A_38 = arith.muli %arg1, %mul3A_37 : i32
    %add3A_39 = arith.constant 192 : i32
    %add3A_40 = arith.addi %mul3A_38, %add3A_39 : i32
    "tpu.region"() ({
      %run_scoped3A = tpu.sem_alloc : memref<!tpu.dma_semaphore, #tpu.memory_space<semaphore_mem>>
      %dma_start3A_148 = arith.constant 0 : i32
      %dma_start3A_149 = tpu.memref_slice %arg11[%add3A_40, %dma_start3A_148] : memref<10016x128xf32, #tpu.memory_space<vmem_shared>> -> memref<48x128xf32, #tpu.memory_space<vmem_shared>>
      %dma_start3A_150 = arith.constant 0 : i32
      %dma_start3A_151 = tpu.memref_slice %arg11[%add3A_40, %dma_start3A_150] : memref<10016x128xf32, #tpu.memory_space<vmem_shared>> -> memref<48x128xf32, #tpu.memory_space<vmem_shared>>
      tpu.enqueue_dma source(%arg10 : memref<48x128xf32, #tpu.memory_space<vmem>>) target(%dma_start3A_151 : memref<48x128xf32, #tpu.memory_space<vmem_shared>>) target_semaphore(%run_scoped3A : memref<!tpu.dma_semaphore, #tpu.memory_space<semaphore_mem>>)
      %dma_wait3A_152 = arith.constant 0 : i32
      %dma_wait3A_153 = tpu.memref_slice %arg11[%add3A_40, %dma_wait3A_152] : memref<10016x128xf32, #tpu.memory_space<vmem_shared>> -> memref<48x128xf32, #tpu.memory_space<vmem_shared>>
      %dma_wait3A_154 = arith.constant 0 : i32
      %dma_wait3A_155 = tpu.memref_slice %arg11[%add3A_40, %dma_wait3A_154] : memref<10016x128xf32, #tpu.memory_space<vmem_shared>> -> memref<48x128xf32, #tpu.memory_space<vmem_shared>>
      tpu.wait_dma2 semaphore(%run_scoped3A : memref<!tpu.dma_semaphore, #tpu.memory_space<semaphore_mem>>) src(%arg10 : memref<48x128xf32, #tpu.memory_space<vmem>>) dst(%dma_wait3A_155 : memref<48x128xf32, #tpu.memory_space<vmem_shared>>)
      tpu.yield
    }) : () -> ()
    %mul3A_41 = arith.constant 624 : i32
    %mul3A_42 = arith.muli %arg1, %mul3A_41 : i32
    %add3A_43 = arith.constant 240 : i32
    %add3A_44 = arith.addi %mul3A_42, %add3A_43 : i32
    "tpu.region"() ({
      %run_scoped3A = tpu.sem_alloc : memref<!tpu.dma_semaphore, #tpu.memory_space<semaphore_mem>>
      %dma_start3A_148 = arith.constant 0 : i32
      %dma_start3A_149 = tpu.memref_slice %arg11[%add3A_44, %dma_start3A_148] : memref<10016x128xf32, #tpu.memory_space<vmem_shared>> -> memref<48x128xf32, #tpu.memory_space<vmem_shared>>
      %dma_start3A_150 = arith.constant 0 : i32
      %dma_start3A_151 = tpu.memref_slice %arg11[%add3A_44, %dma_start3A_150] : memref<10016x128xf32, #tpu.memory_space<vmem_shared>> -> memref<48x128xf32, #tpu.memory_space<vmem_shared>>
      tpu.enqueue_dma source(%arg10 : memref<48x128xf32, #tpu.memory_space<vmem>>) target(%dma_start3A_151 : memref<48x128xf32, #tpu.memory_space<vmem_shared>>) target_semaphore(%run_scoped3A : memref<!tpu.dma_semaphore, #tpu.memory_space<semaphore_mem>>)
      %dma_wait3A_152 = arith.constant 0 : i32
      %dma_wait3A_153 = tpu.memref_slice %arg11[%add3A_44, %dma_wait3A_152] : memref<10016x128xf32, #tpu.memory_space<vmem_shared>> -> memref<48x128xf32, #tpu.memory_space<vmem_shared>>
      %dma_wait3A_154 = arith.constant 0 : i32
      %dma_wait3A_155 = tpu.memref_slice %arg11[%add3A_44, %dma_wait3A_154] : memref<10016x128xf32, #tpu.memory_space<vmem_shared>> -> memref<48x128xf32, #tpu.memory_space<vmem_shared>>
      tpu.wait_dma2 semaphore(%run_scoped3A : memref<!tpu.dma_semaphore, #tpu.memory_space<semaphore_mem>>) src(%arg10 : memref<48x128xf32, #tpu.memory_space<vmem>>) dst(%dma_wait3A_155 : memref<48x128xf32, #tpu.memory_space<vmem_shared>>)
      tpu.yield
    }) : () -> ()
    %mul3A_45 = arith.constant 624 : i32
    %mul3A_46 = arith.muli %arg1, %mul3A_45 : i32
    %add3A_47 = arith.constant 288 : i32
    %add3A_48 = arith.addi %mul3A_46, %add3A_47 : i32
    "tpu.region"() ({
      %run_scoped3A = tpu.sem_alloc : memref<!tpu.dma_semaphore, #tpu.memory_space<semaphore_mem>>
      %dma_start3A_148 = arith.constant 0 : i32
      %dma_start3A_149 = tpu.memref_slice %arg11[%add3A_48, %dma_start3A_148] : memref<10016x128xf32, #tpu.memory_space<vmem_shared>> -> memref<48x128xf32, #tpu.memory_space<vmem_shared>>
      %dma_start3A_150 = arith.constant 0 : i32
      %dma_start3A_151 = tpu.memref_slice %arg11[%add3A_48, %dma_start3A_150] : memref<10016x128xf32, #tpu.memory_space<vmem_shared>> -> memref<48x128xf32, #tpu.memory_space<vmem_shared>>
      tpu.enqueue_dma source(%arg10 : memref<48x128xf32, #tpu.memory_space<vmem>>) target(%dma_start3A_151 : memref<48x128xf32, #tpu.memory_space<vmem_shared>>) target_semaphore(%run_scoped3A : memref<!tpu.dma_semaphore, #tpu.memory_space<semaphore_mem>>)
      %dma_wait3A_152 = arith.constant 0 : i32
      %dma_wait3A_153 = tpu.memref_slice %arg11[%add3A_48, %dma_wait3A_152] : memref<10016x128xf32, #tpu.memory_space<vmem_shared>> -> memref<48x128xf32, #tpu.memory_space<vmem_shared>>
      %dma_wait3A_154 = arith.constant 0 : i32
      %dma_wait3A_155 = tpu.memref_slice %arg11[%add3A_48, %dma_wait3A_154] : memref<10016x128xf32, #tpu.memory_space<vmem_shared>> -> memref<48x128xf32, #tpu.memory_space<vmem_shared>>
      tpu.wait_dma2 semaphore(%run_scoped3A : memref<!tpu.dma_semaphore, #tpu.memory_space<semaphore_mem>>) src(%arg10 : memref<48x128xf32, #tpu.memory_space<vmem>>) dst(%dma_wait3A_155 : memref<48x128xf32, #tpu.memory_space<vmem_shared>>)
      tpu.yield
    }) : () -> ()
    %mul3A_49 = arith.constant 624 : i32
    %mul3A_50 = arith.muli %arg1, %mul3A_49 : i32
    %add3A_51 = arith.constant 336 : i32
    %add3A_52 = arith.addi %mul3A_50, %add3A_51 : i32
    "tpu.region"() ({
      %run_scoped3A = tpu.sem_alloc : memref<!tpu.dma_semaphore, #tpu.memory_space<semaphore_mem>>
      %dma_start3A_148 = arith.constant 0 : i32
      %dma_start3A_149 = tpu.memref_slice %arg11[%add3A_52, %dma_start3A_148] : memref<10016x128xf32, #tpu.memory_space<vmem_shared>> -> memref<48x128xf32, #tpu.memory_space<vmem_shared>>
      %dma_start3A_150 = arith.constant 0 : i32
      %dma_start3A_151 = tpu.memref_slice %arg11[%add3A_52, %dma_start3A_150] : memref<10016x128xf32, #tpu.memory_space<vmem_shared>> -> memref<48x128xf32, #tpu.memory_space<vmem_shared>>
      tpu.enqueue_dma source(%arg10 : memref<48x128xf32, #tpu.memory_space<vmem>>) target(%dma_start3A_151 : memref<48x128xf32, #tpu.memory_space<vmem_shared>>) target_semaphore(%run_scoped3A : memref<!tpu.dma_semaphore, #tpu.memory_space<semaphore_mem>>)
      %dma_wait3A_152 = arith.constant 0 : i32
      %dma_wait3A_153 = tpu.memref_slice %arg11[%add3A_52, %dma_wait3A_152] : memref<10016x128xf32, #tpu.memory_space<vmem_shared>> -> memref<48x128xf32, #tpu.memory_space<vmem_shared>>
      %dma_wait3A_154 = arith.constant 0 : i32
      %dma_wait3A_155 = tpu.memref_slice %arg11[%add3A_52, %dma_wait3A_154] : memref<10016x128xf32, #tpu.memory_space<vmem_shared>> -> memref<48x128xf32, #tpu.memory_space<vmem_shared>>
      tpu.wait_dma2 semaphore(%run_scoped3A : memref<!tpu.dma_semaphore, #tpu.memory_space<semaphore_mem>>) src(%arg10 : memref<48x128xf32, #tpu.memory_space<vmem>>) dst(%dma_wait3A_155 : memref<48x128xf32, #tpu.memory_space<vmem_shared>>)
      tpu.yield
    }) : () -> ()
    %mul3A_53 = arith.constant 624 : i32
    %mul3A_54 = arith.muli %arg1, %mul3A_53 : i32
    %add3A_55 = arith.constant 384 : i32
    %add3A_56 = arith.addi %mul3A_54, %add3A_55 : i32
    "tpu.region"() ({
      %run_scoped3A = tpu.sem_alloc : memref<!tpu.dma_semaphore, #tpu.memory_space<semaphore_mem>>
      %dma_start3A_148 = arith.constant 0 : i32
      %dma_start3A_149 = tpu.memref_slice %arg11[%add3A_56, %dma_start3A_148] : memref<10016x128xf32, #tpu.memory_space<vmem_shared>> -> memref<48x128xf32, #tpu.memory_space<vmem_shared>>
      %dma_start3A_150 = arith.constant 0 : i32
      %dma_start3A_151 = tpu.memref_slice %arg11[%add3A_56, %dma_start3A_150] : memref<10016x128xf32, #tpu.memory_space<vmem_shared>> -> memref<48x128xf32, #tpu.memory_space<vmem_shared>>
      tpu.enqueue_dma source(%arg10 : memref<48x128xf32, #tpu.memory_space<vmem>>) target(%dma_start3A_151 : memref<48x128xf32, #tpu.memory_space<vmem_shared>>) target_semaphore(%run_scoped3A : memref<!tpu.dma_semaphore, #tpu.memory_space<semaphore_mem>>)
      %dma_wait3A_152 = arith.constant 0 : i32
      %dma_wait3A_153 = tpu.memref_slice %arg11[%add3A_56, %dma_wait3A_152] : memref<10016x128xf32, #tpu.memory_space<vmem_shared>> -> memref<48x128xf32, #tpu.memory_space<vmem_shared>>
      %dma_wait3A_154 = arith.constant 0 : i32
      %dma_wait3A_155 = tpu.memref_slice %arg11[%add3A_56, %dma_wait3A_154] : memref<10016x128xf32, #tpu.memory_space<vmem_shared>> -> memref<48x128xf32, #tpu.memory_space<vmem_shared>>
      tpu.wait_dma2 semaphore(%run_scoped3A : memref<!tpu.dma_semaphore, #tpu.memory_space<semaphore_mem>>) src(%arg10 : memref<48x128xf32, #tpu.memory_space<vmem>>) dst(%dma_wait3A_155 : memref<48x128xf32, #tpu.memory_space<vmem_shared>>)
      tpu.yield
    }) : () -> ()
    %mul3A_57 = arith.constant 624 : i32
    %mul3A_58 = arith.muli %arg1, %mul3A_57 : i32
    %add3A_59 = arith.constant 432 : i32
    %add3A_60 = arith.addi %mul3A_58, %add3A_59 : i32
    "tpu.region"() ({
      %run_scoped3A = tpu.sem_alloc : memref<!tpu.dma_semaphore, #tpu.memory_space<semaphore_mem>>
      %dma_start3A_148 = arith.constant 0 : i32
      %dma_start3A_149 = tpu.memref_slice %arg11[%add3A_60, %dma_start3A_148] : memref<10016x128xf32, #tpu.memory_space<vmem_shared>> -> memref<48x128xf32, #tpu.memory_space<vmem_shared>>
      %dma_start3A_150 = arith.constant 0 : i32
      %dma_start3A_151 = tpu.memref_slice %arg11[%add3A_60, %dma_start3A_150] : memref<10016x128xf32, #tpu.memory_space<vmem_shared>> -> memref<48x128xf32, #tpu.memory_space<vmem_shared>>
      tpu.enqueue_dma source(%arg10 : memref<48x128xf32, #tpu.memory_space<vmem>>) target(%dma_start3A_151 : memref<48x128xf32, #tpu.memory_space<vmem_shared>>) target_semaphore(%run_scoped3A : memref<!tpu.dma_semaphore, #tpu.memory_space<semaphore_mem>>)
      %dma_wait3A_152 = arith.constant 0 : i32
      %dma_wait3A_153 = tpu.memref_slice %arg11[%add3A_60, %dma_wait3A_152] : memref<10016x128xf32, #tpu.memory_space<vmem_shared>> -> memref<48x128xf32, #tpu.memory_space<vmem_shared>>
      %dma_wait3A_154 = arith.constant 0 : i32
      %dma_wait3A_155 = tpu.memref_slice %arg11[%add3A_60, %dma_wait3A_154] : memref<10016x128xf32, #tpu.memory_space<vmem_shared>> -> memref<48x128xf32, #tpu.memory_space<vmem_shared>>
      tpu.wait_dma2 semaphore(%run_scoped3A : memref<!tpu.dma_semaphore, #tpu.memory_space<semaphore_mem>>) src(%arg10 : memref<48x128xf32, #tpu.memory_space<vmem>>) dst(%dma_wait3A_155 : memref<48x128xf32, #tpu.memory_space<vmem_shared>>)
      tpu.yield
    }) : () -> ()
    %mul3A_61 = arith.constant 624 : i32
    %mul3A_62 = arith.muli %arg1, %mul3A_61 : i32
    %add3A_63 = arith.constant 480 : i32
    %add3A_64 = arith.addi %mul3A_62, %add3A_63 : i32
    "tpu.region"() ({
      %run_scoped3A = tpu.sem_alloc : memref<!tpu.dma_semaphore, #tpu.memory_space<semaphore_mem>>
      %dma_start3A_148 = arith.constant 0 : i32
      %dma_start3A_149 = tpu.memref_slice %arg11[%add3A_64, %dma_start3A_148] : memref<10016x128xf32, #tpu.memory_space<vmem_shared>> -> memref<48x128xf32, #tpu.memory_space<vmem_shared>>
      %dma_start3A_150 = arith.constant 0 : i32
      %dma_start3A_151 = tpu.memref_slice %arg11[%add3A_64, %dma_start3A_150] : memref<10016x128xf32, #tpu.memory_space<vmem_shared>> -> memref<48x128xf32, #tpu.memory_space<vmem_shared>>
      tpu.enqueue_dma source(%arg10 : memref<48x128xf32, #tpu.memory_space<vmem>>) target(%dma_start3A_151 : memref<48x128xf32, #tpu.memory_space<vmem_shared>>) target_semaphore(%run_scoped3A : memref<!tpu.dma_semaphore, #tpu.memory_space<semaphore_mem>>)
      %dma_wait3A_152 = arith.constant 0 : i32
      %dma_wait3A_153 = tpu.memref_slice %arg11[%add3A_64, %dma_wait3A_152] : memref<10016x128xf32, #tpu.memory_space<vmem_shared>> -> memref<48x128xf32, #tpu.memory_space<vmem_shared>>
      %dma_wait3A_154 = arith.constant 0 : i32
      %dma_wait3A_155 = tpu.memref_slice %arg11[%add3A_64, %dma_wait3A_154] : memref<10016x128xf32, #tpu.memory_space<vmem_shared>> -> memref<48x128xf32, #tpu.memory_space<vmem_shared>>
      tpu.wait_dma2 semaphore(%run_scoped3A : memref<!tpu.dma_semaphore, #tpu.memory_space<semaphore_mem>>) src(%arg10 : memref<48x128xf32, #tpu.memory_space<vmem>>) dst(%dma_wait3A_155 : memref<48x128xf32, #tpu.memory_space<vmem_shared>>)
      tpu.yield
    }) : () -> ()
    %mul3A_65 = arith.constant 624 : i32
    %mul3A_66 = arith.muli %arg1, %mul3A_65 : i32
    %add3A_67 = arith.constant 528 : i32
    %add3A_68 = arith.addi %mul3A_66, %add3A_67 : i32
    "tpu.region"() ({
      %run_scoped3A = tpu.sem_alloc : memref<!tpu.dma_semaphore, #tpu.memory_space<semaphore_mem>>
      %dma_start3A_148 = arith.constant 0 : i32
      %dma_start3A_149 = tpu.memref_slice %arg11[%add3A_68, %dma_start3A_148] : memref<10016x128xf32, #tpu.memory_space<vmem_shared>> -> memref<48x128xf32, #tpu.memory_space<vmem_shared>>
      %dma_start3A_150 = arith.constant 0 : i32
      %dma_start3A_151 = tpu.memref_slice %arg11[%add3A_68, %dma_start3A_150] : memref<10016x128xf32, #tpu.memory_space<vmem_shared>> -> memref<48x128xf32, #tpu.memory_space<vmem_shared>>
      tpu.enqueue_dma source(%arg10 : memref<48x128xf32, #tpu.memory_space<vmem>>) target(%dma_start3A_151 : memref<48x128xf32, #tpu.memory_space<vmem_shared>>) target_semaphore(%run_scoped3A : memref<!tpu.dma_semaphore, #tpu.memory_space<semaphore_mem>>)
      %dma_wait3A_152 = arith.constant 0 : i32
      %dma_wait3A_153 = tpu.memref_slice %arg11[%add3A_68, %dma_wait3A_152] : memref<10016x128xf32, #tpu.memory_space<vmem_shared>> -> memref<48x128xf32, #tpu.memory_space<vmem_shared>>
      %dma_wait3A_154 = arith.constant 0 : i32
      %dma_wait3A_155 = tpu.memref_slice %arg11[%add3A_68, %dma_wait3A_154] : memref<10016x128xf32, #tpu.memory_space<vmem_shared>> -> memref<48x128xf32, #tpu.memory_space<vmem_shared>>
      tpu.wait_dma2 semaphore(%run_scoped3A : memref<!tpu.dma_semaphore, #tpu.memory_space<semaphore_mem>>) src(%arg10 : memref<48x128xf32, #tpu.memory_space<vmem>>) dst(%dma_wait3A_155 : memref<48x128xf32, #tpu.memory_space<vmem_shared>>)
      tpu.yield
    }) : () -> ()
    %mul3A_69 = arith.constant 624 : i32
    %mul3A_70 = arith.muli %arg1, %mul3A_69 : i32
    %add3A_71 = arith.constant 576 : i32
    %add3A_72 = arith.addi %mul3A_70, %add3A_71 : i32
    "tpu.region"() ({
      %run_scoped3A = tpu.sem_alloc : memref<!tpu.dma_semaphore, #tpu.memory_space<semaphore_mem>>
      %dma_start3A_148 = arith.constant 0 : i32
      %dma_start3A_149 = tpu.memref_slice %arg11[%add3A_72, %dma_start3A_148] : memref<10016x128xf32, #tpu.memory_space<vmem_shared>> -> memref<48x128xf32, #tpu.memory_space<vmem_shared>>
      %dma_start3A_150 = arith.constant 0 : i32
      %dma_start3A_151 = tpu.memref_slice %arg11[%add3A_72, %dma_start3A_150] : memref<10016x128xf32, #tpu.memory_space<vmem_shared>> -> memref<48x128xf32, #tpu.memory_space<vmem_shared>>
      tpu.enqueue_dma source(%arg10 : memref<48x128xf32, #tpu.memory_space<vmem>>) target(%dma_start3A_151 : memref<48x128xf32, #tpu.memory_space<vmem_shared>>) target_semaphore(%run_scoped3A : memref<!tpu.dma_semaphore, #tpu.memory_space<semaphore_mem>>)
      %dma_wait3A_152 = arith.constant 0 : i32
      %dma_wait3A_153 = tpu.memref_slice %arg11[%add3A_72, %dma_wait3A_152] : memref<10016x128xf32, #tpu.memory_space<vmem_shared>> -> memref<48x128xf32, #tpu.memory_space<vmem_shared>>
      %dma_wait3A_154 = arith.constant 0 : i32
      %dma_wait3A_155 = tpu.memref_slice %arg11[%add3A_72, %dma_wait3A_154] : memref<10016x128xf32, #tpu.memory_space<vmem_shared>> -> memref<48x128xf32, #tpu.memory_space<vmem_shared>>
      tpu.wait_dma2 semaphore(%run_scoped3A : memref<!tpu.dma_semaphore, #tpu.memory_space<semaphore_mem>>) src(%arg10 : memref<48x128xf32, #tpu.memory_space<vmem>>) dst(%dma_wait3A_155 : memref<48x128xf32, #tpu.memory_space<vmem_shared>>)
      tpu.yield
    }) : () -> ()
    %eq3A = arith.constant 15 : i32
    %eq3A_73 = arith.cmpi eq, %arg1, %eq3A : i32
    %convert_element_type3A = arith.extui %eq3A_73 : i1 to i32
    %cond3A = arith.constant 0 : i32
    %cond3A_74 = arith.cmpi ne, %convert_element_type3A, %cond3A : i32
    scf.if %cond3A_74 {
      "tpu.region"() ({
        %run_scoped3A = tpu.sem_alloc : memref<!tpu.dma_semaphore, #tpu.memory_space<semaphore_mem>>
        %dma_start3A_148 = arith.constant 0 : i32
        %dma_start3A_149 = arith.constant 0 : i32
        %dma_start3A_150 = tpu.memref_slice %arg10[%dma_start3A_148, %dma_start3A_149] : memref<48x128xf32, #tpu.memory_space<vmem>> -> memref<16x128xf32, #tpu.memory_space<vmem>>
        %dma_start3A_151 = arith.constant 9984 : i32
        %dma_start3A_152 = arith.constant 0 : i32
        %dma_start3A_153 = tpu.memref_slice %arg11[%dma_start3A_151, %dma_start3A_152] : memref<10016x128xf32, #tpu.memory_space<vmem_shared>> -> memref<16x128xf32, #tpu.memory_space<vmem_shared>>
        %dma_start3A_154 = arith.constant 9984 : i32
        %dma_start3A_155 = arith.constant 0 : i32
        %dma_start3A_156 = tpu.memref_slice %arg11[%dma_start3A_154, %dma_start3A_155] : memref<10016x128xf32, #tpu.memory_space<vmem_shared>> -> memref<16x128xf32, #tpu.memory_space<vmem_shared>>
        %dma_start3A_157 = arith.constant 0 : i32
        %dma_start3A_158 = arith.constant 0 : i32
        %dma_start3A_159 = tpu.memref_slice %arg10[%dma_start3A_157, %dma_start3A_158] : memref<48x128xf32, #tpu.memory_space<vmem>> -> memref<16x128xf32, #tpu.memory_space<vmem>>
        tpu.enqueue_dma source(%dma_start3A_159 : memref<16x128xf32, #tpu.memory_space<vmem>>) target(%dma_start3A_156 : memref<16x128xf32, #tpu.memory_space<vmem_shared>>) target_semaphore(%run_scoped3A : memref<!tpu.dma_semaphore, #tpu.memory_space<semaphore_mem>>)
        %dma_wait3A_160 = arith.constant 0 : i32
        %dma_wait3A_161 = arith.constant 0 : i32
        %dma_wait3A_162 = tpu.memref_slice %arg10[%dma_wait3A_160, %dma_wait3A_161] : memref<48x128xf32, #tpu.memory_space<vmem>> -> memref<16x128xf32, #tpu.memory_space<vmem>>
        %dma_wait3A_163 = arith.constant 9984 : i32
        %dma_wait3A_164 = arith.constant 0 : i32
        %dma_wait3A_165 = tpu.memref_slice %arg11[%dma_wait3A_163, %dma_wait3A_164] : memref<10016x128xf32, #tpu.memory_space<vmem_shared>> -> memref<16x128xf32, #tpu.memory_space<vmem_shared>>
        %dma_wait3A_166 = arith.constant 9984 : i32
        %dma_wait3A_167 = arith.constant 0 : i32
        %dma_wait3A_168 = tpu.memref_slice %arg11[%dma_wait3A_166, %dma_wait3A_167] : memref<10016x128xf32, #tpu.memory_space<vmem_shared>> -> memref<16x128xf32, #tpu.memory_space<vmem_shared>>
        %dma_wait3A_169 = arith.constant 0 : i32
        %dma_wait3A_170 = arith.constant 0 : i32
        %dma_wait3A_171 = tpu.memref_slice %arg10[%dma_wait3A_169, %dma_wait3A_170] : memref<48x128xf32, #tpu.memory_space<vmem>> -> memref<16x128xf32, #tpu.memory_space<vmem>>
        tpu.wait_dma2 semaphore(%run_scoped3A : memref<!tpu.dma_semaphore, #tpu.memory_space<semaphore_mem>>) src(%dma_wait3A_171 : memref<16x128xf32, #tpu.memory_space<vmem>>) dst(%dma_wait3A_168 : memref<16x128xf32, #tpu.memory_space<vmem_shared>>)
        tpu.yield
      }) : () -> ()
    } else {
    }
    %dma_wait3A = arith.constant 0 : i32
    %dma_wait3A_75 = arith.constant 0 : i32
    %dma_wait3A_76 = tpu.memref_slice %arg3[%add3A, %dma_wait3A, %dma_wait3A_75] : memref<32x80x128xi32, #tpu.memory_space<hbm>> -> memref<1x40x128xi32, #tpu.memory_space<hbm>>
    %dma_wait3A_77 = tpu.memref_squeeze %dma_wait3A_76 : memref<1x40x128xi32, #tpu.memory_space<hbm>> -> memref<40x128xi32, #tpu.memory_space<hbm>>
    %dma_wait3A_78 = arith.constant 0 : i32
    %dma_wait3A_79 = arith.constant 0 : i32
    %dma_wait3A_80 = tpu.memref_slice %arg3[%add3A, %dma_wait3A_78, %dma_wait3A_79] : memref<32x80x128xi32, #tpu.memory_space<hbm>> -> memref<1x40x128xi32, #tpu.memory_space<hbm>>
    %dma_wait3A_81 = tpu.memref_squeeze %dma_wait3A_80 : memref<1x40x128xi32, #tpu.memory_space<hbm>> -> memref<40x128xi32, #tpu.memory_space<hbm>>
    tpu.wait_dma2 semaphore(%arg14 : memref<!tpu.dma_semaphore, #tpu.memory_space<semaphore_mem>>) src(%dma_wait3A_81 : memref<40x128xi32, #tpu.memory_space<hbm>>) dst(%arg6 : memref<40x128xi32, #tpu.memory_space<vmem>>)
    %dma_wait3A_82 = arith.constant 0 : i32
    %dma_wait3A_83 = arith.constant 0 : i32
    %dma_wait3A_84 = tpu.memref_slice %arg4[%add3A, %dma_wait3A_82, %dma_wait3A_83] : memref<32x80x128xi32, #tpu.memory_space<hbm>> -> memref<1x40x128xi32, #tpu.memory_space<hbm>>
    %dma_wait3A_85 = tpu.memref_squeeze %dma_wait3A_84 : memref<1x40x128xi32, #tpu.memory_space<hbm>> -> memref<40x128xi32, #tpu.memory_space<hbm>>
    %dma_wait3A_86 = arith.constant 0 : i32
    %dma_wait3A_87 = arith.constant 0 : i32
    %dma_wait3A_88 = tpu.memref_slice %arg4[%add3A, %dma_wait3A_86, %dma_wait3A_87] : memref<32x80x128xi32, #tpu.memory_space<hbm>> -> memref<1x40x128xi32, #tpu.memory_space<hbm>>
    %dma_wait3A_89 = tpu.memref_squeeze %dma_wait3A_88 : memref<1x40x128xi32, #tpu.memory_space<hbm>> -> memref<40x128xi32, #tpu.memory_space<hbm>>
    tpu.wait_dma2 semaphore(%arg14 : memref<!tpu.dma_semaphore, #tpu.memory_space<semaphore_mem>>) src(%dma_wait3A_89 : memref<40x128xi32, #tpu.memory_space<hbm>>) dst(%arg7 : memref<40x128xi32, #tpu.memory_space<vmem>>)
    %barrier3A = arith.constant 0 : index
    tpu.barrier barrier_id(%barrier3A)
    %dma_start3A_90 = arith.constant 0 : i32
    %dma_start3A_91 = arith.constant 0 : i32
    %dma_start3A_92 = tpu.memref_slice %arg6[%dma_start3A_90, %dma_start3A_91] : memref<40x128xi32, #tpu.memory_space<vmem>> -> memref<1x128xi32, #tpu.memory_space<vmem>>
    %dma_start3A_93 = tpu.memref_squeeze %dma_start3A_92 : memref<1x128xi32, #tpu.memory_space<vmem>> -> memref<128xi32, #tpu.memory_space<vmem>>
    %dma_start3A_94 = arith.constant 0 : i32
    %dma_start3A_95 = arith.constant 0 : i32
    %dma_start3A_96 = tpu.memref_slice %arg2[%dma_start3A_94, %dma_start3A_95] : memref<10000x128xf32, #tpu.memory_space<hbm>> -> memref<10000x128xf32, #tpu.memory_space<hbm>>
    tpu.enqueue_indirect_dma source(%dma_start3A_96 : memref<10000x128xf32, #tpu.memory_space<hbm>>) target(%arg8 : memref<128x128xf32, #tpu.memory_space<vmem>>) offsets(%dma_start3A_93 : memref<128xi32, #tpu.memory_space<vmem>>) semaphore(%arg12 : memref<!tpu.dma_semaphore, #tpu.memory_space<semaphore_mem>>)
    %dma_start3A_97 = arith.constant 1 : i32
    %dma_start3A_98 = arith.constant 0 : i32
    %dma_start3A_99 = tpu.memref_slice %arg6[%dma_start3A_97, %dma_start3A_98] : memref<40x128xi32, #tpu.memory_space<vmem>> -> memref<1x128xi32, #tpu.memory_space<vmem>>
    %dma_start3A_100 = tpu.memref_squeeze %dma_start3A_99 : memref<1x128xi32, #tpu.memory_space<vmem>> -> memref<128xi32, #tpu.memory_space<vmem>>
    %dma_start3A_101 = arith.constant 0 : i32
    %dma_start3A_102 = arith.constant 0 : i32
    %dma_start3A_103 = tpu.memref_slice %arg2[%dma_start3A_101, %dma_start3A_102] : memref<10000x128xf32, #tpu.memory_space<hbm>> -> memref<10000x128xf32, #tpu.memory_space<hbm>>
    tpu.enqueue_indirect_dma source(%dma_start3A_103 : memref<10000x128xf32, #tpu.memory_space<hbm>>) target(%arg9 : memref<128x128xf32, #tpu.memory_space<vmem>>) offsets(%dma_start3A_100 : memref<128xi32, #tpu.memory_space<vmem>>) semaphore(%arg13 : memref<!tpu.dma_semaphore, #tpu.memory_space<semaphore_mem>>)
    %scan3A_104 = arith.constant 0 : i32
    %scan3A_105 = arith.constant 0 : i32
    %scan3A_106 = arith.constant 20 : i32
    %scan3A_107 = arith.addi %scan3A_105, %scan3A_106 : i32
    %scan3A_108 = arith.constant 1 : i32
    scf.for %scan3A_148 = %scan3A_105 to %scan3A_107 step %scan3A_108  : i32 {
      %mul3A_149 = arith.constant 2 : i32
      %mul3A_150 = arith.muli %mul3A_149, %scan3A_148 : i32
      %dma_wait3A_151 = arith.constant 0 : i32
      %dma_wait3A_152 = tpu.memref_slice %arg6[%mul3A_150, %dma_wait3A_151] : memref<40x128xi32, #tpu.memory_space<vmem>> -> memref<1x128xi32, #tpu.memory_space<vmem>>
      %dma_wait3A_153 = tpu.memref_squeeze %dma_wait3A_152 : memref<1x128xi32, #tpu.memory_space<vmem>> -> memref<128xi32, #tpu.memory_space<vmem>>
      %dma_wait3A_154 = arith.constant 0 : i32
      %dma_wait3A_155 = arith.constant 0 : i32
      %dma_wait3A_156 = tpu.memref_slice %arg2[%dma_wait3A_154, %dma_wait3A_155] : memref<10000x128xf32, #tpu.memory_space<hbm>> -> memref<10000x128xf32, #tpu.memory_space<hbm>>
      tpu.wait_indirect_dma semaphore(%arg12 : memref<!tpu.dma_semaphore, #tpu.memory_space<semaphore_mem>>) src(%dma_wait3A_156 : memref<10000x128xf32, #tpu.memory_space<hbm>>) dst(%arg8 : memref<128x128xf32, #tpu.memory_space<vmem>>)
      "tpu.region"() ({
        %run_scoped3A = tpu.sem_alloc : memref<!tpu.dma_semaphore, #tpu.memory_space<semaphore_mem>>
        %dma_start3A_176 = arith.constant 0 : i32
        %dma_start3A_177 = tpu.memref_slice %arg7[%mul3A_150, %dma_start3A_176] : memref<40x128xi32, #tpu.memory_space<vmem>> -> memref<1x128xi32, #tpu.memory_space<vmem>>
        %dma_start3A_178 = tpu.memref_squeeze %dma_start3A_177 : memref<1x128xi32, #tpu.memory_space<vmem>> -> memref<128xi32, #tpu.memory_space<vmem>>
        %dma_start3A_179 = arith.constant 0 : i32
        %dma_start3A_180 = arith.constant 0 : i32
        %dma_start3A_181 = tpu.memref_slice %arg11[%dma_start3A_179, %dma_start3A_180] : memref<10016x128xf32, #tpu.memory_space<vmem_shared>> -> memref<10016x128xf32, #tpu.memory_space<vmem_shared>>
        tpu.enqueue_indirect_dma source(%arg8 : memref<128x128xf32, #tpu.memory_space<vmem>>) target(%dma_start3A_181 : memref<10016x128xf32, #tpu.memory_space<vmem_shared>>) offsets(%dma_start3A_178 : memref<128xi32, #tpu.memory_space<vmem>>) semaphore(%run_scoped3A : memref<!tpu.dma_semaphore, #tpu.memory_space<semaphore_mem>>) {add = true}
        %dma_wait3A_182 = arith.constant 0 : i32
        %dma_wait3A_183 = tpu.memref_slice %arg7[%mul3A_150, %dma_wait3A_182] : memref<40x128xi32, #tpu.memory_space<vmem>> -> memref<1x128xi32, #tpu.memory_space<vmem>>
        %dma_wait3A_184 = tpu.memref_squeeze %dma_wait3A_183 : memref<1x128xi32, #tpu.memory_space<vmem>> -> memref<128xi32, #tpu.memory_space<vmem>>
        %dma_wait3A_185 = arith.constant 0 : i32
        %dma_wait3A_186 = arith.constant 0 : i32
        %dma_wait3A_187 = tpu.memref_slice %arg11[%dma_wait3A_185, %dma_wait3A_186] : memref<10016x128xf32, #tpu.memory_space<vmem_shared>> -> memref<10016x128xf32, #tpu.memory_space<vmem_shared>>
        tpu.wait_indirect_dma semaphore(%run_scoped3A : memref<!tpu.dma_semaphore, #tpu.memory_space<semaphore_mem>>) src(%arg8 : memref<128x128xf32, #tpu.memory_space<vmem>>) dst(%dma_wait3A_187 : memref<10016x128xf32, #tpu.memory_space<vmem_shared>>)
        tpu.yield
      }) : () -> ()
      %lt3A = arith.constant 19 : i32
      %lt3A_157 = arith.cmpi slt, %scan3A_148, %lt3A : i32
      %convert_element_type3A_158 = arith.extui %lt3A_157 : i1 to i32
      %cond3A_159 = arith.constant 0 : i32
      %cond3A_160 = arith.cmpi ne, %convert_element_type3A_158, %cond3A_159 : i32
      scf.if %cond3A_160 {
        %add3A_176 = arith.constant 2 : i32
        %add3A_177 = arith.addi %mul3A_150, %add3A_176 : i32
        %dma_start3A_178 = arith.constant 0 : i32
        %dma_start3A_179 = tpu.memref_slice %arg6[%add3A_177, %dma_start3A_178] : memref<40x128xi32, #tpu.memory_space<vmem>> -> memref<1x128xi32, #tpu.memory_space<vmem>>
        %dma_start3A_180 = tpu.memref_squeeze %dma_start3A_179 : memref<1x128xi32, #tpu.memory_space<vmem>> -> memref<128xi32, #tpu.memory_space<vmem>>
        %dma_start3A_181 = arith.constant 0 : i32
        %dma_start3A_182 = arith.constant 0 : i32
        %dma_start3A_183 = tpu.memref_slice %arg2[%dma_start3A_181, %dma_start3A_182] : memref<10000x128xf32, #tpu.memory_space<hbm>> -> memref<10000x128xf32, #tpu.memory_space<hbm>>
        tpu.enqueue_indirect_dma source(%dma_start3A_183 : memref<10000x128xf32, #tpu.memory_space<hbm>>) target(%arg8 : memref<128x128xf32, #tpu.memory_space<vmem>>) offsets(%dma_start3A_180 : memref<128xi32, #tpu.memory_space<vmem>>) semaphore(%arg12 : memref<!tpu.dma_semaphore, #tpu.memory_space<semaphore_mem>>)
      } else {
      }
      %add3A_161 = arith.constant 1 : i32
      %add3A_162 = arith.addi %mul3A_150, %add3A_161 : i32
      %dma_wait3A_163 = arith.constant 0 : i32
      %dma_wait3A_164 = tpu.memref_slice %arg6[%add3A_162, %dma_wait3A_163] : memref<40x128xi32, #tpu.memory_space<vmem>> -> memref<1x128xi32, #tpu.memory_space<vmem>>
      %dma_wait3A_165 = tpu.memref_squeeze %dma_wait3A_164 : memref<1x128xi32, #tpu.memory_space<vmem>> -> memref<128xi32, #tpu.memory_space<vmem>>
      %dma_wait3A_166 = arith.constant 0 : i32
      %dma_wait3A_167 = arith.constant 0 : i32
      %dma_wait3A_168 = tpu.memref_slice %arg2[%dma_wait3A_166, %dma_wait3A_167] : memref<10000x128xf32, #tpu.memory_space<hbm>> -> memref<10000x128xf32, #tpu.memory_space<hbm>>
      tpu.wait_indirect_dma semaphore(%arg13 : memref<!tpu.dma_semaphore, #tpu.memory_space<semaphore_mem>>) src(%dma_wait3A_168 : memref<10000x128xf32, #tpu.memory_space<hbm>>) dst(%arg9 : memref<128x128xf32, #tpu.memory_space<vmem>>)
      %add3A_169 = arith.constant 1 : i32
      %add3A_170 = arith.addi %mul3A_150, %add3A_169 : i32
      "tpu.region"() ({
        %run_scoped3A = tpu.sem_alloc : memref<!tpu.dma_semaphore, #tpu.memory_space<semaphore_mem>>
        %dma_start3A_176 = arith.constant 0 : i32
        %dma_start3A_177 = tpu.memref_slice %arg7[%add3A_170, %dma_start3A_176] : memref<40x128xi32, #tpu.memory_space<vmem>> -> memref<1x128xi32, #tpu.memory_space<vmem>>
        %dma_start3A_178 = tpu.memref_squeeze %dma_start3A_177 : memref<1x128xi32, #tpu.memory_space<vmem>> -> memref<128xi32, #tpu.memory_space<vmem>>
        %dma_start3A_179 = arith.constant 0 : i32
        %dma_start3A_180 = arith.constant 0 : i32
        %dma_start3A_181 = tpu.memref_slice %arg11[%dma_start3A_179, %dma_start3A_180] : memref<10016x128xf32, #tpu.memory_space<vmem_shared>> -> memref<10016x128xf32, #tpu.memory_space<vmem_shared>>
        tpu.enqueue_indirect_dma source(%arg9 : memref<128x128xf32, #tpu.memory_space<vmem>>) target(%dma_start3A_181 : memref<10016x128xf32, #tpu.memory_space<vmem_shared>>) offsets(%dma_start3A_178 : memref<128xi32, #tpu.memory_space<vmem>>) semaphore(%run_scoped3A : memref<!tpu.dma_semaphore, #tpu.memory_space<semaphore_mem>>) {add = true}
        %dma_wait3A_182 = arith.constant 0 : i32
        %dma_wait3A_183 = tpu.memref_slice %arg7[%add3A_170, %dma_wait3A_182] : memref<40x128xi32, #tpu.memory_space<vmem>> -> memref<1x128xi32, #tpu.memory_space<vmem>>
        %dma_wait3A_184 = tpu.memref_squeeze %dma_wait3A_183 : memref<1x128xi32, #tpu.memory_space<vmem>> -> memref<128xi32, #tpu.memory_space<vmem>>
        %dma_wait3A_185 = arith.constant 0 : i32
        %dma_wait3A_186 = arith.constant 0 : i32
        %dma_wait3A_187 = tpu.memref_slice %arg11[%dma_wait3A_185, %dma_wait3A_186] : memref<10016x128xf32, #tpu.memory_space<vmem_shared>> -> memref<10016x128xf32, #tpu.memory_space<vmem_shared>>
        tpu.wait_indirect_dma semaphore(%run_scoped3A : memref<!tpu.dma_semaphore, #tpu.memory_space<semaphore_mem>>) src(%arg9 : memref<128x128xf32, #tpu.memory_space<vmem>>) dst(%dma_wait3A_187 : memref<10016x128xf32, #tpu.memory_space<vmem_shared>>)
        tpu.yield
      }) : () -> ()
      %lt3A_171 = arith.constant 19 : i32
      %lt3A_172 = arith.cmpi slt, %scan3A_148, %lt3A_171 : i32
      %convert_element_type3A_173 = arith.extui %lt3A_172 : i1 to i32
      %cond3A_174 = arith.constant 0 : i32
      %cond3A_175 = arith.cmpi ne, %convert_element_type3A_173, %cond3A_174 : i32
      scf.if %cond3A_175 {
        %add3A_176 = arith.constant 3 : i32
        %add3A_177 = arith.addi %mul3A_150, %add3A_176 : i32
        %dma_start3A_178 = arith.constant 0 : i32
        %dma_start3A_179 = tpu.memref_slice %arg6[%add3A_177, %dma_start3A_178] : memref<40x128xi32, #tpu.memory_space<vmem>> -> memref<1x128xi32, #tpu.memory_space<vmem>>
        %dma_start3A_180 = tpu.memref_squeeze %dma_start3A_179 : memref<1x128xi32, #tpu.memory_space<vmem>> -> memref<128xi32, #tpu.memory_space<vmem>>
        %dma_start3A_181 = arith.constant 0 : i32
        %dma_start3A_182 = arith.constant 0 : i32
        %dma_start3A_183 = tpu.memref_slice %arg2[%dma_start3A_181, %dma_start3A_182] : memref<10000x128xf32, #tpu.memory_space<hbm>> -> memref<10000x128xf32, #tpu.memory_space<hbm>>
        tpu.enqueue_indirect_dma source(%dma_start3A_183 : memref<10000x128xf32, #tpu.memory_space<hbm>>) target(%arg9 : memref<128x128xf32, #tpu.memory_space<vmem>>) offsets(%dma_start3A_180 : memref<128xi32, #tpu.memory_space<vmem>>) semaphore(%arg13 : memref<!tpu.dma_semaphore, #tpu.memory_space<semaphore_mem>>)
      } else {
      }
    }
    %scan3A_109 = arith.constant 20 : i32
    "tpu.region"() ({
      %run_scoped3A = tpu.sem_alloc : memref<!tpu.dma_semaphore, #tpu.memory_space<semaphore_mem>>
      %dma_start3A_148 = arith.constant 40 : i32
      %dma_start3A_149 = arith.constant 0 : i32
      %dma_start3A_150 = tpu.memref_slice %arg3[%add3A, %dma_start3A_148, %dma_start3A_149] : memref<32x80x128xi32, #tpu.memory_space<hbm>> -> memref<1x40x128xi32, #tpu.memory_space<hbm>>
      %dma_start3A_151 = tpu.memref_squeeze %dma_start3A_150 : memref<1x40x128xi32, #tpu.memory_space<hbm>> -> memref<40x128xi32, #tpu.memory_space<hbm>>
      %dma_start3A_152 = arith.constant 40 : i32
      %dma_start3A_153 = arith.constant 0 : i32
      %dma_start3A_154 = tpu.memref_slice %arg3[%add3A, %dma_start3A_152, %dma_start3A_153] : memref<32x80x128xi32, #tpu.memory_space<hbm>> -> memref<1x40x128xi32, #tpu.memory_space<hbm>>
      %dma_start3A_155 = tpu.memref_squeeze %dma_start3A_154 : memref<1x40x128xi32, #tpu.memory_space<hbm>> -> memref<40x128xi32, #tpu.memory_space<hbm>>
      tpu.enqueue_dma source(%dma_start3A_155 : memref<40x128xi32, #tpu.memory_space<hbm>>) target(%arg6 : memref<40x128xi32, #tpu.memory_space<vmem>>) target_semaphore(%run_scoped3A : memref<!tpu.dma_semaphore, #tpu.memory_space<semaphore_mem>>)
      %dma_wait3A_156 = arith.constant 40 : i32
      %dma_wait3A_157 = arith.constant 0 : i32
      %dma_wait3A_158 = tpu.memref_slice %arg3[%add3A, %dma_wait3A_156, %dma_wait3A_157] : memref<32x80x128xi32, #tpu.memory_space<hbm>> -> memref<1x40x128xi32, #tpu.memory_space<hbm>>
      %dma_wait3A_159 = tpu.memref_squeeze %dma_wait3A_158 : memref<1x40x128xi32, #tpu.memory_space<hbm>> -> memref<40x128xi32, #tpu.memory_space<hbm>>
      %dma_wait3A_160 = arith.constant 40 : i32
      %dma_wait3A_161 = arith.constant 0 : i32
      %dma_wait3A_162 = tpu.memref_slice %arg3[%add3A, %dma_wait3A_160, %dma_wait3A_161] : memref<32x80x128xi32, #tpu.memory_space<hbm>> -> memref<1x40x128xi32, #tpu.memory_space<hbm>>
      %dma_wait3A_163 = tpu.memref_squeeze %dma_wait3A_162 : memref<1x40x128xi32, #tpu.memory_space<hbm>> -> memref<40x128xi32, #tpu.memory_space<hbm>>
      tpu.wait_dma2 semaphore(%run_scoped3A : memref<!tpu.dma_semaphore, #tpu.memory_space<semaphore_mem>>) src(%dma_wait3A_163 : memref<40x128xi32, #tpu.memory_space<hbm>>) dst(%arg6 : memref<40x128xi32, #tpu.memory_space<vmem>>)
      tpu.yield
    }) : () -> ()
    "tpu.region"() ({
      %run_scoped3A = tpu.sem_alloc : memref<!tpu.dma_semaphore, #tpu.memory_space<semaphore_mem>>
      %dma_start3A_148 = arith.constant 40 : i32
      %dma_start3A_149 = arith.constant 0 : i32
      %dma_start3A_150 = tpu.memref_slice %arg4[%add3A, %dma_start3A_148, %dma_start3A_149] : memref<32x80x128xi32, #tpu.memory_space<hbm>> -> memref<1x40x128xi32, #tpu.memory_space<hbm>>
      %dma_start3A_151 = tpu.memref_squeeze %dma_start3A_150 : memref<1x40x128xi32, #tpu.memory_space<hbm>> -> memref<40x128xi32, #tpu.memory_space<hbm>>
      %dma_start3A_152 = arith.constant 40 : i32
      %dma_start3A_153 = arith.constant 0 : i32
      %dma_start3A_154 = tpu.memref_slice %arg4[%add3A, %dma_start3A_152, %dma_start3A_153] : memref<32x80x128xi32, #tpu.memory_space<hbm>> -> memref<1x40x128xi32, #tpu.memory_space<hbm>>
      %dma_start3A_155 = tpu.memref_squeeze %dma_start3A_154 : memref<1x40x128xi32, #tpu.memory_space<hbm>> -> memref<40x128xi32, #tpu.memory_space<hbm>>
      tpu.enqueue_dma source(%dma_start3A_155 : memref<40x128xi32, #tpu.memory_space<hbm>>) target(%arg7 : memref<40x128xi32, #tpu.memory_space<vmem>>) target_semaphore(%run_scoped3A : memref<!tpu.dma_semaphore, #tpu.memory_space<semaphore_mem>>)
      %dma_wait3A_156 = arith.constant 40 : i32
      %dma_wait3A_157 = arith.constant 0 : i32
      %dma_wait3A_158 = tpu.memref_slice %arg4[%add3A, %dma_wait3A_156, %dma_wait3A_157] : memref<32x80x128xi32, #tpu.memory_space<hbm>> -> memref<1x40x128xi32, #tpu.memory_space<hbm>>
      %dma_wait3A_159 = tpu.memref_squeeze %dma_wait3A_158 : memref<1x40x128xi32, #tpu.memory_space<hbm>> -> memref<40x128xi32, #tpu.memory_space<hbm>>
      %dma_wait3A_160 = arith.constant 40 : i32
      %dma_wait3A_161 = arith.constant 0 : i32
      %dma_wait3A_162 = tpu.memref_slice %arg4[%add3A, %dma_wait3A_160, %dma_wait3A_161] : memref<32x80x128xi32, #tpu.memory_space<hbm>> -> memref<1x40x128xi32, #tpu.memory_space<hbm>>
      %dma_wait3A_163 = tpu.memref_squeeze %dma_wait3A_162 : memref<1x40x128xi32, #tpu.memory_space<hbm>> -> memref<40x128xi32, #tpu.memory_space<hbm>>
      tpu.wait_dma2 semaphore(%run_scoped3A : memref<!tpu.dma_semaphore, #tpu.memory_space<semaphore_mem>>) src(%dma_wait3A_163 : memref<40x128xi32, #tpu.memory_space<hbm>>) dst(%arg7 : memref<40x128xi32, #tpu.memory_space<vmem>>)
      tpu.yield
    }) : () -> ()
    %dma_start3A_110 = arith.constant 0 : i32
    %dma_start3A_111 = arith.constant 0 : i32
    %dma_start3A_112 = tpu.memref_slice %arg6[%dma_start3A_110, %dma_start3A_111] : memref<40x128xi32, #tpu.memory_space<vmem>> -> memref<1x128xi32, #tpu.memory_space<vmem>>
    %dma_start3A_113 = tpu.memref_squeeze %dma_start3A_112 : memref<1x128xi32, #tpu.memory_space<vmem>> -> memref<128xi32, #tpu.memory_space<vmem>>
    %dma_start3A_114 = arith.constant 0 : i32
    %dma_start3A_115 = arith.constant 0 : i32
    %dma_start3A_116 = tpu.memref_slice %arg2[%dma_start3A_114, %dma_start3A_115] : memref<10000x128xf32, #tpu.memory_space<hbm>> -> memref<10000x128xf32, #tpu.memory_space<hbm>>
    tpu.enqueue_indirect_dma source(%dma_start3A_116 : memref<10000x128xf32, #tpu.memory_space<hbm>>) target(%arg8 : memref<128x128xf32, #tpu.memory_space<vmem>>) offsets(%dma_start3A_113 : memref<128xi32, #tpu.memory_space<vmem>>) semaphore(%arg12 : memref<!tpu.dma_semaphore, #tpu.memory_space<semaphore_mem>>)
    %dma_start3A_117 = arith.constant 1 : i32
    %dma_start3A_118 = arith.constant 0 : i32
    %dma_start3A_119 = tpu.memref_slice %arg6[%dma_start3A_117, %dma_start3A_118] : memref<40x128xi32, #tpu.memory_space<vmem>> -> memref<1x128xi32, #tpu.memory_space<vmem>>
    %dma_start3A_120 = tpu.memref_squeeze %dma_start3A_119 : memref<1x128xi32, #tpu.memory_space<vmem>> -> memref<128xi32, #tpu.memory_space<vmem>>
    %dma_start3A_121 = arith.constant 0 : i32
    %dma_start3A_122 = arith.constant 0 : i32
    %dma_start3A_123 = tpu.memref_slice %arg2[%dma_start3A_121, %dma_start3A_122] : memref<10000x128xf32, #tpu.memory_space<hbm>> -> memref<10000x128xf32, #tpu.memory_space<hbm>>
    tpu.enqueue_indirect_dma source(%dma_start3A_123 : memref<10000x128xf32, #tpu.memory_space<hbm>>) target(%arg9 : memref<128x128xf32, #tpu.memory_space<vmem>>) offsets(%dma_start3A_120 : memref<128xi32, #tpu.memory_space<vmem>>) semaphore(%arg13 : memref<!tpu.dma_semaphore, #tpu.memory_space<semaphore_mem>>)
    %scan3A_124 = arith.constant 0 : i32
    %scan3A_125 = arith.constant 0 : i32
    %scan3A_126 = arith.constant 20 : i32
    %scan3A_127 = arith.addi %scan3A_125, %scan3A_126 : i32
    %scan3A_128 = arith.constant 1 : i32
    scf.for %scan3A_148 = %scan3A_125 to %scan3A_127 step %scan3A_128  : i32 {
      %mul3A_149 = arith.constant 2 : i32
      %mul3A_150 = arith.muli %mul3A_149, %scan3A_148 : i32
      %dma_wait3A_151 = arith.constant 0 : i32
      %dma_wait3A_152 = tpu.memref_slice %arg6[%mul3A_150, %dma_wait3A_151] : memref<40x128xi32, #tpu.memory_space<vmem>> -> memref<1x128xi32, #tpu.memory_space<vmem>>
      %dma_wait3A_153 = tpu.memref_squeeze %dma_wait3A_152 : memref<1x128xi32, #tpu.memory_space<vmem>> -> memref<128xi32, #tpu.memory_space<vmem>>
      %dma_wait3A_154 = arith.constant 0 : i32
      %dma_wait3A_155 = arith.constant 0 : i32
      %dma_wait3A_156 = tpu.memref_slice %arg2[%dma_wait3A_154, %dma_wait3A_155] : memref<10000x128xf32, #tpu.memory_space<hbm>> -> memref<10000x128xf32, #tpu.memory_space<hbm>>
      tpu.wait_indirect_dma semaphore(%arg12 : memref<!tpu.dma_semaphore, #tpu.memory_space<semaphore_mem>>) src(%dma_wait3A_156 : memref<10000x128xf32, #tpu.memory_space<hbm>>) dst(%arg8 : memref<128x128xf32, #tpu.memory_space<vmem>>)
      "tpu.region"() ({
        %run_scoped3A = tpu.sem_alloc : memref<!tpu.dma_semaphore, #tpu.memory_space<semaphore_mem>>
        %dma_start3A_176 = arith.constant 0 : i32
        %dma_start3A_177 = tpu.memref_slice %arg7[%mul3A_150, %dma_start3A_176] : memref<40x128xi32, #tpu.memory_space<vmem>> -> memref<1x128xi32, #tpu.memory_space<vmem>>
        %dma_start3A_178 = tpu.memref_squeeze %dma_start3A_177 : memref<1x128xi32, #tpu.memory_space<vmem>> -> memref<128xi32, #tpu.memory_space<vmem>>
        %dma_start3A_179 = arith.constant 0 : i32
        %dma_start3A_180 = arith.constant 0 : i32
        %dma_start3A_181 = tpu.memref_slice %arg11[%dma_start3A_179, %dma_start3A_180] : memref<10016x128xf32, #tpu.memory_space<vmem_shared>> -> memref<10016x128xf32, #tpu.memory_space<vmem_shared>>
        tpu.enqueue_indirect_dma source(%arg8 : memref<128x128xf32, #tpu.memory_space<vmem>>) target(%dma_start3A_181 : memref<10016x128xf32, #tpu.memory_space<vmem_shared>>) offsets(%dma_start3A_178 : memref<128xi32, #tpu.memory_space<vmem>>) semaphore(%run_scoped3A : memref<!tpu.dma_semaphore, #tpu.memory_space<semaphore_mem>>) {add = true}
        %dma_wait3A_182 = arith.constant 0 : i32
        %dma_wait3A_183 = tpu.memref_slice %arg7[%mul3A_150, %dma_wait3A_182] : memref<40x128xi32, #tpu.memory_space<vmem>> -> memref<1x128xi32, #tpu.memory_space<vmem>>
        %dma_wait3A_184 = tpu.memref_squeeze %dma_wait3A_183 : memref<1x128xi32, #tpu.memory_space<vmem>> -> memref<128xi32, #tpu.memory_space<vmem>>
        %dma_wait3A_185 = arith.constant 0 : i32
        %dma_wait3A_186 = arith.constant 0 : i32
        %dma_wait3A_187 = tpu.memref_slice %arg11[%dma_wait3A_185, %dma_wait3A_186] : memref<10016x128xf32, #tpu.memory_space<vmem_shared>> -> memref<10016x128xf32, #tpu.memory_space<vmem_shared>>
        tpu.wait_indirect_dma semaphore(%run_scoped3A : memref<!tpu.dma_semaphore, #tpu.memory_space<semaphore_mem>>) src(%arg8 : memref<128x128xf32, #tpu.memory_space<vmem>>) dst(%dma_wait3A_187 : memref<10016x128xf32, #tpu.memory_space<vmem_shared>>)
        tpu.yield
      }) : () -> ()
      %lt3A = arith.constant 19 : i32
      %lt3A_157 = arith.cmpi slt, %scan3A_148, %lt3A : i32
      %convert_element_type3A_158 = arith.extui %lt3A_157 : i1 to i32
      %cond3A_159 = arith.constant 0 : i32
      %cond3A_160 = arith.cmpi ne, %convert_element_type3A_158, %cond3A_159 : i32
      scf.if %cond3A_160 {
        %add3A_176 = arith.constant 2 : i32
        %add3A_177 = arith.addi %mul3A_150, %add3A_176 : i32
        %dma_start3A_178 = arith.constant 0 : i32
        %dma_start3A_179 = tpu.memref_slice %arg6[%add3A_177, %dma_start3A_178] : memref<40x128xi32, #tpu.memory_space<vmem>> -> memref<1x128xi32, #tpu.memory_space<vmem>>
        %dma_start3A_180 = tpu.memref_squeeze %dma_start3A_179 : memref<1x128xi32, #tpu.memory_space<vmem>> -> memref<128xi32, #tpu.memory_space<vmem>>
        %dma_start3A_181 = arith.constant 0 : i32
        %dma_start3A_182 = arith.constant 0 : i32
        %dma_start3A_183 = tpu.memref_slice %arg2[%dma_start3A_181, %dma_start3A_182] : memref<10000x128xf32, #tpu.memory_space<hbm>> -> memref<10000x128xf32, #tpu.memory_space<hbm>>
        tpu.enqueue_indirect_dma source(%dma_start3A_183 : memref<10000x128xf32, #tpu.memory_space<hbm>>) target(%arg8 : memref<128x128xf32, #tpu.memory_space<vmem>>) offsets(%dma_start3A_180 : memref<128xi32, #tpu.memory_space<vmem>>) semaphore(%arg12 : memref<!tpu.dma_semaphore, #tpu.memory_space<semaphore_mem>>)
      } else {
      }
      %add3A_161 = arith.constant 1 : i32
      %add3A_162 = arith.addi %mul3A_150, %add3A_161 : i32
      %dma_wait3A_163 = arith.constant 0 : i32
      %dma_wait3A_164 = tpu.memref_slice %arg6[%add3A_162, %dma_wait3A_163] : memref<40x128xi32, #tpu.memory_space<vmem>> -> memref<1x128xi32, #tpu.memory_space<vmem>>
      %dma_wait3A_165 = tpu.memref_squeeze %dma_wait3A_164 : memref<1x128xi32, #tpu.memory_space<vmem>> -> memref<128xi32, #tpu.memory_space<vmem>>
      %dma_wait3A_166 = arith.constant 0 : i32
      %dma_wait3A_167 = arith.constant 0 : i32
      %dma_wait3A_168 = tpu.memref_slice %arg2[%dma_wait3A_166, %dma_wait3A_167] : memref<10000x128xf32, #tpu.memory_space<hbm>> -> memref<10000x128xf32, #tpu.memory_space<hbm>>
      tpu.wait_indirect_dma semaphore(%arg13 : memref<!tpu.dma_semaphore, #tpu.memory_space<semaphore_mem>>) src(%dma_wait3A_168 : memref<10000x128xf32, #tpu.memory_space<hbm>>) dst(%arg9 : memref<128x128xf32, #tpu.memory_space<vmem>>)
      %add3A_169 = arith.constant 1 : i32
      %add3A_170 = arith.addi %mul3A_150, %add3A_169 : i32
      "tpu.region"() ({
        %run_scoped3A = tpu.sem_alloc : memref<!tpu.dma_semaphore, #tpu.memory_space<semaphore_mem>>
        %dma_start3A_176 = arith.constant 0 : i32
        %dma_start3A_177 = tpu.memref_slice %arg7[%add3A_170, %dma_start3A_176] : memref<40x128xi32, #tpu.memory_space<vmem>> -> memref<1x128xi32, #tpu.memory_space<vmem>>
        %dma_start3A_178 = tpu.memref_squeeze %dma_start3A_177 : memref<1x128xi32, #tpu.memory_space<vmem>> -> memref<128xi32, #tpu.memory_space<vmem>>
        %dma_start3A_179 = arith.constant 0 : i32
        %dma_start3A_180 = arith.constant 0 : i32
        %dma_start3A_181 = tpu.memref_slice %arg11[%dma_start3A_179, %dma_start3A_180] : memref<10016x128xf32, #tpu.memory_space<vmem_shared>> -> memref<10016x128xf32, #tpu.memory_space<vmem_shared>>
        tpu.enqueue_indirect_dma source(%arg9 : memref<128x128xf32, #tpu.memory_space<vmem>>) target(%dma_start3A_181 : memref<10016x128xf32, #tpu.memory_space<vmem_shared>>) offsets(%dma_start3A_178 : memref<128xi32, #tpu.memory_space<vmem>>) semaphore(%run_scoped3A : memref<!tpu.dma_semaphore, #tpu.memory_space<semaphore_mem>>) {add = true}
        %dma_wait3A_182 = arith.constant 0 : i32
        %dma_wait3A_183 = tpu.memref_slice %arg7[%add3A_170, %dma_wait3A_182] : memref<40x128xi32, #tpu.memory_space<vmem>> -> memref<1x128xi32, #tpu.memory_space<vmem>>
        %dma_wait3A_184 = tpu.memref_squeeze %dma_wait3A_183 : memref<1x128xi32, #tpu.memory_space<vmem>> -> memref<128xi32, #tpu.memory_space<vmem>>
        %dma_wait3A_185 = arith.constant 0 : i32
        %dma_wait3A_186 = arith.constant 0 : i32
        %dma_wait3A_187 = tpu.memref_slice %arg11[%dma_wait3A_185, %dma_wait3A_186] : memref<10016x128xf32, #tpu.memory_space<vmem_shared>> -> memref<10016x128xf32, #tpu.memory_space<vmem_shared>>
        tpu.wait_indirect_dma semaphore(%run_scoped3A : memref<!tpu.dma_semaphore, #tpu.memory_space<semaphore_mem>>) src(%arg9 : memref<128x128xf32, #tpu.memory_space<vmem>>) dst(%dma_wait3A_187 : memref<10016x128xf32, #tpu.memory_space<vmem_shared>>)
        tpu.yield
      }) : () -> ()
      %lt3A_171 = arith.constant 19 : i32
      %lt3A_172 = arith.cmpi slt, %scan3A_148, %lt3A_171 : i32
      %convert_element_type3A_173 = arith.extui %lt3A_172 : i1 to i32
      %cond3A_174 = arith.constant 0 : i32
      %cond3A_175 = arith.cmpi ne, %convert_element_type3A_173, %cond3A_174 : i32
      scf.if %cond3A_175 {
        %add3A_176 = arith.constant 3 : i32
        %add3A_177 = arith.addi %mul3A_150, %add3A_176 : i32
        %dma_start3A_178 = arith.constant 0 : i32
        %dma_start3A_179 = tpu.memref_slice %arg6[%add3A_177, %dma_start3A_178] : memref<40x128xi32, #tpu.memory_space<vmem>> -> memref<1x128xi32, #tpu.memory_space<vmem>>
        %dma_start3A_180 = tpu.memref_squeeze %dma_start3A_179 : memref<1x128xi32, #tpu.memory_space<vmem>> -> memref<128xi32, #tpu.memory_space<vmem>>
        %dma_start3A_181 = arith.constant 0 : i32
        %dma_start3A_182 = arith.constant 0 : i32
        %dma_start3A_183 = tpu.memref_slice %arg2[%dma_start3A_181, %dma_start3A_182] : memref<10000x128xf32, #tpu.memory_space<hbm>> -> memref<10000x128xf32, #tpu.memory_space<hbm>>
        tpu.enqueue_indirect_dma source(%dma_start3A_183 : memref<10000x128xf32, #tpu.memory_space<hbm>>) target(%arg9 : memref<128x128xf32, #tpu.memory_space<vmem>>) offsets(%dma_start3A_180 : memref<128xi32, #tpu.memory_space<vmem>>) semaphore(%arg13 : memref<!tpu.dma_semaphore, #tpu.memory_space<semaphore_mem>>)
      } else {
      }
    }
    %scan3A_129 = arith.constant 20 : i32
    %barrier3A_130 = arith.constant 0 : index
    tpu.barrier barrier_id(%barrier3A_130)
    %mul3A_131 = arith.constant 624 : i32
    %mul3A_132 = arith.muli %arg1, %mul3A_131 : i32
    %add3A_133 = arith.constant 0 : i32
    %add3A_134 = arith.addi %mul3A_132, %add3A_133 : i32
    "tpu.region"() ({
      %run_scoped3A = tpu.sem_alloc : memref<!tpu.dma_semaphore, #tpu.memory_space<semaphore_mem>>
      %dma_start3A_148 = arith.constant 0 : i32
      %dma_start3A_149 = tpu.memref_slice %arg11[%add3A_134, %dma_start3A_148] : memref<10016x128xf32, #tpu.memory_space<vmem_shared>> -> memref<48x128xf32, #tpu.memory_space<vmem_shared>>
      %dma_start3A_150 = arith.constant 0 : i32
      %dma_start3A_151 = tpu.memref_slice %arg11[%add3A_134, %dma_start3A_150] : memref<10016x128xf32, #tpu.memory_space<vmem_shared>> -> memref<48x128xf32, #tpu.memory_space<vmem_shared>>
      tpu.enqueue_dma source(%dma_start3A_151 : memref<48x128xf32, #tpu.memory_space<vmem_shared>>) target(%arg10 : memref<48x128xf32, #tpu.memory_space<vmem>>) target_semaphore(%run_scoped3A : memref<!tpu.dma_semaphore, #tpu.memory_space<semaphore_mem>>)
      %dma_wait3A_152 = arith.constant 0 : i32
      %dma_wait3A_153 = tpu.memref_slice %arg11[%add3A_134, %dma_wait3A_152] : memref<10016x128xf32, #tpu.memory_space<vmem_shared>> -> memref<48x128xf32, #tpu.memory_space<vmem_shared>>
      %dma_wait3A_154 = arith.constant 0 : i32
      %dma_wait3A_155 = tpu.memref_slice %arg11[%add3A_134, %dma_wait3A_154] : memref<10016x128xf32, #tpu.memory_space<vmem_shared>> -> memref<48x128xf32, #tpu.memory_space<vmem_shared>>
      tpu.wait_dma2 semaphore(%run_scoped3A : memref<!tpu.dma_semaphore, #tpu.memory_space<semaphore_mem>>) src(%dma_wait3A_155 : memref<48x128xf32, #tpu.memory_space<vmem_shared>>) dst(%arg10 : memref<48x128xf32, #tpu.memory_space<vmem>>)
      tpu.yield
    }) : () -> ()
    "tpu.region"() ({
      %run_scoped3A = tpu.sem_alloc : memref<!tpu.dma_semaphore, #tpu.memory_space<semaphore_mem>>
      %dma_start3A_148 = arith.constant 0 : i32
      %dma_start3A_149 = tpu.memref_slice %arg5[%arg0, %add3A_134, %dma_start3A_148] : memref<2x10000x128xf32, #tpu.memory_space<hbm>> -> memref<1x48x128xf32, #tpu.memory_space<hbm>>
      %dma_start3A_150 = tpu.memref_squeeze %dma_start3A_149 : memref<1x48x128xf32, #tpu.memory_space<hbm>> -> memref<48x128xf32, #tpu.memory_space<hbm>>
      %dma_start3A_151 = arith.constant 0 : i32
      %dma_start3A_152 = tpu.memref_slice %arg5[%arg0, %add3A_134, %dma_start3A_151] : memref<2x10000x128xf32, #tpu.memory_space<hbm>> -> memref<1x48x128xf32, #tpu.memory_space<hbm>>
      %dma_start3A_153 = tpu.memref_squeeze %dma_start3A_152 : memref<1x48x128xf32, #tpu.memory_space<hbm>> -> memref<48x128xf32, #tpu.memory_space<hbm>>
      tpu.enqueue_dma source(%arg10 : memref<48x128xf32, #tpu.memory_space<vmem>>) target(%dma_start3A_153 : memref<48x128xf32, #tpu.memory_space<hbm>>) target_semaphore(%run_scoped3A : memref<!tpu.dma_semaphore, #tpu.memory_space<semaphore_mem>>)
      %dma_wait3A_154 = arith.constant 0 : i32
      %dma_wait3A_155 = tpu.memref_slice %arg5[%arg0, %add3A_134, %dma_wait3A_154] : memref<2x10000x128xf32, #tpu.memory_space<hbm>> -> memref<1x48x128xf32, #tpu.memory_space<hbm>>
      %dma_wait3A_156 = tpu.memref_squeeze %dma_wait3A_155 : memref<1x48x128xf32, #tpu.memory_space<hbm>> -> memref<48x128xf32, #tpu.memory_space<hbm>>
      %dma_wait3A_157 = arith.constant 0 : i32
      %dma_wait3A_158 = tpu.memref_slice %arg5[%arg0, %add3A_134, %dma_wait3A_157] : memref<2x10000x128xf32, #tpu.memory_space<hbm>> -> memref<1x48x128xf32, #tpu.memory_space<hbm>>
      %dma_wait3A_159 = tpu.memref_squeeze %dma_wait3A_158 : memref<1x48x128xf32, #tpu.memory_space<hbm>> -> memref<48x128xf32, #tpu.memory_space<hbm>>
      tpu.wait_dma2 semaphore(%run_scoped3A : memref<!tpu.dma_semaphore, #tpu.memory_space<semaphore_mem>>) src(%arg10 : memref<48x128xf32, #tpu.memory_space<vmem>>) dst(%dma_wait3A_159 : memref<48x128xf32, #tpu.memory_space<hbm>>)
      tpu.yield
    }) : () -> ()
    %mul3A_135 = arith.constant 624 : i32
    %mul3A_136 = arith.muli %arg1, %mul3A_135 : i32
    %add3A_137 = arith.constant 48 : i32
    %add3A_138 = arith.addi %mul3A_136, %add3A_137 : i32
    "tpu.region"() ({
      %run_scoped3A = tpu.sem_alloc : memref<!tpu.dma_semaphore, #tpu.memory_space<semaphore_mem>>
      %dma_start3A_148 = arith.constant 0 : i32
      %dma_start3A_149 = tpu.memref_slice %arg11[%add3A_138, %dma_start3A_148] : memref<10016x128xf32, #tpu.memory_space<vmem_shared>> -> memref<48x128xf32, #tpu.memory_space<vmem_shared>>
      %dma_start3A_150 = arith.constant 0 : i32
      %dma_start3A_151 = tpu.memref_slice %arg11[%add3A_138, %dma_start3A_150] : memref<10016x128xf32, #tpu.memory_space<vmem_shared>> -> memref<48x128xf32, #tpu.memory_space<vmem_shared>>
      tpu.enqueue_dma source(%dma_start3A_151 : memref<48x128xf32, #tpu.memory_space<vmem_shared>>) target(%arg10 : memref<48x128xf32, #tpu.memory_space<vmem>>) target_semaphore(%run_scoped3A : memref<!tpu.dma_semaphore, #tpu.memory_space<semaphore_mem>>)
      %dma_wait3A_152 = arith.constant 0 : i32
      %dma_wait3A_153 = tpu.memref_slice %arg11[%add3A_138, %dma_wait3A_152] : memref<10016x128xf32, #tpu.memory_space<vmem_shared>> -> memref<48x128xf32, #tpu.memory_space<vmem_shared>>
      %dma_wait3A_154 = arith.constant 0 : i32
      %dma_wait3A_155 = tpu.memref_slice %arg11[%add3A_138, %dma_wait3A_154] : memref<10016x128xf32, #tpu.memory_space<vmem_shared>> -> memref<48x128xf32, #tpu.memory_space<vmem_shared>>
      tpu.wait_dma2 semaphore(%run_scoped3A : memref<!tpu.dma_semaphore, #tpu.memory_space<semaphore_mem>>) src(%dma_wait3A_155 : memref<48x128xf32, #tpu.memory_space<vmem_shared>>) dst(%arg10 : memref<48x128xf32, #tpu.memory_space<vmem>>)
      tpu.yield
    }) : () -> ()
    "tpu.region"() ({
      %run_scoped3A = tpu.sem_alloc : memref<!tpu.dma_semaphore, #tpu.memory_space<semaphore_mem>>
      %dma_start3A_148 = arith.constant 0 : i32
      %dma_start3A_149 = tpu.memref_slice %arg5[%arg0, %add3A_138, %dma_start3A_148] : memref<2x10000x128xf32, #tpu.memory_space<hbm>> -> memref<1x48x128xf32, #tpu.memory_space<hbm>>
      %dma_start3A_150 = tpu.memref_squeeze %dma_start3A_149 : memref<1x48x128xf32, #tpu.memory_space<hbm>> -> memref<48x128xf32, #tpu.memory_space<hbm>>
      %dma_start3A_151 = arith.constant 0 : i32
      %dma_start3A_152 = tpu.memref_slice %arg5[%arg0, %add3A_138, %dma_start3A_151] : memref<2x10000x128xf32, #tpu.memory_space<hbm>> -> memref<1x48x128xf32, #tpu.memory_space<hbm>>
      %dma_start3A_153 = tpu.memref_squeeze %dma_start3A_152 : memref<1x48x128xf32, #tpu.memory_space<hbm>> -> memref<48x128xf32, #tpu.memory_space<hbm>>
      tpu.enqueue_dma source(%arg10 : memref<48x128xf32, #tpu.memory_space<vmem>>) target(%dma_start3A_153 : memref<48x128xf32, #tpu.memory_space<hbm>>) target_semaphore(%run_scoped3A : memref<!tpu.dma_semaphore, #tpu.memory_space<semaphore_mem>>)
      %dma_wait3A_154 = arith.constant 0 : i32
      %dma_wait3A_155 = tpu.memref_slice %arg5[%arg0, %add3A_138, %dma_wait3A_154] : memref<2x10000x128xf32, #tpu.memory_space<hbm>> -> memref<1x48x128xf32, #tpu.memory_space<hbm>>
      %dma_wait3A_156 = tpu.memref_squeeze %dma_wait3A_155 : memref<1x48x128xf32, #tpu.memory_space<hbm>> -> memref<48x128xf32, #tpu.memory_space<hbm>>
      %dma_wait3A_157 = arith.constant 0 : i32
      %dma_wait3A_158 = tpu.memref_slice %arg5[%arg0, %add3A_138, %dma_wait3A_157] : memref<2x10000x128xf32, #tpu.memory_space<hbm>> -> memref<1x48x128xf32, #tpu.memory_space<hbm>>
      %dma_wait3A_159 = tpu.memref_squeeze %dma_wait3A_158 : memref<1x48x128xf32, #tpu.memory_space<hbm>> -> memref<48x128xf32, #tpu.memory_space<hbm>>
      tpu.wait_dma2 semaphore(%run_scoped3A : memref<!tpu.dma_semaphore, #tpu.memory_space<semaphore_mem>>) src(%arg10 : memref<48x128xf32, #tpu.memory_space<vmem>>) dst(%dma_wait3A_159 : memref<48x128xf32, #tpu.memory_space<hbm>>)
      tpu.yield
    }) : () -> ()
    %mul3A_139 = arith.constant 624 : i32
    %mul3A_140 = arith.muli %arg1, %mul3A_139 : i32
    %add3A_141 = arith.constant 96 : i32
    %add3A_142 = arith.addi %mul3A_140, %add3A_141 : i32
    "tpu.region"() ({
      %run_scoped3A = tpu.sem_alloc : memref<!tpu.dma_semaphore, #tpu.memory_space<semaphore_mem>>
      %dma_start3A_148 = arith.constant 0 : i32
      %dma_start3A_149 = tpu.memref_slice %arg11[%add3A_142, %dma_start3A_148] : memref<10016x128xf32, #tpu.memory_space<vmem_shared>> -> memref<48x128xf32, #tpu.memory_space<vmem_shared>>
      %dma_start3A_150 = arith.constant 0 : i32
      %dma_start3A_151 = tpu.memref_slice %arg11[%add3A_142, %dma_start3A_150] : memref<10016x128xf32, #tpu.memory_space<vmem_shared>> -> memref<48x128xf32, #tpu.memory_space<vmem_shared>>
      tpu.enqueue_dma source(%dma_start3A_151 : memref<48x128xf32, #tpu.memory_space<vmem_shared>>) target(%arg10 : memref<48x128xf32, #tpu.memory_space<vmem>>) target_semaphore(%run_scoped3A : memref<!tpu.dma_semaphore, #tpu.memory_space<semaphore_mem>>)
      %dma_wait3A_152 = arith.constant 0 : i32
      %dma_wait3A_153 = tpu.memref_slice %arg11[%add3A_142, %dma_wait3A_152] : memref<10016x128xf32, #tpu.memory_space<vmem_shared>> -> memref<48x128xf32, #tpu.memory_space<vmem_shared>>
      %dma_wait3A_154 = arith.constant 0 : i32
      %dma_wait3A_155 = tpu.memref_slice %arg11[%add3A_142, %dma_wait3A_154] : memref<10016x128xf32, #tpu.memory_space<vmem_shared>> -> memref<48x128xf32, #tpu.memory_space<vmem_shared>>
      tpu.wait_dma2 semaphore(%run_scoped3A : memref<!tpu.dma_semaphore, #tpu.memory_space<semaphore_mem>>) src(%dma_wait3A_155 : memref<48x128xf32, #tpu.memory_space<vmem_shared>>) dst(%arg10 : memref<48x128xf32, #tpu.memory_space<vmem>>)
      tpu.yield
    }) : () -> ()
    "tpu.region"() ({
      %run_scoped3A = tpu.sem_alloc : memref<!tpu.dma_semaphore, #tpu.memory_space<semaphore_mem>>
      %dma_start3A_148 = arith.constant 0 : i32
      %dma_start3A_149 = tpu.memref_slice %arg5[%arg0, %add3A_142, %dma_start3A_148] : memref<2x10000x128xf32, #tpu.memory_space<hbm>> -> memref<1x48x128xf32, #tpu.memory_space<hbm>>
      %dma_start3A_150 = tpu.memref_squeeze %dma_start3A_149 : memref<1x48x128xf32, #tpu.memory_space<hbm>> -> memref<48x128xf32, #tpu.memory_space<hbm>>
      %dma_start3A_151 = arith.constant 0 : i32
      %dma_start3A_152 = tpu.memref_slice %arg5[%arg0, %add3A_142, %dma_start3A_151] : memref<2x10000x128xf32, #tpu.memory_space<hbm>> -> memref<1x48x128xf32, #tpu.memory_space<hbm>>
      %dma_start3A_153 = tpu.memref_squeeze %dma_start3A_152 : memref<1x48x128xf32, #tpu.memory_space<hbm>> -> memref<48x128xf32, #tpu.memory_space<hbm>>
      tpu.enqueue_dma source(%arg10 : memref<48x128xf32, #tpu.memory_space<vmem>>) target(%dma_start3A_153 : memref<48x128xf32, #tpu.memory_space<hbm>>) target_semaphore(%run_scoped3A : memref<!tpu.dma_semaphore, #tpu.memory_space<semaphore_mem>>)
      %dma_wait3A_154 = arith.constant 0 : i32
      %dma_wait3A_155 = tpu.memref_slice %arg5[%arg0, %add3A_142, %dma_wait3A_154] : memref<2x10000x128xf32, #tpu.memory_space<hbm>> -> memref<1x48x128xf32, #tpu.memory_space<hbm>>
      %dma_wait3A_156 = tpu.memref_squeeze %dma_wait3A_155 : memref<1x48x128xf32, #tpu.memory_space<hbm>> -> memref<48x128xf32, #tpu.memory_space<hbm>>
      %dma_wait3A_157 = arith.constant 0 : i32
      %dma_wait3A_158 = tpu.memref_slice %arg5[%arg0, %add3A_142, %dma_wait3A_157] : memref<2x10000x128xf32, #tpu.memory_space<hbm>> -> memref<1x48x128xf32, #tpu.memory_space<hbm>>
      %dma_wait3A_159 = tpu.memref_squeeze %dma_wait3A_158 : memref<1x48x128xf32, #tpu.memory_space<hbm>> -> memref<48x128xf32, #tpu.memory_space<hbm>>
      tpu.wait_dma2 semaphore(%run_scoped3A : memref<!tpu.dma_semaphore, #tpu.memory_space<semaphore_mem>>) src(%arg10 : memref<48x128xf32, #tpu.memory_space<vmem>>) dst(%dma_wait3A_159 : memref<48x128xf32, #tpu.memory_space<hbm>>)
      tpu.yield
    }) : () -> ()
    %eq3A_143 = arith.constant 15 : i32
    %eq3A_144 = arith.cmpi eq, %arg1, %eq3A_143 : i32
    %convert_element_type3A_145 = arith.extui %eq3A_144 : i1 to i32
    %cond3A_146 = arith.constant 0 : i32
    %cond3A_147 = arith.cmpi ne, %convert_element_type3A_145, %cond3A_146 : i32
    scf.if %cond3A_147 {
      "tpu.region"() ({
        %run_scoped3A = tpu.sem_alloc : memref<!tpu.dma_semaphore, #tpu.memory_space<semaphore_mem>>
        %dma_start3A_148 = arith.constant 0 : i32
        %dma_start3A_149 = arith.constant 0 : i32
        %dma_start3A_150 = tpu.memref_slice %arg10[%dma_start3A_148, %dma_start3A_149] : memref<48x128xf32, #tpu.memory_space<vmem>> -> memref<16x128xf32, #tpu.memory_space<vmem>>
        %dma_start3A_151 = arith.constant 9984 : i32
        %dma_start3A_152 = arith.constant 0 : i32
        %dma_start3A_153 = tpu.memref_slice %arg11[%dma_start3A_151, %dma_start3A_152] : memref<10016x128xf32, #tpu.memory_space<vmem_shared>> -> memref<16x128xf32, #tpu.memory_space<vmem_shared>>
        %dma_start3A_154 = arith.constant 0 : i32
        %dma_start3A_155 = arith.constant 0 : i32
        %dma_start3A_156 = tpu.memref_slice %arg10[%dma_start3A_154, %dma_start3A_155] : memref<48x128xf32, #tpu.memory_space<vmem>> -> memref<16x128xf32, #tpu.memory_space<vmem>>
        %dma_start3A_157 = arith.constant 9984 : i32
        %dma_start3A_158 = arith.constant 0 : i32
        %dma_start3A_159 = tpu.memref_slice %arg11[%dma_start3A_157, %dma_start3A_158] : memref<10016x128xf32, #tpu.memory_space<vmem_shared>> -> memref<16x128xf32, #tpu.memory_space<vmem_shared>>
        tpu.enqueue_dma source(%dma_start3A_159 : memref<16x128xf32, #tpu.memory_space<vmem_shared>>) target(%dma_start3A_156 : memref<16x128xf32, #tpu.memory_space<vmem>>) target_semaphore(%run_scoped3A : memref<!tpu.dma_semaphore, #tpu.memory_space<semaphore_mem>>)
        %dma_wait3A_160 = arith.constant 0 : i32
        %dma_wait3A_161 = arith.constant 0 : i32
        %dma_wait3A_162 = tpu.memref_slice %arg10[%dma_wait3A_160, %dma_wait3A_161] : memref<48x128xf32, #tpu.memory_space<vmem>> -> memref<16x128xf32, #tpu.memory_space<vmem>>
        %dma_wait3A_163 = arith.constant 9984 : i32
        %dma_wait3A_164 = arith.constant 0 : i32
        %dma_wait3A_165 = tpu.memref_slice %arg11[%dma_wait3A_163, %dma_wait3A_164] : memref<10016x128xf32, #tpu.memory_space<vmem_shared>> -> memref<16x128xf32, #tpu.memory_space<vmem_shared>>
        %dma_wait3A_166 = arith.constant 0 : i32
        %dma_wait3A_167 = arith.constant 0 : i32
        %dma_wait3A_168 = tpu.memref_slice %arg10[%dma_wait3A_166, %dma_wait3A_167] : memref<48x128xf32, #tpu.memory_space<vmem>> -> memref<16x128xf32, #tpu.memory_space<vmem>>
        %dma_wait3A_169 = arith.constant 9984 : i32
        %dma_wait3A_170 = arith.constant 0 : i32
        %dma_wait3A_171 = tpu.memref_slice %arg11[%dma_wait3A_169, %dma_wait3A_170] : memref<10016x128xf32, #tpu.memory_space<vmem_shared>> -> memref<16x128xf32, #tpu.memory_space<vmem_shared>>
        tpu.wait_dma2 semaphore(%run_scoped3A : memref<!tpu.dma_semaphore, #tpu.memory_space<semaphore_mem>>) src(%dma_wait3A_171 : memref<16x128xf32, #tpu.memory_space<vmem_shared>>) dst(%dma_wait3A_168 : memref<16x128xf32, #tpu.memory_space<vmem>>)
        tpu.yield
      }) : () -> ()
      "tpu.region"() ({
        %run_scoped3A = tpu.sem_alloc : memref<!tpu.dma_semaphore, #tpu.memory_space<semaphore_mem>>
        %dma_start3A_148 = arith.constant 0 : i32
        %dma_start3A_149 = arith.constant 0 : i32
        %dma_start3A_150 = tpu.memref_slice %arg10[%dma_start3A_148, %dma_start3A_149] : memref<48x128xf32, #tpu.memory_space<vmem>> -> memref<16x128xf32, #tpu.memory_space<vmem>>
        %dma_start3A_151 = arith.constant 9984 : i32
        %dma_start3A_152 = arith.constant 0 : i32
        %dma_start3A_153 = tpu.memref_slice %arg5[%arg0, %dma_start3A_151, %dma_start3A_152] : memref<2x10000x128xf32, #tpu.memory_space<hbm>> -> memref<1x16x128xf32, #tpu.memory_space<hbm>>
        %dma_start3A_154 = tpu.memref_squeeze %dma_start3A_153 : memref<1x16x128xf32, #tpu.memory_space<hbm>> -> memref<16x128xf32, #tpu.memory_space<hbm>>
        %dma_start3A_155 = arith.constant 9984 : i32
        %dma_start3A_156 = arith.constant 0 : i32
        %dma_start3A_157 = tpu.memref_slice %arg5[%arg0, %dma_start3A_155, %dma_start3A_156] : memref<2x10000x128xf32, #tpu.memory_space<hbm>> -> memref<1x16x128xf32, #tpu.memory_space<hbm>>
        %dma_start3A_158 = tpu.memref_squeeze %dma_start3A_157 : memref<1x16x128xf32, #tpu.memory_space<hbm>> -> memref<16x128xf32, #tpu.memory_space<hbm>>
        %dma_start3A_159 = arith.constant 0 : i32
        %dma_start3A_160 = arith.constant 0 : i32
        %dma_start3A_161 = tpu.memref_slice %arg10[%dma_start3A_159, %dma_start3A_160] : memref<48x128xf32, #tpu.memory_space<vmem>> -> memref<16x128xf32, #tpu.memory_space<vmem>>
        tpu.enqueue_dma source(%dma_start3A_161 : memref<16x128xf32, #tpu.memory_space<vmem>>) target(%dma_start3A_158 : memref<16x128xf32, #tpu.memory_space<hbm>>) target_semaphore(%run_scoped3A : memref<!tpu.dma_semaphore, #tpu.memory_space<semaphore_mem>>)
        %dma_wait3A_162 = arith.constant 0 : i32
        %dma_wait3A_163 = arith.constant 0 : i32
        %dma_wait3A_164 = tpu.memref_slice %arg10[%dma_wait3A_162, %dma_wait3A_163] : memref<48x128xf32, #tpu.memory_space<vmem>> -> memref<16x128xf32, #tpu.memory_space<vmem>>
        %dma_wait3A_165 = arith.constant 9984 : i32
        %dma_wait3A_166 = arith.constant 0 : i32
        %dma_wait3A_167 = tpu.memref_slice %arg5[%arg0, %dma_wait3A_165, %dma_wait3A_166] : memref<2x10000x128xf32, #tpu.memory_space<hbm>> -> memref<1x16x128xf32, #tpu.memory_space<hbm>>
        %dma_wait3A_168 = tpu.memref_squeeze %dma_wait3A_167 : memref<1x16x128xf32, #tpu.memory_space<hbm>> -> memref<16x128xf32, #tpu.memory_space<hbm>>
        %dma_wait3A_169 = arith.constant 9984 : i32
        %dma_wait3A_170 = arith.constant 0 : i32
        %dma_wait3A_171 = tpu.memref_slice %arg5[%arg0, %dma_wait3A_169, %dma_wait3A_170] : memref<2x10000x128xf32, #tpu.memory_space<hbm>> -> memref<1x16x128xf32, #tpu.memory_space<hbm>>
        %dma_wait3A_172 = tpu.memref_squeeze %dma_wait3A_171 : memref<1x16x128xf32, #tpu.memory_space<hbm>> -> memref<16x128xf32, #tpu.memory_space<hbm>>
        %dma_wait3A_173 = arith.constant 0 : i32
        %dma_wait3A_174 = arith.constant 0 : i32
        %dma_wait3A_175 = tpu.memref_slice %arg10[%dma_wait3A_173, %dma_wait3A_174] : memref<48x128xf32, #tpu.memory_space<vmem>> -> memref<16x128xf32, #tpu.memory_space<vmem>>
        tpu.wait_dma2 semaphore(%run_scoped3A : memref<!tpu.dma_semaphore, #tpu.memory_space<semaphore_mem>>) src(%dma_wait3A_175 : memref<16x128xf32, #tpu.memory_space<vmem>>) dst(%dma_wait3A_172 : memref<16x128xf32, #tpu.memory_space<hbm>>)
        tpu.yield
      }) : () -> ()
    } else {
    }
    return
  }
}

module attributes {stable_mosaic.version = 14 : i64} {
  func.func @_mlp_body(%arg0: i32, %arg1: memref<1000x128xf32, #tpu.memory_space<vmem>>, %arg2: memref<1000x128xf32, #tpu.memory_space<vmem>>, %arg3: memref<1000x128xf32, #tpu.memory_space<vmem>>, %arg4: memref<128x128xf32, #tpu.memory_space<vmem>>, %arg5: memref<1x128xf32, #tpu.memory_space<vmem>>, %arg6: memref<128x128xf32, #tpu.memory_space<vmem>>, %arg7: memref<1x128xf32, #tpu.memory_space<vmem>>, %arg8: memref<1000x128xf32, #tpu.memory_space<vmem>>) attributes {dimension_semantics = [#tpu.dimension_semantics<arbitrary>], iteration_bounds = array<i64: 10>, scalar_prefetch = 0 : i64, scratch_operands = 0 : i64, tpu.core_type = #tpu.core_type<tc>, window_params = [{transform_indices = @transform_0, window_bounds = array<i64: 1000, 128>}, {transform_indices = @transform_1, window_bounds = array<i64: 1000, 128>}, {transform_indices = @transform_2, window_bounds = array<i64: 1000, 128>}, {pipeline_mode = #tpu.pipeline_mode<synchronous>, transform_indices = @transform_3, window_bounds = array<i64: 128, 128>}, {pipeline_mode = #tpu.pipeline_mode<synchronous>, transform_indices = @transform_4, window_bounds = array<i64: 1, 128>}, {pipeline_mode = #tpu.pipeline_mode<synchronous>, transform_indices = @transform_5, window_bounds = array<i64: 128, 128>}, {pipeline_mode = #tpu.pipeline_mode<synchronous>, transform_indices = @transform_6, window_bounds = array<i64: 1, 128>}, {transform_indices = @transform_7, window_bounds = array<i64: 1000, 128>}]} {
    %get3A = arith.constant 0 : index
    %get3A_0 = arith.constant 0 : index
    %get3A_1 = vector.load %arg1[%get3A, %get3A_0] : memref<1000x128xf32, #tpu.memory_space<vmem>>, vector<1000x128xf32>
    %get3A_2 = arith.constant 0 : index
    %get3A_3 = arith.constant 0 : index
    %get3A_4 = vector.load %arg2[%get3A_2, %get3A_3] : memref<1000x128xf32, #tpu.memory_space<vmem>>, vector<1000x128xf32>
    %add3A = arith.addf %get3A_1, %get3A_4 : vector<1000x128xf32>
    %get3A_5 = arith.constant 0 : index
    %get3A_6 = arith.constant 0 : index
    %get3A_7 = vector.load %arg3[%get3A_5, %get3A_6] : memref<1000x128xf32, #tpu.memory_space<vmem>>, vector<1000x128xf32>
    %add3A_8 = arith.addf %add3A, %get3A_7 : vector<1000x128xf32>
    %get3A_9 = arith.constant 0 : index
    %get3A_10 = arith.constant 0 : index
    %get3A_11 = vector.load %arg4[%get3A_9, %get3A_10] : memref<128x128xf32, #tpu.memory_space<vmem>>, vector<128x128xf32>
    %dot_general3A = arith.constant dense<0.000000e+00> : vector<1000x128xf32>
    %dot_general3A_12 = tpu.matmul %add3A_8, %get3A_11, %dot_general3A {dimension_numbers = #tpu.dot_dimension_numbers<[1], [0], [0], [1], [0, 0, 1, 1], [], []>, transpose_lhs_hint = false} : vector<1000x128xf32>, vector<128x128xf32>, vector<1000x128xf32> -> vector<1000x128xf32>
    %get3A_13 = arith.constant 0 : index
    %get3A_14 = arith.constant 0 : index
    %get3A_15 = vector.load %arg5[%get3A_13, %get3A_14] : memref<1x128xf32, #tpu.memory_space<vmem>>, vector<1x128xf32>
    %add3A_16 = vector.broadcast %get3A_15 : vector<1x128xf32> to vector<1000x128xf32>
    %add3A_17 = arith.addf %dot_general3A_12, %add3A_16 : vector<1000x128xf32>
    %max3A = arith.constant 0.000000e+00 : f32
    %max3A_18 = vector.broadcast %max3A : f32 to vector<1000x128xf32>
    %max3A_19 = arith.maximumf %add3A_17, %max3A_18 : vector<1000x128xf32>
    %get3A_20 = arith.constant 0 : index
    %get3A_21 = arith.constant 0 : index
    %get3A_22 = vector.load %arg6[%get3A_20, %get3A_21] : memref<128x128xf32, #tpu.memory_space<vmem>>, vector<128x128xf32>
    %dot_general3A_23 = arith.constant dense<0.000000e+00> : vector<1000x128xf32>
    %dot_general3A_24 = tpu.matmul %max3A_19, %get3A_22, %dot_general3A_23 {dimension_numbers = #tpu.dot_dimension_numbers<[1], [0], [0], [1], [0, 0, 1, 1], [], []>, transpose_lhs_hint = false} : vector<1000x128xf32>, vector<128x128xf32>, vector<1000x128xf32> -> vector<1000x128xf32>
    %get3A_25 = arith.constant 0 : index
    %get3A_26 = arith.constant 0 : index
    %get3A_27 = vector.load %arg7[%get3A_25, %get3A_26] : memref<1x128xf32, #tpu.memory_space<vmem>>, vector<1x128xf32>
    %add3A_28 = vector.broadcast %get3A_27 : vector<1x128xf32> to vector<1000x128xf32>
    %add3A_29 = arith.addf %dot_general3A_24, %add3A_28 : vector<1000x128xf32>
    %max3A_30 = arith.constant 0.000000e+00 : f32
    %max3A_31 = vector.broadcast %max3A_30 : f32 to vector<1000x128xf32>
    %max3A_32 = arith.maximumf %add3A_29, %max3A_31 : vector<1000x128xf32>
    %swap3A = arith.constant 0 : index
    %swap3A_33 = arith.constant 0 : index
    %swap3A_34 = vector.load %arg8[%swap3A, %swap3A_33] : memref<1000x128xf32, #tpu.memory_space<vmem>>, vector<1000x128xf32>
    tpu.vector_store %arg8[%swap3A, %swap3A_33], %max3A_32 {strides = array<i32>} : memref<1000x128xf32, #tpu.memory_space<vmem>>, vector<1000x128xf32>,
    return
  }
  func.func @transform_0(%arg0: i32) -> (i32, i32) {
    %c0_i32 = arith.constant 0 : i32
    %c0_i32_0 = arith.constant 0 : i32
    return %arg0, %c0_i32 : i32, i32
  }
  func.func @transform_1(%arg0: i32) -> (i32, i32) {
    %c0_i32 = arith.constant 0 : i32
    %c0_i32_0 = arith.constant 0 : i32
    return %arg0, %c0_i32 : i32, i32
  }
  func.func @transform_2(%arg0: i32) -> (i32, i32) {
    %c0_i32 = arith.constant 0 : i32
    %c0_i32_0 = arith.constant 0 : i32
    return %arg0, %c0_i32 : i32, i32
  }
  func.func @transform_3(%arg0: i32) -> (i32, i32) {
    %c0_i32 = arith.constant 0 : i32
    %c0_i32_0 = arith.constant 0 : i32
    %c0_i32_1 = arith.constant 0 : i32
    return %c0_i32, %c0_i32_0 : i32, i32
  }
  func.func @transform_4(%arg0: i32) -> (i32, i32) {
    %c0_i32 = arith.constant 0 : i32
    %c0_i32_0 = arith.constant 0 : i32
    %c0_i32_1 = arith.constant 0 : i32
    return %c0_i32, %c0_i32_0 : i32, i32
  }
  func.func @transform_5(%arg0: i32) -> (i32, i32) {
    %c0_i32 = arith.constant 0 : i32
    %c0_i32_0 = arith.constant 0 : i32
    %c0_i32_1 = arith.constant 0 : i32
    return %c0_i32, %c0_i32_0 : i32, i32
  }
  func.func @transform_6(%arg0: i32) -> (i32, i32) {
    %c0_i32 = arith.constant 0 : i32
    %c0_i32_0 = arith.constant 0 : i32
    %c0_i32_1 = arith.constant 0 : i32
    return %c0_i32, %c0_i32_0 : i32, i32
  }
  func.func @transform_7(%arg0: i32) -> (i32, i32) {
    %c0_i32 = arith.constant 0 : i32
    %c0_i32_0 = arith.constant 0 : i32
    return %arg0, %c0_i32 : i32, i32
  }
}

module attributes {stable_mosaic.version = 14 : i64} {
  func.func @_mlp_head_body(%arg0: i32, %arg1: memref<1000x128xf32, #tpu.memory_space<vmem>>, %arg2: memref<1000x128xf32, #tpu.memory_space<vmem>>, %arg3: memref<1000x128xf32, #tpu.memory_space<vmem>>, %arg4: memref<128x128xf32, #tpu.memory_space<vmem>>, %arg5: memref<1x128xf32, #tpu.memory_space<vmem>>, %arg6: memref<128x128xf32, #tpu.memory_space<vmem>>, %arg7: memref<1x128xf32, #tpu.memory_space<vmem>>, %arg8: memref<128x128xf32, #tpu.memory_space<vmem>>, %arg9: memref<1x128xf32, #tpu.memory_space<vmem>>, %arg10: memref<1000x128xf32, #tpu.memory_space<vmem>>) attributes {dimension_semantics = [#tpu.dimension_semantics<arbitrary>], iteration_bounds = array<i64: 10>, scalar_prefetch = 0 : i64, scratch_operands = 0 : i64, tpu.core_type = #tpu.core_type<tc>, window_params = [{transform_indices = @transform_0, window_bounds = array<i64: 1000, 128>}, {transform_indices = @transform_1, window_bounds = array<i64: 1000, 128>}, {transform_indices = @transform_2, window_bounds = array<i64: 1000, 128>}, {pipeline_mode = #tpu.pipeline_mode<synchronous>, transform_indices = @transform_3, window_bounds = array<i64: 128, 128>}, {pipeline_mode = #tpu.pipeline_mode<synchronous>, transform_indices = @transform_4, window_bounds = array<i64: 1, 128>}, {pipeline_mode = #tpu.pipeline_mode<synchronous>, transform_indices = @transform_5, window_bounds = array<i64: 128, 128>}, {pipeline_mode = #tpu.pipeline_mode<synchronous>, transform_indices = @transform_6, window_bounds = array<i64: 1, 128>}, {pipeline_mode = #tpu.pipeline_mode<synchronous>, transform_indices = @transform_7, window_bounds = array<i64: 128, 128>}, {pipeline_mode = #tpu.pipeline_mode<synchronous>, transform_indices = @transform_8, window_bounds = array<i64: 1, 128>}, {transform_indices = @transform_9, window_bounds = array<i64: 1000, 128>}]} {
    %get3A = arith.constant 0 : index
    %get3A_0 = arith.constant 0 : index
    %get3A_1 = vector.load %arg1[%get3A, %get3A_0] : memref<1000x128xf32, #tpu.memory_space<vmem>>, vector<1000x128xf32>
    %get3A_2 = arith.constant 0 : index
    %get3A_3 = arith.constant 0 : index
    %get3A_4 = vector.load %arg2[%get3A_2, %get3A_3] : memref<1000x128xf32, #tpu.memory_space<vmem>>, vector<1000x128xf32>
    %add3A = arith.addf %get3A_1, %get3A_4 : vector<1000x128xf32>
    %get3A_5 = arith.constant 0 : index
    %get3A_6 = arith.constant 0 : index
    %get3A_7 = vector.load %arg3[%get3A_5, %get3A_6] : memref<1000x128xf32, #tpu.memory_space<vmem>>, vector<1000x128xf32>
    %add3A_8 = arith.addf %add3A, %get3A_7 : vector<1000x128xf32>
    %get3A_9 = arith.constant 0 : index
    %get3A_10 = arith.constant 0 : index
    %get3A_11 = vector.load %arg4[%get3A_9, %get3A_10] : memref<128x128xf32, #tpu.memory_space<vmem>>, vector<128x128xf32>
    %dot_general3A = arith.constant dense<0.000000e+00> : vector<1000x128xf32>
    %dot_general3A_12 = tpu.matmul %add3A_8, %get3A_11, %dot_general3A {dimension_numbers = #tpu.dot_dimension_numbers<[1], [0], [0], [1], [0, 0, 1, 1], [], []>, transpose_lhs_hint = false} : vector<1000x128xf32>, vector<128x128xf32>, vector<1000x128xf32> -> vector<1000x128xf32>
    %get3A_13 = arith.constant 0 : index
    %get3A_14 = arith.constant 0 : index
    %get3A_15 = vector.load %arg5[%get3A_13, %get3A_14] : memref<1x128xf32, #tpu.memory_space<vmem>>, vector<1x128xf32>
    %add3A_16 = vector.broadcast %get3A_15 : vector<1x128xf32> to vector<1000x128xf32>
    %add3A_17 = arith.addf %dot_general3A_12, %add3A_16 : vector<1000x128xf32>
    %max3A = arith.constant 0.000000e+00 : f32
    %max3A_18 = vector.broadcast %max3A : f32 to vector<1000x128xf32>
    %max3A_19 = arith.maximumf %add3A_17, %max3A_18 : vector<1000x128xf32>
    %get3A_20 = arith.constant 0 : index
    %get3A_21 = arith.constant 0 : index
    %get3A_22 = vector.load %arg6[%get3A_20, %get3A_21] : memref<128x128xf32, #tpu.memory_space<vmem>>, vector<128x128xf32>
    %dot_general3A_23 = arith.constant dense<0.000000e+00> : vector<1000x128xf32>
    %dot_general3A_24 = tpu.matmul %max3A_19, %get3A_22, %dot_general3A_23 {dimension_numbers = #tpu.dot_dimension_numbers<[1], [0], [0], [1], [0, 0, 1, 1], [], []>, transpose_lhs_hint = false} : vector<1000x128xf32>, vector<128x128xf32>, vector<1000x128xf32> -> vector<1000x128xf32>
    %get3A_25 = arith.constant 0 : index
    %get3A_26 = arith.constant 0 : index
    %get3A_27 = vector.load %arg7[%get3A_25, %get3A_26] : memref<1x128xf32, #tpu.memory_space<vmem>>, vector<1x128xf32>
    %add3A_28 = vector.broadcast %get3A_27 : vector<1x128xf32> to vector<1000x128xf32>
    %add3A_29 = arith.addf %dot_general3A_24, %add3A_28 : vector<1000x128xf32>
    %max3A_30 = arith.constant 0.000000e+00 : f32
    %max3A_31 = vector.broadcast %max3A_30 : f32 to vector<1000x128xf32>
    %max3A_32 = arith.maximumf %add3A_29, %max3A_31 : vector<1000x128xf32>
    %get3A_33 = arith.constant 0 : index
    %get3A_34 = arith.constant 0 : index
    %get3A_35 = vector.load %arg8[%get3A_33, %get3A_34] : memref<128x128xf32, #tpu.memory_space<vmem>>, vector<128x128xf32>
    %dot_general3A_36 = arith.constant dense<0.000000e+00> : vector<1000x128xf32>
    %dot_general3A_37 = tpu.matmul %max3A_32, %get3A_35, %dot_general3A_36 {dimension_numbers = #tpu.dot_dimension_numbers<[1], [0], [0], [1], [0, 0, 1, 1], [], []>, transpose_lhs_hint = false} : vector<1000x128xf32>, vector<128x128xf32>, vector<1000x128xf32> -> vector<1000x128xf32>
    %get3A_38 = arith.constant 0 : index
    %get3A_39 = arith.constant 0 : index
    %get3A_40 = vector.load %arg9[%get3A_38, %get3A_39] : memref<1x128xf32, #tpu.memory_space<vmem>>, vector<1x128xf32>
    %add3A_41 = vector.broadcast %get3A_40 : vector<1x128xf32> to vector<1000x128xf32>
    %add3A_42 = arith.addf %dot_general3A_37, %add3A_41 : vector<1000x128xf32>
    %swap3A = arith.constant 0 : index
    %swap3A_43 = arith.constant 0 : index
    %swap3A_44 = vector.load %arg10[%swap3A, %swap3A_43] : memref<1000x128xf32, #tpu.memory_space<vmem>>, vector<1000x128xf32>
    tpu.vector_store %arg10[%swap3A, %swap3A_43], %add3A_42 {strides = array<i32>} : memref<1000x128xf32, #tpu.memory_space<vmem>>, vector<1000x128xf32>,
    return
  }
  func.func @transform_0(%arg0: i32) -> (i32, i32) {
    %c0_i32 = arith.constant 0 : i32
    %c0_i32_0 = arith.constant 0 : i32
    return %arg0, %c0_i32 : i32, i32
  }
  func.func @transform_1(%arg0: i32) -> (i32, i32) {
    %c0_i32 = arith.constant 0 : i32
    %c0_i32_0 = arith.constant 0 : i32
    return %arg0, %c0_i32 : i32, i32
  }
  func.func @transform_2(%arg0: i32) -> (i32, i32) {
    %c0_i32 = arith.constant 0 : i32
    %c0_i32_0 = arith.constant 0 : i32
    return %arg0, %c0_i32 : i32, i32
  }
  func.func @transform_3(%arg0: i32) -> (i32, i32) {
    %c0_i32 = arith.constant 0 : i32
    %c0_i32_0 = arith.constant 0 : i32
    %c0_i32_1 = arith.constant 0 : i32
    return %c0_i32, %c0_i32_0 : i32, i32
  }
  func.func @transform_4(%arg0: i32) -> (i32, i32) {
    %c0_i32 = arith.constant 0 : i32
    %c0_i32_0 = arith.constant 0 : i32
    %c0_i32_1 = arith.constant 0 : i32
    return %c0_i32, %c0_i32_0 : i32, i32
  }
  func.func @transform_5(%arg0: i32) -> (i32, i32) {
    %c0_i32 = arith.constant 0 : i32
    %c0_i32_0 = arith.constant 0 : i32
    %c0_i32_1 = arith.constant 0 : i32
    return %c0_i32, %c0_i32_0 : i32, i32
  }
  func.func @transform_6(%arg0: i32) -> (i32, i32) {
    %c0_i32 = arith.constant 0 : i32
    %c0_i32_0 = arith.constant 0 : i32
    %c0_i32_1 = arith.constant 0 : i32
    return %c0_i32, %c0_i32_0 : i32, i32
  }
  func.func @transform_7(%arg0: i32) -> (i32, i32) {
    %c0_i32 = arith.constant 0 : i32
    %c0_i32_0 = arith.constant 0 : i32
    %c0_i32_1 = arith.constant 0 : i32
    return %c0_i32, %c0_i32_0 : i32, i32
  }
  func.func @transform_8(%arg0: i32) -> (i32, i32) {
    %c0_i32 = arith.constant 0 : i32
    %c0_i32_0 = arith.constant 0 : i32
    %c0_i32_1 = arith.constant 0 : i32
    return %c0_i32, %c0_i32_0 : i32, i32
  }
  func.func @transform_9(%arg0: i32) -> (i32, i32) {
    %c0_i32 = arith.constant 0 : i32
    %c0_i32_0 = arith.constant 0 : i32
    return %arg0, %c0_i32 : i32, i32
  }
}

</mosaic_0001>

<sc_bundles>
// kernel: kernel.11.cloned.1.call-start
scs
__scs_entry_jumppad:
0x0: {  	(pc) =	sbr.rel $0x88, $3  }
0x1: {  	(tag) =	ssettag $0x0;
	lr =	simm.s32 $0x1  }
0x2: {  	[smem:$0x3F91] =	sst lr;
	_ =	strace $0xD0000000  }
0x3: {  	_ = 	snop  }
0x4: {  	_ = 	snop  }
0x5: {  	_ = 	snop  }
0x6: {  	_ = 	snop  }
0x7: {  	_ = 	snop  }
__scs_overlays_trampoline_lowered:
0x8: {  	[smem:$0x3FA0] =	sst s0  }
0x9: {  	[smem:$0x3FA1] =	sst s1  }
0xa: {  	[smem:$0x3FA2] =	sst s2  }
0xb: {  	[smem:$0x3FA3] =	sst s3  }
0xc: {  	[smem:$0x3FA4] =	sst s4  }
0xd: {  	[smem:$0x3FA5] =	sst s5  }
0xe: {  	[smem:$0x3FA6] =	sst s6  }
0xf: {  	[smem:$0x3FA7] =	sst s7  }
0x10: {  	[smem:$0x3FA8] =	sst s8  }
0x11: {  	[smem:$0x3FA9] =	sst s9;
	s0 =	simm.s32 @!p0 $0x0  }
0x12: {  	s1 =	sld [smem:$0x3F8F];
	s0 =	simm.s32 @p0 $0x1  }
0x13: {  	[smem:$0x3FAA] =	sst s0;
	s0 =	simm.s32 @!p1 $0x0  }
0x14: {  	s2 =	sld [smem:$0x3F8E];
	s0 =	simm.s32 @p1 $0x1  }
0x15: {  	[smem:$0x3FAB] =	sst s0;
	s0 =	simm.s32 @!p2 $0x0  }
0x16: {  	s3 =	sld [smem:$0x3FDB];
	s0 =	simm.s32 @p2 $0x1  }
0x17: {  	s4 =	simm.s32 $0x1BF5;
	[smem:$0x3FAD] =	sst s0  }
0x18: {  	s0 =	sld [smem:$0x3F90];
	_ =	swait.ge [sflag:s4], $0x0  }
0x19: {  	s7 =	sld [smem:$0x3F91]  }
0x1a: {  	s8 =	sadd.s32 $0xFFFFE003, lr  }
0x1b: {  	s9 =	sadd.s32 $0xFFFFFEF7, lr;
	s5 =	simm.s32 $0xFFFFFFFF;
	p2 =	slt.u32 s8, $0xFFFFF086  }
0x1c: {  	p1 =	slt.u32 s9, $0xF7A;
	s5 =	simm.s32 @!p2 $0x0  }
0x1d: {  	s5 =	simm.s32 @p1 $0x1;
	p0 =	seq.s32 s7, s2  }
0x1e: {  	s7 =	smul.u32 @!p0 $0xF7A, s2;
	p2 =	seq.s32 @!p0 s5, $0x0  }
0x1f: {  	s9 =	smul.u32 $0xF7A, s1;
	s8 =	simm.s32 @!p0 $0x1BF5;
	p2 =	por !p2, p0  }
0x20: {  	[sflag:s8] =	ssyncset.s32 @!p0 $0xFFFFF086;
	s6 =	sadd.s32 @!p0 s3, s7;
	s7 =	simm.s32 @!p0 $0x108  }
0x21: {  	s3 =	sadd.s32 s3, s9;
	s6 =	sadd.s32 @!p0 $0x88, s6;
	s7 =	simm.s32 @p2 $0x1082  }
0x22: {  	[simem:s7], [sflag:s8] =	dma.local @!p0 [hbm:s6], $0xF7A  }
0x23: {  	s9 =	sor.u32 $0xD0000000, s2;
	s6 =	simm.s32 $0x108;
	_ =	swait.ge @!p0 [sflag:s8], $0x0  }
0x24: {  	s3 =	sadd.s32 $0x88, s3;
	s6 =	simm.s32 @!p1 $0x1082;
	[sflag:s4] =	ssyncset.s32 $0xFFFFF086  }
0x25: {  	[simem:s6], [sflag:s4] =	dma.local [hbm:s3], $0xF7A  }
0x26: {  	[smem:$0x3F91] =	sst s1;
	(tag) =	ssettag s2;
	_ =	strace s9  }
0x27: {  	s1 =	sld [smem:$0x3FA1]  }
0x28: {  	s2 =	sld [smem:$0x3FA2]  }
0x29: {  	s4 =	sld [smem:$0x3FA4]  }
0x2a: {  	p0 =	seq.s32 s5, $0x0;
	s5 =	sld [smem:$0x3FA5]  }
0x2b: {  	s6 =	sld [smem:$0x3FA6]  }
0x2c: {  	s7 =	sld [smem:$0x3FA7]  }
0x2d: {  	s3 =	simm.s32 $0x108;
	s8 =	sld [smem:$0x3FA8]  }
0x2e: {  	s3 =	simm.s32 @!p0 $0x1082;
	s9 =	sld [smem:$0x3FA9]  }
0x2f: {  	lr =	sadd.s32 s0, s3;
	s0 =	sld [smem:$0x3FA0]  }
0x30: {  	s3 =	sld [smem:$0x3FA3]  }
0x31: {  	[smem:$0x3FAC] =	sst s10  }
0x32: {  	s10 =	sld [smem:$0x3FAA];
	_ =	sdelay $0x3  }
0x33: {  	p0 =	seq.s32 s10, $0x1;
	s10 =	sld [smem:$0x3FAC];
	_ =	sdelay $0x3  }
0x34: {  	[smem:$0x3FAC] =	sst s10  }
0x35: {  	s10 =	sld [smem:$0x3FAB];
	_ =	sdelay $0x3  }
0x36: {  	p1 =	seq.s32 s10, $0x1;
	s10 =	sld [smem:$0x3FAC];
	_ =	sdelay $0x3  }
0x37: {  	[smem:$0x3FAC] =	sst s10  }
0x38: {  	s10 =	sld [smem:$0x3FAD]  }
0x39: {  	_ = 	snop;
	(pc) =	sbr.ind lr, $3  }
0x3a: {  	_ = 	snop  }
0x3b: {  	_ = 	snop  }
0x3c: {  	p2 =	seq.s32 s10, $0x1;
	s10 =	sld [smem:$0x3FAC]  }
0x3d: {  	_ =	shalt  }
0x3e: {  	_ =	shalt  }
0x3f: {  	_ =	shalt  }
0x40: {  	_ =	shalt  }
0x41: {  	_ =	shalt  }
0x42: {  	_ =	shalt  }
0x43: {  	_ =	shalt  }
0x44: {  	_ =	shalt  }
0x45: {  	_ =	shalt  }
0x46: {  	_ =	shalt  }
0x47: {  	_ =	shalt  }
0x48: {  	_ =	shalt  }
0x49: {  	_ =	shalt  }
0x4a: {  	_ =	shalt  }
0x4b: {  	_ =	shalt  }
0x4c: {  	_ =	shalt  }
0x4d: {  	_ =	shalt  }
0x4e: {  	_ =	shalt  }
0x4f: {  	_ =	shalt  }
0x50: {  	_ =	shalt  }
0x51: {  	_ =	shalt  }
0x52: {  	_ =	shalt  }
0x53: {  	_ =	shalt  }
0x54: {  	_ =	shalt  }
0x55: {  	_ =	shalt  }
0x56: {  	_ =	shalt  }
0x57: {  	_ =	shalt  }
0x58: {  	_ =	shalt  }
0x59: {  	_ =	shalt  }
0x5a: {  	_ =	shalt  }
0x5b: {  	_ =	shalt  }
0x5c: {  	_ =	shalt  }
0x5d: {  	_ =	shalt  }
0x5e: {  	_ =	shalt  }
0x5f: {  	_ =	shalt  }
0x60: {  	_ =	shalt  }
0x61: {  	_ =	shalt  }
0x62: {  	_ =	shalt  }
0x63: {  	_ =	shalt  }
0x64: {  	_ =	shalt  }
0x65: {  	_ =	shalt  }
0x66: {  	_ =	shalt  }
0x67: {  	_ =	shalt  }
0x68: {  	_ =	shalt  }
0x69: {  	_ =	shalt  }
0x6a: {  	_ =	shalt  }
0x6b: {  	_ =	shalt  }
0x6c: {  	_ =	shalt  }
0x6d: {  	_ =	shalt  }
0x6e: {  	_ =	shalt  }
0x6f: {  	_ =	shalt  }
0x70: {  	_ =	shalt  }
0x71: {  	_ =	shalt  }
0x72: {  	_ =	shalt  }
0x73: {  	_ =	shalt  }
0x74: {  	_ =	shalt  }
0x75: {  	_ =	shalt  }
0x76: {  	_ =	shalt  }
0x77: {  	_ =	shalt  }
0x78: {  	_ =	shalt  }
0x79: {  	_ =	shalt  }
0x7a: {  	_ =	shalt  }
0x7b: {  	_ =	shalt  }
0x7c: {  	_ =	shalt  }
0x7d: {  	_ =	shalt  }
0x7e: {  	_ =	shalt  }
0x7f: {  	_ =	shalt  }
0x80: {  	_ =	shalt  }
0x81: {  	_ =	shalt  }
0x82: {  	_ =	shalt  }
0x83: {  	_ =	shalt  }
0x84: {  	_ =	shalt  }
0x85: {  	_ =	shalt  }
0x86: {  	_ =	shalt  }
0x87: {  	_ =	shalt  }
.Lfunc_end0:
.L_simem_size_0:
called_computation.1_lowered:
.L_overlay_start_0:
0x88: {  	s2 =	sld [smem:$0x3FD9]  }
0x89: {  	s3 =	sld [smem:$0x3FFE];
	_ =	sdelay $0x1  }
0x8a: {  	s1 =	srdreg.scid  }
0x8b: {  	s0 =	sand.u32 $0x1, s1  }
0x8c: {  	s16 =	sshll.u32 s0, $0xA;
	s2 =	sadd.s32 s3, s2  }
0x8d: {  	s2 =	sadd.s32 s2, s16  }
0x8e: {  	[smem:$0x3FB8] =	sst s2  }
0x8f: {  	_ = 	snop  }
0x90: {  	(tm) =	ssettm $0x1  }
0x91: {  	s17 =	sld [smem:$0x3FFB];
	_ =	sdelay $0x3  }
0x92: {  	_ =	strace s17  }
0x93: {  	s2 =	sld [smem:$0x3FFC];
	_ =	sdelay $0x3  }
0x94: {  	_ =	strace s2  }
0x95: {  	s2 =	sld [smem:$0x3FFD];
	_ =	sdelay $0x3  }
0x96: {  	_ =	strace s2  }
0x97: {  	_ =	strace $0x8FFFFFFF  }
0x98: {  	s18 =	sld [smem:$0x3FDB];
	_ =	sdelay $0x1  }
0x99: {  	s19 =	simm.s32 $_scs_section_size  }
0x9a: {  	s4 =	simm.s32 $_size__tile_overlayer_lowered;
	s5 =	simm.s32 $_tile_overlayer_lowered  }
0x9b: {  	s22 =	simm.s32 $0x1BFF;
	s21 =	sshll.u32 s5, $0x1;
	s2 =	sadd.s32 s19, s18  }
0x9c: {  	s6 =	simm.s32 $0x0;
	s20 =	sshll.u32 s4, $0x1;
	s4 =	sadd.s32 s21, s2  }
0x9d: {  	[timem:s6], [sflag:s22] =	dma.local [hbm:s4], s20  }
0x9e: {  	_ =	swait.ge [sflag:s22], s20  }
0x9f: {  	s3 =	ssub.s32 $0x0, s20;
	[sflag:s22] =	ssyncset.done $0x0  }
0xa0: {  	[sflag:s22] =	ssyncadd.s32 s3;
	_ =	sdelay $0x1  }
0xa1: {  	s23 =	simm.s32 $0x1B8B  }
0xa2: {  	_ =	swait.ge [sflag:s23], $0x1  }
0xa3: {  	[sflag:s23] =	ssyncset.done $0x0  }
0xa4: {  	s25 =	simm.s32 $0x1B8E;
	s24 =	sld [smem:$0x3FFE];
	[sflag:s23] =	ssyncadd.s32 $0xFFFFFFFF  }
0xa5: {  	s26 =	simm.s32 $execute0_lowered;
	[smem:$0x3FD2] =	sst s25  }
0xa6: {  	s4 =	sshll.u32 s26, $0x1;
	_ =	strace $0x80000049;
	[dreg:$0x1] =	wrdreg $0xFFFFFFFF  }
0xa7: {  	s28 =	simm.s32 $_size_execute0_lowered;
	s2 =	sadd.s32 s2, s4;
	[dreg:$0x0] =	wrdreg $0x0  }
0xa8: {  	s4 =	sshll.u32 s28, $0x1;
	[dreg:$0x2] =	wrdreg s2  }
0xa9: {  	[dreg:$0x3] =	wrdreg s4  }
0xaa: {  	[dreg:$0x4] =	wrdreg $0xC0  }
0xab: {  	_ =	task [dreg:s6], $0x5FFFF  }
0xac: {  	[dreg:$0x1] =	wrdreg $0xFFFFFFFF  }
0xad: {  	[dreg:$0x0] =	wrdreg $0x60  }
0xae: {  	[dreg:$0x2] =	wrdreg s24  }
0xaf: {  	[dreg:$0x3] =	wrdreg $0xC0000  }
0xb0: {  	[dreg:$0x4] =	wrdreg $0x9  }
0xb1: {  	_ =	task.clear_ibuf [dreg:s6], $0x5FFFF;
	_ =	strace $0x90000049  }
0xb2: {  	s29 =	simm.s32 $0x9;
	_ =	strace $0x8000004B  }
0xb3: {  	_ =	swait.ge [sflag:s29], $0x1  }
0xb4: {  	[sflag:s29] =	ssyncadd.s32 $0xFFFFFFFF  }
0xb5: {  	_ =	strace $0x9000004B  }
0xb6: {  	_ =	sfence  }
0xb7: {  	s30 =	sld [smem:$0x0];
	_ =	sdelay $0x2  }
0xb8: {  	s31 =	sshll.u32 s1, $0xD;
	s1 =	sshrl.u32 s1, $0x2  }
0xb9: {  	s3 =	sand.u32 $0x4000, s31;
	s1 =	sadd.s32 s1, s30  }
0xba: {  	s0 =	sor.u32 s3, s0;
	s1 =	sshll.u32 s1, $0x11  }
0xbb: {  	s0 =	sor.u32 s1, s0  }
0xbc: {  	s0 =	sadd.s32 $0x8F2B, s0  }
0xbd: {  	[sflag:s0] =	ssyncadd.remote.s32 $0x1  }
0xbe: {  	_ =	sfence.sel $0xFFFF  }
0xbf: {  	[dreg:$0x0] =	wrdreg $0xFFFFFFFF;
	(pc) =	sbr.abs _section_cstart, $3  }
0xc0: {  	[dreg:$0x1] =	wrdreg $0xFFFFFFFF  }
0xc1: {  	_ =	task.clear_ibuf [dreg:s6], $0x2FFFF;
	_ =	strace $0x9FFFFFFF  }
0xc2: {  	(tm) =	ssettm $0x7FFFFFFF  }
0xc3: {  	_ =	shalt  }
tec
execute0_lowered:
.L_overlay_start_1:
0x0: {  	(tag) =	ssettag $0x1  }
0x1: {  	s0 =	rddreg [dreg:$0x0]  }
0x2: {  	s2 =	rddreg [dreg:$0x1]  }
0x3: {  	s3 =	simm.s32 $0x0;
	s1 =	srdreg.scid;
	s15 =	stileid.u32  }
0x4: {  	s29 =	simm.s32 $0x1400;
	s30 =	simm.s32 $0xA800;
	s31 =	simm.s32 $0x4  }
0x5: {  	[smem:$0x7FF] =	sst s3;
	s1 =	sand.u32 $0x1, s1;
	s4 =	sshll.u32 s15, $0x1  }
0x6: {  	s6 =	sadd.s32 $0x3A00, s0;
	s10 =	sadd.s32 $0xDA00, s0;
	s8 =	smul.u32 $0x4E000, s15  }
0x7: {  	s11 =	smul.u32 $0x13800, s15;
	p0 =	sne.s32 s15, $0xF;
	s7 =	ssub.s32 $0x2, s1  }
0x8: {  	s28 =	sadd.s32 $0x138000, s2;
	s9 =	sshrl.u32 s7, $0x1;
	s16 =	sshrl.u32 s8, $0x2  }
0x9: {  	_ =	strace $0x8000004A;
	s12 =	ssub.s32 s7, s9;
	s7 =	sadd.s32 s16, s2  }
0xa: {  	s5 =	sor.u32 s1, s4;
	s4 =	sadd.s32 $0x17A00, s0;
	s16 =	sadd.s32 $0x4800, s7  }
0xb: {  	s0 =	sadd.s32 $0x3EC00, s0;
	s17 =	sadd.s32 $0x6000, s7;
	[dreg:$0x5] =	wrdreg s16  }
0xc: {  	s1 =	smul.u32 $0x138800, s1;
	s18 =	sadd.s32 $0x7800, s7;
	[dreg:$0x6] =	wrdreg s17  }
0xd: {  	s5 =	smul.u32 $0x2800, s5;
	s19 =	sadd.s32 $0x9000, s7;
	[dreg:$0x7] =	wrdreg s18  }
0xe: {  	s23 =	sadd.s32 s11, s1;
	s20 =	sadd.s32 $0xA800, s7;
	[dreg:$0x8] =	wrdreg s19  }
0xf: {  	s5 =	sshrl.u32 s5, $0x3;
	s21 =	sadd.s32 $0xC000, s7;
	[dreg:$0x9] =	wrdreg s20  }
0x10: {  	s22 =	sadd.s32 $0xD800, s7;
	s24 =	sshrl.u32 s23, $0x3;
	[dreg:$0xa] =	wrdreg s21  }
0x11: {  	s23 =	sadd.s32 $0x10800, s7;
	s13 =	sadd.s32 s6, s5;
	[dreg:$0xb] =	wrdreg s22  }
0x12: {  	s14 =	sadd.s32 s10, s5;
	s5 =	sadd.s32 $0x280, s5;
	[dreg:$0x3] =	wrdreg s13  }
0x13: {  	s19 =	sadd.s32 $0xF000, s7;
	s20 =	sadd.s32 s0, s24;
	[dreg:$0x4] =	wrdreg s14  }
0x14: {  	s13 =	sadd.s32 $0x1800, s11;
	s14 =	sadd.s32 $0x3000, s11;
	s6 =	sadd.s32 s6, s5  }
0x15: {  	s18 =	sadd.s32 s10, s5;
	s10 =	simm.s32 $0x1;
	s11 =	simm.s32 $0x2  }
0x16: {  	s8 =	sadd.s32 s13, s2;
	s9 =	sadd.s32 s14, s2;
	[dreg:$0xc] =	wrdreg s6  }
0x17: {  	s25 =	sadd.s32 s1, s13;
	s26 =	sadd.s32 s1, s14;
	s1 =	sshrl.u32 s1, $0x3  }
0x18: {  	s13 =	simm.s32 $0x2780;
	s14 =	simm.s32 $0x0;
	s5 =	sshrl.u32 s25, $0x3  }
0x19: {  	s6 =	sshrl.u32 s26, $0x3;
	s25 =	smax.u32 s12, $0x1;
	s26 =	sadd.s32 $0x12000, s7  }
0x1a: {  	s12 =	simm.s32 $0x2700;
	s21 =	sadd.s32 s0, s5;
	s22 =	sadd.s32 s0, s6  }
0x1b: {  	s0 =	sadd.s32 s0, s1;
	s1 =	simm.s32 $0x80;
	s5 =	simm.s32 $0x2800  }
0x1c: {  	v0 =	vimm.f32 $0.0e+00;
	s6 =	simm.s32 $0x6800;
	s24 =	sadd.s32 $0x27000, s0;
	s0 =	simm.s32 $0x3  }
.LBB2_1:
0x1d: {  	s15 =	rddreg [dreg:$0x3]  }
0x1e: {  	[tilespmem:s3], [sflag:$0x3] =	stream.linear.gather [hbm4b:s15+s3], $0x1400, $0x38;
	[tilespmem:$0x1F900] =	vst v63  }
0x1f: {  	s17 =	rddreg [dreg:$0x4];
	s16 =	simm.s32 $0x200;
	s15 =	simm.s32 $0x0  }
0x20: {  	[tilespmem:s29], [sflag:$0x3] =	stream.linear.gather [hbm4b:s17+s3], $0x1400, $0x38;
	[tilespmem:$0x1F900] =	vst v63  }
.LBB2_2:
0x21: {  	p1 =	sne.s32 s16, $0x5E00;
	[tilespmem:s15+$0xA870] =	vst v0  }
0x22: {  	[tilespmem:s15+$0xA800] =	vst v0  }
0x23: {  	[tilespmem:s15+$0xA810] =	vst v0  }
.Ltmp0:
0x24: {  	[tilespmem:s15+$0xA820] =	vst v0;
	(pc) =	sbr.rel @p1 .LBB2_2-.Ltmp0, $4  }
0x25: {  	[tilespmem:s15+$0xA830] =	vst v0  }
0x26: {  	[tilespmem:s15+$0xA840] =	vst v0  }
0x27: {  	[tilespmem:s15+$0xA850] =	vst v0  }
0x28: {  	[tilespmem:s15+$0xA860] =	vst v0;
	s15 =	sshra.s32 s16, $0x2;
	s16 =	sadd.s32 $0x200, s16  }
0x29: {  	[tilespmem:s15+$0xA870] =	vst v0  }
0x2a: {  	[tilespmem:s15+$0xA800] =	vst v0  }
0x2b: {  	[tilespmem:s15+$0xA810] =	vst v0  }
0x2c: {  	[tilespmem:s15+$0xA820] =	vst v0  }
0x2d: {  	[tilespmem:s15+$0xA830] =	vst v0  }
0x2e: {  	[tilespmem:s15+$0xA840] =	vst v0  }
0x2f: {  	[tilespmem:s15+$0xA850] =	vst v0  }
0x30: {  	[tilespmem:s15+$0xA860] =	vst v0  }
0x31: {  	[spmem:s7] =	stream.linear.scatter [tilespmem:s30], [sflag:$0x4], $0x1800, $0x38;
	[tilespmem:$0x1F900] =	vst v63  }
0x32: {  	_ =	swait.ge [sflag:s31], $0x1800  }
0x33: {  	[sflag:s31] =	ssyncset.done $0x0  }
0x34: {  	[sflag:s31] =	ssyncadd.s32 $0xFFFFE800  }
0x35: {  	[spmem:s8] =	stream.linear.scatter [tilespmem:s30], [sflag:$0x4], $0x1800, $0x38;
	[tilespmem:$0x1F900] =	vst v63  }
0x36: {  	_ =	swait.ge [sflag:s31], $0x1800  }
0x37: {  	[sflag:s31] =	ssyncset.done $0x0  }
0x38: {  	[sflag:s31] =	ssyncadd.s32 $0xFFFFE800  }
0x39: {  	[spmem:s9] =	stream.linear.scatter [tilespmem:s30], [sflag:$0x4], $0x1800, $0x38;
	[tilespmem:$0x1F900] =	vst v63  }
0x3a: {  	_ =	swait.ge [sflag:s31], $0x1800  }
0x3b: {  	[sflag:s31] =	ssyncset.done $0x0  }
0x3c: {  	s17 =	rddreg [dreg:$0x5];
	[sflag:s31] =	ssyncadd.s32 $0xFFFFE800  }
0x3d: {  	[spmem:s17] =	stream.linear.scatter [tilespmem:s30], [sflag:$0x4], $0x1800, $0x38;
	[tilespmem:$0x1F900] =	vst v63  }
0x3e: {  	_ =	swait.ge [sflag:s31], $0x1800  }
0x3f: {  	[sflag:s31] =	ssyncset.done $0x0  }
0x40: {  	s16 =	rddreg [dreg:$0x6];
	[sflag:s31] =	ssyncadd.s32 $0xFFFFE800  }
0x41: {  	[spmem:s16] =	stream.linear.scatter [tilespmem:s30], [sflag:$0x4], $0x1800, $0x38;
	[tilespmem:$0x1F900] =	vst v63  }
0x42: {  	_ =	swait.ge [sflag:s31], $0x1800  }
0x43: {  	[sflag:s31] =	ssyncset.done $0x0  }
0x44: {  	s17 =	rddreg [dreg:$0x7];
	[sflag:s31] =	ssyncadd.s32 $0xFFFFE800  }
0x45: {  	[spmem:s17] =	stream.linear.scatter [tilespmem:s30], [sflag:$0x4], $0x1800, $0x38;
	[tilespmem:$0x1F900] =	vst v63  }
0x46: {  	_ =	swait.ge [sflag:s31], $0x1800  }
0x47: {  	[sflag:s31] =	ssyncset.done $0x0  }
0x48: {  	s16 =	rddreg [dreg:$0x8];
	[sflag:s31] =	ssyncadd.s32 $0xFFFFE800  }
0x49: {  	[spmem:s16] =	stream.linear.scatter [tilespmem:s30], [sflag:$0x4], $0x1800, $0x38;
	[tilespmem:$0x1F900] =	vst v63  }
0x4a: {  	_ =	swait.ge [sflag:s31], $0x1800  }
0x4b: {  	[sflag:s31] =	ssyncset.done $0x0  }
0x4c: {  	s17 =	rddreg [dreg:$0x9];
	[sflag:s31] =	ssyncadd.s32 $0xFFFFE800  }
0x4d: {  	[spmem:s17] =	stream.linear.scatter [tilespmem:s30], [sflag:$0x4], $0x1800, $0x38;
	[tilespmem:$0x1F900] =	vst v63  }
0x4e: {  	_ =	swait.ge [sflag:s31], $0x1800  }
0x4f: {  	[sflag:s31] =	ssyncset.done $0x0  }
0x50: {  	s16 =	rddreg [dreg:$0xa];
	[sflag:s31] =	ssyncadd.s32 $0xFFFFE800  }
0x51: {  	[spmem:s16] =	stream.linear.scatter [tilespmem:s30], [sflag:$0x4], $0x1800, $0x38;
	[tilespmem:$0x1F900] =	vst v63  }
0x52: {  	_ =	swait.ge [sflag:s31], $0x1800  }
0x53: {  	[sflag:s31] =	ssyncset.done $0x0  }
0x54: {  	s17 =	rddreg [dreg:$0xb];
	[sflag:s31] =	ssyncadd.s32 $0xFFFFE800  }
0x55: {  	[spmem:s17] =	stream.linear.scatter [tilespmem:s30], [sflag:$0x4], $0x1800, $0x38;
	[tilespmem:$0x1F900] =	vst v63  }
0x56: {  	_ =	swait.ge [sflag:s31], $0x1800  }
0x57: {  	[sflag:s31] =	ssyncset.done $0x0  }
0x58: {  	[sflag:s31] =	ssyncadd.s32 $0xFFFFE800  }
0x59: {  	[spmem:s19] =	stream.linear.scatter [tilespmem:s30], [sflag:$0x4], $0x1800, $0x38;
	[tilespmem:$0x1F900] =	vst v63  }
0x5a: {  	_ =	swait.ge [sflag:s31], $0x1800  }
0x5b: {  	[sflag:s31] =	ssyncset.done $0x0  }
0x5c: {  	[sflag:s31] =	ssyncadd.s32 $0xFFFFE800  }
0x5d: {  	[spmem:s23] =	stream.linear.scatter [tilespmem:s30], [sflag:$0x4], $0x1800, $0x38;
	[tilespmem:$0x1F900] =	vst v63  }
0x5e: {  	_ =	swait.ge [sflag:s31], $0x1800  }
0x5f: {  	[sflag:s31] =	ssyncset.done $0x0  }
0x60: {  	[sflag:s31] =	ssyncadd.s32 $0xFFFFE800  }
0x61: {  	[spmem:s26] =	stream.linear.scatter [tilespmem:s30], [sflag:$0x4], $0x1800, $0x38;
	[tilespmem:$0x1F900] =	vst v63  }
0x62: {  	_ =	swait.ge [sflag:s31], $0x1800  }
0x63: {  	[sflag:s31] =	ssyncset.done $0x0  }
0x64: {  	s15 =	simm.s32 @!p0 $0xA800;
	[sflag:s31] =	ssyncadd.s32 $0xFFFFE800  }
0x65: {  	[spmem:s28] =	stream.linear.scatter @!p0 [tilespmem:s15], [sflag:$0x4], $0x800, $0x38;
	[tilespmem:$0x1F900] =	vst v63  }
0x66: {  	s15 =	simm.s32 @!p0 $0x4  }
0x67: {  	_ =	swait.ge @!p0 [sflag:s15], $0x800  }
0x68: {  	[sflag:s15] =	ssyncset.done @!p0 $0x0  }
0x69: {  	[sflag:s15] =	ssyncadd.s32 @!p0 $0xFFFFF800  }
0x6a: {  	_ =	swait.ge [sflag:s0], $0x1400  }
0x6b: {  	[sflag:s0] =	ssyncset.done $0x0  }
0x6c: {  	[sflag:s0] =	ssyncadd.s32 $0xFFFFEC00  }
0x6d: {  	_ =	swait.ge [sflag:s0], $0x1400  }
0x6e: {  	[sflag:s0] =	ssyncset.done $0x0  }
0x6f: {  	[sflag:s0] =	ssyncadd.s32 $0xFFFFEC00  }
0x70: {  	s16 =	simm.s32 $0x0;
	[bflag:$0x0] =	sbarrier.arrive $0xFFFF  }
0x71: {  	[tilespmem:s5], [sflag:$0x1] =	stream.indirect.gather [hbm4b:s4+s1], $0x80, s16, s1, $0xb8;
	[tilespmem:$0x1F900] =	vst v63  }
0x72: {  	_ = 	snop  }
0x73: {  	[tilespmem:s6], [sflag:$0x2] =	stream.indirect.gather [hbm4b:s4+s1], $0x80, s1, s1, $0xb8;
	[tilespmem:$0x1F900] =	vst v63  }
0x74: {  	_ =	swait.ge [sflag:s10], $0x4000  }
0x75: {  	[sflag:s10] =	ssyncset.done $0x0  }
0x76: {  	s17 =	simm.s32 $0x1400;
	[sflag:s10] =	ssyncadd.s32 $0xFFFFC000  }
0x77: {  	[spmem:s2] =	stream.indirect.scatter.add.f32 [tilespmem:s5], [sflag:$0x4], $0x80, s17, s1, $0xb8;
	[tilespmem:$0x1F900] =	vst v63  }
0x78: {  	_ =	swait.ge [sflag:s31], $0x4000  }
0x79: {  	[sflag:s31] =	ssyncset.done $0x0  }
0x7a: {  	s16 =	simm.s32 $0x100;
	[sflag:s31] =	ssyncadd.s32 $0xFFFFC000  }
0x7b: {  	[tilespmem:s5], [sflag:$0x1] =	stream.indirect.gather [hbm4b:s4+s1], $0x80, s16, s1, $0xb8;
	[tilespmem:$0x1F900] =	vst v63  }
0x7c: {  	_ =	swait.ge [sflag:s11], $0x4000  }
0x7d: {  	[sflag:s11] =	ssyncset.done $0x0  }
0x7e: {  	s17 =	simm.s32 $0x1480;
	[sflag:s11] =	ssyncadd.s32 $0xFFFFC000  }
0x7f: {  	[spmem:s2] =	stream.indirect.scatter.add.f32 [tilespmem:s6], [sflag:$0x4], $0x80, s17, s1, $0xb8;
	[tilespmem:$0x1F900] =	vst v63  }
0x80: {  	_ =	swait.ge [sflag:s31], $0x4000  }
0x81: {  	[sflag:s31] =	ssyncset.done $0x0  }
0x82: {  	s15 =	simm.s32 $0x400;
	s16 =	simm.s32 $0x180;
	[sflag:s31] =	ssyncadd.s32 $0xFFFFC000  }
.LBB2_4:
0x83: {  	[tilespmem:s6], [sflag:$0x2] =	stream.indirect.gather [hbm4b:s4+s1], $0x80, s16, s1, $0xb8;
	[tilespmem:$0x1F900] =	vst v63  }
0x84: {  	s16 =	smov.u32 s15  }
0x85: {  	p1 =	sne.s32 s15, $0x4800;
	s15 =	sadd.s32 $0x400, s15;
	_ =	swait.ge [sflag:s10], $0x4000  }
0x86: {  	s16 =	sshra.s32 s16, $0x2;
	[sflag:s10] =	ssyncset.done $0x0  }
0x87: {  	s17 =	sadd.s32 $0x1400, s16;
	[sflag:s10] =	ssyncadd.s32 $0xFFFFC000  }
0x88: {  	[spmem:s2] =	stream.indirect.scatter.add.f32 [tilespmem:s5], [sflag:$0x4], $0x80, s17, s1, $0xb8;
	[tilespmem:$0x1F900] =	vst v63  }
0x89: {  	_ =	swait.ge [sflag:s31], $0x4000  }
0x8a: {  	[sflag:s31] =	ssyncset.done $0x0  }
0x8b: {  	s17 =	sadd.s32 $0x100, s16;
	[sflag:s31] =	ssyncadd.s32 $0xFFFFC000  }
0x8c: {  	[tilespmem:s5], [sflag:$0x1] =	stream.indirect.gather [hbm4b:s4+s1], $0x80, s17, s1, $0xb8;
	[tilespmem:$0x1F900] =	vst v63  }
0x8d: {  	_ =	swait.ge [sflag:s11], $0x4000  }
0x8e: {  	[sflag:s11] =	ssyncset.done $0x0  }
.Ltmp1:
0x8f: {  	s17 =	sadd.s32 $0x1480, s16;
	[sflag:s11] =	ssyncadd.s32 $0xFFFFC000;
	(pc) =	sbr.rel @p1 .LBB2_4-.Ltmp1, $4  }
0x90: {  	[spmem:s2] =	stream.indirect.scatter.add.f32 [tilespmem:s6], [sflag:$0x4], $0x80, s17, s1, $0xb8;
	[tilespmem:$0x1F900] =	vst v63  }
0x91: {  	_ =	swait.ge [sflag:s31], $0x4000  }
0x92: {  	[sflag:s31] =	ssyncset.done $0x0  }
0x93: {  	s16 =	sadd.s32 $0x180, s16;
	[sflag:s31] =	ssyncadd.s32 $0xFFFFC000  }
0x94: {  	[tilespmem:s6], [sflag:$0x2] =	stream.indirect.gather [hbm4b:s4+s1], $0x80, s16, s1, $0xb8;
	[tilespmem:$0x1F900] =	vst v63  }
0x95: {  	_ =	swait.ge [sflag:s10], $0x4000  }
0x96: {  	[sflag:s10] =	ssyncset.done $0x0  }
0x97: {  	[sflag:s10] =	ssyncadd.s32 $0xFFFFC000  }
0x98: {  	[spmem:s2] =	stream.indirect.scatter.add.f32 [tilespmem:s5], [sflag:$0x4], $0x80, s12, s1, $0xb8;
	[tilespmem:$0x1F900] =	vst v63  }
0x99: {  	_ =	swait.ge [sflag:s31], $0x4000  }
0x9a: {  	[sflag:s31] =	ssyncset.done $0x0  }
0x9b: {  	[sflag:s31] =	ssyncadd.s32 $0xFFFFC000  }
0x9c: {  	_ =	swait.ge [sflag:s11], $0x4000  }
0x9d: {  	[sflag:s11] =	ssyncset.done $0x0  }
0x9e: {  	[sflag:s11] =	ssyncadd.s32 $0xFFFFC000  }
0x9f: {  	[spmem:s2] =	stream.indirect.scatter.add.f32 [tilespmem:s6], [sflag:$0x4], $0x80, s13, s1, $0xb8;
	[tilespmem:$0x1F900] =	vst v63  }
0xa0: {  	_ =	swait.ge [sflag:s31], $0x4000  }
0xa1: {  	[sflag:s31] =	ssyncset.done $0x0  }
0xa2: {  	s15 =	simm.s32 $0x0;
	s17 =	rddreg [dreg:$0xc];
	[sflag:s31] =	ssyncadd.s32 $0xFFFFC000  }
0xa3: {  	[tilespmem:s15], [sflag:$0x4] =	stream.linear.gather [hbm4b:s17+s15], $0x1400, $0x38;
	[tilespmem:$0x1F900] =	vst v63  }
0xa4: {  	_ =	swait.ge [sflag:s31], $0x1400  }
0xa5: {  	[sflag:s31] =	ssyncset.done $0x0  }
0xa6: {  	[sflag:s31] =	ssyncadd.s32 $0xFFFFEC00  }
0xa7: {  	[tilespmem:s29], [sflag:$0x4] =	stream.linear.gather [hbm4b:s18+s15], $0x1400, $0x38;
	[tilespmem:$0x1F900] =	vst v63  }
0xa8: {  	_ =	swait.ge [sflag:s31], $0x1400  }
0xa9: {  	[sflag:s31] =	ssyncset.done $0x0  }
0xaa: {  	[sflag:s31] =	ssyncadd.s32 $0xFFFFEC00  }
0xab: {  	[tilespmem:s5], [sflag:$0x1] =	stream.indirect.gather [hbm4b:s4+s1], $0x80, s15, s1, $0xb8;
	[tilespmem:$0x1F900] =	vst v63  }
0xac: {  	_ = 	snop  }
0xad: {  	[tilespmem:s6], [sflag:$0x2] =	stream.indirect.gather [hbm4b:s4+s1], $0x80, s1, s1, $0xb8;
	[tilespmem:$0x1F900] =	vst v63  }
0xae: {  	_ =	swait.ge [sflag:s10], $0x4000  }
0xaf: {  	[sflag:s10] =	ssyncset.done $0x0  }
0xb0: {  	s17 =	simm.s32 $0x1400;
	[sflag:s10] =	ssyncadd.s32 $0xFFFFC000  }
0xb1: {  	[spmem:s2] =	stream.indirect.scatter.add.f32 [tilespmem:s5], [sflag:$0x4], $0x80, s17, s1, $0xb8;
	[tilespmem:$0x1F900] =	vst v63  }
0xb2: {  	_ =	swait.ge [sflag:s31], $0x4000  }
0xb3: {  	[sflag:s31] =	ssyncset.done $0x0  }
0xb4: {  	s16 =	simm.s32 $0x100;
	[sflag:s31] =	ssyncadd.s32 $0xFFFFC000  }
0xb5: {  	[tilespmem:s5], [sflag:$0x1] =	stream.indirect.gather [hbm4b:s4+s1], $0x80, s16, s1, $0xb8;
	[tilespmem:$0x1F900] =	vst v63  }
0xb6: {  	_ =	swait.ge [sflag:s11], $0x4000  }
0xb7: {  	[sflag:s11] =	ssyncset.done $0x0  }
0xb8: {  	s17 =	simm.s32 $0x1480;
	[sflag:s11] =	ssyncadd.s32 $0xFFFFC000  }
0xb9: {  	[spmem:s2] =	stream.indirect.scatter.add.f32 [tilespmem:s6], [sflag:$0x4], $0x80, s17, s1, $0xb8;
	[tilespmem:$0x1F900] =	vst v63  }
0xba: {  	_ =	swait.ge [sflag:s31], $0x4000  }
0xbb: {  	[sflag:s31] =	ssyncset.done $0x0  }
0xbc: {  	s15 =	simm.s32 $0x400;
	s16 =	simm.s32 $0x180;
	[sflag:s31] =	ssyncadd.s32 $0xFFFFC000  }
.LBB2_6:
0xbd: {  	[tilespmem:s6], [sflag:$0x2] =	stream.indirect.gather [hbm4b:s4+s1], $0x80, s16, s1, $0xb8;
	[tilespmem:$0x1F900] =	vst v63  }
0xbe: {  	s16 =	smov.u32 s15  }
0xbf: {  	p1 =	sne.s32 s15, $0x4800;
	s15 =	sadd.s32 $0x400, s15;
	_ =	swait.ge [sflag:s10], $0x4000  }
0xc0: {  	s16 =	sshra.s32 s16, $0x2;
	[sflag:s10] =	ssyncset.done $0x0  }
0xc1: {  	s17 =	sadd.s32 $0x1400, s16;
	[sflag:s10] =	ssyncadd.s32 $0xFFFFC000  }
0xc2: {  	[spmem:s2] =	stream.indirect.scatter.add.f32 [tilespmem:s5], [sflag:$0x4], $0x80, s17, s1, $0xb8;
	[tilespmem:$0x1F900] =	vst v63  }
0xc3: {  	_ =	swait.ge [sflag:s31], $0x4000  }
0xc4: {  	[sflag:s31] =	ssyncset.done $0x0  }
0xc5: {  	s17 =	sadd.s32 $0x100, s16;
	[sflag:s31] =	ssyncadd.s32 $0xFFFFC000  }
0xc6: {  	[tilespmem:s5], [sflag:$0x1] =	stream.indirect.gather [hbm4b:s4+s1], $0x80, s17, s1, $0xb8;
	[tilespmem:$0x1F900] =	vst v63  }
0xc7: {  	_ =	swait.ge [sflag:s11], $0x4000  }
0xc8: {  	[sflag:s11] =	ssyncset.done $0x0  }
.Ltmp2:
0xc9: {  	s17 =	sadd.s32 $0x1480, s16;
	[sflag:s11] =	ssyncadd.s32 $0xFFFFC000;
	(pc) =	sbr.rel @p1 .LBB2_6-.Ltmp2, $4  }
0xca: {  	[spmem:s2] =	stream.indirect.scatter.add.f32 [tilespmem:s6], [sflag:$0x4], $0x80, s17, s1, $0xb8;
	[tilespmem:$0x1F900] =	vst v63  }
0xcb: {  	_ =	swait.ge [sflag:s31], $0x4000  }
0xcc: {  	[sflag:s31] =	ssyncset.done $0x0  }
0xcd: {  	s16 =	sadd.s32 $0x180, s16;
	[sflag:s31] =	ssyncadd.s32 $0xFFFFC000  }
0xce: {  	[tilespmem:s6], [sflag:$0x2] =	stream.indirect.gather [hbm4b:s4+s1], $0x80, s16, s1, $0xb8;
	[tilespmem:$0x1F900] =	vst v63  }
0xcf: {  	_ =	swait.ge [sflag:s10], $0x4000  }
0xd0: {  	[sflag:s10] =	ssyncset.done $0x0  }
0xd1: {  	[sflag:s10] =	ssyncadd.s32 $0xFFFFC000  }
0xd2: {  	[spmem:s2] =	stream.indirect.scatter.add.f32 [tilespmem:s5], [sflag:$0x4], $0x80, s12, s1, $0xb8;
	[tilespmem:$0x1F900] =	vst v63  }
0xd3: {  	_ =	swait.ge [sflag:s31], $0x4000  }
0xd4: {  	[sflag:s31] =	ssyncset.done $0x0  }
0xd5: {  	[sflag:s31] =	ssyncadd.s32 $0xFFFFC000  }
0xd6: {  	_ =	swait.ge [sflag:s11], $0x4000  }
0xd7: {  	[sflag:s11] =	ssyncset.done $0x0  }
0xd8: {  	[sflag:s11] =	ssyncadd.s32 $0xFFFFC000  }
0xd9: {  	[spmem:s2] =	stream.indirect.scatter.add.f32 [tilespmem:s6], [sflag:$0x4], $0x80, s13, s1, $0xb8;
	[tilespmem:$0x1F900] =	vst v63  }
0xda: {  	_ =	swait.ge [sflag:s31], $0x4000  }
0xdb: {  	[sflag:s31] =	ssyncset.done $0x0  }
0xdc: {  	[sflag:s31] =	ssyncadd.s32 $0xFFFFC000  }
0xdd: {  	[bflag:$0x0] =	sbarrier.arrive $0xFFFF  }
0xde: {  	[tilespmem:s30], [sflag:$0x4] =	stream.linear.gather [spmem:s7], $0x1800, $0x38;
	[tilespmem:$0x1F900] =	vst v63  }
0xdf: {  	_ =	swait.ge [sflag:s31], $0x1800  }
0xe0: {  	[sflag:s31] =	ssyncset.done $0x0  }
0xe1: {  	[sflag:s31] =	ssyncadd.s32 $0xFFFFE800  }
0xe2: {  	[hbm4b:s20+s3] =	stream.linear.scatter [tilespmem:s30], [sflag:$0x4], $0x1800, $0x38;
	[tilespmem:$0x1F900] =	vst v63  }
0xe3: {  	_ =	swait.ge [sflag:s31], $0x1800  }
0xe4: {  	[sflag:s31] =	ssyncset.done $0x0  }
0xe5: {  	[sflag:s31] =	ssyncadd.s32 $0xFFFFE800  }
0xe6: {  	[tilespmem:s30], [sflag:$0x4] =	stream.linear.gather [spmem:s8], $0x1800, $0x38;
	[tilespmem:$0x1F900] =	vst v63  }
0xe7: {  	_ =	swait.ge [sflag:s31], $0x1800  }
0xe8: {  	[sflag:s31] =	ssyncset.done $0x0  }
0xe9: {  	[sflag:s31] =	ssyncadd.s32 $0xFFFFE800  }
0xea: {  	[hbm4b:s21+s3] =	stream.linear.scatter [tilespmem:s30], [sflag:$0x4], $0x1800, $0x38;
	[tilespmem:$0x1F900] =	vst v63  }
0xeb: {  	_ =	swait.ge [sflag:s31], $0x1800  }
0xec: {  	[sflag:s31] =	ssyncset.done $0x0  }
0xed: {  	[sflag:s31] =	ssyncadd.s32 $0xFFFFE800  }
0xee: {  	[tilespmem:s30], [sflag:$0x4] =	stream.linear.gather [spmem:s9], $0x1800, $0x38;
	[tilespmem:$0x1F900] =	vst v63  }
0xef: {  	_ =	swait.ge [sflag:s31], $0x1800  }
0xf0: {  	[sflag:s31] =	ssyncset.done $0x0  }
0xf1: {  	[sflag:s31] =	ssyncadd.s32 $0xFFFFE800  }
0xf2: {  	[hbm4b:s22+s3] =	stream.linear.scatter [tilespmem:s30], [sflag:$0x4], $0x1800, $0x38;
	[tilespmem:$0x1F900] =	vst v63  }
0xf3: {  	_ =	swait.ge [sflag:s31], $0x1800  }
0xf4: {  	[sflag:s31] =	ssyncset.done $0x0  }
0xf5: {  	s15 =	simm.s32 @!p0 $0xA800;
	s16 =	simm.s32 @!p0 $0x4;
	[sflag:s31] =	ssyncadd.s32 $0xFFFFE800  }
0xf6: {  	[tilespmem:s15], [sflag:$0x4] =	stream.linear.gather @!p0 [spmem:s28], $0x800, $0x38;
	[tilespmem:$0x1F900] =	vst v63  }
0xf7: {  	s14 =	sadd.s32 $0x1, s14;
	_ =	swait.ge @!p0 [sflag:s16], $0x800  }
0xf8: {  	p1 =	sne.s32 s14, s25;
	[sflag:s16] =	ssyncset.done @!p0 $0x0  }
.Ltmp3:
0xf9: {  	s17 =	simm.s32 @!p0 $0x0;
	[sflag:s16] =	ssyncadd.s32 @!p0 $0xFFFFF800;
	(pc) =	sbr.rel @p1 .LBB2_1-.Ltmp3, $4  }
0xfa: {  	[hbm4b:s24+s17] =	stream.linear.scatter @!p0 [tilespmem:s15], [sflag:$0x4], $0x800, $0x38;
	[tilespmem:$0x1F900] =	vst v63  }
0xfb: {  	_ =	swait.ge @!p0 [sflag:s16], $0x800  }
0xfc: {  	[sflag:s16] =	ssyncset.done @!p0 $0x0  }
0xfd: {  	[sflag:s16] =	ssyncadd.s32 @!p0 $0xFFFFF800  }
0xfe: {  	_ =	sfence.sel $0x180000  }
0xff: {  	[bflag:$0x0] =	sbarrier.arrive $0xFFFF  }
0x100: {  	_ =	strace $0x9000004A  }
0x101: {  	s0 =	stileid.u32;
	[bflag:$0x2] =	sbarrier.arrive $0xFFFF  }
0x102: {  	p0 =	sne.s32 s0, $0x0;
	s0 =	rddreg [dreg:$0x2]  }
0x103: {  	s0 =	sadd.s32 @!p0 $0x100000, s0  }
0x104: {  	[sflag:s0] =	ssyncadd.tile.s32 @!p0 $0x1;
	_ =	shalt  }
.Lfunc_end2:
_tile_overlayer_lowered:
.L_overlay_start_2:
0x105: {  	(tag) =	ssettag $0x2  }
0x106: {  	s0 =	rddreg [dreg:$0x0];
	s2 =	stileid.u32  }
0x107: {  	s1 =	rddreg [dreg:$0x1];
	p0 =	sne.s32 s2, $0x0  }
0x108: {  	s3 =	rddreg [dreg:$0x2];
	[bflag:$0x3] =	sbarrier.arrive $0xFFFF;
	s2 =	simm.s32 @!p0 $0x1C04  }
0x109: {  	[timem:s3], [sflag:s2] =	dma.local @!p0 [hbm:s0], s1  }
0x10a: {  	s0 =	simm.s32 @!p0 $0x4  }
0x10b: {  	_ =	swait.ge @!p0 [sflag:s0], s1  }
0x10c: {  	s1 =	ssub.s32 @!p0 $0x0, s1;
	[sflag:s0] =	ssyncset.done @!p0 $0x0  }
0x10d: {  	[sflag:s0] =	ssyncadd.s32 @!p0 s1  }
0x10e: {  	[bflag:$0x3] =	sbarrier.arrive $0xFFFF  }
0x10f: {  	_ =	shalt  }

// kernel: kernel.14.cloned.1.call-start
scs
__scs_entry_jumppad:
0x0: {  	(pc) =	sbr.rel $0x88, $3  }
0x1: {  	(tag) =	ssettag $0x0;
	lr =	simm.s32 $0x1  }
0x2: {  	[smem:$0x3F91] =	sst lr;
	_ =	strace $0xD0000000  }
0x3: {  	_ = 	snop  }
0x4: {  	_ = 	snop  }
0x5: {  	_ = 	snop  }
0x6: {  	_ = 	snop  }
0x7: {  	_ = 	snop  }
__scs_overlays_trampoline_lowered:
0x8: {  	[smem:$0x3FA0] =	sst s0  }
0x9: {  	[smem:$0x3FA1] =	sst s1  }
0xa: {  	[smem:$0x3FA2] =	sst s2  }
0xb: {  	[smem:$0x3FA3] =	sst s3  }
0xc: {  	[smem:$0x3FA4] =	sst s4  }
0xd: {  	[smem:$0x3FA5] =	sst s5  }
0xe: {  	[smem:$0x3FA6] =	sst s6  }
0xf: {  	[smem:$0x3FA7] =	sst s7  }
0x10: {  	[smem:$0x3FA8] =	sst s8  }
0x11: {  	[smem:$0x3FA9] =	sst s9;
	s0 =	simm.s32 @!p0 $0x0  }
0x12: {  	s1 =	sld [smem:$0x3F8F];
	s0 =	simm.s32 @p0 $0x1  }
0x13: {  	[smem:$0x3FAA] =	sst s0;
	s0 =	simm.s32 @!p1 $0x0  }
0x14: {  	s2 =	sld [smem:$0x3F8E];
	s0 =	simm.s32 @p1 $0x1  }
0x15: {  	[smem:$0x3FAB] =	sst s0;
	s0 =	simm.s32 @!p2 $0x0  }
0x16: {  	s3 =	sld [smem:$0x3FDB];
	s0 =	simm.s32 @p2 $0x1  }
0x17: {  	s4 =	simm.s32 $0x1BF5;
	[smem:$0x3FAD] =	sst s0  }
0x18: {  	s0 =	sld [smem:$0x3F90];
	_ =	swait.ge [sflag:s4], $0x0  }
0x19: {  	s7 =	sld [smem:$0x3F91]  }
0x1a: {  	s8 =	sadd.s32 $0xFFFFE003, lr  }
0x1b: {  	s9 =	sadd.s32 $0xFFFFFEF7, lr;
	s5 =	simm.s32 $0xFFFFFFFF;
	p2 =	slt.u32 s8, $0xFFFFF086  }
0x1c: {  	p1 =	slt.u32 s9, $0xF7A;
	s5 =	simm.s32 @!p2 $0x0  }
0x1d: {  	s5 =	simm.s32 @p1 $0x1;
	p0 =	seq.s32 s7, s2  }
0x1e: {  	s7 =	smul.u32 @!p0 $0xF7A, s2;
	p2 =	seq.s32 @!p0 s5, $0x0  }
0x1f: {  	s9 =	smul.u32 $0xF7A, s1;
	s8 =	simm.s32 @!p0 $0x1BF5;
	p2 =	por !p2, p0  }
0x20: {  	[sflag:s8] =	ssyncset.s32 @!p0 $0xFFFFF086;
	s6 =	sadd.s32 @!p0 s3, s7;
	s7 =	simm.s32 @!p0 $0x108  }
0x21: {  	s3 =	sadd.s32 s3, s9;
	s6 =	sadd.s32 @!p0 $0x88, s6;
	s7 =	simm.s32 @p2 $0x1082  }
0x22: {  	[simem:s7], [sflag:s8] =	dma.local @!p0 [hbm:s6], $0xF7A  }
0x23: {  	s9 =	sor.u32 $0xD0000000, s2;
	s6 =	simm.s32 $0x108;
	_ =	swait.ge @!p0 [sflag:s8], $0x0  }
0x24: {  	s3 =	sadd.s32 $0x88, s3;
	s6 =	simm.s32 @!p1 $0x1082;
	[sflag:s4] =	ssyncset.s32 $0xFFFFF086  }
0x25: {  	[simem:s6], [sflag:s4] =	dma.local [hbm:s3], $0xF7A  }
0x26: {  	[smem:$0x3F91] =	sst s1;
	(tag) =	ssettag s2;
	_ =	strace s9  }
0x27: {  	s1 =	sld [smem:$0x3FA1]  }
0x28: {  	s2 =	sld [smem:$0x3FA2]  }
0x29: {  	s4 =	sld [smem:$0x3FA4]  }
0x2a: {  	p0 =	seq.s32 s5, $0x0;
	s5 =	sld [smem:$0x3FA5]  }
0x2b: {  	s6 =	sld [smem:$0x3FA6]  }
0x2c: {  	s7 =	sld [smem:$0x3FA7]  }
0x2d: {  	s3 =	simm.s32 $0x108;
	s8 =	sld [smem:$0x3FA8]  }
0x2e: {  	s3 =	simm.s32 @!p0 $0x1082;
	s9 =	sld [smem:$0x3FA9]  }
0x2f: {  	lr =	sadd.s32 s0, s3;
	s0 =	sld [smem:$0x3FA0]  }
0x30: {  	s3 =	sld [smem:$0x3FA3]  }
0x31: {  	[smem:$0x3FAC] =	sst s10  }
0x32: {  	s10 =	sld [smem:$0x3FAA];
	_ =	sdelay $0x3  }
0x33: {  	p0 =	seq.s32 s10, $0x1;
	s10 =	sld [smem:$0x3FAC];
	_ =	sdelay $0x3  }
0x34: {  	[smem:$0x3FAC] =	sst s10  }
0x35: {  	s10 =	sld [smem:$0x3FAB];
	_ =	sdelay $0x3  }
0x36: {  	p1 =	seq.s32 s10, $0x1;
	s10 =	sld [smem:$0x3FAC];
	_ =	sdelay $0x3  }
0x37: {  	[smem:$0x3FAC] =	sst s10  }
0x38: {  	s10 =	sld [smem:$0x3FAD]  }
0x39: {  	_ = 	snop;
	(pc) =	sbr.ind lr, $3  }
0x3a: {  	_ = 	snop  }
0x3b: {  	_ = 	snop  }
0x3c: {  	p2 =	seq.s32 s10, $0x1;
	s10 =	sld [smem:$0x3FAC]  }
0x3d: {  	_ =	shalt  }
0x3e: {  	_ =	shalt  }
0x3f: {  	_ =	shalt  }
0x40: {  	_ =	shalt  }
0x41: {  	_ =	shalt  }
0x42: {  	_ =	shalt  }
0x43: {  	_ =	shalt  }
0x44: {  	_ =	shalt  }
0x45: {  	_ =	shalt  }
0x46: {  	_ =	shalt  }
0x47: {  	_ =	shalt  }
0x48: {  	_ =	shalt  }
0x49: {  	_ =	shalt  }
0x4a: {  	_ =	shalt  }
0x4b: {  	_ =	shalt  }
0x4c: {  	_ =	shalt  }
0x4d: {  	_ =	shalt  }
0x4e: {  	_ =	shalt  }
0x4f: {  	_ =	shalt  }
0x50: {  	_ =	shalt  }
0x51: {  	_ =	shalt  }
0x52: {  	_ =	shalt  }
0x53: {  	_ =	shalt  }
0x54: {  	_ =	shalt  }
0x55: {  	_ =	shalt  }
0x56: {  	_ =	shalt  }
0x57: {  	_ =	shalt  }
0x58: {  	_ =	shalt  }
0x59: {  	_ =	shalt  }
0x5a: {  	_ =	shalt  }
0x5b: {  	_ =	shalt  }
0x5c: {  	_ =	shalt  }
0x5d: {  	_ =	shalt  }
0x5e: {  	_ =	shalt  }
0x5f: {  	_ =	shalt  }
0x60: {  	_ =	shalt  }
0x61: {  	_ =	shalt  }
0x62: {  	_ =	shalt  }
0x63: {  	_ =	shalt  }
0x64: {  	_ =	shalt  }
0x65: {  	_ =	shalt  }
0x66: {  	_ =	shalt  }
0x67: {  	_ =	shalt  }
0x68: {  	_ =	shalt  }
0x69: {  	_ =	shalt  }
0x6a: {  	_ =	shalt  }
0x6b: {  	_ =	shalt  }
0x6c: {  	_ =	shalt  }
0x6d: {  	_ =	shalt  }
0x6e: {  	_ =	shalt  }
0x6f: {  	_ =	shalt  }
0x70: {  	_ =	shalt  }
0x71: {  	_ =	shalt  }
0x72: {  	_ =	shalt  }
0x73: {  	_ =	shalt  }
0x74: {  	_ =	shalt  }
0x75: {  	_ =	shalt  }
0x76: {  	_ =	shalt  }
0x77: {  	_ =	shalt  }
0x78: {  	_ =	shalt  }
0x79: {  	_ =	shalt  }
0x7a: {  	_ =	shalt  }
0x7b: {  	_ =	shalt  }
0x7c: {  	_ =	shalt  }
0x7d: {  	_ =	shalt  }
0x7e: {  	_ =	shalt  }
0x7f: {  	_ =	shalt  }
0x80: {  	_ =	shalt  }
0x81: {  	_ =	shalt  }
0x82: {  	_ =	shalt  }
0x83: {  	_ =	shalt  }
0x84: {  	_ =	shalt  }
0x85: {  	_ =	shalt  }
0x86: {  	_ =	shalt  }
0x87: {  	_ =	shalt  }
.Lfunc_end0:
.L_simem_size_0:
called_computation.2_lowered:
.L_overlay_start_0:
0x88: {  	s2 =	sld [smem:$0x3FD9]  }
0x89: {  	s3 =	sld [smem:$0x3FFE];
	_ =	sdelay $0x1  }
0x8a: {  	s1 =	srdreg.scid  }
0x8b: {  	s0 =	sand.u32 $0x1, s1  }
0x8c: {  	s16 =	sshll.u32 s0, $0xA;
	s2 =	sadd.s32 s3, s2  }
0x8d: {  	s2 =	sadd.s32 s2, s16  }
0x8e: {  	[smem:$0x3FB8] =	sst s2  }
0x8f: {  	_ = 	snop  }
0x90: {  	(tm) =	ssettm $0x1  }
0x91: {  	s17 =	sld [smem:$0x3FFB];
	_ =	sdelay $0x3  }
0x92: {  	_ =	strace s17  }
0x93: {  	s2 =	sld [smem:$0x3FFC];
	_ =	sdelay $0x3  }
0x94: {  	_ =	strace s2  }
0x95: {  	s2 =	sld [smem:$0x3FFD];
	_ =	sdelay $0x3  }
0x96: {  	_ =	strace s2  }
0x97: {  	_ =	strace $0x8FFFFFFF  }
0x98: {  	s18 =	sld [smem:$0x3FDB];
	_ =	sdelay $0x1  }
0x99: {  	s19 =	simm.s32 $_scs_section_size  }
0x9a: {  	s4 =	simm.s32 $_size__tile_overlayer_lowered;
	s5 =	simm.s32 $_tile_overlayer_lowered  }
0x9b: {  	s22 =	simm.s32 $0x1BFF;
	s21 =	sshll.u32 s5, $0x1;
	s2 =	sadd.s32 s19, s18  }
0x9c: {  	s6 =	simm.s32 $0x0;
	s20 =	sshll.u32 s4, $0x1;
	s4 =	sadd.s32 s21, s2  }
0x9d: {  	[timem:s6], [sflag:s22] =	dma.local [hbm:s4], s20  }
0x9e: {  	_ =	swait.ge [sflag:s22], s20  }
0x9f: {  	s3 =	ssub.s32 $0x0, s20;
	[sflag:s22] =	ssyncset.done $0x0  }
0xa0: {  	[sflag:s22] =	ssyncadd.s32 s3;
	_ =	sdelay $0x1  }
0xa1: {  	s23 =	simm.s32 $0x1B8B  }
0xa2: {  	_ =	swait.ge [sflag:s23], $0x1  }
0xa3: {  	[sflag:s23] =	ssyncset.done $0x0  }
0xa4: {  	s25 =	simm.s32 $0x1B8E;
	s24 =	sld [smem:$0x3FFE];
	[sflag:s23] =	ssyncadd.s32 $0xFFFFFFFF  }
0xa5: {  	s26 =	simm.s32 $execute0_lowered;
	[smem:$0x3FD2] =	sst s25  }
0xa6: {  	s4 =	sshll.u32 s26, $0x1;
	_ =	strace $0x8000004C;
	[dreg:$0x1] =	wrdreg $0xFFFFFFFF  }
0xa7: {  	s28 =	simm.s32 $_size_execute0_lowered;
	s2 =	sadd.s32 s2, s4;
	[dreg:$0x0] =	wrdreg $0x0  }
0xa8: {  	s4 =	sshll.u32 s28, $0x1;
	[dreg:$0x2] =	wrdreg s2  }
0xa9: {  	[dreg:$0x3] =	wrdreg s4  }
0xaa: {  	[dreg:$0x4] =	wrdreg $0xC0  }
0xab: {  	_ =	task [dreg:s6], $0x5FFFF  }
0xac: {  	[dreg:$0x1] =	wrdreg $0xFFFFFFFF  }
0xad: {  	[dreg:$0x0] =	wrdreg $0x60  }
0xae: {  	[dreg:$0x2] =	wrdreg s24  }
0xaf: {  	[dreg:$0x3] =	wrdreg $0xC0000  }
0xb0: {  	[dreg:$0x4] =	wrdreg $0x9  }
0xb1: {  	_ =	task.clear_ibuf [dreg:s6], $0x5FFFF;
	_ =	strace $0x9000004C  }
0xb2: {  	s29 =	simm.s32 $0x9;
	_ =	strace $0x8000004E  }
0xb3: {  	_ =	swait.ge [sflag:s29], $0x1  }
0xb4: {  	[sflag:s29] =	ssyncadd.s32 $0xFFFFFFFF  }
0xb5: {  	_ =	strace $0x9000004E  }
0xb6: {  	_ =	sfence  }
0xb7: {  	s30 =	sld [smem:$0x0];
	_ =	sdelay $0x2  }
0xb8: {  	s31 =	sshll.u32 s1, $0xD;
	s1 =	sshrl.u32 s1, $0x2  }
0xb9: {  	s3 =	sand.u32 $0x4000, s31;
	s1 =	sadd.s32 s1, s30  }
0xba: {  	s0 =	sor.u32 s3, s0;
	s1 =	sshll.u32 s1, $0x11  }
0xbb: {  	s0 =	sor.u32 s1, s0  }
0xbc: {  	s0 =	sadd.s32 $0x8F2B, s0  }
0xbd: {  	[sflag:s0] =	ssyncadd.remote.s32 $0x1  }
0xbe: {  	_ =	sfence.sel $0xFFFF  }
0xbf: {  	[dreg:$0x0] =	wrdreg $0xFFFFFFFF;
	(pc) =	sbr.abs _section_cstart, $3  }
0xc0: {  	[dreg:$0x1] =	wrdreg $0xFFFFFFFF  }
0xc1: {  	_ =	task.clear_ibuf [dreg:s6], $0x2FFFF;
	_ =	strace $0x9FFFFFFF  }
0xc2: {  	(tm) =	ssettm $0x7FFFFFFF  }
0xc3: {  	_ =	shalt  }
tec
execute0_lowered:
.L_overlay_start_1:
0x0: {  	(tag) =	ssettag $0x1  }
0x1: {  	s0 =	rddreg [dreg:$0x0]  }
0x2: {  	s2 =	rddreg [dreg:$0x1]  }
0x3: {  	s3 =	simm.s32 $0x0;
	s1 =	srdreg.scid;
	s15 =	stileid.u32  }
0x4: {  	s29 =	simm.s32 $0x1400;
	s30 =	simm.s32 $0xA800;
	s31 =	simm.s32 $0x4  }
0x5: {  	[smem:$0x7FF] =	sst s3;
	s1 =	sand.u32 $0x1, s1;
	s4 =	sshll.u32 s15, $0x1  }
0x6: {  	s6 =	sadd.s32 $0x3A00, s0;
	s10 =	sadd.s32 $0xDA00, s0;
	s8 =	smul.u32 $0x4E000, s15  }
0x7: {  	s11 =	smul.u32 $0x13800, s15;
	p0 =	sne.s32 s15, $0xF;
	s7 =	ssub.s32 $0x2, s1  }
0x8: {  	s28 =	sadd.s32 $0x138000, s2;
	s9 =	sshrl.u32 s7, $0x1;
	s16 =	sshrl.u32 s8, $0x2  }
0x9: {  	_ =	strace $0x8000004D;
	s12 =	ssub.s32 s7, s9;
	s7 =	sadd.s32 s16, s2  }
0xa: {  	s5 =	sor.u32 s1, s4;
	s4 =	sadd.s32 $0x17A00, s0;
	s16 =	sadd.s32 $0x4800, s7  }
0xb: {  	s0 =	sadd.s32 $0x3EC00, s0;
	s17 =	sadd.s32 $0x6000, s7;
	[dreg:$0x5] =	wrdreg s16  }
0xc: {  	s1 =	smul.u32 $0x138800, s1;
	s18 =	sadd.s32 $0x7800, s7;
	[dreg:$0x6] =	wrdreg s17  }
0xd: {  	s5 =	smul.u32 $0x2800, s5;
	s19 =	sadd.s32 $0x9000, s7;
	[dreg:$0x7] =	wrdreg s18  }
0xe: {  	s23 =	sadd.s32 s11, s1;
	s20 =	sadd.s32 $0xA800, s7;
	[dreg:$0x8] =	wrdreg s19  }
0xf: {  	s5 =	sshrl.u32 s5, $0x3;
	s21 =	sadd.s32 $0xC000, s7;
	[dreg:$0x9] =	wrdreg s20  }
0x10: {  	s22 =	sadd.s32 $0xD800, s7;
	s24 =	sshrl.u32 s23, $0x3;
	[dreg:$0xa] =	wrdreg s21  }
0x11: {  	s23 =	sadd.s32 $0x10800, s7;
	s13 =	sadd.s32 s6, s5;
	[dreg:$0xb] =	wrdreg s22  }
0x12: {  	s14 =	sadd.s32 s10, s5;
	s5 =	sadd.s32 $0x280, s5;
	[dreg:$0x3] =	wrdreg s13  }
0x13: {  	s19 =	sadd.s32 $0xF000, s7;
	s20 =	sadd.s32 s0, s24;
	[dreg:$0x4] =	wrdreg s14  }
0x14: {  	s13 =	sadd.s32 $0x1800, s11;
	s14 =	sadd.s32 $0x3000, s11;
	s6 =	sadd.s32 s6, s5  }
0x15: {  	s18 =	sadd.s32 s10, s5;
	s10 =	simm.s32 $0x1;
	s11 =	simm.s32 $0x2  }
0x16: {  	s8 =	sadd.s32 s13, s2;
	s9 =	sadd.s32 s14, s2;
	[dreg:$0xc] =	wrdreg s6  }
0x17: {  	s25 =	sadd.s32 s1, s13;
	s26 =	sadd.s32 s1, s14;
	s1 =	sshrl.u32 s1, $0x3  }
0x18: {  	s13 =	simm.s32 $0x2780;
	s14 =	simm.s32 $0x0;
	s5 =	sshrl.u32 s25, $0x3  }
0x19: {  	s6 =	sshrl.u32 s26, $0x3;
	s25 =	smax.u32 s12, $0x1;
	s26 =	sadd.s32 $0x12000, s7  }
0x1a: {  	s12 =	simm.s32 $0x2700;
	s21 =	sadd.s32 s0, s5;
	s22 =	sadd.s32 s0, s6  }
0x1b: {  	s0 =	sadd.s32 s0, s1;
	s1 =	simm.s32 $0x80;
	s5 =	simm.s32 $0x2800  }
0x1c: {  	v0 =	vimm.f32 $0.0e+00;
	s6 =	simm.s32 $0x6800;
	s24 =	sadd.s32 $0x27000, s0;
	s0 =	simm.s32 $0x3  }
.LBB2_1:
0x1d: {  	s15 =	rddreg [dreg:$0x3]  }
0x1e: {  	[tilespmem:s3], [sflag:$0x3] =	stream.linear.gather [hbm4b:s15+s3], $0x1400, $0x38;
	[tilespmem:$0x1F900] =	vst v63  }
0x1f: {  	s17 =	rddreg [dreg:$0x4];
	s16 =	simm.s32 $0x200;
	s15 =	simm.s32 $0x0  }
0x20: {  	[tilespmem:s29], [sflag:$0x3] =	stream.linear.gather [hbm4b:s17+s3], $0x1400, $0x38;
	[tilespmem:$0x1F900] =	vst v63  }
.LBB2_2:
0x21: {  	p1 =	sne.s32 s16, $0x5E00;
	[tilespmem:s15+$0xA870] =	vst v0  }
0x22: {  	[tilespmem:s15+$0xA800] =	vst v0  }
0x23: {  	[tilespmem:s15+$0xA810] =	vst v0  }
.Ltmp0:
0x24: {  	[tilespmem:s15+$0xA820] =	vst v0;
	(pc) =	sbr.rel @p1 .LBB2_2-.Ltmp0, $4  }
0x25: {  	[tilespmem:s15+$0xA830] =	vst v0  }
0x26: {  	[tilespmem:s15+$0xA840] =	vst v0  }
0x27: {  	[tilespmem:s15+$0xA850] =	vst v0  }
0x28: {  	[tilespmem:s15+$0xA860] =	vst v0;
	s15 =	sshra.s32 s16, $0x2;
	s16 =	sadd.s32 $0x200, s16  }
0x29: {  	[tilespmem:s15+$0xA870] =	vst v0  }
0x2a: {  	[tilespmem:s15+$0xA800] =	vst v0  }
0x2b: {  	[tilespmem:s15+$0xA810] =	vst v0  }
0x2c: {  	[tilespmem:s15+$0xA820] =	vst v0  }
0x2d: {  	[tilespmem:s15+$0xA830] =	vst v0  }
0x2e: {  	[tilespmem:s15+$0xA840] =	vst v0  }
0x2f: {  	[tilespmem:s15+$0xA850] =	vst v0  }
0x30: {  	[tilespmem:s15+$0xA860] =	vst v0  }
0x31: {  	[spmem:s7] =	stream.linear.scatter [tilespmem:s30], [sflag:$0x4], $0x1800, $0x38;
	[tilespmem:$0x1F900] =	vst v63  }
0x32: {  	_ =	swait.ge [sflag:s31], $0x1800  }
0x33: {  	[sflag:s31] =	ssyncset.done $0x0  }
0x34: {  	[sflag:s31] =	ssyncadd.s32 $0xFFFFE800  }
0x35: {  	[spmem:s8] =	stream.linear.scatter [tilespmem:s30], [sflag:$0x4], $0x1800, $0x38;
	[tilespmem:$0x1F900] =	vst v63  }
0x36: {  	_ =	swait.ge [sflag:s31], $0x1800  }
0x37: {  	[sflag:s31] =	ssyncset.done $0x0  }
0x38: {  	[sflag:s31] =	ssyncadd.s32 $0xFFFFE800  }
0x39: {  	[spmem:s9] =	stream.linear.scatter [tilespmem:s30], [sflag:$0x4], $0x1800, $0x38;
	[tilespmem:$0x1F900] =	vst v63  }
0x3a: {  	_ =	swait.ge [sflag:s31], $0x1800  }
0x3b: {  	[sflag:s31] =	ssyncset.done $0x0  }
0x3c: {  	s17 =	rddreg [dreg:$0x5];
	[sflag:s31] =	ssyncadd.s32 $0xFFFFE800  }
0x3d: {  	[spmem:s17] =	stream.linear.scatter [tilespmem:s30], [sflag:$0x4], $0x1800, $0x38;
	[tilespmem:$0x1F900] =	vst v63  }
0x3e: {  	_ =	swait.ge [sflag:s31], $0x1800  }
0x3f: {  	[sflag:s31] =	ssyncset.done $0x0  }
0x40: {  	s16 =	rddreg [dreg:$0x6];
	[sflag:s31] =	ssyncadd.s32 $0xFFFFE800  }
0x41: {  	[spmem:s16] =	stream.linear.scatter [tilespmem:s30], [sflag:$0x4], $0x1800, $0x38;
	[tilespmem:$0x1F900] =	vst v63  }
0x42: {  	_ =	swait.ge [sflag:s31], $0x1800  }
0x43: {  	[sflag:s31] =	ssyncset.done $0x0  }
0x44: {  	s17 =	rddreg [dreg:$0x7];
	[sflag:s31] =	ssyncadd.s32 $0xFFFFE800  }
0x45: {  	[spmem:s17] =	stream.linear.scatter [tilespmem:s30], [sflag:$0x4], $0x1800, $0x38;
	[tilespmem:$0x1F900] =	vst v63  }
0x46: {  	_ =	swait.ge [sflag:s31], $0x1800  }
0x47: {  	[sflag:s31] =	ssyncset.done $0x0  }
0x48: {  	s16 =	rddreg [dreg:$0x8];
	[sflag:s31] =	ssyncadd.s32 $0xFFFFE800  }
0x49: {  	[spmem:s16] =	stream.linear.scatter [tilespmem:s30], [sflag:$0x4], $0x1800, $0x38;
	[tilespmem:$0x1F900] =	vst v63  }
0x4a: {  	_ =	swait.ge [sflag:s31], $0x1800  }
0x4b: {  	[sflag:s31] =	ssyncset.done $0x0  }
0x4c: {  	s17 =	rddreg [dreg:$0x9];
	[sflag:s31] =	ssyncadd.s32 $0xFFFFE800  }
0x4d: {  	[spmem:s17] =	stream.linear.scatter [tilespmem:s30], [sflag:$0x4], $0x1800, $0x38;
	[tilespmem:$0x1F900] =	vst v63  }
0x4e: {  	_ =	swait.ge [sflag:s31], $0x1800  }
0x4f: {  	[sflag:s31] =	ssyncset.done $0x0  }
0x50: {  	s16 =	rddreg [dreg:$0xa];
	[sflag:s31] =	ssyncadd.s32 $0xFFFFE800  }
0x51: {  	[spmem:s16] =	stream.linear.scatter [tilespmem:s30], [sflag:$0x4], $0x1800, $0x38;
	[tilespmem:$0x1F900] =	vst v63  }
0x52: {  	_ =	swait.ge [sflag:s31], $0x1800  }
0x53: {  	[sflag:s31] =	ssyncset.done $0x0  }
0x54: {  	s17 =	rddreg [dreg:$0xb];
	[sflag:s31] =	ssyncadd.s32 $0xFFFFE800  }
0x55: {  	[spmem:s17] =	stream.linear.scatter [tilespmem:s30], [sflag:$0x4], $0x1800, $0x38;
	[tilespmem:$0x1F900] =	vst v63  }
0x56: {  	_ =	swait.ge [sflag:s31], $0x1800  }
0x57: {  	[sflag:s31] =	ssyncset.done $0x0  }
0x58: {  	[sflag:s31] =	ssyncadd.s32 $0xFFFFE800  }
0x59: {  	[spmem:s19] =	stream.linear.scatter [tilespmem:s30], [sflag:$0x4], $0x1800, $0x38;
	[tilespmem:$0x1F900] =	vst v63  }
0x5a: {  	_ =	swait.ge [sflag:s31], $0x1800  }
0x5b: {  	[sflag:s31] =	ssyncset.done $0x0  }
0x5c: {  	[sflag:s31] =	ssyncadd.s32 $0xFFFFE800  }
0x5d: {  	[spmem:s23] =	stream.linear.scatter [tilespmem:s30], [sflag:$0x4], $0x1800, $0x38;
	[tilespmem:$0x1F900] =	vst v63  }
0x5e: {  	_ =	swait.ge [sflag:s31], $0x1800  }
0x5f: {  	[sflag:s31] =	ssyncset.done $0x0  }
0x60: {  	[sflag:s31] =	ssyncadd.s32 $0xFFFFE800  }
0x61: {  	[spmem:s26] =	stream.linear.scatter [tilespmem:s30], [sflag:$0x4], $0x1800, $0x38;
	[tilespmem:$0x1F900] =	vst v63  }
0x62: {  	_ =	swait.ge [sflag:s31], $0x1800  }
0x63: {  	[sflag:s31] =	ssyncset.done $0x0  }
0x64: {  	s15 =	simm.s32 @!p0 $0xA800;
	[sflag:s31] =	ssyncadd.s32 $0xFFFFE800  }
0x65: {  	[spmem:s28] =	stream.linear.scatter @!p0 [tilespmem:s15], [sflag:$0x4], $0x800, $0x38;
	[tilespmem:$0x1F900] =	vst v63  }
0x66: {  	s15 =	simm.s32 @!p0 $0x4  }
0x67: {  	_ =	swait.ge @!p0 [sflag:s15], $0x800  }
0x68: {  	[sflag:s15] =	ssyncset.done @!p0 $0x0  }
0x69: {  	[sflag:s15] =	ssyncadd.s32 @!p0 $0xFFFFF800  }
0x6a: {  	_ =	swait.ge [sflag:s0], $0x1400  }
0x6b: {  	[sflag:s0] =	ssyncset.done $0x0  }
0x6c: {  	[sflag:s0] =	ssyncadd.s32 $0xFFFFEC00  }
0x6d: {  	_ =	swait.ge [sflag:s0], $0x1400  }
0x6e: {  	[sflag:s0] =	ssyncset.done $0x0  }
0x6f: {  	[sflag:s0] =	ssyncadd.s32 $0xFFFFEC00  }
0x70: {  	s16 =	simm.s32 $0x0;
	[bflag:$0x0] =	sbarrier.arrive $0xFFFF  }
0x71: {  	[tilespmem:s5], [sflag:$0x1] =	stream.indirect.gather [hbm4b:s4+s1], $0x80, s16, s1, $0xb8;
	[tilespmem:$0x1F900] =	vst v63  }
0x72: {  	_ = 	snop  }
0x73: {  	[tilespmem:s6], [sflag:$0x2] =	stream.indirect.gather [hbm4b:s4+s1], $0x80, s1, s1, $0xb8;
	[tilespmem:$0x1F900] =	vst v63  }
0x74: {  	_ =	swait.ge [sflag:s10], $0x4000  }
0x75: {  	[sflag:s10] =	ssyncset.done $0x0  }
0x76: {  	s17 =	simm.s32 $0x1400;
	[sflag:s10] =	ssyncadd.s32 $0xFFFFC000  }
0x77: {  	[spmem:s2] =	stream.indirect.scatter.add.f32 [tilespmem:s5], [sflag:$0x4], $0x80, s17, s1, $0xb8;
	[tilespmem:$0x1F900] =	vst v63  }
0x78: {  	_ =	swait.ge [sflag:s31], $0x4000  }
0x79: {  	[sflag:s31] =	ssyncset.done $0x0  }
0x7a: {  	s16 =	simm.s32 $0x100;
	[sflag:s31] =	ssyncadd.s32 $0xFFFFC000  }
0x7b: {  	[tilespmem:s5], [sflag:$0x1] =	stream.indirect.gather [hbm4b:s4+s1], $0x80, s16, s1, $0xb8;
	[tilespmem:$0x1F900] =	vst v63  }
0x7c: {  	_ =	swait.ge [sflag:s11], $0x4000  }
0x7d: {  	[sflag:s11] =	ssyncset.done $0x0  }
0x7e: {  	s17 =	simm.s32 $0x1480;
	[sflag:s11] =	ssyncadd.s32 $0xFFFFC000  }
0x7f: {  	[spmem:s2] =	stream.indirect.scatter.add.f32 [tilespmem:s6], [sflag:$0x4], $0x80, s17, s1, $0xb8;
	[tilespmem:$0x1F900] =	vst v63  }
0x80: {  	_ =	swait.ge [sflag:s31], $0x4000  }
0x81: {  	[sflag:s31] =	ssyncset.done $0x0  }
0x82: {  	s15 =	simm.s32 $0x400;
	s16 =	simm.s32 $0x180;
	[sflag:s31] =	ssyncadd.s32 $0xFFFFC000  }
.LBB2_4:
0x83: {  	[tilespmem:s6], [sflag:$0x2] =	stream.indirect.gather [hbm4b:s4+s1], $0x80, s16, s1, $0xb8;
	[tilespmem:$0x1F900] =	vst v63  }
0x84: {  	s16 =	smov.u32 s15  }
0x85: {  	p1 =	sne.s32 s15, $0x4800;
	s15 =	sadd.s32 $0x400, s15;
	_ =	swait.ge [sflag:s10], $0x4000  }
0x86: {  	s16 =	sshra.s32 s16, $0x2;
	[sflag:s10] =	ssyncset.done $0x0  }
0x87: {  	s17 =	sadd.s32 $0x1400, s16;
	[sflag:s10] =	ssyncadd.s32 $0xFFFFC000  }
0x88: {  	[spmem:s2] =	stream.indirect.scatter.add.f32 [tilespmem:s5], [sflag:$0x4], $0x80, s17, s1, $0xb8;
	[tilespmem:$0x1F900] =	vst v63  }
0x89: {  	_ =	swait.ge [sflag:s31], $0x4000  }
0x8a: {  	[sflag:s31] =	ssyncset.done $0x0  }
0x8b: {  	s17 =	sadd.s32 $0x100, s16;
	[sflag:s31] =	ssyncadd.s32 $0xFFFFC000  }
0x8c: {  	[tilespmem:s5], [sflag:$0x1] =	stream.indirect.gather [hbm4b:s4+s1], $0x80, s17, s1, $0xb8;
	[tilespmem:$0x1F900] =	vst v63  }
0x8d: {  	_ =	swait.ge [sflag:s11], $0x4000  }
0x8e: {  	[sflag:s11] =	ssyncset.done $0x0  }
.Ltmp1:
0x8f: {  	s17 =	sadd.s32 $0x1480, s16;
	[sflag:s11] =	ssyncadd.s32 $0xFFFFC000;
	(pc) =	sbr.rel @p1 .LBB2_4-.Ltmp1, $4  }
0x90: {  	[spmem:s2] =	stream.indirect.scatter.add.f32 [tilespmem:s6], [sflag:$0x4], $0x80, s17, s1, $0xb8;
	[tilespmem:$0x1F900] =	vst v63  }
0x91: {  	_ =	swait.ge [sflag:s31], $0x4000  }
0x92: {  	[sflag:s31] =	ssyncset.done $0x0  }
0x93: {  	s16 =	sadd.s32 $0x180, s16;
	[sflag:s31] =	ssyncadd.s32 $0xFFFFC000  }
0x94: {  	[tilespmem:s6], [sflag:$0x2] =	stream.indirect.gather [hbm4b:s4+s1], $0x80, s16, s1, $0xb8;
	[tilespmem:$0x1F900] =	vst v63  }
0x95: {  	_ =	swait.ge [sflag:s10], $0x4000  }
0x96: {  	[sflag:s10] =	ssyncset.done $0x0  }
0x97: {  	[sflag:s10] =	ssyncadd.s32 $0xFFFFC000  }
0x98: {  	[spmem:s2] =	stream.indirect.scatter.add.f32 [tilespmem:s5], [sflag:$0x4], $0x80, s12, s1, $0xb8;
	[tilespmem:$0x1F900] =	vst v63  }
0x99: {  	_ =	swait.ge [sflag:s31], $0x4000  }
0x9a: {  	[sflag:s31] =	ssyncset.done $0x0  }
0x9b: {  	[sflag:s31] =	ssyncadd.s32 $0xFFFFC000  }
0x9c: {  	_ =	swait.ge [sflag:s11], $0x4000  }
0x9d: {  	[sflag:s11] =	ssyncset.done $0x0  }
0x9e: {  	[sflag:s11] =	ssyncadd.s32 $0xFFFFC000  }
0x9f: {  	[spmem:s2] =	stream.indirect.scatter.add.f32 [tilespmem:s6], [sflag:$0x4], $0x80, s13, s1, $0xb8;
	[tilespmem:$0x1F900] =	vst v63  }
0xa0: {  	_ =	swait.ge [sflag:s31], $0x4000  }
0xa1: {  	[sflag:s31] =	ssyncset.done $0x0  }
0xa2: {  	s15 =	simm.s32 $0x0;
	s17 =	rddreg [dreg:$0xc];
	[sflag:s31] =	ssyncadd.s32 $0xFFFFC000  }
0xa3: {  	[tilespmem:s15], [sflag:$0x4] =	stream.linear.gather [hbm4b:s17+s15], $0x1400, $0x38;
	[tilespmem:$0x1F900] =	vst v63  }
0xa4: {  	_ =	swait.ge [sflag:s31], $0x1400  }
0xa5: {  	[sflag:s31] =	ssyncset.done $0x0  }
0xa6: {  	[sflag:s31] =	ssyncadd.s32 $0xFFFFEC00  }
0xa7: {  	[tilespmem:s29], [sflag:$0x4] =	stream.linear.gather [hbm4b:s18+s15], $0x1400, $0x38;
	[tilespmem:$0x1F900] =	vst v63  }
0xa8: {  	_ =	swait.ge [sflag:s31], $0x1400  }
0xa9: {  	[sflag:s31] =	ssyncset.done $0x0  }
0xaa: {  	[sflag:s31] =	ssyncadd.s32 $0xFFFFEC00  }
0xab: {  	[tilespmem:s5], [sflag:$0x1] =	stream.indirect.gather [hbm4b:s4+s1], $0x80, s15, s1, $0xb8;
	[tilespmem:$0x1F900] =	vst v63  }
0xac: {  	_ = 	snop  }
0xad: {  	[tilespmem:s6], [sflag:$0x2] =	stream.indirect.gather [hbm4b:s4+s1], $0x80, s1, s1, $0xb8;
	[tilespmem:$0x1F900] =	vst v63  }
0xae: {  	_ =	swait.ge [sflag:s10], $0x4000  }
0xaf: {  	[sflag:s10] =	ssyncset.done $0x0  }
0xb0: {  	s17 =	simm.s32 $0x1400;
	[sflag:s10] =	ssyncadd.s32 $0xFFFFC000  }
0xb1: {  	[spmem:s2] =	stream.indirect.scatter.add.f32 [tilespmem:s5], [sflag:$0x4], $0x80, s17, s1, $0xb8;
	[tilespmem:$0x1F900] =	vst v63  }
0xb2: {  	_ =	swait.ge [sflag:s31], $0x4000  }
0xb3: {  	[sflag:s31] =	ssyncset.done $0x0  }
0xb4: {  	s16 =	simm.s32 $0x100;
	[sflag:s31] =	ssyncadd.s32 $0xFFFFC000  }
0xb5: {  	[tilespmem:s5], [sflag:$0x1] =	stream.indirect.gather [hbm4b:s4+s1], $0x80, s16, s1, $0xb8;
	[tilespmem:$0x1F900] =	vst v63  }
0xb6: {  	_ =	swait.ge [sflag:s11], $0x4000  }
0xb7: {  	[sflag:s11] =	ssyncset.done $0x0  }
0xb8: {  	s17 =	simm.s32 $0x1480;
	[sflag:s11] =	ssyncadd.s32 $0xFFFFC000  }
0xb9: {  	[spmem:s2] =	stream.indirect.scatter.add.f32 [tilespmem:s6], [sflag:$0x4], $0x80, s17, s1, $0xb8;
	[tilespmem:$0x1F900] =	vst v63  }
0xba: {  	_ =	swait.ge [sflag:s31], $0x4000  }
0xbb: {  	[sflag:s31] =	ssyncset.done $0x0  }
0xbc: {  	s15 =	simm.s32 $0x400;
	s16 =	simm.s32 $0x180;
	[sflag:s31] =	ssyncadd.s32 $0xFFFFC000  }
.LBB2_6:
0xbd: {  	[tilespmem:s6], [sflag:$0x2] =	stream.indirect.gather [hbm4b:s4+s1], $0x80, s16, s1, $0xb8;
	[tilespmem:$0x1F900] =	vst v63  }
0xbe: {  	s16 =	smov.u32 s15  }
0xbf: {  	p1 =	sne.s32 s15, $0x4800;
	s15 =	sadd.s32 $0x400, s15;
	_ =	swait.ge [sflag:s10], $0x4000  }
0xc0: {  	s16 =	sshra.s32 s16, $0x2;
	[sflag:s10] =	ssyncset.done $0x0  }
0xc1: {  	s17 =	sadd.s32 $0x1400, s16;
	[sflag:s10] =	ssyncadd.s32 $0xFFFFC000  }
0xc2: {  	[spmem:s2] =	stream.indirect.scatter.add.f32 [tilespmem:s5], [sflag:$0x4], $0x80, s17, s1, $0xb8;
	[tilespmem:$0x1F900] =	vst v63  }
0xc3: {  	_ =	swait.ge [sflag:s31], $0x4000  }
0xc4: {  	[sflag:s31] =	ssyncset.done $0x0  }
0xc5: {  	s17 =	sadd.s32 $0x100, s16;
	[sflag:s31] =	ssyncadd.s32 $0xFFFFC000  }
0xc6: {  	[tilespmem:s5], [sflag:$0x1] =	stream.indirect.gather [hbm4b:s4+s1], $0x80, s17, s1, $0xb8;
	[tilespmem:$0x1F900] =	vst v63  }
0xc7: {  	_ =	swait.ge [sflag:s11], $0x4000  }
0xc8: {  	[sflag:s11] =	ssyncset.done $0x0  }
.Ltmp2:
0xc9: {  	s17 =	sadd.s32 $0x1480, s16;
	[sflag:s11] =	ssyncadd.s32 $0xFFFFC000;
	(pc) =	sbr.rel @p1 .LBB2_6-.Ltmp2, $4  }
0xca: {  	[spmem:s2] =	stream.indirect.scatter.add.f32 [tilespmem:s6], [sflag:$0x4], $0x80, s17, s1, $0xb8;
	[tilespmem:$0x1F900] =	vst v63  }
0xcb: {  	_ =	swait.ge [sflag:s31], $0x4000  }
0xcc: {  	[sflag:s31] =	ssyncset.done $0x0  }
0xcd: {  	s16 =	sadd.s32 $0x180, s16;
	[sflag:s31] =	ssyncadd.s32 $0xFFFFC000  }
0xce: {  	[tilespmem:s6], [sflag:$0x2] =	stream.indirect.gather [hbm4b:s4+s1], $0x80, s16, s1, $0xb8;
	[tilespmem:$0x1F900] =	vst v63  }
0xcf: {  	_ =	swait.ge [sflag:s10], $0x4000  }
0xd0: {  	[sflag:s10] =	ssyncset.done $0x0  }
0xd1: {  	[sflag:s10] =	ssyncadd.s32 $0xFFFFC000  }
0xd2: {  	[spmem:s2] =	stream.indirect.scatter.add.f32 [tilespmem:s5], [sflag:$0x4], $0x80, s12, s1, $0xb8;
	[tilespmem:$0x1F900] =	vst v63  }
0xd3: {  	_ =	swait.ge [sflag:s31], $0x4000  }
0xd4: {  	[sflag:s31] =	ssyncset.done $0x0  }
0xd5: {  	[sflag:s31] =	ssyncadd.s32 $0xFFFFC000  }
0xd6: {  	_ =	swait.ge [sflag:s11], $0x4000  }
0xd7: {  	[sflag:s11] =	ssyncset.done $0x0  }
0xd8: {  	[sflag:s11] =	ssyncadd.s32 $0xFFFFC000  }
0xd9: {  	[spmem:s2] =	stream.indirect.scatter.add.f32 [tilespmem:s6], [sflag:$0x4], $0x80, s13, s1, $0xb8;
	[tilespmem:$0x1F900] =	vst v63  }
0xda: {  	_ =	swait.ge [sflag:s31], $0x4000  }
0xdb: {  	[sflag:s31] =	ssyncset.done $0x0  }
0xdc: {  	[sflag:s31] =	ssyncadd.s32 $0xFFFFC000  }
0xdd: {  	[bflag:$0x0] =	sbarrier.arrive $0xFFFF  }
0xde: {  	[tilespmem:s30], [sflag:$0x4] =	stream.linear.gather [spmem:s7], $0x1800, $0x38;
	[tilespmem:$0x1F900] =	vst v63  }
0xdf: {  	_ =	swait.ge [sflag:s31], $0x1800  }
0xe0: {  	[sflag:s31] =	ssyncset.done $0x0  }
0xe1: {  	[sflag:s31] =	ssyncadd.s32 $0xFFFFE800  }
0xe2: {  	[hbm4b:s20+s3] =	stream.linear.scatter [tilespmem:s30], [sflag:$0x4], $0x1800, $0x38;
	[tilespmem:$0x1F900] =	vst v63  }
0xe3: {  	_ =	swait.ge [sflag:s31], $0x1800  }
0xe4: {  	[sflag:s31] =	ssyncset.done $0x0  }
0xe5: {  	[sflag:s31] =	ssyncadd.s32 $0xFFFFE800  }
0xe6: {  	[tilespmem:s30], [sflag:$0x4] =	stream.linear.gather [spmem:s8], $0x1800, $0x38;
	[tilespmem:$0x1F900] =	vst v63  }
0xe7: {  	_ =	swait.ge [sflag:s31], $0x1800  }
0xe8: {  	[sflag:s31] =	ssyncset.done $0x0  }
0xe9: {  	[sflag:s31] =	ssyncadd.s32 $0xFFFFE800  }
0xea: {  	[hbm4b:s21+s3] =	stream.linear.scatter [tilespmem:s30], [sflag:$0x4], $0x1800, $0x38;
	[tilespmem:$0x1F900] =	vst v63  }
0xeb: {  	_ =	swait.ge [sflag:s31], $0x1800  }
0xec: {  	[sflag:s31] =	ssyncset.done $0x0  }
0xed: {  	[sflag:s31] =	ssyncadd.s32 $0xFFFFE800  }
0xee: {  	[tilespmem:s30], [sflag:$0x4] =	stream.linear.gather [spmem:s9], $0x1800, $0x38;
	[tilespmem:$0x1F900] =	vst v63  }
0xef: {  	_ =	swait.ge [sflag:s31], $0x1800  }
0xf0: {  	[sflag:s31] =	ssyncset.done $0x0  }
0xf1: {  	[sflag:s31] =	ssyncadd.s32 $0xFFFFE800  }
0xf2: {  	[hbm4b:s22+s3] =	stream.linear.scatter [tilespmem:s30], [sflag:$0x4], $0x1800, $0x38;
	[tilespmem:$0x1F900] =	vst v63  }
0xf3: {  	_ =	swait.ge [sflag:s31], $0x1800  }
0xf4: {  	[sflag:s31] =	ssyncset.done $0x0  }
0xf5: {  	s15 =	simm.s32 @!p0 $0xA800;
	s16 =	simm.s32 @!p0 $0x4;
	[sflag:s31] =	ssyncadd.s32 $0xFFFFE800  }
0xf6: {  	[tilespmem:s15], [sflag:$0x4] =	stream.linear.gather @!p0 [spmem:s28], $0x800, $0x38;
	[tilespmem:$0x1F900] =	vst v63  }
0xf7: {  	s14 =	sadd.s32 $0x1, s14;
	_ =	swait.ge @!p0 [sflag:s16], $0x800  }
0xf8: {  	p1 =	sne.s32 s14, s25;
	[sflag:s16] =	ssyncset.done @!p0 $0x0  }
.Ltmp3:
0xf9: {  	s17 =	simm.s32 @!p0 $0x0;
	[sflag:s16] =	ssyncadd.s32 @!p0 $0xFFFFF800;
	(pc) =	sbr.rel @p1 .LBB2_1-.Ltmp3, $4  }
0xfa: {  	[hbm4b:s24+s17] =	stream.linear.scatter @!p0 [tilespmem:s15], [sflag:$0x4], $0x800, $0x38;
	[tilespmem:$0x1F900] =	vst v63  }
0xfb: {  	_ =	swait.ge @!p0 [sflag:s16], $0x800  }
0xfc: {  	[sflag:s16] =	ssyncset.done @!p0 $0x0  }
0xfd: {  	[sflag:s16] =	ssyncadd.s32 @!p0 $0xFFFFF800  }
0xfe: {  	_ =	sfence.sel $0x180000  }
0xff: {  	[bflag:$0x0] =	sbarrier.arrive $0xFFFF  }
0x100: {  	_ =	strace $0x9000004D  }
0x101: {  	s0 =	stileid.u32;
	[bflag:$0x2] =	sbarrier.arrive $0xFFFF  }
0x102: {  	p0 =	sne.s32 s0, $0x0;
	s0 =	rddreg [dreg:$0x2]  }
0x103: {  	s0 =	sadd.s32 @!p0 $0x100000, s0  }
0x104: {  	[sflag:s0] =	ssyncadd.tile.s32 @!p0 $0x1;
	_ =	shalt  }
.Lfunc_end2:
_tile_overlayer_lowered:
.L_overlay_start_2:
0x105: {  	(tag) =	ssettag $0x2  }
0x106: {  	s0 =	rddreg [dreg:$0x0];
	s2 =	stileid.u32  }
0x107: {  	s1 =	rddreg [dreg:$0x1];
	p0 =	sne.s32 s2, $0x0  }
0x108: {  	s3 =	rddreg [dreg:$0x2];
	[bflag:$0x3] =	sbarrier.arrive $0xFFFF;
	s2 =	simm.s32 @!p0 $0x1C04  }
0x109: {  	[timem:s3], [sflag:s2] =	dma.local @!p0 [hbm:s0], s1  }
0x10a: {  	s0 =	simm.s32 @!p0 $0x4  }
0x10b: {  	_ =	swait.ge @!p0 [sflag:s0], s1  }
0x10c: {  	s1 =	ssub.s32 @!p0 $0x0, s1;
	[sflag:s0] =	ssyncset.done @!p0 $0x0  }
0x10d: {  	[sflag:s0] =	ssyncadd.s32 @!p0 s1  }
0x10e: {  	[bflag:$0x3] =	sbarrier.arrive $0xFFFF  }
0x10f: {  	_ =	shalt  }

// kernel: kernel.8.cloned.1.call-start
scs
__scs_entry_jumppad:
0x0: {  	(pc) =	sbr.rel $0x88, $3  }
0x1: {  	(tag) =	ssettag $0x0;
	lr =	simm.s32 $0x1  }
0x2: {  	[smem:$0x3F91] =	sst lr;
	_ =	strace $0xD0000000  }
0x3: {  	_ = 	snop  }
0x4: {  	_ = 	snop  }
0x5: {  	_ = 	snop  }
0x6: {  	_ = 	snop  }
0x7: {  	_ = 	snop  }
__scs_overlays_trampoline_lowered:
0x8: {  	[smem:$0x3FA0] =	sst s0  }
0x9: {  	[smem:$0x3FA1] =	sst s1  }
0xa: {  	[smem:$0x3FA2] =	sst s2  }
0xb: {  	[smem:$0x3FA3] =	sst s3  }
0xc: {  	[smem:$0x3FA4] =	sst s4  }
0xd: {  	[smem:$0x3FA5] =	sst s5  }
0xe: {  	[smem:$0x3FA6] =	sst s6  }
0xf: {  	[smem:$0x3FA7] =	sst s7  }
0x10: {  	[smem:$0x3FA8] =	sst s8  }
0x11: {  	[smem:$0x3FA9] =	sst s9;
	s0 =	simm.s32 @!p0 $0x0  }
0x12: {  	s1 =	sld [smem:$0x3F8F];
	s0 =	simm.s32 @p0 $0x1  }
0x13: {  	[smem:$0x3FAA] =	sst s0;
	s0 =	simm.s32 @!p1 $0x0  }
0x14: {  	s2 =	sld [smem:$0x3F8E];
	s0 =	simm.s32 @p1 $0x1  }
0x15: {  	[smem:$0x3FAB] =	sst s0;
	s0 =	simm.s32 @!p2 $0x0  }
0x16: {  	s3 =	sld [smem:$0x3FDB];
	s0 =	simm.s32 @p2 $0x1  }
0x17: {  	s4 =	simm.s32 $0x1BF5;
	[smem:$0x3FAD] =	sst s0  }
0x18: {  	s0 =	sld [smem:$0x3F90];
	_ =	swait.ge [sflag:s4], $0x0  }
0x19: {  	s7 =	sld [smem:$0x3F91]  }
0x1a: {  	s8 =	sadd.s32 $0xFFFFE003, lr  }
0x1b: {  	s9 =	sadd.s32 $0xFFFFFEF7, lr;
	s5 =	simm.s32 $0xFFFFFFFF;
	p2 =	slt.u32 s8, $0xFFFFF086  }
0x1c: {  	p1 =	slt.u32 s9, $0xF7A;
	s5 =	simm.s32 @!p2 $0x0  }
0x1d: {  	s5 =	simm.s32 @p1 $0x1;
	p0 =	seq.s32 s7, s2  }
0x1e: {  	s7 =	smul.u32 @!p0 $0xF7A, s2;
	p2 =	seq.s32 @!p0 s5, $0x0  }
0x1f: {  	s9 =	smul.u32 $0xF7A, s1;
	s8 =	simm.s32 @!p0 $0x1BF5;
	p2 =	por !p2, p0  }
0x20: {  	[sflag:s8] =	ssyncset.s32 @!p0 $0xFFFFF086;
	s6 =	sadd.s32 @!p0 s3, s7;
	s7 =	simm.s32 @!p0 $0x108  }
0x21: {  	s3 =	sadd.s32 s3, s9;
	s6 =	sadd.s32 @!p0 $0x88, s6;
	s7 =	simm.s32 @p2 $0x1082  }
0x22: {  	[simem:s7], [sflag:s8] =	dma.local @!p0 [hbm:s6], $0xF7A  }
0x23: {  	s9 =	sor.u32 $0xD0000000, s2;
	s6 =	simm.s32 $0x108;
	_ =	swait.ge @!p0 [sflag:s8], $0x0  }
0x24: {  	s3 =	sadd.s32 $0x88, s3;
	s6 =	simm.s32 @!p1 $0x1082;
	[sflag:s4] =	ssyncset.s32 $0xFFFFF086  }
0x25: {  	[simem:s6], [sflag:s4] =	dma.local [hbm:s3], $0xF7A  }
0x26: {  	[smem:$0x3F91] =	sst s1;
	(tag) =	ssettag s2;
	_ =	strace s9  }
0x27: {  	s1 =	sld [smem:$0x3FA1]  }
0x28: {  	s2 =	sld [smem:$0x3FA2]  }
0x29: {  	s4 =	sld [smem:$0x3FA4]  }
0x2a: {  	p0 =	seq.s32 s5, $0x0;
	s5 =	sld [smem:$0x3FA5]  }
0x2b: {  	s6 =	sld [smem:$0x3FA6]  }
0x2c: {  	s7 =	sld [smem:$0x3FA7]  }
0x2d: {  	s3 =	simm.s32 $0x108;
	s8 =	sld [smem:$0x3FA8]  }
0x2e: {  	s3 =	simm.s32 @!p0 $0x1082;
	s9 =	sld [smem:$0x3FA9]  }
0x2f: {  	lr =	sadd.s32 s0, s3;
	s0 =	sld [smem:$0x3FA0]  }
0x30: {  	s3 =	sld [smem:$0x3FA3]  }
0x31: {  	[smem:$0x3FAC] =	sst s10  }
0x32: {  	s10 =	sld [smem:$0x3FAA];
	_ =	sdelay $0x3  }
0x33: {  	p0 =	seq.s32 s10, $0x1;
	s10 =	sld [smem:$0x3FAC];
	_ =	sdelay $0x3  }
0x34: {  	[smem:$0x3FAC] =	sst s10  }
0x35: {  	s10 =	sld [smem:$0x3FAB];
	_ =	sdelay $0x3  }
0x36: {  	p1 =	seq.s32 s10, $0x1;
	s10 =	sld [smem:$0x3FAC];
	_ =	sdelay $0x3  }
0x37: {  	[smem:$0x3FAC] =	sst s10  }
0x38: {  	s10 =	sld [smem:$0x3FAD]  }
0x39: {  	_ = 	snop;
	(pc) =	sbr.ind lr, $3  }
0x3a: {  	_ = 	snop  }
0x3b: {  	_ = 	snop  }
0x3c: {  	p2 =	seq.s32 s10, $0x1;
	s10 =	sld [smem:$0x3FAC]  }
0x3d: {  	_ =	shalt  }
0x3e: {  	_ =	shalt  }
0x3f: {  	_ =	shalt  }
0x40: {  	_ =	shalt  }
0x41: {  	_ =	shalt  }
0x42: {  	_ =	shalt  }
0x43: {  	_ =	shalt  }
0x44: {  	_ =	shalt  }
0x45: {  	_ =	shalt  }
0x46: {  	_ =	shalt  }
0x47: {  	_ =	shalt  }
0x48: {  	_ =	shalt  }
0x49: {  	_ =	shalt  }
0x4a: {  	_ =	shalt  }
0x4b: {  	_ =	shalt  }
0x4c: {  	_ =	shalt  }
0x4d: {  	_ =	shalt  }
0x4e: {  	_ =	shalt  }
0x4f: {  	_ =	shalt  }
0x50: {  	_ =	shalt  }
0x51: {  	_ =	shalt  }
0x52: {  	_ =	shalt  }
0x53: {  	_ =	shalt  }
0x54: {  	_ =	shalt  }
0x55: {  	_ =	shalt  }
0x56: {  	_ =	shalt  }
0x57: {  	_ =	shalt  }
0x58: {  	_ =	shalt  }
0x59: {  	_ =	shalt  }
0x5a: {  	_ =	shalt  }
0x5b: {  	_ =	shalt  }
0x5c: {  	_ =	shalt  }
0x5d: {  	_ =	shalt  }
0x5e: {  	_ =	shalt  }
0x5f: {  	_ =	shalt  }
0x60: {  	_ =	shalt  }
0x61: {  	_ =	shalt  }
0x62: {  	_ =	shalt  }
0x63: {  	_ =	shalt  }
0x64: {  	_ =	shalt  }
0x65: {  	_ =	shalt  }
0x66: {  	_ =	shalt  }
0x67: {  	_ =	shalt  }
0x68: {  	_ =	shalt  }
0x69: {  	_ =	shalt  }
0x6a: {  	_ =	shalt  }
0x6b: {  	_ =	shalt  }
0x6c: {  	_ =	shalt  }
0x6d: {  	_ =	shalt  }
0x6e: {  	_ =	shalt  }
0x6f: {  	_ =	shalt  }
0x70: {  	_ =	shalt  }
0x71: {  	_ =	shalt  }
0x72: {  	_ =	shalt  }
0x73: {  	_ =	shalt  }
0x74: {  	_ =	shalt  }
0x75: {  	_ =	shalt  }
0x76: {  	_ =	shalt  }
0x77: {  	_ =	shalt  }
0x78: {  	_ =	shalt  }
0x79: {  	_ =	shalt  }
0x7a: {  	_ =	shalt  }
0x7b: {  	_ =	shalt  }
0x7c: {  	_ =	shalt  }
0x7d: {  	_ =	shalt  }
0x7e: {  	_ =	shalt  }
0x7f: {  	_ =	shalt  }
0x80: {  	_ =	shalt  }
0x81: {  	_ =	shalt  }
0x82: {  	_ =	shalt  }
0x83: {  	_ =	shalt  }
0x84: {  	_ =	shalt  }
0x85: {  	_ =	shalt  }
0x86: {  	_ =	shalt  }
0x87: {  	_ =	shalt  }
.Lfunc_end0:
.L_simem_size_0:
called_computation_lowered:
.L_overlay_start_0:
0x88: {  	s2 =	sld [smem:$0x3FD9]  }
0x89: {  	s3 =	sld [smem:$0x3FFE];
	_ =	sdelay $0x1  }
0x8a: {  	s1 =	srdreg.scid  }
0x8b: {  	s0 =	sand.u32 $0x1, s1  }
0x8c: {  	s17 =	sshll.u32 s0, $0xA;
	s2 =	sadd.s32 s3, s2  }
0x8d: {  	s2 =	sadd.s32 s2, s17  }
0x8e: {  	[smem:$0x3FB8] =	sst s2  }
0x8f: {  	_ = 	snop  }
0x90: {  	s2 =	sld [smem:$0x3FC9];
	(tm) =	ssettm $0x1  }
0x91: {  	s18 =	sld [smem:$0x3FFB];
	_ =	sdelay $0x3  }
0x92: {  	_ =	strace s18  }
0x93: {  	s3 =	sld [smem:$0x3FFC];
	_ =	sdelay $0x3  }
0x94: {  	_ =	strace s3  }
0x95: {  	s3 =	sld [smem:$0x3FFD];
	_ =	sdelay $0x3  }
0x96: {  	_ =	strace s3  }
0x97: {  	_ =	strace $0x8FFFFFFF  }
0x98: {  	s19 =	sld [smem:$0x3FDB];
	_ =	sdelay $0x1  }
0x99: {  	s4 =	simm.s32 $_scs_section_size  }
0x9a: {  	s5 =	simm.s32 $_size__tile_overlayer_lowered;
	s6 =	simm.s32 $_tile_overlayer_lowered  }
0x9b: {  	s22 =	simm.s32 $0x1BFF;
	s21 =	sshll.u32 s6, $0x1;
	s3 =	sadd.s32 s4, s19  }
0x9c: {  	s7 =	simm.s32 $0x0;
	s20 =	sshll.u32 s5, $0x1;
	s5 =	sadd.s32 s21, s3  }
0x9d: {  	[timem:s7], [sflag:s22] =	dma.local [hbm:s5], s20  }
0x9e: {  	_ =	swait.ge [sflag:s22], s20  }
0x9f: {  	s4 =	ssub.s32 $0x0, s20;
	[sflag:s22] =	ssyncset.done $0x0  }
0xa0: {  	[sflag:s22] =	ssyncadd.s32 s4;
	_ =	sdelay $0x1  }
0xa1: {  	s23 =	simm.s32 $0x1B8B  }
0xa2: {  	_ =	swait.ge [sflag:s23], $0x1  }
0xa3: {  	[sflag:s23] =	ssyncset.done $0x0  }
0xa4: {  	s25 =	simm.s32 $0x1B8E;
	s24 =	sld [smem:$0x3FFE];
	[sflag:s23] =	ssyncadd.s32 $0xFFFFFFFF  }
0xa5: {  	s26 =	simm.s32 $execute0_lowered;
	[smem:$0x3FD2] =	sst s25  }
0xa6: {  	s5 =	sshll.u32 s26, $0x1;
	_ =	strace $0x80000046;
	[dreg:$0x1] =	wrdreg $0xFFFFFFFF  }
0xa7: {  	s28 =	simm.s32 $_size_execute0_lowered;
	s3 =	sadd.s32 s3, s5;
	[dreg:$0x0] =	wrdreg $0x0  }
0xa8: {  	s5 =	sshll.u32 s28, $0x1;
	[dreg:$0x2] =	wrdreg s3  }
0xa9: {  	[dreg:$0x3] =	wrdreg s5  }
0xaa: {  	[dreg:$0x4] =	wrdreg $0xC0  }
0xab: {  	_ =	task [dreg:s7], $0x5FFFF  }
0xac: {  	[dreg:$0x1] =	wrdreg $0xFFFFFFFF  }
0xad: {  	[dreg:$0x0] =	wrdreg $0x60  }
0xae: {  	[dreg:$0x2] =	wrdreg s2  }
0xaf: {  	[dreg:$0x3] =	wrdreg s24  }
0xb0: {  	[dreg:$0x4] =	wrdreg $0xC0000  }
0xb1: {  	[dreg:$0x5] =	wrdreg $0x9  }
0xb2: {  	_ =	task.clear_ibuf [dreg:s7], $0x6FFFF;
	_ =	strace $0x90000046  }
0xb3: {  	s29 =	simm.s32 $0x9;
	_ =	strace $0x80000048  }
0xb4: {  	_ =	swait.ge [sflag:s29], $0x1  }
0xb5: {  	[sflag:s29] =	ssyncadd.s32 $0xFFFFFFFF  }
0xb6: {  	_ =	strace $0x90000048  }
0xb7: {  	_ =	sfence  }
0xb8: {  	s30 =	sld [smem:$0x0];
	_ =	sdelay $0x2  }
0xb9: {  	s31 =	sshll.u32 s1, $0xD;
	s1 =	sshrl.u32 s1, $0x2  }
0xba: {  	s3 =	sand.u32 $0x4000, s31;
	s1 =	sadd.s32 s1, s30  }
0xbb: {  	s0 =	sor.u32 s3, s0;
	s1 =	sshll.u32 s1, $0x11  }
0xbc: {  	s0 =	sor.u32 s1, s0  }
0xbd: {  	s0 =	sadd.s32 $0x8F2B, s0  }
0xbe: {  	[sflag:s0] =	ssyncadd.remote.s32 $0x1  }
0xbf: {  	_ =	sfence.sel $0xFFFF  }
0xc0: {  	[dreg:$0x0] =	wrdreg $0xFFFFFFFF;
	(pc) =	sbr.abs _section_cstart, $3  }
0xc1: {  	[dreg:$0x1] =	wrdreg $0xFFFFFFFF  }
0xc2: {  	_ =	task.clear_ibuf [dreg:s7], $0x2FFFF;
	_ =	strace $0x9FFFFFFF  }
0xc3: {  	(tm) =	ssettm $0x7FFFFFFF  }
tec
execute0_lowered:
.L_overlay_start_1:
0x0: {  	(tag) =	ssettag $0x1  }
0x1: {  	s1 =	rddreg [dreg:$0x0]  }
0x2: {  	s0 =	rddreg [dreg:$0x1]  }
0x3: {  	s3 =	rddreg [dreg:$0x2]  }
0x4: {  	s2 =	srdreg.scid;
	s15 =	stileid.u32  }
0x5: {  	s4 =	simm.s32 $0x0;
	s29 =	simm.s32 $0x1400;
	s30 =	simm.s32 $0xA800  }
0x6: {  	s31 =	simm.s32 $0x4;
	s2 =	sand.u32 $0x1, s2;
	s5 =	sshll.u32 s15, $0x1  }
0x7: {  	[smem:$0x7FF] =	sst s4;
	s6 =	sadd.s32 $0x3A00, s0;
	s8 =	smul.u32 $0x4E000, s15  }
0x8: {  	s10 =	sadd.s32 $0xDA00, s0;
	s11 =	smul.u32 $0x13800, s15;
	s7 =	ssub.s32 $0x2, s2  }
0x9: {  	s0 =	sadd.s32 $0x17A00, s0;
	s9 =	sshrl.u32 s7, $0x1;
	s16 =	sshrl.u32 s8, $0x2  }
0xa: {  	p0 =	sne.s32 s15, $0xF;
	s12 =	ssub.s32 s7, s9;
	s7 =	sadd.s32 s16, s3  }
0xb: {  	s28 =	sadd.s32 $0x138000, s3;
	s5 =	sor.u32 s2, s5;
	s16 =	sadd.s32 $0x4800, s7  }
0xc: {  	_ =	strace $0x80000047;
	s17 =	sadd.s32 $0x6000, s7;
	[dreg:$0x6] =	wrdreg s16  }
0xd: {  	s2 =	smul.u32 $0x138800, s2;
	s18 =	sadd.s32 $0x7800, s7;
	[dreg:$0x7] =	wrdreg s17  }
0xe: {  	s5 =	smul.u32 $0x2800, s5;
	s19 =	sadd.s32 $0x9000, s7;
	[dreg:$0x8] =	wrdreg s18  }
0xf: {  	s23 =	sadd.s32 s11, s2;
	s20 =	sadd.s32 $0xA800, s7;
	[dreg:$0x9] =	wrdreg s19  }
0x10: {  	s5 =	sshrl.u32 s5, $0x3;
	s21 =	sadd.s32 $0xC000, s7;
	[dreg:$0xa] =	wrdreg s20  }
0x11: {  	s22 =	sadd.s32 $0xD800, s7;
	s24 =	sshrl.u32 s23, $0x3;
	[dreg:$0xb] =	wrdreg s21  }
0x12: {  	s23 =	sadd.s32 $0x10800, s7;
	s13 =	sadd.s32 s6, s5;
	[dreg:$0xc] =	wrdreg s22  }
0x13: {  	s14 =	sadd.s32 s10, s5;
	s5 =	sadd.s32 $0x280, s5;
	[dreg:$0x4] =	wrdreg s13  }
0x14: {  	s19 =	sadd.s32 $0xF000, s7;
	s20 =	sadd.s32 s0, s24;
	[dreg:$0x5] =	wrdreg s14  }
0x15: {  	s13 =	sadd.s32 $0x1800, s11;
	s14 =	sadd.s32 $0x3000, s11;
	s6 =	sadd.s32 s6, s5  }
0x16: {  	s18 =	sadd.s32 s10, s5;
	s10 =	simm.s32 $0x1;
	s11 =	simm.s32 $0x2  }
0x17: {  	s8 =	sadd.s32 s13, s3;
	s9 =	sadd.s32 s14, s3;
	[dreg:$0xd] =	wrdreg s6  }
0x18: {  	s25 =	sadd.s32 s2, s13;
	s26 =	sadd.s32 s2, s14;
	s2 =	sshrl.u32 s2, $0x3  }
0x19: {  	s13 =	simm.s32 $0x2780;
	s14 =	simm.s32 $0x0;
	s5 =	sshrl.u32 s25, $0x3  }
0x1a: {  	s6 =	sshrl.u32 s26, $0x3;
	s25 =	smax.u32 s12, $0x1;
	s26 =	sadd.s32 $0x12000, s7  }
0x1b: {  	s12 =	simm.s32 $0x2700;
	s21 =	sadd.s32 s0, s5;
	s22 =	sadd.s32 s0, s6  }
0x1c: {  	s0 =	sadd.s32 s0, s2;
	s2 =	simm.s32 $0x80;
	s5 =	simm.s32 $0x2800  }
0x1d: {  	v0 =	vimm.f32 $0.0e+00;
	s6 =	simm.s32 $0x6800;
	s24 =	sadd.s32 $0x27000, s0;
	s0 =	simm.s32 $0x3  }
.LBB2_1:
0x1e: {  	s15 =	rddreg [dreg:$0x4]  }
0x1f: {  	[tilespmem:s4], [sflag:$0x3] =	stream.linear.gather [hbm4b:s15+s4], $0x1400, $0x38;
	[tilespmem:$0x1F900] =	vst v63  }
0x20: {  	s17 =	rddreg [dreg:$0x5];
	s16 =	simm.s32 $0x200;
	s15 =	simm.s32 $0x0  }
0x21: {  	[tilespmem:s29], [sflag:$0x3] =	stream.linear.gather [hbm4b:s17+s4], $0x1400, $0x38;
	[tilespmem:$0x1F900] =	vst v63  }
.LBB2_2:
0x22: {  	p1 =	sne.s32 s16, $0x5E00;
	[tilespmem:s15+$0xA870] =	vst v0  }
0x23: {  	[tilespmem:s15+$0xA800] =	vst v0  }
0x24: {  	[tilespmem:s15+$0xA810] =	vst v0  }
.Ltmp0:
0x25: {  	[tilespmem:s15+$0xA820] =	vst v0;
	(pc) =	sbr.rel @p1 .LBB2_2-.Ltmp0, $4  }
0x26: {  	[tilespmem:s15+$0xA830] =	vst v0  }
0x27: {  	[tilespmem:s15+$0xA840] =	vst v0  }
0x28: {  	[tilespmem:s15+$0xA850] =	vst v0  }
0x29: {  	[tilespmem:s15+$0xA860] =	vst v0;
	s15 =	sshra.s32 s16, $0x2;
	s16 =	sadd.s32 $0x200, s16  }
0x2a: {  	[tilespmem:s15+$0xA870] =	vst v0  }
0x2b: {  	[tilespmem:s15+$0xA800] =	vst v0  }
0x2c: {  	[tilespmem:s15+$0xA810] =	vst v0  }
0x2d: {  	[tilespmem:s15+$0xA820] =	vst v0  }
0x2e: {  	[tilespmem:s15+$0xA830] =	vst v0  }
0x2f: {  	[tilespmem:s15+$0xA840] =	vst v0  }
0x30: {  	[tilespmem:s15+$0xA850] =	vst v0  }
0x31: {  	[tilespmem:s15+$0xA860] =	vst v0  }
0x32: {  	[spmem:s7] =	stream.linear.scatter [tilespmem:s30], [sflag:$0x4], $0x1800, $0x38;
	[tilespmem:$0x1F900] =	vst v63  }
0x33: {  	_ =	swait.ge [sflag:s31], $0x1800  }
0x34: {  	[sflag:s31] =	ssyncset.done $0x0  }
0x35: {  	[sflag:s31] =	ssyncadd.s32 $0xFFFFE800  }
0x36: {  	[spmem:s8] =	stream.linear.scatter [tilespmem:s30], [sflag:$0x4], $0x1800, $0x38;
	[tilespmem:$0x1F900] =	vst v63  }
0x37: {  	_ =	swait.ge [sflag:s31], $0x1800  }
0x38: {  	[sflag:s31] =	ssyncset.done $0x0  }
0x39: {  	[sflag:s31] =	ssyncadd.s32 $0xFFFFE800  }
0x3a: {  	[spmem:s9] =	stream.linear.scatter [tilespmem:s30], [sflag:$0x4], $0x1800, $0x38;
	[tilespmem:$0x1F900] =	vst v63  }
0x3b: {  	_ =	swait.ge [sflag:s31], $0x1800  }
0x3c: {  	[sflag:s31] =	ssyncset.done $0x0  }
0x3d: {  	s17 =	rddreg [dreg:$0x6];
	[sflag:s31] =	ssyncadd.s32 $0xFFFFE800  }
0x3e: {  	[spmem:s17] =	stream.linear.scatter [tilespmem:s30], [sflag:$0x4], $0x1800, $0x38;
	[tilespmem:$0x1F900] =	vst v63  }
0x3f: {  	_ =	swait.ge [sflag:s31], $0x1800  }
0x40: {  	[sflag:s31] =	ssyncset.done $0x0  }
0x41: {  	s16 =	rddreg [dreg:$0x7];
	[sflag:s31] =	ssyncadd.s32 $0xFFFFE800  }
0x42: {  	[spmem:s16] =	stream.linear.scatter [tilespmem:s30], [sflag:$0x4], $0x1800, $0x38;
	[tilespmem:$0x1F900] =	vst v63  }
0x43: {  	_ =	swait.ge [sflag:s31], $0x1800  }
0x44: {  	[sflag:s31] =	ssyncset.done $0x0  }
0x45: {  	s17 =	rddreg [dreg:$0x8];
	[sflag:s31] =	ssyncadd.s32 $0xFFFFE800  }
0x46: {  	[spmem:s17] =	stream.linear.scatter [tilespmem:s30], [sflag:$0x4], $0x1800, $0x38;
	[tilespmem:$0x1F900] =	vst v63  }
0x47: {  	_ =	swait.ge [sflag:s31], $0x1800  }
0x48: {  	[sflag:s31] =	ssyncset.done $0x0  }
0x49: {  	s16 =	rddreg [dreg:$0x9];
	[sflag:s31] =	ssyncadd.s32 $0xFFFFE800  }
0x4a: {  	[spmem:s16] =	stream.linear.scatter [tilespmem:s30], [sflag:$0x4], $0x1800, $0x38;
	[tilespmem:$0x1F900] =	vst v63  }
0x4b: {  	_ =	swait.ge [sflag:s31], $0x1800  }
0x4c: {  	[sflag:s31] =	ssyncset.done $0x0  }
0x4d: {  	s17 =	rddreg [dreg:$0xa];
	[sflag:s31] =	ssyncadd.s32 $0xFFFFE800  }
0x4e: {  	[spmem:s17] =	stream.linear.scatter [tilespmem:s30], [sflag:$0x4], $0x1800, $0x38;
	[tilespmem:$0x1F900] =	vst v63  }
0x4f: {  	_ =	swait.ge [sflag:s31], $0x1800  }
0x50: {  	[sflag:s31] =	ssyncset.done $0x0  }
0x51: {  	s16 =	rddreg [dreg:$0xb];
	[sflag:s31] =	ssyncadd.s32 $0xFFFFE800  }
0x52: {  	[spmem:s16] =	stream.linear.scatter [tilespmem:s30], [sflag:$0x4], $0x1800, $0x38;
	[tilespmem:$0x1F900] =	vst v63  }
0x53: {  	_ =	swait.ge [sflag:s31], $0x1800  }
0x54: {  	[sflag:s31] =	ssyncset.done $0x0  }
0x55: {  	s17 =	rddreg [dreg:$0xc];
	[sflag:s31] =	ssyncadd.s32 $0xFFFFE800  }
0x56: {  	[spmem:s17] =	stream.linear.scatter [tilespmem:s30], [sflag:$0x4], $0x1800, $0x38;
	[tilespmem:$0x1F900] =	vst v63  }
0x57: {  	_ =	swait.ge [sflag:s31], $0x1800  }
0x58: {  	[sflag:s31] =	ssyncset.done $0x0  }
0x59: {  	[sflag:s31] =	ssyncadd.s32 $0xFFFFE800  }
0x5a: {  	[spmem:s19] =	stream.linear.scatter [tilespmem:s30], [sflag:$0x4], $0x1800, $0x38;
	[tilespmem:$0x1F900] =	vst v63  }
0x5b: {  	_ =	swait.ge [sflag:s31], $0x1800  }
0x5c: {  	[sflag:s31] =	ssyncset.done $0x0  }
0x5d: {  	[sflag:s31] =	ssyncadd.s32 $0xFFFFE800  }
0x5e: {  	[spmem:s23] =	stream.linear.scatter [tilespmem:s30], [sflag:$0x4], $0x1800, $0x38;
	[tilespmem:$0x1F900] =	vst v63  }
0x5f: {  	_ =	swait.ge [sflag:s31], $0x1800  }
0x60: {  	[sflag:s31] =	ssyncset.done $0x0  }
0x61: {  	[sflag:s31] =	ssyncadd.s32 $0xFFFFE800  }
0x62: {  	[spmem:s26] =	stream.linear.scatter [tilespmem:s30], [sflag:$0x4], $0x1800, $0x38;
	[tilespmem:$0x1F900] =	vst v63  }
0x63: {  	_ =	swait.ge [sflag:s31], $0x1800  }
0x64: {  	[sflag:s31] =	ssyncset.done $0x0  }
0x65: {  	s15 =	simm.s32 @!p0 $0xA800;
	[sflag:s31] =	ssyncadd.s32 $0xFFFFE800  }
0x66: {  	[spmem:s28] =	stream.linear.scatter @!p0 [tilespmem:s15], [sflag:$0x4], $0x800, $0x38;
	[tilespmem:$0x1F900] =	vst v63  }
0x67: {  	s15 =	simm.s32 @!p0 $0x4  }
0x68: {  	_ =	swait.ge @!p0 [sflag:s15], $0x800  }
0x69: {  	[sflag:s15] =	ssyncset.done @!p0 $0x0  }
0x6a: {  	[sflag:s15] =	ssyncadd.s32 @!p0 $0xFFFFF800  }
0x6b: {  	_ =	swait.ge [sflag:s0], $0x1400  }
0x6c: {  	[sflag:s0] =	ssyncset.done $0x0  }
0x6d: {  	[sflag:s0] =	ssyncadd.s32 $0xFFFFEC00  }
0x6e: {  	_ =	swait.ge [sflag:s0], $0x1400  }
0x6f: {  	[sflag:s0] =	ssyncset.done $0x0  }
0x70: {  	[sflag:s0] =	ssyncadd.s32 $0xFFFFEC00  }
0x71: {  	s16 =	simm.s32 $0x0;
	[bflag:$0x0] =	sbarrier.arrive $0xFFFF  }
0x72: {  	[tilespmem:s5], [sflag:$0x1] =	stream.indirect.gather [hbm4b:s1+s2], $0x80, s16, s2, $0xb8;
	[tilespmem:$0x1F900] =	vst v63  }
0x73: {  	_ = 	snop  }
0x74: {  	[tilespmem:s6], [sflag:$0x2] =	stream.indirect.gather [hbm4b:s1+s2], $0x80, s2, s2, $0xb8;
	[tilespmem:$0x1F900] =	vst v63  }
0x75: {  	_ =	swait.ge [sflag:s10], $0x4000  }
0x76: {  	[sflag:s10] =	ssyncset.done $0x0  }
0x77: {  	s17 =	simm.s32 $0x1400;
	[sflag:s10] =	ssyncadd.s32 $0xFFFFC000  }
0x78: {  	[spmem:s3] =	stream.indirect.scatter.add.f32 [tilespmem:s5], [sflag:$0x4], $0x80, s17, s2, $0xb8;
	[tilespmem:$0x1F900] =	vst v63  }
0x79: {  	_ =	swait.ge [sflag:s31], $0x4000  }
0x7a: {  	[sflag:s31] =	ssyncset.done $0x0  }
0x7b: {  	s16 =	simm.s32 $0x100;
	[sflag:s31] =	ssyncadd.s32 $0xFFFFC000  }
0x7c: {  	[tilespmem:s5], [sflag:$0x1] =	stream.indirect.gather [hbm4b:s1+s2], $0x80, s16, s2, $0xb8;
	[tilespmem:$0x1F900] =	vst v63  }
0x7d: {  	_ =	swait.ge [sflag:s11], $0x4000  }
0x7e: {  	[sflag:s11] =	ssyncset.done $0x0  }
0x7f: {  	s17 =	simm.s32 $0x1480;
	[sflag:s11] =	ssyncadd.s32 $0xFFFFC000  }
0x80: {  	[spmem:s3] =	stream.indirect.scatter.add.f32 [tilespmem:s6], [sflag:$0x4], $0x80, s17, s2, $0xb8;
	[tilespmem:$0x1F900] =	vst v63  }
0x81: {  	_ =	swait.ge [sflag:s31], $0x4000  }
0x82: {  	[sflag:s31] =	ssyncset.done $0x0  }
0x83: {  	s15 =	simm.s32 $0x400;
	s16 =	simm.s32 $0x180;
	[sflag:s31] =	ssyncadd.s32 $0xFFFFC000  }
.LBB2_4:
0x84: {  	[tilespmem:s6], [sflag:$0x2] =	stream.indirect.gather [hbm4b:s1+s2], $0x80, s16, s2, $0xb8;
	[tilespmem:$0x1F900] =	vst v63  }
0x85: {  	s16 =	smov.u32 s15  }
0x86: {  	p1 =	sne.s32 s15, $0x4800;
	s15 =	sadd.s32 $0x400, s15;
	_ =	swait.ge [sflag:s10], $0x4000  }
0x87: {  	s16 =	sshra.s32 s16, $0x2;
	[sflag:s10] =	ssyncset.done $0x0  }
0x88: {  	s17 =	sadd.s32 $0x1400, s16;
	[sflag:s10] =	ssyncadd.s32 $0xFFFFC000  }
0x89: {  	[spmem:s3] =	stream.indirect.scatter.add.f32 [tilespmem:s5], [sflag:$0x4], $0x80, s17, s2, $0xb8;
	[tilespmem:$0x1F900] =	vst v63  }
0x8a: {  	_ =	swait.ge [sflag:s31], $0x4000  }
0x8b: {  	[sflag:s31] =	ssyncset.done $0x0  }
0x8c: {  	s17 =	sadd.s32 $0x100, s16;
	[sflag:s31] =	ssyncadd.s32 $0xFFFFC000  }
0x8d: {  	[tilespmem:s5], [sflag:$0x1] =	stream.indirect.gather [hbm4b:s1+s2], $0x80, s17, s2, $0xb8;
	[tilespmem:$0x1F900] =	vst v63  }
0x8e: {  	_ =	swait.ge [sflag:s11], $0x4000  }
0x8f: {  	[sflag:s11] =	ssyncset.done $0x0  }
.Ltmp1:
0x90: {  	s17 =	sadd.s32 $0x1480, s16;
	[sflag:s11] =	ssyncadd.s32 $0xFFFFC000;
	(pc) =	sbr.rel @p1 .LBB2_4-.Ltmp1, $4  }
0x91: {  	[spmem:s3] =	stream.indirect.scatter.add.f32 [tilespmem:s6], [sflag:$0x4], $0x80, s17, s2, $0xb8;
	[tilespmem:$0x1F900] =	vst v63  }
0x92: {  	_ =	swait.ge [sflag:s31], $0x4000  }
0x93: {  	[sflag:s31] =	ssyncset.done $0x0  }
0x94: {  	s16 =	sadd.s32 $0x180, s16;
	[sflag:s31] =	ssyncadd.s32 $0xFFFFC000  }
0x95: {  	[tilespmem:s6], [sflag:$0x2] =	stream.indirect.gather [hbm4b:s1+s2], $0x80, s16, s2, $0xb8;
	[tilespmem:$0x1F900] =	vst v63  }
0x96: {  	_ =	swait.ge [sflag:s10], $0x4000  }
0x97: {  	[sflag:s10] =	ssyncset.done $0x0  }
0x98: {  	[sflag:s10] =	ssyncadd.s32 $0xFFFFC000  }
0x99: {  	[spmem:s3] =	stream.indirect.scatter.add.f32 [tilespmem:s5], [sflag:$0x4], $0x80, s12, s2, $0xb8;
	[tilespmem:$0x1F900] =	vst v63  }
0x9a: {  	_ =	swait.ge [sflag:s31], $0x4000  }
0x9b: {  	[sflag:s31] =	ssyncset.done $0x0  }
0x9c: {  	[sflag:s31] =	ssyncadd.s32 $0xFFFFC000  }
0x9d: {  	_ =	swait.ge [sflag:s11], $0x4000  }
0x9e: {  	[sflag:s11] =	ssyncset.done $0x0  }
0x9f: {  	[sflag:s11] =	ssyncadd.s32 $0xFFFFC000  }
0xa0: {  	[spmem:s3] =	stream.indirect.scatter.add.f32 [tilespmem:s6], [sflag:$0x4], $0x80, s13, s2, $0xb8;
	[tilespmem:$0x1F900] =	vst v63  }
0xa1: {  	_ =	swait.ge [sflag:s31], $0x4000  }
0xa2: {  	[sflag:s31] =	ssyncset.done $0x0  }
0xa3: {  	s15 =	simm.s32 $0x0;
	s17 =	rddreg [dreg:$0xd];
	[sflag:s31] =	ssyncadd.s32 $0xFFFFC000  }
0xa4: {  	[tilespmem:s15], [sflag:$0x4] =	stream.linear.gather [hbm4b:s17+s15], $0x1400, $0x38;
	[tilespmem:$0x1F900] =	vst v63  }
0xa5: {  	_ =	swait.ge [sflag:s31], $0x1400  }
0xa6: {  	[sflag:s31] =	ssyncset.done $0x0  }
0xa7: {  	[sflag:s31] =	ssyncadd.s32 $0xFFFFEC00  }
0xa8: {  	[tilespmem:s29], [sflag:$0x4] =	stream.linear.gather [hbm4b:s18+s15], $0x1400, $0x38;
	[tilespmem:$0x1F900] =	vst v63  }
0xa9: {  	_ =	swait.ge [sflag:s31], $0x1400  }
0xaa: {  	[sflag:s31] =	ssyncset.done $0x0  }
0xab: {  	[sflag:s31] =	ssyncadd.s32 $0xFFFFEC00  }
0xac: {  	[tilespmem:s5], [sflag:$0x1] =	stream.indirect.gather [hbm4b:s1+s2], $0x80, s15, s2, $0xb8;
	[tilespmem:$0x1F900] =	vst v63  }
0xad: {  	_ = 	snop  }
0xae: {  	[tilespmem:s6], [sflag:$0x2] =	stream.indirect.gather [hbm4b:s1+s2], $0x80, s2, s2, $0xb8;
	[tilespmem:$0x1F900] =	vst v63  }
0xaf: {  	_ =	swait.ge [sflag:s10], $0x4000  }
0xb0: {  	[sflag:s10] =	ssyncset.done $0x0  }
0xb1: {  	s17 =	simm.s32 $0x1400;
	[sflag:s10] =	ssyncadd.s32 $0xFFFFC000  }
0xb2: {  	[spmem:s3] =	stream.indirect.scatter.add.f32 [tilespmem:s5], [sflag:$0x4], $0x80, s17, s2, $0xb8;
	[tilespmem:$0x1F900] =	vst v63  }
0xb3: {  	_ =	swait.ge [sflag:s31], $0x4000  }
0xb4: {  	[sflag:s31] =	ssyncset.done $0x0  }
0xb5: {  	s16 =	simm.s32 $0x100;
	[sflag:s31] =	ssyncadd.s32 $0xFFFFC000  }
0xb6: {  	[tilespmem:s5], [sflag:$0x1] =	stream.indirect.gather [hbm4b:s1+s2], $0x80, s16, s2, $0xb8;
	[tilespmem:$0x1F900] =	vst v63  }
0xb7: {  	_ =	swait.ge [sflag:s11], $0x4000  }
0xb8: {  	[sflag:s11] =	ssyncset.done $0x0  }
0xb9: {  	s17 =	simm.s32 $0x1480;
	[sflag:s11] =	ssyncadd.s32 $0xFFFFC000  }
0xba: {  	[spmem:s3] =	stream.indirect.scatter.add.f32 [tilespmem:s6], [sflag:$0x4], $0x80, s17, s2, $0xb8;
	[tilespmem:$0x1F900] =	vst v63  }
0xbb: {  	_ =	swait.ge [sflag:s31], $0x4000  }
0xbc: {  	[sflag:s31] =	ssyncset.done $0x0  }
0xbd: {  	s15 =	simm.s32 $0x400;
	s16 =	simm.s32 $0x180;
	[sflag:s31] =	ssyncadd.s32 $0xFFFFC000  }
.LBB2_6:
0xbe: {  	[tilespmem:s6], [sflag:$0x2] =	stream.indirect.gather [hbm4b:s1+s2], $0x80, s16, s2, $0xb8;
	[tilespmem:$0x1F900] =	vst v63  }
0xbf: {  	s16 =	smov.u32 s15  }
0xc0: {  	p1 =	sne.s32 s15, $0x4800;
	s15 =	sadd.s32 $0x400, s15;
	_ =	swait.ge [sflag:s10], $0x4000  }
0xc1: {  	s16 =	sshra.s32 s16, $0x2;
	[sflag:s10] =	ssyncset.done $0x0  }
0xc2: {  	s17 =	sadd.s32 $0x1400, s16;
	[sflag:s10] =	ssyncadd.s32 $0xFFFFC000  }
0xc3: {  	[spmem:s3] =	stream.indirect.scatter.add.f32 [tilespmem:s5], [sflag:$0x4], $0x80, s17, s2, $0xb8;
	[tilespmem:$0x1F900] =	vst v63  }
0xc4: {  	_ =	swait.ge [sflag:s31], $0x4000  }
0xc5: {  	[sflag:s31] =	ssyncset.done $0x0  }
0xc6: {  	s17 =	sadd.s32 $0x100, s16;
	[sflag:s31] =	ssyncadd.s32 $0xFFFFC000  }
0xc7: {  	[tilespmem:s5], [sflag:$0x1] =	stream.indirect.gather [hbm4b:s1+s2], $0x80, s17, s2, $0xb8;
	[tilespmem:$0x1F900] =	vst v63  }
0xc8: {  	_ =	swait.ge [sflag:s11], $0x4000  }
0xc9: {  	[sflag:s11] =	ssyncset.done $0x0  }
.Ltmp2:
0xca: {  	s17 =	sadd.s32 $0x1480, s16;
	[sflag:s11] =	ssyncadd.s32 $0xFFFFC000;
	(pc) =	sbr.rel @p1 .LBB2_6-.Ltmp2, $4  }
0xcb: {  	[spmem:s3] =	stream.indirect.scatter.add.f32 [tilespmem:s6], [sflag:$0x4], $0x80, s17, s2, $0xb8;
	[tilespmem:$0x1F900] =	vst v63  }
0xcc: {  	_ =	swait.ge [sflag:s31], $0x4000  }
0xcd: {  	[sflag:s31] =	ssyncset.done $0x0  }
0xce: {  	s16 =	sadd.s32 $0x180, s16;
	[sflag:s31] =	ssyncadd.s32 $0xFFFFC000  }
0xcf: {  	[tilespmem:s6], [sflag:$0x2] =	stream.indirect.gather [hbm4b:s1+s2], $0x80, s16, s2, $0xb8;
	[tilespmem:$0x1F900] =	vst v63  }
0xd0: {  	_ =	swait.ge [sflag:s10], $0x4000  }
0xd1: {  	[sflag:s10] =	ssyncset.done $0x0  }
0xd2: {  	[sflag:s10] =	ssyncadd.s32 $0xFFFFC000  }
0xd3: {  	[spmem:s3] =	stream.indirect.scatter.add.f32 [tilespmem:s5], [sflag:$0x4], $0x80, s12, s2, $0xb8;
	[tilespmem:$0x1F900] =	vst v63  }
0xd4: {  	_ =	swait.ge [sflag:s31], $0x4000  }
0xd5: {  	[sflag:s31] =	ssyncset.done $0x0  }
0xd6: {  	[sflag:s31] =	ssyncadd.s32 $0xFFFFC000  }
0xd7: {  	_ =	swait.ge [sflag:s11], $0x4000  }
0xd8: {  	[sflag:s11] =	ssyncset.done $0x0  }
0xd9: {  	[sflag:s11] =	ssyncadd.s32 $0xFFFFC000  }
0xda: {  	[spmem:s3] =	stream.indirect.scatter.add.f32 [tilespmem:s6], [sflag:$0x4], $0x80, s13, s2, $0xb8;
	[tilespmem:$0x1F900] =	vst v63  }
0xdb: {  	_ =	swait.ge [sflag:s31], $0x4000  }
0xdc: {  	[sflag:s31] =	ssyncset.done $0x0  }
0xdd: {  	[sflag:s31] =	ssyncadd.s32 $0xFFFFC000  }
0xde: {  	[bflag:$0x0] =	sbarrier.arrive $0xFFFF  }
0xdf: {  	[tilespmem:s30], [sflag:$0x4] =	stream.linear.gather [spmem:s7], $0x1800, $0x38;
	[tilespmem:$0x1F900] =	vst v63  }
0xe0: {  	_ =	swait.ge [sflag:s31], $0x1800  }
0xe1: {  	[sflag:s31] =	ssyncset.done $0x0  }
0xe2: {  	[sflag:s31] =	ssyncadd.s32 $0xFFFFE800  }
0xe3: {  	[hbm4b:s20+s4] =	stream.linear.scatter [tilespmem:s30], [sflag:$0x4], $0x1800, $0x38;
	[tilespmem:$0x1F900] =	vst v63  }
0xe4: {  	_ =	swait.ge [sflag:s31], $0x1800  }
0xe5: {  	[sflag:s31] =	ssyncset.done $0x0  }
0xe6: {  	[sflag:s31] =	ssyncadd.s32 $0xFFFFE800  }
0xe7: {  	[tilespmem:s30], [sflag:$0x4] =	stream.linear.gather [spmem:s8], $0x1800, $0x38;
	[tilespmem:$0x1F900] =	vst v63  }
0xe8: {  	_ =	swait.ge [sflag:s31], $0x1800  }
0xe9: {  	[sflag:s31] =	ssyncset.done $0x0  }
0xea: {  	[sflag:s31] =	ssyncadd.s32 $0xFFFFE800  }
0xeb: {  	[hbm4b:s21+s4] =	stream.linear.scatter [tilespmem:s30], [sflag:$0x4], $0x1800, $0x38;
	[tilespmem:$0x1F900] =	vst v63  }
0xec: {  	_ =	swait.ge [sflag:s31], $0x1800  }
0xed: {  	[sflag:s31] =	ssyncset.done $0x0  }
0xee: {  	[sflag:s31] =	ssyncadd.s32 $0xFFFFE800  }
0xef: {  	[tilespmem:s30], [sflag:$0x4] =	stream.linear.gather [spmem:s9], $0x1800, $0x38;
	[tilespmem:$0x1F900] =	vst v63  }
0xf0: {  	_ =	swait.ge [sflag:s31], $0x1800  }
0xf1: {  	[sflag:s31] =	ssyncset.done $0x0  }
0xf2: {  	[sflag:s31] =	ssyncadd.s32 $0xFFFFE800  }
0xf3: {  	[hbm4b:s22+s4] =	stream.linear.scatter [tilespmem:s30], [sflag:$0x4], $0x1800, $0x38;
	[tilespmem:$0x1F900] =	vst v63  }
0xf4: {  	_ =	swait.ge [sflag:s31], $0x1800  }
0xf5: {  	[sflag:s31] =	ssyncset.done $0x0  }
0xf6: {  	s15 =	simm.s32 @!p0 $0xA800;
	s16 =	simm.s32 @!p0 $0x4;
	[sflag:s31] =	ssyncadd.s32 $0xFFFFE800  }
0xf7: {  	[tilespmem:s15], [sflag:$0x4] =	stream.linear.gather @!p0 [spmem:s28], $0x800, $0x38;
	[tilespmem:$0x1F900] =	vst v63  }
0xf8: {  	s14 =	sadd.s32 $0x1, s14;
	_ =	swait.ge @!p0 [sflag:s16], $0x800  }
0xf9: {  	p1 =	sne.s32 s14, s25;
	[sflag:s16] =	ssyncset.done @!p0 $0x0  }
.Ltmp3:
0xfa: {  	s17 =	simm.s32 @!p0 $0x0;
	[sflag:s16] =	ssyncadd.s32 @!p0 $0xFFFFF800;
	(pc) =	sbr.rel @p1 .LBB2_1-.Ltmp3, $4  }
0xfb: {  	[hbm4b:s24+s17] =	stream.linear.scatter @!p0 [tilespmem:s15], [sflag:$0x4], $0x800, $0x38;
	[tilespmem:$0x1F900] =	vst v63  }
0xfc: {  	_ =	swait.ge @!p0 [sflag:s16], $0x800  }
0xfd: {  	[sflag:s16] =	ssyncset.done @!p0 $0x0  }
0xfe: {  	[sflag:s16] =	ssyncadd.s32 @!p0 $0xFFFFF800  }
0xff: {  	_ =	sfence.sel $0x180000  }
0x100: {  	[bflag:$0x0] =	sbarrier.arrive $0xFFFF  }
0x101: {  	_ =	strace $0x90000047  }
0x102: {  	s0 =	stileid.u32;
	[bflag:$0x2] =	sbarrier.arrive $0xFFFF  }
0x103: {  	p0 =	sne.s32 s0, $0x0;
	s0 =	rddreg [dreg:$0x3]  }
0x104: {  	s0 =	sadd.s32 @!p0 $0x100000, s0  }
0x105: {  	[sflag:s0] =	ssyncadd.tile.s32 @!p0 $0x1;
	_ =	shalt  }
.Lfunc_end2:
_tile_overlayer_lowered:
.L_overlay_start_2:
0x106: {  	(tag) =	ssettag $0x2  }
0x107: {  	s0 =	rddreg [dreg:$0x0];
	s2 =	stileid.u32  }
0x108: {  	s1 =	rddreg [dreg:$0x1];
	p0 =	sne.s32 s2, $0x0  }
0x109: {  	s3 =	rddreg [dreg:$0x2];
	[bflag:$0x3] =	sbarrier.arrive $0xFFFF;
	s2 =	simm.s32 @!p0 $0x1C04  }
0x10a: {  	[timem:s3], [sflag:s2] =	dma.local @!p0 [hbm:s0], s1  }
0x10b: {  	s0 =	simm.s32 @!p0 $0x4  }
0x10c: {  	_ =	swait.ge @!p0 [sflag:s0], s1  }
0x10d: {  	s1 =	ssub.s32 @!p0 $0x0, s1;
	[sflag:s0] =	ssyncset.done @!p0 $0x0  }
0x10e: {  	[sflag:s0] =	ssyncadd.s32 @!p0 s1  }
0x10f: {  	[bflag:$0x3] =	sbarrier.arrive $0xFFFF  }
0x110: {  	_ =	shalt  }

</sc_bundles>
